<compile_context>
chip_gen: v7x
topology: tpu7x:2x2x1
jax: 0.10.2.dev20260603
libtpu: 0.0.44.dev20260713+nightly
codegen_flags: <defaults>
</compile_context>

<pallas_src>
import functools

import jax
import jax.numpy as jnp
import numpy as np
from jax import lax
from jax.experimental import pallas as pl
from jax.experimental.pallas import tpu as pltpu
from jax.experimental.pallas import tpu_sc as plsc

OUT = 7
SAMP = 2
SCALES = (0.25, 0.125, 0.0625, 0.03125)
CANON_SIZE = 224.0
CANON_LVL = 4.0
MIN_LVL = 2
MAX_LVL = 5

C = 256
K = 16
NC, NS, L = 2, 16, 16
NW = NC * NS
BATCH = 8


def _prep(boxes, Hs_np, Ws_np, offs_np, total, rows_pad):
    M = boxes.shape[0]
    bidx = boxes[:, 0].astype(jnp.int32)
    x0, y0, x1, y1 = boxes[:, 1], boxes[:, 2], boxes[:, 3], boxes[:, 4]

    eps = float(np.finfo(np.float64).eps)
    box_size = jnp.sqrt(jnp.maximum((x1 - x0) * (y1 - y0), 0.0))
    lvl = jnp.floor(CANON_LVL + jnp.log2(box_size / CANON_SIZE + eps))
    lvl = jnp.clip(lvl, MIN_LVL, MAX_LVL).astype(jnp.int32) - MIN_LVL

    scale = jnp.asarray(SCALES, dtype=jnp.float32)[lvl]
    Hb = jnp.asarray(Hs_np, dtype=jnp.float32)[lvl]
    Wb = jnp.asarray(Ws_np, dtype=jnp.float32)[lvl]
    Wb_i = jnp.asarray(Ws_np, dtype=jnp.int32)[lvl]
    off = jnp.asarray(offs_np, dtype=jnp.int32)[lvl]
    base = bidx * total + off

    rs_h = y0 * scale - 0.5
    rs_w = x0 * scale - 0.5
    bin_h = (y1 - y0) * scale / OUT
    bin_w = (x1 - x0) * scale / OUT

    G = OUT * SAMP
    g = jnp.arange(G, dtype=jnp.float32)
    frac = jnp.floor(g / SAMP) + (jnp.mod(g, SAMP) + 0.5) / SAMP
    ys = rs_h[:, None] + frac[None, :] * bin_h[:, None]
    xs = rs_w[:, None] + frac[None, :] * bin_w[:, None]

    yv = ((ys >= -1.0) & (ys <= Hb[:, None])).astype(jnp.float32)
    xv = ((xs >= -1.0) & (xs <= Wb[:, None])).astype(jnp.float32)
    ysc = jnp.clip(ys, 0.0, Hb[:, None] - 1.0)
    xsc = jnp.clip(xs, 0.0, Wb[:, None] - 1.0)
    y_lo = jnp.floor(ysc)
    x_lo = jnp.floor(xsc)
    y_hi = jnp.minimum(y_lo + 1.0, Hb[:, None] - 1.0)
    x_hi = jnp.minimum(x_lo + 1.0, Wb[:, None] - 1.0)
    ly = ysc - y_lo
    lx = xsc - x_lo

    y_idx = jnp.stack([y_lo, y_hi], axis=-1).astype(jnp.int32)
    x_idx = jnp.stack([x_lo, x_hi], axis=-1).astype(jnp.int32)
    wy = jnp.stack([1.0 - ly, ly], axis=-1) * yv[:, :, None]
    wx = jnp.stack([1.0 - lx, lx], axis=-1) * xv[:, :, None]

    y_idx = y_idx.reshape(M, OUT, SAMP, 2)
    x_idx = x_idx.reshape(M, OUT, SAMP, 2)
    wy = wy.reshape(M, OUT, SAMP, 2)
    wx = wx.reshape(M, OUT, SAMP, 2)

    yterm = y_idx[:, :, None, :, :, None, None] * Wb_i[:, None, None, None, None, None, None]
    xterm = x_idx[:, None, :, None, None, :, :]
    idx = (base[:, None, None, None, None, None, None] + yterm + xterm)
    idx = idx.reshape(M, OUT * OUT, K)
    w = (wy[:, :, None, :, :, None, None] * wx[:, None, :, None, None, :, :]
         * jnp.float32(1.0 / (SAMP * SAMP)))
    w = w.reshape(M, OUT * OUT, K)

    idx = idx.reshape(M * OUT * OUT, K)
    w = w.reshape(M * OUT * OUT, K)
    pad = rows_pad - idx.shape[0]
    idx = jnp.pad(idx, ((0, pad), (0, 0)))
    w = jnp.pad(w, ((0, pad), (0, 0)))
    return idx, w


_BLK = 1024


def _tc_build_flat(feats, offs_np, total):
    N = feats[0].shape[0]
    frs = [f.reshape(N, C, -1) for f in feats]
    nblks = [f.shape[2] * f.shape[3] // _BLK for f in feats]
    bounds = np.concatenate([[0], np.cumsum(nblks)])
    nb_tot = int(bounds[-1])

    in_specs = [
        pl.BlockSpec(
            (1, C, _BLK),
            lambda n, j, _lo=int(bounds[l]), _hi=int(bounds[l + 1]) - 1:
                (n, 0, jnp.clip(j - _lo, 0, _hi - _lo)))
        for l in range(len(feats))
    ]
    out_spec = pl.BlockSpec((_BLK, C), lambda n, j: (n * nb_tot + j, 0))

    def body(f0_ref, f1_ref, f2_ref, f3_ref, o_ref):
        j = pl.program_id(1)
        refs = (f0_ref, f1_ref, f2_ref, f3_ref)
        for l in range(len(refs)):
            @pl.when((j >= int(bounds[l])) & (j < int(bounds[l + 1])))
            def _(_r=refs[l]):
                o_ref[...] = jnp.swapaxes(_r[0], 0, 1)

    return pl.pallas_call(
        body,
        grid=(N, nb_tot),
        in_specs=in_specs,
        out_specs=out_spec,
        out_shape=jax.ShapeDtypeStruct((N * total, C), jnp.float32),
    )(*frs)


_SPLAT_DN = lax.GatherDimensionNumbers(
    offset_dims=(), collapsed_slice_dims=(0,), start_index_map=(0,)
)


def _splat(vec, k):
    idx = jnp.full((L, 1), k, dtype=jnp.int32)
    return lax.gather(vec, idx, _SPLAT_DN, (1,),
                      mode=lax.GatherScatterMode.PROMISE_IN_BOUNDS)


def _sc_gather_reduce(flat, idx3, w, rows_pad):
    n_batches = rows_pad // BATCH
    bpt = n_batches // NW
    rpt = rows_pad // NW
    mesh = plsc.VectorSubcoreMesh(core_axis_name="c", subcore_axis_name="s")

    @functools.partial(
        pl.kernel,
        out_type=jax.ShapeDtypeStruct((rows_pad, C), jnp.float32),
        mesh=mesh,
        scratch_types=[
            pltpu.VMEM((bpt, BATCH * K), jnp.int32),
            pltpu.VMEM((rpt * K,), jnp.float32),
            pltpu.VMEM((BATCH * K, C), jnp.float32),
            pltpu.VMEM((BATCH * K, C), jnp.float32),
            pltpu.VMEM((BATCH, C), jnp.float32),
            pltpu.VMEM((BATCH, C), jnp.float32),
            pltpu.SemaphoreType.DMA,
            pltpu.SemaphoreType.DMA,
            pltpu.SemaphoreType.DMA,
            pltpu.SemaphoreType.DMA,
        ],
    )
    def k(flat_hbm, idx_hbm, w_hbm, out_hbm, idx_v, w_v,
          rows0, rows1, out0, out1, sg0, sg1, so0, so1):
        wid = lax.axis_index("s") * NC + lax.axis_index("c")
        gb0 = wid * bpt
        pltpu.sync_copy(idx_hbm.at[pl.ds(gb0, bpt)], idx_v)
        pltpu.sync_copy(w_hbm.at[pl.ds(wid * rpt * K, rpt * K)], w_v)
        rows = (rows0, rows1)
        outs = (out0, out1)
        sgs = (sg0, sg1)
        sos = (so0, so1)

        def compute(rows_ref, out_ref, b):
            def row_body(r, _):
                wv = w_v[pl.ds((b * BATCH + r) * K, K)]
                wk = [_splat(wv, kk) for kk in range(K)]
                rk = r * K
                for cc in range(C // L):
                    acc = rows_ref[rk, pl.ds(cc * L, L)] * wk[0]
                    for kk in range(1, K):
                        acc = acc + (rows_ref[rk + kk, pl.ds(cc * L, L)]
                                     * wk[kk])
                    out_ref[r, pl.ds(cc * L, L)] = acc
                return 0

            lax.fori_loop(0, BATCH, row_body, 0)

        pltpu.async_copy(flat_hbm.at[idx_v.at[0]], rows0, sg0)

        def outer(i, _):
            b0 = i * 2
            for par in range(2):
                b = b0 + par
                pltpu.make_async_copy(
                    flat_hbm.at[pl.ds(0, BATCH * K)], rows[par], sgs[par]
                ).wait()

                @pl.when(b + 1 < bpt)
                def _():
                    pltpu.async_copy(
                        flat_hbm.at[idx_v.at[b + 1]], rows[1 - par],
                        sgs[1 - par])

                @pl.when(b >= 2)
                def _():
                    pltpu.make_async_copy(
                        outs[par], out_hbm.at[pl.ds(0, BATCH)], sos[par]
                    ).wait()

                compute(rows[par], outs[par], b)
                pltpu.async_copy(
                    outs[par], out_hbm.at[pl.ds((gb0 + b) * BATCH, BATCH)],
                    sos[par])
            return 0

        lax.fori_loop(0, bpt // 2, outer, 0)
        pltpu.make_async_copy(outs[0], out_hbm.at[pl.ds(0, BATCH)], sos[0]).wait()
        pltpu.make_async_copy(outs[1], out_hbm.at[pl.ds(0, BATCH)], sos[1]).wait()

    return k(flat, idx3, w.reshape(-1))


_OBOX = 8


def _tc_out_transpose(rows_out, M):
    R = OUT * OUT
    nblk = M // _OBOX

    def body(r_ref, o_ref):
        blk = r_ref[...].reshape(_OBOX, R, C)
        o_ref[...] = jnp.swapaxes(blk, 1, 2)

    return pl.pallas_call(
        body,
        grid=(nblk,),
        in_specs=[pl.BlockSpec((_OBOX * R, C), lambda i: (i, 0))],
        out_specs=pl.BlockSpec((_OBOX, C, R), lambda i: (i, 0, 0)),
        out_shape=jax.ShapeDtypeStruct((M, C, R), jnp.float32),
    )(rows_out)


def kernel(f0, f1, f2, f3, boxes):
    feats = [f0, f1, f2, f3]
    N = f0.shape[0]
    Hs_np = np.array([f.shape[2] for f in feats])
    Ws_np = np.array([f.shape[3] for f in feats])
    sizes = Hs_np * Ws_np
    offs_np = np.concatenate([[0], np.cumsum(sizes)[:-1]])
    total = int(sizes.sum())

    flat = _tc_build_flat(feats, offs_np, total)

    M = boxes.shape[0]
    rows = M * OUT * OUT
    rows_pad = ((rows + NW * BATCH - 1) // (NW * BATCH)) * (NW * BATCH)

    idx, w = _prep(boxes, Hs_np, Ws_np, offs_np, total, rows_pad)
    idx3 = idx.reshape(rows_pad // BATCH, BATCH * K)

    out = _sc_gather_reduce(flat, idx3, w, rows_pad)
    out = _tc_out_transpose(out[: (M // _OBOX) * _OBOX * OUT * OUT], M)
    return out.reshape(M, C, OUT, OUT)

# --- scband reference (transcript-rebuilt; emitter-appended) ---
"""Pipeline reference for scband-roipooler-81810537055085 (READ-ONLY COPY).

The authoritative reference and input builder live on the scoring server;
editing this copy changes nothing except your own understanding.
"""

import jax, jax.numpy as jnp
import numpy as np

OUT = 7
SAMP = 2
SCALES = (0.25, 0.125, 0.0625, 0.03125)
CANON_SIZE = 224.0
CANON_LVL = 4.0
MIN_LVL = 2
MAX_LVL = 5


def setup_inputs(seed: int = 0):
    key = jax.random.key(seed)
    ks = jax.random.split(key, 8)
    N, C = 2, 256
    f0 = jax.random.normal(ks[0], (N, C, 256, 256), dtype=jnp.float32)
    f1 = jax.random.normal(ks[1], (N, C, 128, 128), dtype=jnp.float32)
    f2 = jax.random.normal(ks[2], (N, C, 64, 64), dtype=jnp.float32)
    f3 = jax.random.normal(ks[3], (N, C, 32, 32), dtype=jnp.float32)
    M = 1000
    bidx = jax.random.randint(ks[4], (M,), 0, N).astype(jnp.float32)
    cx = jax.random.uniform(ks[5], (M,), minval=0.0, maxval=1024.0)
    cy = jax.random.uniform(ks[6], (M,), minval=0.0, maxval=1024.0)
    wh = jax.random.uniform(ks[7], (M, 2), minval=8.0, maxval=512.0)
    x0 = jnp.clip(cx - wh[:, 0] / 2, 0.0, 1022.0)
    y0 = jnp.clip(cy - wh[:, 1] / 2, 0.0, 1022.0)
    x1 = jnp.clip(cx + wh[:, 0] / 2, x0 + 1.0, 1024.0)
    y1 = jnp.clip(cy + wh[:, 1] / 2, y0 + 1.0, 1024.0)
    boxes = jnp.stack([bidx, x0, y0, x1, y1], axis=1)
    return {"f0": f0, "f1": f1, "f2": f2, "f3": f3, "boxes": boxes}


def _roi_pool(f0, f1, f2, f3, boxes):
    # Multi-level ROIAlignV2 (aligned=True) with FPN level assignment by box area,
    # faithful to detectron2 ROIPooler.forward.
    feats = [f0, f1, f2, f3]
    N, C = f0.shape[0], f0.shape[1]
    Hs_np = np.array([f.shape[2] for f in feats])
    Ws_np = np.array([f.shape[3] for f in feats])
    sizes = Hs_np * Ws_np
    offs_np = np.concatenate([[0], np.cumsum(sizes)[:-1]])
    total = int(sizes.sum())
    # one flat channels-last buffer indexed by (image, level, y, x)
    flat = jnp.concatenate(
        [f.transpose(0, 2, 3, 1).reshape(N, -1, C) for f in feats], axis=1
    ).reshape(N * total, C)

    bidx = boxes[:, 0].astype(jnp.int32)
    x0, y0, x1, y1 = boxes[:, 1], boxes[:, 2], boxes[:, 3], boxes[:, 4]

    # assign_boxes_to_levels
    eps = float(np.finfo(np.float64).eps)
    box_size = jnp.sqrt(jnp.maximum((x1 - x0) * (y1 - y0), 0.0))
    lvl = jnp.floor(CANON_LVL + jnp.log2(box_size / CANON_SIZE + eps))
    lvl = jnp.clip(lvl, MIN_LVL, MAX_LVL).astype(jnp.int32) - MIN_LVL

    scale = jnp.asarray(SCALES, dtype=jnp.float32)[lvl]
    Hb = jnp.asarray(Hs_np, dtype=jnp.float32)[lvl]
    Wb = jnp.asarray(Ws_np, dtype=jnp.float32)[lvl]
    Wb_i = jnp.asarray(Ws_np, dtype=jnp.int32)[lvl]
    off = jnp.asarray(offs_np, dtype=jnp.int32)[lvl]
    base = bidx * total + off

    # ROIAlign aligned=True: shift by -0.5
    rs_h = y0 * scale - 0.5
    rs_w = x0 * scale - 0.5
    roi_h = (y1 - y0) * scale
    roi_w = (x1 - x0) * scale
    bin_h = roi_h / OUT
    bin_w = roi_w / OUT

    g = jnp.arange(OUT * SAMP, dtype=jnp.float32)
    frac = jnp.floor(g / SAMP) + (jnp.mod(g, SAMP) + 0.5) / SAMP  # bin units
    ys = rs_h[:, None] + frac[None, :] * bin_h[:, None]  # [M, G]
    xs = rs_w[:, None] + frac[None, :] * bin_w[:, None]  # [M, G]

    # bilinear_interpolate semantics: zero outside [-1, H]/[-1, W], clamp inside
    yv = (ys >= -1.0) & (ys <= Hb[:, None])
    xv = (xs >= -1.0) & (xs <= Wb[:, None])
    ysc = jnp.clip(ys, 0.0, Hb[:, None] - 1.0)
    xsc = jnp.clip(xs, 0.0, Wb[:, None] - 1.0)
    y_lo = jnp.floor(ysc)
    x_lo = jnp.floor(xsc)
    y_hi = jnp.minimum(y_lo + 1.0, Hb[:, None] - 1.0)
    x_hi = jnp.minimum(x_lo + 1.0, Wb[:, None] - 1.0)
    ly = ysc - y_lo
    lx = xsc - x_lo
    hy = 1.0 - ly
    hx = 1.0 - lx

    yli = y_lo.astype(jnp.int32)
    yhi_i = y_hi.astype(jnp.int32)
    xli = x_lo.astype(jnp.int32)
    xhi_i = x_hi.astype(jnp.int32)
    valid = (yv[:, :, None] & xv[:, None, :]).astype(jnp.float32)

    def idx(yi, xi):
        return base[:, None, None] + yi[:, :, None] * Wb_i[:, None, None] + xi[:, None, :]

    def w(wy, wx):
        return (wy[:, :, None] * wx[:, None, :] * valid)[..., None]

    acc = w(hy, hx) * jnp.take(flat, idx(yli, xli), axis=0)
    acc = acc + w(hy, lx) * jnp.take(flat, idx(yli, xhi_i), axis=0)
    acc = acc + w(ly, hx) * jnp.take(flat, idx(yhi_i, xli), axis=0)
    acc = acc + w(ly, lx) * jnp.take(flat, idx(yhi_i, xhi_i), axis=0)

    M = boxes.shape[0]
    out = acc.reshape(M, OUT, SAMP, OUT, SAMP, C).mean(axis=(2, 4))
    return out.transpose(0, 3, 1, 2)  # [M, C, OUT, OUT]


def reference(f0, f1, f2, f3, boxes):
    return _roi_pool(f0, f1, f2, f3, boxes)

if __name__ == "__main__":
    import jax
    _d = setup_inputs()
    print(jax.jit(kernel)(*tuple(_d.values())))

</pallas_src>

<mosaic_0001>
#map = affine_map<(d0, d1) -> (0, 0)>
#map1 = affine_map<(d0, d1) -> (0)>
module attributes {stable_mosaic.version = 14 : i64} {
  func.func @k(%arg0: i32, %arg1: i32, %arg2: memref<174080x256xf32, #tpu.memory_space<hbm>>, %arg3: memref<6144x128xi32, #tpu.memory_space<hbm>>, %arg4: memref<786432xf32, #tpu.memory_space<hbm>>, %arg5: memref<49152x256xf32, #tpu.memory_space<hbm>>, %arg6: memref<192x128xi32, #tpu.memory_space<vmem>>, %arg7: memref<24576xf32, #tpu.memory_space<vmem>>, %arg8: memref<128x256xf32, #tpu.memory_space<vmem>>, %arg9: memref<128x256xf32, #tpu.memory_space<vmem>>, %arg10: memref<8x256xf32, #tpu.memory_space<vmem>>, %arg11: memref<8x256xf32, #tpu.memory_space<vmem>>, %arg12: memref<!tpu.dma_semaphore, #tpu.memory_space<semaphore_mem>>, %arg13: memref<!tpu.dma_semaphore, #tpu.memory_space<semaphore_mem>>, %arg14: memref<!tpu.dma_semaphore, #tpu.memory_space<semaphore_mem>>, %arg15: memref<!tpu.dma_semaphore, #tpu.memory_space<semaphore_mem>>) attributes {dimension_semantics = [#tpu.dimension_semantics<core_parallel>, #tpu.dimension_semantics<subcore_parallel>], iteration_bounds = array<i64: 2, 16>, scalar_prefetch = 0 : i64, scratch_operands = 10 : i64, tpu.core_type = #tpu.core_type<sc_vector_subcore>, window_params = [{transform_indices = #map}, {transform_indices = #map}, {transform_indices = #map1}, {transform_indices = #map}]} {
    %mul3A = arith.constant 2 : i32
    %mul3A_0 = arith.muli %arg1, %mul3A : i32
    %add3A = arith.addi %mul3A_0, %arg0 : i32
    %mul3A_1 = arith.constant 192 : i32
    %mul3A_2 = arith.muli %add3A, %mul3A_1 : i32
    "tpu.region"() ({
      %run_scoped3A = tpu.sem_alloc : memref<!tpu.dma_semaphore, #tpu.memory_space<semaphore_mem>>
      %dma_start3A_30 = arith.constant 0 : i32
      %dma_start3A_31 = tpu.memref_slice %arg3[%mul3A_2, %dma_start3A_30] : memref<6144x128xi32, #tpu.memory_space<hbm>> -> memref<192x128xi32, #tpu.memory_space<hbm>>
      %dma_start3A_32 = arith.constant 0 : i32
      %dma_start3A_33 = tpu.memref_slice %arg3[%mul3A_2, %dma_start3A_32] : memref<6144x128xi32, #tpu.memory_space<hbm>> -> memref<192x128xi32, #tpu.memory_space<hbm>>
      tpu.enqueue_dma source(%dma_start3A_33 : memref<192x128xi32, #tpu.memory_space<hbm>>) target(%arg6 : memref<192x128xi32, #tpu.memory_space<vmem>>) target_semaphore(%run_scoped3A : memref<!tpu.dma_semaphore, #tpu.memory_space<semaphore_mem>>)
      %dma_wait3A_34 = arith.constant 0 : i32
      %dma_wait3A_35 = tpu.memref_slice %arg3[%mul3A_2, %dma_wait3A_34] : memref<6144x128xi32, #tpu.memory_space<hbm>> -> memref<192x128xi32, #tpu.memory_space<hbm>>
      %dma_wait3A_36 = arith.constant 0 : i32
      %dma_wait3A_37 = tpu.memref_slice %arg3[%mul3A_2, %dma_wait3A_36] : memref<6144x128xi32, #tpu.memory_space<hbm>> -> memref<192x128xi32, #tpu.memory_space<hbm>>
      tpu.wait_dma2 semaphore(%run_scoped3A : memref<!tpu.dma_semaphore, #tpu.memory_space<semaphore_mem>>) src(%dma_wait3A_37 : memref<192x128xi32, #tpu.memory_space<hbm>>) dst(%arg6 : memref<192x128xi32, #tpu.memory_space<vmem>>)
      tpu.yield
    }) : () -> ()
    %mul3A_3 = arith.constant 1536 : i32
    %mul3A_4 = arith.muli %add3A, %mul3A_3 : i32
    %mul3A_5 = arith.constant 16 : i32
    %mul3A_6 = arith.muli %mul3A_4, %mul3A_5 : i32
    "tpu.region"() ({
      %run_scoped3A = tpu.sem_alloc : memref<!tpu.dma_semaphore, #tpu.memory_space<semaphore_mem>>
      %dma_start3A_30 = tpu.memref_slice %arg4[%mul3A_6] : memref<786432xf32, #tpu.memory_space<hbm>> -> memref<24576xf32, #tpu.memory_space<hbm>>
      %dma_start3A_31 = tpu.memref_slice %arg4[%mul3A_6] : memref<786432xf32, #tpu.memory_space<hbm>> -> memref<24576xf32, #tpu.memory_space<hbm>>
      tpu.enqueue_dma source(%dma_start3A_31 : memref<24576xf32, #tpu.memory_space<hbm>>) target(%arg7 : memref<24576xf32, #tpu.memory_space<vmem>>) target_semaphore(%run_scoped3A : memref<!tpu.dma_semaphore, #tpu.memory_space<semaphore_mem>>)
      %dma_wait3A_32 = tpu.memref_slice %arg4[%mul3A_6] : memref<786432xf32, #tpu.memory_space<hbm>> -> memref<24576xf32, #tpu.memory_space<hbm>>
      %dma_wait3A_33 = tpu.memref_slice %arg4[%mul3A_6] : memref<786432xf32, #tpu.memory_space<hbm>> -> memref<24576xf32, #tpu.memory_space<hbm>>
      tpu.wait_dma2 semaphore(%run_scoped3A : memref<!tpu.dma_semaphore, #tpu.memory_space<semaphore_mem>>) src(%dma_wait3A_33 : memref<24576xf32, #tpu.memory_space<hbm>>) dst(%arg7 : memref<24576xf32, #tpu.memory_space<vmem>>)
      tpu.yield
    }) : () -> ()
    %dma_start3A = arith.constant 0 : i32
    %dma_start3A_7 = arith.constant 0 : i32
    %dma_start3A_8 = tpu.memref_slice %arg6[%dma_start3A, %dma_start3A_7] : memref<192x128xi32, #tpu.memory_space<vmem>> -> memref<1x128xi32, #tpu.memory_space<vmem>>
    %dma_start3A_9 = tpu.memref_squeeze %dma_start3A_8 : memref<1x128xi32, #tpu.memory_space<vmem>> -> memref<128xi32, #tpu.memory_space<vmem>>
    %dma_start3A_10 = arith.constant 0 : i32
    %dma_start3A_11 = arith.constant 0 : i32
    %dma_start3A_12 = tpu.memref_slice %arg2[%dma_start3A_10, %dma_start3A_11] : memref<174080x256xf32, #tpu.memory_space<hbm>> -> memref<174080x256xf32, #tpu.memory_space<hbm>>
    tpu.enqueue_indirect_dma source(%dma_start3A_12 : memref<174080x256xf32, #tpu.memory_space<hbm>>) target(%arg8 : memref<128x256xf32, #tpu.memory_space<vmem>>) offsets(%dma_start3A_9 : memref<128xi32, #tpu.memory_space<vmem>>) semaphore(%arg12 : memref<!tpu.dma_semaphore, #tpu.memory_space<semaphore_mem>>)
    %scan3A = arith.constant 0 : i32
    %scan3A_13 = arith.constant 0 : i32
    %scan3A_14 = arith.constant 96 : i32
    %scan3A_15 = arith.addi %scan3A_13, %scan3A_14 : i32
    %scan3A_16 = arith.constant 1 : i32
    %scan3A_17 = scf.for %scan3A_30 = %scan3A_13 to %scan3A_15 step %scan3A_16 iter_args(%scan3A_31 = %scan3A) -> (i32)  : i32 {
      %mul3A_32 = arith.constant 2 : i32
      %mul3A_33 = arith.muli %scan3A_30, %mul3A_32 : i32
      %add3A_34 = arith.constant 0 : i32
      %add3A_35 = arith.addi %mul3A_33, %add3A_34 : i32
      %dma_wait3A_36 = arith.constant 0 : i32
      %dma_wait3A_37 = arith.constant 0 : i32
      %dma_wait3A_38 = tpu.memref_slice %arg2[%dma_wait3A_36, %dma_wait3A_37] : memref<174080x256xf32, #tpu.memory_space<hbm>> -> memref<128x256xf32, #tpu.memory_space<hbm>>
      %dma_wait3A_39 = arith.constant 0 : i32
      %dma_wait3A_40 = arith.constant 0 : i32
      %dma_wait3A_41 = tpu.memref_slice %arg2[%dma_wait3A_39, %dma_wait3A_40] : memref<174080x256xf32, #tpu.memory_space<hbm>> -> memref<128x256xf32, #tpu.memory_space<hbm>>
      tpu.wait_dma2 semaphore(%arg12 : memref<!tpu.dma_semaphore, #tpu.memory_space<semaphore_mem>>) src(%dma_wait3A_41 : memref<128x256xf32, #tpu.memory_space<hbm>>) dst(%arg8 : memref<128x256xf32, #tpu.memory_space<vmem>>)
      %add3A_42 = arith.constant 1 : i32
      %add3A_43 = arith.addi %add3A_35, %add3A_42 : i32
      %lt3A = arith.constant 192 : i32
      %lt3A_44 = arith.cmpi slt, %add3A_43, %lt3A : i32
      %convert_element_type3A = arith.extui %lt3A_44 : i1 to i32
      %cond3A = arith.constant 0 : i32
      %cond3A_45 = arith.cmpi ne, %convert_element_type3A, %cond3A : i32
      scf.if %cond3A_45 {
        %add3A_99 = arith.constant 1 : i32
        %add3A_100 = arith.addi %add3A_35, %add3A_99 : i32
        %dma_start3A_101 = arith.constant 0 : i32
        %dma_start3A_102 = tpu.memref_slice %arg6[%add3A_100, %dma_start3A_101] : memref<192x128xi32, #tpu.memory_space<vmem>> -> memref<1x128xi32, #tpu.memory_space<vmem>>
        %dma_start3A_103 = tpu.memref_squeeze %dma_start3A_102 : memref<1x128xi32, #tpu.memory_space<vmem>> -> memref<128xi32, #tpu.memory_space<vmem>>
        %dma_start3A_104 = arith.constant 0 : i32
        %dma_start3A_105 = arith.constant 0 : i32
        %dma_start3A_106 = tpu.memref_slice %arg2[%dma_start3A_104, %dma_start3A_105] : memref<174080x256xf32, #tpu.memory_space<hbm>> -> memref<174080x256xf32, #tpu.memory_space<hbm>>
        tpu.enqueue_indirect_dma source(%dma_start3A_106 : memref<174080x256xf32, #tpu.memory_space<hbm>>) target(%arg9 : memref<128x256xf32, #tpu.memory_space<vmem>>) offsets(%dma_start3A_103 : memref<128xi32, #tpu.memory_space<vmem>>) semaphore(%arg13 : memref<!tpu.dma_semaphore, #tpu.memory_space<semaphore_mem>>)
      } else {
      }
      %ge3A = arith.constant 2 : i32
      %ge3A_46 = arith.cmpi sge, %add3A_35, %ge3A : i32
      %convert_element_type3A_47 = arith.extui %ge3A_46 : i1 to i32
      %cond3A_48 = arith.constant 0 : i32
      %cond3A_49 = arith.cmpi ne, %convert_element_type3A_47, %cond3A_48 : i32
      scf.if %cond3A_49 {
        %dma_wait3A_99 = arith.constant 0 : i32
        %dma_wait3A_100 = arith.constant 0 : i32
        %dma_wait3A_101 = tpu.memref_slice %arg5[%dma_wait3A_99, %dma_wait3A_100] : memref<49152x256xf32, #tpu.memory_space<hbm>> -> memref<8x256xf32, #tpu.memory_space<hbm>>
        %dma_wait3A_102 = arith.constant 0 : i32
        %dma_wait3A_103 = arith.constant 0 : i32
        %dma_wait3A_104 = tpu.memref_slice %arg5[%dma_wait3A_102, %dma_wait3A_103] : memref<49152x256xf32, #tpu.memory_space<hbm>> -> memref<8x256xf32, #tpu.memory_space<hbm>>
        tpu.wait_dma2 semaphore(%arg14 : memref<!tpu.dma_semaphore, #tpu.memory_space<semaphore_mem>>) src(%arg10 : memref<8x256xf32, #tpu.memory_space<vmem>>) dst(%dma_wait3A_104 : memref<8x256xf32, #tpu.memory_space<hbm>>)
      } else {
      }
      %scan3A_50 = arith.constant 0 : i32
      %scan3A_51 = arith.constant 0 : i32
      %scan3A_52 = arith.constant 8 : i32
      %scan3A_53 = arith.addi %scan3A_51, %scan3A_52 : i32
      %scan3A_54 = arith.constant 1 : i32
      %scan3A_55 = scf.for %scan3A_99 = %scan3A_51 to %scan3A_53 step %scan3A_54 iter_args(%scan3A_100 = %scan3A_50) -> (i32)  : i32 {
        %mul3A_101 = arith.constant 8 : i32
        %mul3A_102 = arith.muli %add3A_35, %mul3A_101 : i32
        %add3A_103 = arith.addi %mul3A_102, %scan3A_99 : i32
        %mul3A_104 = arith.constant 16 : i32
        %mul3A_105 = arith.muli %add3A_103, %mul3A_104 : i32
        %get3A = arith.index_cast %mul3A_105 : i32 to index
        %get3A_106 = tpu.vector_load %arg7[%get3A] {strides = array<i32>} : memref<24576xf32, #tpu.memory_space<vmem>>, vector<16xf32>,
        %get3A_107 = vector.shape_cast %get3A_106 : vector<16xf32> to vector<16xf32>
        %broadcast_in_dim3A = arith.constant 0 : i32
        %broadcast_in_dim3A_108 = vector.broadcast %broadcast_in_dim3A : i32 to vector<16x1xi32>
        %gather3A = vector.shape_cast %broadcast_in_dim3A_108 : vector<16x1xi32> to vector<16xi32>
        %gather3A_109 = tpu.dynamic_gather %get3A_107[%gather3A] in [0] : vector<16xf32>, vector<16xi32> -> vector<16xf32>
        %broadcast_in_dim3A_110 = arith.constant 1 : i32
        %broadcast_in_dim3A_111 = vector.broadcast %broadcast_in_dim3A_110 : i32 to vector<16x1xi32>
        %gather3A_112 = vector.shape_cast %broadcast_in_dim3A_111 : vector<16x1xi32> to vector<16xi32>
        %gather3A_113 = tpu.dynamic_gather %get3A_107[%gather3A_112] in [0] : vector<16xf32>, vector<16xi32> -> vector<16xf32>
        %broadcast_in_dim3A_114 = arith.constant 2 : i32
        %broadcast_in_dim3A_115 = vector.broadcast %broadcast_in_dim3A_114 : i32 to vector<16x1xi32>
        %gather3A_116 = vector.shape_cast %broadcast_in_dim3A_115 : vector<16x1xi32> to vector<16xi32>
        %gather3A_117 = tpu.dynamic_gather %get3A_107[%gather3A_116] in [0] : vector<16xf32>, vector<16xi32> -> vector<16xf32>
        %broadcast_in_dim3A_118 = arith.constant 3 : i32
        %broadcast_in_dim3A_119 = vector.broadcast %broadcast_in_dim3A_118 : i32 to vector<16x1xi32>
        %gather3A_120 = vector.shape_cast %broadcast_in_dim3A_119 : vector<16x1xi32> to vector<16xi32>
        %gather3A_121 = tpu.dynamic_gather %get3A_107[%gather3A_120] in [0] : vector<16xf32>, vector<16xi32> -> vector<16xf32>
        %broadcast_in_dim3A_122 = arith.constant 4 : i32
        %broadcast_in_dim3A_123 = vector.broadcast %broadcast_in_dim3A_122 : i32 to vector<16x1xi32>
        %gather3A_124 = vector.shape_cast %broadcast_in_dim3A_123 : vector<16x1xi32> to vector<16xi32>
        %gather3A_125 = tpu.dynamic_gather %get3A_107[%gather3A_124] in [0] : vector<16xf32>, vector<16xi32> -> vector<16xf32>
        %broadcast_in_dim3A_126 = arith.constant 5 : i32
        %broadcast_in_dim3A_127 = vector.broadcast %broadcast_in_dim3A_126 : i32 to vector<16x1xi32>
        %gather3A_128 = vector.shape_cast %broadcast_in_dim3A_127 : vector<16x1xi32> to vector<16xi32>
        %gather3A_129 = tpu.dynamic_gather %get3A_107[%gather3A_128] in [0] : vector<16xf32>, vector<16xi32> -> vector<16xf32>
        %broadcast_in_dim3A_130 = arith.constant 6 : i32
        %broadcast_in_dim3A_131 = vector.broadcast %broadcast_in_dim3A_130 : i32 to vector<16x1xi32>
        %gather3A_132 = vector.shape_cast %broadcast_in_dim3A_131 : vector<16x1xi32> to vector<16xi32>
        %gather3A_133 = tpu.dynamic_gather %get3A_107[%gather3A_132] in [0] : vector<16xf32>, vector<16xi32> -> vector<16xf32>
        %broadcast_in_dim3A_134 = arith.constant 7 : i32
        %broadcast_in_dim3A_135 = vector.broadcast %broadcast_in_dim3A_134 : i32 to vector<16x1xi32>
        %gather3A_136 = vector.shape_cast %broadcast_in_dim3A_135 : vector<16x1xi32> to vector<16xi32>
        %gather3A_137 = tpu.dynamic_gather %get3A_107[%gather3A_136] in [0] : vector<16xf32>, vector<16xi32> -> vector<16xf32>
        %broadcast_in_dim3A_138 = arith.constant 8 : i32
        %broadcast_in_dim3A_139 = vector.broadcast %broadcast_in_dim3A_138 : i32 to vector<16x1xi32>
        %gather3A_140 = vector.shape_cast %broadcast_in_dim3A_139 : vector<16x1xi32> to vector<16xi32>
        %gather3A_141 = tpu.dynamic_gather %get3A_107[%gather3A_140] in [0] : vector<16xf32>, vector<16xi32> -> vector<16xf32>
        %broadcast_in_dim3A_142 = arith.constant 9 : i32
        %broadcast_in_dim3A_143 = vector.broadcast %broadcast_in_dim3A_142 : i32 to vector<16x1xi32>
        %gather3A_144 = vector.shape_cast %broadcast_in_dim3A_143 : vector<16x1xi32> to vector<16xi32>
        %gather3A_145 = tpu.dynamic_gather %get3A_107[%gather3A_144] in [0] : vector<16xf32>, vector<16xi32> -> vector<16xf32>
        %broadcast_in_dim3A_146 = arith.constant 10 : i32
        %broadcast_in_dim3A_147 = vector.broadcast %broadcast_in_dim3A_146 : i32 to vector<16x1xi32>
        %gather3A_148 = vector.shape_cast %broadcast_in_dim3A_147 : vector<16x1xi32> to vector<16xi32>
        %gather3A_149 = tpu.dynamic_gather %get3A_107[%gather3A_148] in [0] : vector<16xf32>, vector<16xi32> -> vector<16xf32>
        %broadcast_in_dim3A_150 = arith.constant 11 : i32
        %broadcast_in_dim3A_151 = vector.broadcast %broadcast_in_dim3A_150 : i32 to vector<16x1xi32>
        %gather3A_152 = vector.shape_cast %broadcast_in_dim3A_151 : vector<16x1xi32> to vector<16xi32>
        %gather3A_153 = tpu.dynamic_gather %get3A_107[%gather3A_152] in [0] : vector<16xf32>, vector<16xi32> -> vector<16xf32>
        %broadcast_in_dim3A_154 = arith.constant 12 : i32
        %broadcast_in_dim3A_155 = vector.broadcast %broadcast_in_dim3A_154 : i32 to vector<16x1xi32>
        %gather3A_156 = vector.shape_cast %broadcast_in_dim3A_155 : vector<16x1xi32> to vector<16xi32>
        %gather3A_157 = tpu.dynamic_gather %get3A_107[%gather3A_156] in [0] : vector<16xf32>, vector<16xi32> -> vector<16xf32>
        %broadcast_in_dim3A_158 = arith.constant 13 : i32
        %broadcast_in_dim3A_159 = vector.broadcast %broadcast_in_dim3A_158 : i32 to vector<16x1xi32>
        %gather3A_160 = vector.shape_cast %broadcast_in_dim3A_159 : vector<16x1xi32> to vector<16xi32>
        %gather3A_161 = tpu.dynamic_gather %get3A_107[%gather3A_160] in [0] : vector<16xf32>, vector<16xi32> -> vector<16xf32>
        %broadcast_in_dim3A_162 = arith.constant 14 : i32
        %broadcast_in_dim3A_163 = vector.broadcast %broadcast_in_dim3A_162 : i32 to vector<16x1xi32>
        %gather3A_164 = vector.shape_cast %broadcast_in_dim3A_163 : vector<16x1xi32> to vector<16xi32>
        %gather3A_165 = tpu.dynamic_gather %get3A_107[%gather3A_164] in [0] : vector<16xf32>, vector<16xi32> -> vector<16xf32>
        %broadcast_in_dim3A_166 = arith.constant 15 : i32
        %broadcast_in_dim3A_167 = vector.broadcast %broadcast_in_dim3A_166 : i32 to vector<16x1xi32>
        %gather3A_168 = vector.shape_cast %broadcast_in_dim3A_167 : vector<16x1xi32> to vector<16xi32>
        %gather3A_169 = tpu.dynamic_gather %get3A_107[%gather3A_168] in [0] : vector<16xf32>, vector<16xi32> -> vector<16xf32>
        %mul3A_170 = arith.constant 16 : i32
        %mul3A_171 = arith.muli %scan3A_99, %mul3A_170 : i32
        %get3A_172 = arith.index_cast %mul3A_171 : i32 to index
        %get3A_173 = arith.constant 0 : index
        %get3A_174 = tpu.vector_load %arg8[%get3A_172, %get3A_173] {strides = array<i32>} : memref<128x256xf32, #tpu.memory_space<vmem>>, vector<1x16xf32>,
        %get3A_175 = vector.shape_cast %get3A_174 : vector<1x16xf32> to vector<16xf32>
        %mul3A_176 = arith.mulf %get3A_175, %gather3A_109 : vector<16xf32>
        %add3A_177 = arith.constant 1 : i32
        %add3A_178 = arith.addi %mul3A_171, %add3A_177 : i32
        %get3A_179 = arith.index_cast %add3A_178 : i32 to index
        %get3A_180 = arith.constant 0 : index
        %get3A_181 = tpu.vector_load %arg8[%get3A_179, %get3A_180] {strides = array<i32>} : memref<128x256xf32, #tpu.memory_space<vmem>>, vector<1x16xf32>,
        %get3A_182 = vector.shape_cast %get3A_181 : vector<1x16xf32> to vector<16xf32>
        %mul3A_183 = arith.mulf %get3A_182, %gather3A_113 : vector<16xf32>
        %add3A_184 = arith.addf %mul3A_176, %mul3A_183 : vector<16xf32>
        %add3A_185 = arith.constant 2 : i32
        %add3A_186 = arith.addi %mul3A_171, %add3A_185 : i32
        %get3A_187 = arith.index_cast %add3A_186 : i32 to index
        %get3A_188 = arith.constant 0 : index
        %get3A_189 = tpu.vector_load %arg8[%get3A_187, %get3A_188] {strides = array<i32>} : memref<128x256xf32, #tpu.memory_space<vmem>>, vector<1x16xf32>,
        %get3A_190 = vector.shape_cast %get3A_189 : vector<1x16xf32> to vector<16xf32>
        %mul3A_191 = arith.mulf %get3A_190, %gather3A_117 : vector<16xf32>
        %add3A_192 = arith.addf %add3A_184, %mul3A_191 : vector<16xf32>
        %add3A_193 = arith.constant 3 : i32
        %add3A_194 = arith.addi %mul3A_171, %add3A_193 : i32
        %get3A_195 = arith.index_cast %add3A_194 : i32 to index
        %get3A_196 = arith.constant 0 : index
        %get3A_197 = tpu.vector_load %arg8[%get3A_195, %get3A_196] {strides = array<i32>} : memref<128x256xf32, #tpu.memory_space<vmem>>, vector<1x16xf32>,
        %get3A_198 = vector.shape_cast %get3A_197 : vector<1x16xf32> to vector<16xf32>
        %mul3A_199 = arith.mulf %get3A_198, %gather3A_121 : vector<16xf32>
        %add3A_200 = arith.addf %add3A_192, %mul3A_199 : vector<16xf32>
        %add3A_201 = arith.constant 4 : i32
        %add3A_202 = arith.addi %mul3A_171, %add3A_201 : i32
        %get3A_203 = arith.index_cast %add3A_202 : i32 to index
        %get3A_204 = arith.constant 0 : index
        %get3A_205 = tpu.vector_load %arg8[%get3A_203, %get3A_204] {strides = array<i32>} : memref<128x256xf32, #tpu.memory_space<vmem>>, vector<1x16xf32>,
        %get3A_206 = vector.shape_cast %get3A_205 : vector<1x16xf32> to vector<16xf32>
        %mul3A_207 = arith.mulf %get3A_206, %gather3A_125 : vector<16xf32>
        %add3A_208 = arith.addf %add3A_200, %mul3A_207 : vector<16xf32>
        %add3A_209 = arith.constant 5 : i32
        %add3A_210 = arith.addi %mul3A_171, %add3A_209 : i32
        %get3A_211 = arith.index_cast %add3A_210 : i32 to index
        %get3A_212 = arith.constant 0 : index
        %get3A_213 = tpu.vector_load %arg8[%get3A_211, %get3A_212] {strides = array<i32>} : memref<128x256xf32, #tpu.memory_space<vmem>>, vector<1x16xf32>,
        %get3A_214 = vector.shape_cast %get3A_213 : vector<1x16xf32> to vector<16xf32>
        %mul3A_215 = arith.mulf %get3A_214, %gather3A_129 : vector<16xf32>
        %add3A_216 = arith.addf %add3A_208, %mul3A_215 : vector<16xf32>
        %add3A_217 = arith.constant 6 : i32
        %add3A_218 = arith.addi %mul3A_171, %add3A_217 : i32
        %get3A_219 = arith.index_cast %add3A_218 : i32 to index
        %get3A_220 = arith.constant 0 : index
        %get3A_221 = tpu.vector_load %arg8[%get3A_219, %get3A_220] {strides = array<i32>} : memref<128x256xf32, #tpu.memory_space<vmem>>, vector<1x16xf32>,
        %get3A_222 = vector.shape_cast %get3A_221 : vector<1x16xf32> to vector<16xf32>
        %mul3A_223 = arith.mulf %get3A_222, %gather3A_133 : vector<16xf32>
        %add3A_224 = arith.addf %add3A_216, %mul3A_223 : vector<16xf32>
        %add3A_225 = arith.constant 7 : i32
        %add3A_226 = arith.addi %mul3A_171, %add3A_225 : i32
        %get3A_227 = arith.index_cast %add3A_226 : i32 to index
        %get3A_228 = arith.constant 0 : index
        %get3A_229 = tpu.vector_load %arg8[%get3A_227, %get3A_228] {strides = array<i32>} : memref<128x256xf32, #tpu.memory_space<vmem>>, vector<1x16xf32>,
        %get3A_230 = vector.shape_cast %get3A_229 : vector<1x16xf32> to vector<16xf32>
        %mul3A_231 = arith.mulf %get3A_230, %gather3A_137 : vector<16xf32>
        %add3A_232 = arith.addf %add3A_224, %mul3A_231 : vector<16xf32>
        %add3A_233 = arith.constant 8 : i32
        %add3A_234 = arith.addi %mul3A_171, %add3A_233 : i32
        %get3A_235 = arith.index_cast %add3A_234 : i32 to index
        %get3A_236 = arith.constant 0 : index
        %get3A_237 = tpu.vector_load %arg8[%get3A_235, %get3A_236] {strides = array<i32>} : memref<128x256xf32, #tpu.memory_space<vmem>>, vector<1x16xf32>,
        %get3A_238 = vector.shape_cast %get3A_237 : vector<1x16xf32> to vector<16xf32>
        %mul3A_239 = arith.mulf %get3A_238, %gather3A_141 : vector<16xf32>
        %add3A_240 = arith.addf %add3A_232, %mul3A_239 : vector<16xf32>
        %add3A_241 = arith.constant 9 : i32
        %add3A_242 = arith.addi %mul3A_171, %add3A_241 : i32
        %get3A_243 = arith.index_cast %add3A_242 : i32 to index
        %get3A_244 = arith.constant 0 : index
        %get3A_245 = tpu.vector_load %arg8[%get3A_243, %get3A_244] {strides = array<i32>} : memref<128x256xf32, #tpu.memory_space<vmem>>, vector<1x16xf32>,
        %get3A_246 = vector.shape_cast %get3A_245 : vector<1x16xf32> to vector<16xf32>
        %mul3A_247 = arith.mulf %get3A_246, %gather3A_145 : vector<16xf32>
        %add3A_248 = arith.addf %add3A_240, %mul3A_247 : vector<16xf32>
        %add3A_249 = arith.constant 10 : i32
        %add3A_250 = arith.addi %mul3A_171, %add3A_249 : i32
        %get3A_251 = arith.index_cast %add3A_250 : i32 to index
        %get3A_252 = arith.constant 0 : index
        %get3A_253 = tpu.vector_load %arg8[%get3A_251, %get3A_252] {strides = array<i32>} : memref<128x256xf32, #tpu.memory_space<vmem>>, vector<1x16xf32>,
        %get3A_254 = vector.shape_cast %get3A_253 : vector<1x16xf32> to vector<16xf32>
        %mul3A_255 = arith.mulf %get3A_254, %gather3A_149 : vector<16xf32>
        %add3A_256 = arith.addf %add3A_248, %mul3A_255 : vector<16xf32>
        %add3A_257 = arith.constant 11 : i32
        %add3A_258 = arith.addi %mul3A_171, %add3A_257 : i32
        %get3A_259 = arith.index_cast %add3A_258 : i32 to index
        %get3A_260 = arith.constant 0 : index
        %get3A_261 = tpu.vector_load %arg8[%get3A_259, %get3A_260] {strides = array<i32>} : memref<128x256xf32, #tpu.memory_space<vmem>>, vector<1x16xf32>,
        %get3A_262 = vector.shape_cast %get3A_261 : vector<1x16xf32> to vector<16xf32>
        %mul3A_263 = arith.mulf %get3A_262, %gather3A_153 : vector<16xf32>
        %add3A_264 = arith.addf %add3A_256, %mul3A_263 : vector<16xf32>
        %add3A_265 = arith.constant 12 : i32
        %add3A_266 = arith.addi %mul3A_171, %add3A_265 : i32
        %get3A_267 = arith.index_cast %add3A_266 : i32 to index
        %get3A_268 = arith.constant 0 : index
        %get3A_269 = tpu.vector_load %arg8[%get3A_267, %get3A_268] {strides = array<i32>} : memref<128x256xf32, #tpu.memory_space<vmem>>, vector<1x16xf32>,
        %get3A_270 = vector.shape_cast %get3A_269 : vector<1x16xf32> to vector<16xf32>
        %mul3A_271 = arith.mulf %get3A_270, %gather3A_157 : vector<16xf32>
        %add3A_272 = arith.addf %add3A_264, %mul3A_271 : vector<16xf32>
        %add3A_273 = arith.constant 13 : i32
        %add3A_274 = arith.addi %mul3A_171, %add3A_273 : i32
        %get3A_275 = arith.index_cast %add3A_274 : i32 to index
        %get3A_276 = arith.constant 0 : index
        %get3A_277 = tpu.vector_load %arg8[%get3A_275, %get3A_276] {strides = array<i32>} : memref<128x256xf32, #tpu.memory_space<vmem>>, vector<1x16xf32>,
        %get3A_278 = vector.shape_cast %get3A_277 : vector<1x16xf32> to vector<16xf32>
        %mul3A_279 = arith.mulf %get3A_278, %gather3A_161 : vector<16xf32>
        %add3A_280 = arith.addf %add3A_272, %mul3A_279 : vector<16xf32>
        %add3A_281 = arith.constant 14 : i32
        %add3A_282 = arith.addi %mul3A_171, %add3A_281 : i32
        %get3A_283 = arith.index_cast %add3A_282 : i32 to index
        %get3A_284 = arith.constant 0 : index
        %get3A_285 = tpu.vector_load %arg8[%get3A_283, %get3A_284] {strides = array<i32>} : memref<128x256xf32, #tpu.memory_space<vmem>>, vector<1x16xf32>,
        %get3A_286 = vector.shape_cast %get3A_285 : vector<1x16xf32> to vector<16xf32>
        %mul3A_287 = arith.mulf %get3A_286, %gather3A_165 : vector<16xf32>
        %add3A_288 = arith.addf %add3A_280, %mul3A_287 : vector<16xf32>
        %add3A_289 = arith.constant 15 : i32
        %add3A_290 = arith.addi %mul3A_171, %add3A_289 : i32
        %get3A_291 = arith.index_cast %add3A_290 : i32 to index
        %get3A_292 = arith.constant 0 : index
        %get3A_293 = tpu.vector_load %arg8[%get3A_291, %get3A_292] {strides = array<i32>} : memref<128x256xf32, #tpu.memory_space<vmem>>, vector<1x16xf32>,
        %get3A_294 = vector.shape_cast %get3A_293 : vector<1x16xf32> to vector<16xf32>
        %mul3A_295 = arith.mulf %get3A_294, %gather3A_169 : vector<16xf32>
        %add3A_296 = arith.addf %add3A_288, %mul3A_295 : vector<16xf32>
        %swap3A = arith.index_cast %scan3A_99 : i32 to index
        %swap3A_297 = arith.constant 0 : index
        %swap3A_298 = tpu.vector_load %arg10[%swap3A, %swap3A_297] {strides = array<i32>} : memref<8x256xf32, #tpu.memory_space<vmem>>, vector<1x16xf32>,
        %swap3A_299 = vector.shape_cast %swap3A_298 : vector<1x16xf32> to vector<16xf32>
        %swap3A_300 = vector.shape_cast %add3A_296 : vector<16xf32> to vector<1x16xf32>
        tpu.vector_store %arg10[%swap3A, %swap3A_297], %swap3A_300 {strides = array<i32>} : memref<8x256xf32, #tpu.memory_space<vmem>>, vector<1x16xf32>,
        %get3A_301 = arith.index_cast %mul3A_171 : i32 to index
        %get3A_302 = arith.constant 16 : index
        %get3A_303 = tpu.vector_load %arg8[%get3A_301, %get3A_302] {strides = array<i32>} : memref<128x256xf32, #tpu.memory_space<vmem>>, vector<1x16xf32>,
        %get3A_304 = vector.shape_cast %get3A_303 : vector<1x16xf32> to vector<16xf32>
        %mul3A_305 = arith.mulf %get3A_304, %gather3A_109 : vector<16xf32>
        %add3A_306 = arith.constant 1 : i32
        %add3A_307 = arith.addi %mul3A_171, %add3A_306 : i32
        %get3A_308 = arith.index_cast %add3A_307 : i32 to index
        %get3A_309 = arith.constant 16 : index
        %get3A_310 = tpu.vector_load %arg8[%get3A_308, %get3A_309] {strides = array<i32>} : memref<128x256xf32, #tpu.memory_space<vmem>>, vector<1x16xf32>,
        %get3A_311 = vector.shape_cast %get3A_310 : vector<1x16xf32> to vector<16xf32>
        %mul3A_312 = arith.mulf %get3A_311, %gather3A_113 : vector<16xf32>
        %add3A_313 = arith.addf %mul3A_305, %mul3A_312 : vector<16xf32>
        %add3A_314 = arith.constant 2 : i32
        %add3A_315 = arith.addi %mul3A_171, %add3A_314 : i32
        %get3A_316 = arith.index_cast %add3A_315 : i32 to index
        %get3A_317 = arith.constant 16 : index
        %get3A_318 = tpu.vector_load %arg8[%get3A_316, %get3A_317] {strides = array<i32>} : memref<128x256xf32, #tpu.memory_space<vmem>>, vector<1x16xf32>,
        %get3A_319 = vector.shape_cast %get3A_318 : vector<1x16xf32> to vector<16xf32>
        %mul3A_320 = arith.mulf %get3A_319, %gather3A_117 : vector<16xf32>
        %add3A_321 = arith.addf %add3A_313, %mul3A_320 : vector<16xf32>
        %add3A_322 = arith.constant 3 : i32
        %add3A_323 = arith.addi %mul3A_171, %add3A_322 : i32
        %get3A_324 = arith.index_cast %add3A_323 : i32 to index
        %get3A_325 = arith.constant 16 : index
        %get3A_326 = tpu.vector_load %arg8[%get3A_324, %get3A_325] {strides = array<i32>} : memref<128x256xf32, #tpu.memory_space<vmem>>, vector<1x16xf32>,
        %get3A_327 = vector.shape_cast %get3A_326 : vector<1x16xf32> to vector<16xf32>
        %mul3A_328 = arith.mulf %get3A_327, %gather3A_121 : vector<16xf32>
        %add3A_329 = arith.addf %add3A_321, %mul3A_328 : vector<16xf32>
        %add3A_330 = arith.constant 4 : i32
        %add3A_331 = arith.addi %mul3A_171, %add3A_330 : i32
        %get3A_332 = arith.index_cast %add3A_331 : i32 to index
        %get3A_333 = arith.constant 16 : index
        %get3A_334 = tpu.vector_load %arg8[%get3A_332, %get3A_333] {strides = array<i32>} : memref<128x256xf32, #tpu.memory_space<vmem>>, vector<1x16xf32>,
        %get3A_335 = vector.shape_cast %get3A_334 : vector<1x16xf32> to vector<16xf32>
        %mul3A_336 = arith.mulf %get3A_335, %gather3A_125 : vector<16xf32>
        %add3A_337 = arith.addf %add3A_329, %mul3A_336 : vector<16xf32>
        %add3A_338 = arith.constant 5 : i32
        %add3A_339 = arith.addi %mul3A_171, %add3A_338 : i32
        %get3A_340 = arith.index_cast %add3A_339 : i32 to index
        %get3A_341 = arith.constant 16 : index
        %get3A_342 = tpu.vector_load %arg8[%get3A_340, %get3A_341] {strides = array<i32>} : memref<128x256xf32, #tpu.memory_space<vmem>>, vector<1x16xf32>,
        %get3A_343 = vector.shape_cast %get3A_342 : vector<1x16xf32> to vector<16xf32>
        %mul3A_344 = arith.mulf %get3A_343, %gather3A_129 : vector<16xf32>
        %add3A_345 = arith.addf %add3A_337, %mul3A_344 : vector<16xf32>
        %add3A_346 = arith.constant 6 : i32
        %add3A_347 = arith.addi %mul3A_171, %add3A_346 : i32
        %get3A_348 = arith.index_cast %add3A_347 : i32 to index
        %get3A_349 = arith.constant 16 : index
        %get3A_350 = tpu.vector_load %arg8[%get3A_348, %get3A_349] {strides = array<i32>} : memref<128x256xf32, #tpu.memory_space<vmem>>, vector<1x16xf32>,
        %get3A_351 = vector.shape_cast %get3A_350 : vector<1x16xf32> to vector<16xf32>
        %mul3A_352 = arith.mulf %get3A_351, %gather3A_133 : vector<16xf32>
        %add3A_353 = arith.addf %add3A_345, %mul3A_352 : vector<16xf32>
        %add3A_354 = arith.constant 7 : i32
        %add3A_355 = arith.addi %mul3A_171, %add3A_354 : i32
        %get3A_356 = arith.index_cast %add3A_355 : i32 to index
        %get3A_357 = arith.constant 16 : index
        %get3A_358 = tpu.vector_load %arg8[%get3A_356, %get3A_357] {strides = array<i32>} : memref<128x256xf32, #tpu.memory_space<vmem>>, vector<1x16xf32>,
        %get3A_359 = vector.shape_cast %get3A_358 : vector<1x16xf32> to vector<16xf32>
        %mul3A_360 = arith.mulf %get3A_359, %gather3A_137 : vector<16xf32>
        %add3A_361 = arith.addf %add3A_353, %mul3A_360 : vector<16xf32>
        %add3A_362 = arith.constant 8 : i32
        %add3A_363 = arith.addi %mul3A_171, %add3A_362 : i32
        %get3A_364 = arith.index_cast %add3A_363 : i32 to index
        %get3A_365 = arith.constant 16 : index
        %get3A_366 = tpu.vector_load %arg8[%get3A_364, %get3A_365] {strides = array<i32>} : memref<128x256xf32, #tpu.memory_space<vmem>>, vector<1x16xf32>,
        %get3A_367 = vector.shape_cast %get3A_366 : vector<1x16xf32> to vector<16xf32>
        %mul3A_368 = arith.mulf %get3A_367, %gather3A_141 : vector<16xf32>
        %add3A_369 = arith.addf %add3A_361, %mul3A_368 : vector<16xf32>
        %add3A_370 = arith.constant 9 : i32
        %add3A_371 = arith.addi %mul3A_171, %add3A_370 : i32
        %get3A_372 = arith.index_cast %add3A_371 : i32 to index
        %get3A_373 = arith.constant 16 : index
        %get3A_374 = tpu.vector_load %arg8[%get3A_372, %get3A_373] {strides = array<i32>} : memref<128x256xf32, #tpu.memory_space<vmem>>, vector<1x16xf32>,
        %get3A_375 = vector.shape_cast %get3A_374 : vector<1x16xf32> to vector<16xf32>
        %mul3A_376 = arith.mulf %get3A_375, %gather3A_145 : vector<16xf32>
        %add3A_377 = arith.addf %add3A_369, %mul3A_376 : vector<16xf32>
        %add3A_378 = arith.constant 10 : i32
        %add3A_379 = arith.addi %mul3A_171, %add3A_378 : i32
        %get3A_380 = arith.index_cast %add3A_379 : i32 to index
        %get3A_381 = arith.constant 16 : index
        %get3A_382 = tpu.vector_load %arg8[%get3A_380, %get3A_381] {strides = array<i32>} : memref<128x256xf32, #tpu.memory_space<vmem>>, vector<1x16xf32>,
        %get3A_383 = vector.shape_cast %get3A_382 : vector<1x16xf32> to vector<16xf32>
        %mul3A_384 = arith.mulf %get3A_383, %gather3A_149 : vector<16xf32>
        %add3A_385 = arith.addf %add3A_377, %mul3A_384 : vector<16xf32>
        %add3A_386 = arith.constant 11 : i32
        %add3A_387 = arith.addi %mul3A_171, %add3A_386 : i32
        %get3A_388 = arith.index_cast %add3A_387 : i32 to index
        %get3A_389 = arith.constant 16 : index
        %get3A_390 = tpu.vector_load %arg8[%get3A_388, %get3A_389] {strides = array<i32>} : memref<128x256xf32, #tpu.memory_space<vmem>>, vector<1x16xf32>,
        %get3A_391 = vector.shape_cast %get3A_390 : vector<1x16xf32> to vector<16xf32>
        %mul3A_392 = arith.mulf %get3A_391, %gather3A_153 : vector<16xf32>
        %add3A_393 = arith.addf %add3A_385, %mul3A_392 : vector<16xf32>
        %add3A_394 = arith.constant 12 : i32
        %add3A_395 = arith.addi %mul3A_171, %add3A_394 : i32
        %get3A_396 = arith.index_cast %add3A_395 : i32 to index
        %get3A_397 = arith.constant 16 : index
        %get3A_398 = tpu.vector_load %arg8[%get3A_396, %get3A_397] {strides = array<i32>} : memref<128x256xf32, #tpu.memory_space<vmem>>, vector<1x16xf32>,
        %get3A_399 = vector.shape_cast %get3A_398 : vector<1x16xf32> to vector<16xf32>
        %mul3A_400 = arith.mulf %get3A_399, %gather3A_157 : vector<16xf32>
        %add3A_401 = arith.addf %add3A_393, %mul3A_400 : vector<16xf32>
        %add3A_402 = arith.constant 13 : i32
        %add3A_403 = arith.addi %mul3A_171, %add3A_402 : i32
        %get3A_404 = arith.index_cast %add3A_403 : i32 to index
        %get3A_405 = arith.constant 16 : index
        %get3A_406 = tpu.vector_load %arg8[%get3A_404, %get3A_405] {strides = array<i32>} : memref<128x256xf32, #tpu.memory_space<vmem>>, vector<1x16xf32>,
        %get3A_407 = vector.shape_cast %get3A_406 : vector<1x16xf32> to vector<16xf32>
        %mul3A_408 = arith.mulf %get3A_407, %gather3A_161 : vector<16xf32>
        %add3A_409 = arith.addf %add3A_401, %mul3A_408 : vector<16xf32>
        %add3A_410 = arith.constant 14 : i32
        %add3A_411 = arith.addi %mul3A_171, %add3A_410 : i32
        %get3A_412 = arith.index_cast %add3A_411 : i32 to index
        %get3A_413 = arith.constant 16 : index
        %get3A_414 = tpu.vector_load %arg8[%get3A_412, %get3A_413] {strides = array<i32>} : memref<128x256xf32, #tpu.memory_space<vmem>>, vector<1x16xf32>,
        %get3A_415 = vector.shape_cast %get3A_414 : vector<1x16xf32> to vector<16xf32>
        %mul3A_416 = arith.mulf %get3A_415, %gather3A_165 : vector<16xf32>
        %add3A_417 = arith.addf %add3A_409, %mul3A_416 : vector<16xf32>
        %add3A_418 = arith.constant 15 : i32
        %add3A_419 = arith.addi %mul3A_171, %add3A_418 : i32
        %get3A_420 = arith.index_cast %add3A_419 : i32 to index
        %get3A_421 = arith.constant 16 : index
        %get3A_422 = tpu.vector_load %arg8[%get3A_420, %get3A_421] {strides = array<i32>} : memref<128x256xf32, #tpu.memory_space<vmem>>, vector<1x16xf32>,
        %get3A_423 = vector.shape_cast %get3A_422 : vector<1x16xf32> to vector<16xf32>
        %mul3A_424 = arith.mulf %get3A_423, %gather3A_169 : vector<16xf32>
        %add3A_425 = arith.addf %add3A_417, %mul3A_424 : vector<16xf32>
        %swap3A_426 = arith.index_cast %scan3A_99 : i32 to index
        %swap3A_427 = arith.constant 16 : index
        %swap3A_428 = tpu.vector_load %arg10[%swap3A_426, %swap3A_427] {strides = array<i32>} : memref<8x256xf32, #tpu.memory_space<vmem>>, vector<1x16xf32>,
        %swap3A_429 = vector.shape_cast %swap3A_428 : vector<1x16xf32> to vector<16xf32>
        %swap3A_430 = vector.shape_cast %add3A_425 : vector<16xf32> to vector<1x16xf32>
        tpu.vector_store %arg10[%swap3A_426, %swap3A_427], %swap3A_430 {strides = array<i32>} : memref<8x256xf32, #tpu.memory_space<vmem>>, vector<1x16xf32>,
        %get3A_431 = arith.index_cast %mul3A_171 : i32 to index
        %get3A_432 = arith.constant 32 : index
        %get3A_433 = tpu.vector_load %arg8[%get3A_431, %get3A_432] {strides = array<i32>} : memref<128x256xf32, #tpu.memory_space<vmem>>, vector<1x16xf32>,
        %get3A_434 = vector.shape_cast %get3A_433 : vector<1x16xf32> to vector<16xf32>
        %mul3A_435 = arith.mulf %get3A_434, %gather3A_109 : vector<16xf32>
        %add3A_436 = arith.constant 1 : i32
        %add3A_437 = arith.addi %mul3A_171, %add3A_436 : i32
        %get3A_438 = arith.index_cast %add3A_437 : i32 to index
        %get3A_439 = arith.constant 32 : index
        %get3A_440 = tpu.vector_load %arg8[%get3A_438, %get3A_439] {strides = array<i32>} : memref<128x256xf32, #tpu.memory_space<vmem>>, vector<1x16xf32>,
        %get3A_441 = vector.shape_cast %get3A_440 : vector<1x16xf32> to vector<16xf32>
        %mul3A_442 = arith.mulf %get3A_441, %gather3A_113 : vector<16xf32>
        %add3A_443 = arith.addf %mul3A_435, %mul3A_442 : vector<16xf32>
        %add3A_444 = arith.constant 2 : i32
        %add3A_445 = arith.addi %mul3A_171, %add3A_444 : i32
        %get3A_446 = arith.index_cast %add3A_445 : i32 to index
        %get3A_447 = arith.constant 32 : index
        %get3A_448 = tpu.vector_load %arg8[%get3A_446, %get3A_447] {strides = array<i32>} : memref<128x256xf32, #tpu.memory_space<vmem>>, vector<1x16xf32>,
        %get3A_449 = vector.shape_cast %get3A_448 : vector<1x16xf32> to vector<16xf32>
        %mul3A_450 = arith.mulf %get3A_449, %gather3A_117 : vector<16xf32>
        %add3A_451 = arith.addf %add3A_443, %mul3A_450 : vector<16xf32>
        %add3A_452 = arith.constant 3 : i32
        %add3A_453 = arith.addi %mul3A_171, %add3A_452 : i32
        %get3A_454 = arith.index_cast %add3A_453 : i32 to index
        %get3A_455 = arith.constant 32 : index
        %get3A_456 = tpu.vector_load %arg8[%get3A_454, %get3A_455] {strides = array<i32>} : memref<128x256xf32, #tpu.memory_space<vmem>>, vector<1x16xf32>,
        %get3A_457 = vector.shape_cast %get3A_456 : vector<1x16xf32> to vector<16xf32>
        %mul3A_458 = arith.mulf %get3A_457, %gather3A_121 : vector<16xf32>
        %add3A_459 = arith.addf %add3A_451, %mul3A_458 : vector<16xf32>
        %add3A_460 = arith.constant 4 : i32
        %add3A_461 = arith.addi %mul3A_171, %add3A_460 : i32
        %get3A_462 = arith.index_cast %add3A_461 : i32 to index
        %get3A_463 = arith.constant 32 : index
        %get3A_464 = tpu.vector_load %arg8[%get3A_462, %get3A_463] {strides = array<i32>} : memref<128x256xf32, #tpu.memory_space<vmem>>, vector<1x16xf32>,
        %get3A_465 = vector.shape_cast %get3A_464 : vector<1x16xf32> to vector<16xf32>
        %mul3A_466 = arith.mulf %get3A_465, %gather3A_125 : vector<16xf32>
        %add3A_467 = arith.addf %add3A_459, %mul3A_466 : vector<16xf32>
        %add3A_468 = arith.constant 5 : i32
        %add3A_469 = arith.addi %mul3A_171, %add3A_468 : i32
        %get3A_470 = arith.index_cast %add3A_469 : i32 to index
        %get3A_471 = arith.constant 32 : index
        %get3A_472 = tpu.vector_load %arg8[%get3A_470, %get3A_471] {strides = array<i32>} : memref<128x256xf32, #tpu.memory_space<vmem>>, vector<1x16xf32>,
        %get3A_473 = vector.shape_cast %get3A_472 : vector<1x16xf32> to vector<16xf32>
        %mul3A_474 = arith.mulf %get3A_473, %gather3A_129 : vector<16xf32>
        %add3A_475 = arith.addf %add3A_467, %mul3A_474 : vector<16xf32>
        %add3A_476 = arith.constant 6 : i32
        %add3A_477 = arith.addi %mul3A_171, %add3A_476 : i32
        %get3A_478 = arith.index_cast %add3A_477 : i32 to index
        %get3A_479 = arith.constant 32 : index
        %get3A_480 = tpu.vector_load %arg8[%get3A_478, %get3A_479] {strides = array<i32>} : memref<128x256xf32, #tpu.memory_space<vmem>>, vector<1x16xf32>,
        %get3A_481 = vector.shape_cast %get3A_480 : vector<1x16xf32> to vector<16xf32>
        %mul3A_482 = arith.mulf %get3A_481, %gather3A_133 : vector<16xf32>
        %add3A_483 = arith.addf %add3A_475, %mul3A_482 : vector<16xf32>
        %add3A_484 = arith.constant 7 : i32
        %add3A_485 = arith.addi %mul3A_171, %add3A_484 : i32
        %get3A_486 = arith.index_cast %add3A_485 : i32 to index
        %get3A_487 = arith.constant 32 : index
        %get3A_488 = tpu.vector_load %arg8[%get3A_486, %get3A_487] {strides = array<i32>} : memref<128x256xf32, #tpu.memory_space<vmem>>, vector<1x16xf32>,
        %get3A_489 = vector.shape_cast %get3A_488 : vector<1x16xf32> to vector<16xf32>
        %mul3A_490 = arith.mulf %get3A_489, %gather3A_137 : vector<16xf32>
        %add3A_491 = arith.addf %add3A_483, %mul3A_490 : vector<16xf32>
        %add3A_492 = arith.constant 8 : i32
        %add3A_493 = arith.addi %mul3A_171, %add3A_492 : i32
        %get3A_494 = arith.index_cast %add3A_493 : i32 to index
        %get3A_495 = arith.constant 32 : index
        %get3A_496 = tpu.vector_load %arg8[%get3A_494, %get3A_495] {strides = array<i32>} : memref<128x256xf32, #tpu.memory_space<vmem>>, vector<1x16xf32>,
        %get3A_497 = vector.shape_cast %get3A_496 : vector<1x16xf32> to vector<16xf32>
        %mul3A_498 = arith.mulf %get3A_497, %gather3A_141 : vector<16xf32>
        %add3A_499 = arith.addf %add3A_491, %mul3A_498 : vector<16xf32>
        %add3A_500 = arith.constant 9 : i32
        %add3A_501 = arith.addi %mul3A_171, %add3A_500 : i32
        %get3A_502 = arith.index_cast %add3A_501 : i32 to index
        %get3A_503 = arith.constant 32 : index
        %get3A_504 = tpu.vector_load %arg8[%get3A_502, %get3A_503] {strides = array<i32>} : memref<128x256xf32, #tpu.memory_space<vmem>>, vector<1x16xf32>,
        %get3A_505 = vector.shape_cast %get3A_504 : vector<1x16xf32> to vector<16xf32>
        %mul3A_506 = arith.mulf %get3A_505, %gather3A_145 : vector<16xf32>
        %add3A_507 = arith.addf %add3A_499, %mul3A_506 : vector<16xf32>
        %add3A_508 = arith.constant 10 : i32
        %add3A_509 = arith.addi %mul3A_171, %add3A_508 : i32
        %get3A_510 = arith.index_cast %add3A_509 : i32 to index
        %get3A_511 = arith.constant 32 : index
        %get3A_512 = tpu.vector_load %arg8[%get3A_510, %get3A_511] {strides = array<i32>} : memref<128x256xf32, #tpu.memory_space<vmem>>, vector<1x16xf32>,
        %get3A_513 = vector.shape_cast %get3A_512 : vector<1x16xf32> to vector<16xf32>
        %mul3A_514 = arith.mulf %get3A_513, %gather3A_149 : vector<16xf32>
        %add3A_515 = arith.addf %add3A_507, %mul3A_514 : vector<16xf32>
        %add3A_516 = arith.constant 11 : i32
        %add3A_517 = arith.addi %mul3A_171, %add3A_516 : i32
        %get3A_518 = arith.index_cast %add3A_517 : i32 to index
        %get3A_519 = arith.constant 32 : index
        %get3A_520 = tpu.vector_load %arg8[%get3A_518, %get3A_519] {strides = array<i32>} : memref<128x256xf32, #tpu.memory_space<vmem>>, vector<1x16xf32>,
        %get3A_521 = vector.shape_cast %get3A_520 : vector<1x16xf32> to vector<16xf32>
        %mul3A_522 = arith.mulf %get3A_521, %gather3A_153 : vector<16xf32>
        %add3A_523 = arith.addf %add3A_515, %mul3A_522 : vector<16xf32>
        %add3A_524 = arith.constant 12 : i32
        %add3A_525 = arith.addi %mul3A_171, %add3A_524 : i32
        %get3A_526 = arith.index_cast %add3A_525 : i32 to index
        %get3A_527 = arith.constant 32 : index
        %get3A_528 = tpu.vector_load %arg8[%get3A_526, %get3A_527] {strides = array<i32>} : memref<128x256xf32, #tpu.memory_space<vmem>>, vector<1x16xf32>,
        %get3A_529 = vector.shape_cast %get3A_528 : vector<1x16xf32> to vector<16xf32>
        %mul3A_530 = arith.mulf %get3A_529, %gather3A_157 : vector<16xf32>
        %add3A_531 = arith.addf %add3A_523, %mul3A_530 : vector<16xf32>
        %add3A_532 = arith.constant 13 : i32
        %add3A_533 = arith.addi %mul3A_171, %add3A_532 : i32
        %get3A_534 = arith.index_cast %add3A_533 : i32 to index
        %get3A_535 = arith.constant 32 : index
        %get3A_536 = tpu.vector_load %arg8[%get3A_534, %get3A_535] {strides = array<i32>} : memref<128x256xf32, #tpu.memory_space<vmem>>, vector<1x16xf32>,
        %get3A_537 = vector.shape_cast %get3A_536 : vector<1x16xf32> to vector<16xf32>
        %mul3A_538 = arith.mulf %get3A_537, %gather3A_161 : vector<16xf32>
        %add3A_539 = arith.addf %add3A_531, %mul3A_538 : vector<16xf32>
        %add3A_540 = arith.constant 14 : i32
        %add3A_541 = arith.addi %mul3A_171, %add3A_540 : i32
        %get3A_542 = arith.index_cast %add3A_541 : i32 to index
        %get3A_543 = arith.constant 32 : index
        %get3A_544 = tpu.vector_load %arg8[%get3A_542, %get3A_543] {strides = array<i32>} : memref<128x256xf32, #tpu.memory_space<vmem>>, vector<1x16xf32>,
        %get3A_545 = vector.shape_cast %get3A_544 : vector<1x16xf32> to vector<16xf32>
        %mul3A_546 = arith.mulf %get3A_545, %gather3A_165 : vector<16xf32>
        %add3A_547 = arith.addf %add3A_539, %mul3A_546 : vector<16xf32>
        %add3A_548 = arith.constant 15 : i32
        %add3A_549 = arith.addi %mul3A_171, %add3A_548 : i32
        %get3A_550 = arith.index_cast %add3A_549 : i32 to index
        %get3A_551 = arith.constant 32 : index
        %get3A_552 = tpu.vector_load %arg8[%get3A_550, %get3A_551] {strides = array<i32>} : memref<128x256xf32, #tpu.memory_space<vmem>>, vector<1x16xf32>,
        %get3A_553 = vector.shape_cast %get3A_552 : vector<1x16xf32> to vector<16xf32>
        %mul3A_554 = arith.mulf %get3A_553, %gather3A_169 : vector<16xf32>
        %add3A_555 = arith.addf %add3A_547, %mul3A_554 : vector<16xf32>
        %swap3A_556 = arith.index_cast %scan3A_99 : i32 to index
        %swap3A_557 = arith.constant 32 : index
        %swap3A_558 = tpu.vector_load %arg10[%swap3A_556, %swap3A_557] {strides = array<i32>} : memref<8x256xf32, #tpu.memory_space<vmem>>, vector<1x16xf32>,
        %swap3A_559 = vector.shape_cast %swap3A_558 : vector<1x16xf32> to vector<16xf32>
        %swap3A_560 = vector.shape_cast %add3A_555 : vector<16xf32> to vector<1x16xf32>
        tpu.vector_store %arg10[%swap3A_556, %swap3A_557], %swap3A_560 {strides = array<i32>} : memref<8x256xf32, #tpu.memory_space<vmem>>, vector<1x16xf32>,
        %get3A_561 = arith.index_cast %mul3A_171 : i32 to index
        %get3A_562 = arith.constant 48 : index
        %get3A_563 = tpu.vector_load %arg8[%get3A_561, %get3A_562] {strides = array<i32>} : memref<128x256xf32, #tpu.memory_space<vmem>>, vector<1x16xf32>,
        %get3A_564 = vector.shape_cast %get3A_563 : vector<1x16xf32> to vector<16xf32>
        %mul3A_565 = arith.mulf %get3A_564, %gather3A_109 : vector<16xf32>
        %add3A_566 = arith.constant 1 : i32
        %add3A_567 = arith.addi %mul3A_171, %add3A_566 : i32
        %get3A_568 = arith.index_cast %add3A_567 : i32 to index
        %get3A_569 = arith.constant 48 : index
        %get3A_570 = tpu.vector_load %arg8[%get3A_568, %get3A_569] {strides = array<i32>} : memref<128x256xf32, #tpu.memory_space<vmem>>, vector<1x16xf32>,
        %get3A_571 = vector.shape_cast %get3A_570 : vector<1x16xf32> to vector<16xf32>
        %mul3A_572 = arith.mulf %get3A_571, %gather3A_113 : vector<16xf32>
        %add3A_573 = arith.addf %mul3A_565, %mul3A_572 : vector<16xf32>
        %add3A_574 = arith.constant 2 : i32
        %add3A_575 = arith.addi %mul3A_171, %add3A_574 : i32
        %get3A_576 = arith.index_cast %add3A_575 : i32 to index
        %get3A_577 = arith.constant 48 : index
        %get3A_578 = tpu.vector_load %arg8[%get3A_576, %get3A_577] {strides = array<i32>} : memref<128x256xf32, #tpu.memory_space<vmem>>, vector<1x16xf32>,
        %get3A_579 = vector.shape_cast %get3A_578 : vector<1x16xf32> to vector<16xf32>
        %mul3A_580 = arith.mulf %get3A_579, %gather3A_117 : vector<16xf32>
        %add3A_581 = arith.addf %add3A_573, %mul3A_580 : vector<16xf32>
        %add3A_582 = arith.constant 3 : i32
        %add3A_583 = arith.addi %mul3A_171, %add3A_582 : i32
        %get3A_584 = arith.index_cast %add3A_583 : i32 to index
        %get3A_585 = arith.constant 48 : index
        %get3A_586 = tpu.vector_load %arg8[%get3A_584, %get3A_585] {strides = array<i32>} : memref<128x256xf32, #tpu.memory_space<vmem>>, vector<1x16xf32>,
        %get3A_587 = vector.shape_cast %get3A_586 : vector<1x16xf32> to vector<16xf32>
        %mul3A_588 = arith.mulf %get3A_587, %gather3A_121 : vector<16xf32>
        %add3A_589 = arith.addf %add3A_581, %mul3A_588 : vector<16xf32>
        %add3A_590 = arith.constant 4 : i32
        %add3A_591 = arith.addi %mul3A_171, %add3A_590 : i32
        %get3A_592 = arith.index_cast %add3A_591 : i32 to index
        %get3A_593 = arith.constant 48 : index
        %get3A_594 = tpu.vector_load %arg8[%get3A_592, %get3A_593] {strides = array<i32>} : memref<128x256xf32, #tpu.memory_space<vmem>>, vector<1x16xf32>,
        %get3A_595 = vector.shape_cast %get3A_594 : vector<1x16xf32> to vector<16xf32>
        %mul3A_596 = arith.mulf %get3A_595, %gather3A_125 : vector<16xf32>
        %add3A_597 = arith.addf %add3A_589, %mul3A_596 : vector<16xf32>
        %add3A_598 = arith.constant 5 : i32
        %add3A_599 = arith.addi %mul3A_171, %add3A_598 : i32
        %get3A_600 = arith.index_cast %add3A_599 : i32 to index
        %get3A_601 = arith.constant 48 : index
        %get3A_602 = tpu.vector_load %arg8[%get3A_600, %get3A_601] {strides = array<i32>} : memref<128x256xf32, #tpu.memory_space<vmem>>, vector<1x16xf32>,
        %get3A_603 = vector.shape_cast %get3A_602 : vector<1x16xf32> to vector<16xf32>
        %mul3A_604 = arith.mulf %get3A_603, %gather3A_129 : vector<16xf32>
        %add3A_605 = arith.addf %add3A_597, %mul3A_604 : vector<16xf32>
        %add3A_606 = arith.constant 6 : i32
        %add3A_607 = arith.addi %mul3A_171, %add3A_606 : i32
        %get3A_608 = arith.index_cast %add3A_607 : i32 to index
        %get3A_609 = arith.constant 48 : index
        %get3A_610 = tpu.vector_load %arg8[%get3A_608, %get3A_609] {strides = array<i32>} : memref<128x256xf32, #tpu.memory_space<vmem>>, vector<1x16xf32>,
        %get3A_611 = vector.shape_cast %get3A_610 : vector<1x16xf32> to vector<16xf32>
        %mul3A_612 = arith.mulf %get3A_611, %gather3A_133 : vector<16xf32>
        %add3A_613 = arith.addf %add3A_605, %mul3A_612 : vector<16xf32>
        %add3A_614 = arith.constant 7 : i32
        %add3A_615 = arith.addi %mul3A_171, %add3A_614 : i32
        %get3A_616 = arith.index_cast %add3A_615 : i32 to index
        %get3A_617 = arith.constant 48 : index
        %get3A_618 = tpu.vector_load %arg8[%get3A_616, %get3A_617] {strides = array<i32>} : memref<128x256xf32, #tpu.memory_space<vmem>>, vector<1x16xf32>,
        %get3A_619 = vector.shape_cast %get3A_618 : vector<1x16xf32> to vector<16xf32>
        %mul3A_620 = arith.mulf %get3A_619, %gather3A_137 : vector<16xf32>
        %add3A_621 = arith.addf %add3A_613, %mul3A_620 : vector<16xf32>
        %add3A_622 = arith.constant 8 : i32
        %add3A_623 = arith.addi %mul3A_171, %add3A_622 : i32
        %get3A_624 = arith.index_cast %add3A_623 : i32 to index
        %get3A_625 = arith.constant 48 : index
        %get3A_626 = tpu.vector_load %arg8[%get3A_624, %get3A_625] {strides = array<i32>} : memref<128x256xf32, #tpu.memory_space<vmem>>, vector<1x16xf32>,
        %get3A_627 = vector.shape_cast %get3A_626 : vector<1x16xf32> to vector<16xf32>
        %mul3A_628 = arith.mulf %get3A_627, %gather3A_141 : vector<16xf32>
        %add3A_629 = arith.addf %add3A_621, %mul3A_628 : vector<16xf32>
        %add3A_630 = arith.constant 9 : i32
        %add3A_631 = arith.addi %mul3A_171, %add3A_630 : i32
        %get3A_632 = arith.index_cast %add3A_631 : i32 to index
        %get3A_633 = arith.constant 48 : index
        %get3A_634 = tpu.vector_load %arg8[%get3A_632, %get3A_633] {strides = array<i32>} : memref<128x256xf32, #tpu.memory_space<vmem>>, vector<1x16xf32>,
        %get3A_635 = vector.shape_cast %get3A_634 : vector<1x16xf32> to vector<16xf32>
        %mul3A_636 = arith.mulf %get3A_635, %gather3A_145 : vector<16xf32>
        %add3A_637 = arith.addf %add3A_629, %mul3A_636 : vector<16xf32>
        %add3A_638 = arith.constant 10 : i32
        %add3A_639 = arith.addi %mul3A_171, %add3A_638 : i32
        %get3A_640 = arith.index_cast %add3A_639 : i32 to index
        %get3A_641 = arith.constant 48 : index
        %get3A_642 = tpu.vector_load %arg8[%get3A_640, %get3A_641] {strides = array<i32>} : memref<128x256xf32, #tpu.memory_space<vmem>>, vector<1x16xf32>,
        %get3A_643 = vector.shape_cast %get3A_642 : vector<1x16xf32> to vector<16xf32>
        %mul3A_644 = arith.mulf %get3A_643, %gather3A_149 : vector<16xf32>
        %add3A_645 = arith.addf %add3A_637, %mul3A_644 : vector<16xf32>
        %add3A_646 = arith.constant 11 : i32
        %add3A_647 = arith.addi %mul3A_171, %add3A_646 : i32
        %get3A_648 = arith.index_cast %add3A_647 : i32 to index
        %get3A_649 = arith.constant 48 : index
        %get3A_650 = tpu.vector_load %arg8[%get3A_648, %get3A_649] {strides = array<i32>} : memref<128x256xf32, #tpu.memory_space<vmem>>, vector<1x16xf32>,
        %get3A_651 = vector.shape_cast %get3A_650 : vector<1x16xf32> to vector<16xf32>
        %mul3A_652 = arith.mulf %get3A_651, %gather3A_153 : vector<16xf32>
        %add3A_653 = arith.addf %add3A_645, %mul3A_652 : vector<16xf32>
        %add3A_654 = arith.constant 12 : i32
        %add3A_655 = arith.addi %mul3A_171, %add3A_654 : i32
        %get3A_656 = arith.index_cast %add3A_655 : i32 to index
        %get3A_657 = arith.constant 48 : index
        %get3A_658 = tpu.vector_load %arg8[%get3A_656, %get3A_657] {strides = array<i32>} : memref<128x256xf32, #tpu.memory_space<vmem>>, vector<1x16xf32>,
        %get3A_659 = vector.shape_cast %get3A_658 : vector<1x16xf32> to vector<16xf32>
        %mul3A_660 = arith.mulf %get3A_659, %gather3A_157 : vector<16xf32>
        %add3A_661 = arith.addf %add3A_653, %mul3A_660 : vector<16xf32>
        %add3A_662 = arith.constant 13 : i32
        %add3A_663 = arith.addi %mul3A_171, %add3A_662 : i32
        %get3A_664 = arith.index_cast %add3A_663 : i32 to index
        %get3A_665 = arith.constant 48 : index
        %get3A_666 = tpu.vector_load %arg8[%get3A_664, %get3A_665] {strides = array<i32>} : memref<128x256xf32, #tpu.memory_space<vmem>>, vector<1x16xf32>,
        %get3A_667 = vector.shape_cast %get3A_666 : vector<1x16xf32> to vector<16xf32>
        %mul3A_668 = arith.mulf %get3A_667, %gather3A_161 : vector<16xf32>
        %add3A_669 = arith.addf %add3A_661, %mul3A_668 : vector<16xf32>
        %add3A_670 = arith.constant 14 : i32
        %add3A_671 = arith.addi %mul3A_171, %add3A_670 : i32
        %get3A_672 = arith.index_cast %add3A_671 : i32 to index
        %get3A_673 = arith.constant 48 : index
        %get3A_674 = tpu.vector_load %arg8[%get3A_672, %get3A_673] {strides = array<i32>} : memref<128x256xf32, #tpu.memory_space<vmem>>, vector<1x16xf32>,
        %get3A_675 = vector.shape_cast %get3A_674 : vector<1x16xf32> to vector<16xf32>
        %mul3A_676 = arith.mulf %get3A_675, %gather3A_165 : vector<16xf32>
        %add3A_677 = arith.addf %add3A_669, %mul3A_676 : vector<16xf32>
        %add3A_678 = arith.constant 15 : i32
        %add3A_679 = arith.addi %mul3A_171, %add3A_678 : i32
        %get3A_680 = arith.index_cast %add3A_679 : i32 to index
        %get3A_681 = arith.constant 48 : index
        %get3A_682 = tpu.vector_load %arg8[%get3A_680, %get3A_681] {strides = array<i32>} : memref<128x256xf32, #tpu.memory_space<vmem>>, vector<1x16xf32>,
        %get3A_683 = vector.shape_cast %get3A_682 : vector<1x16xf32> to vector<16xf32>
        %mul3A_684 = arith.mulf %get3A_683, %gather3A_169 : vector<16xf32>
        %add3A_685 = arith.addf %add3A_677, %mul3A_684 : vector<16xf32>
        %swap3A_686 = arith.index_cast %scan3A_99 : i32 to index
        %swap3A_687 = arith.constant 48 : index
        %swap3A_688 = tpu.vector_load %arg10[%swap3A_686, %swap3A_687] {strides = array<i32>} : memref<8x256xf32, #tpu.memory_space<vmem>>, vector<1x16xf32>,
        %swap3A_689 = vector.shape_cast %swap3A_688 : vector<1x16xf32> to vector<16xf32>
        %swap3A_690 = vector.shape_cast %add3A_685 : vector<16xf32> to vector<1x16xf32>
        tpu.vector_store %arg10[%swap3A_686, %swap3A_687], %swap3A_690 {strides = array<i32>} : memref<8x256xf32, #tpu.memory_space<vmem>>, vector<1x16xf32>,
        %get3A_691 = arith.index_cast %mul3A_171 : i32 to index
        %get3A_692 = arith.constant 64 : index
        %get3A_693 = tpu.vector_load %arg8[%get3A_691, %get3A_692] {strides = array<i32>} : memref<128x256xf32, #tpu.memory_space<vmem>>, vector<1x16xf32>,
        %get3A_694 = vector.shape_cast %get3A_693 : vector<1x16xf32> to vector<16xf32>
        %mul3A_695 = arith.mulf %get3A_694, %gather3A_109 : vector<16xf32>
        %add3A_696 = arith.constant 1 : i32
        %add3A_697 = arith.addi %mul3A_171, %add3A_696 : i32
        %get3A_698 = arith.index_cast %add3A_697 : i32 to index
        %get3A_699 = arith.constant 64 : index
        %get3A_700 = tpu.vector_load %arg8[%get3A_698, %get3A_699] {strides = array<i32>} : memref<128x256xf32, #tpu.memory_space<vmem>>, vector<1x16xf32>,
        %get3A_701 = vector.shape_cast %get3A_700 : vector<1x16xf32> to vector<16xf32>
        %mul3A_702 = arith.mulf %get3A_701, %gather3A_113 : vector<16xf32>
        %add3A_703 = arith.addf %mul3A_695, %mul3A_702 : vector<16xf32>
        %add3A_704 = arith.constant 2 : i32
        %add3A_705 = arith.addi %mul3A_171, %add3A_704 : i32
        %get3A_706 = arith.index_cast %add3A_705 : i32 to index
        %get3A_707 = arith.constant 64 : index
        %get3A_708 = tpu.vector_load %arg8[%get3A_706, %get3A_707] {strides = array<i32>} : memref<128x256xf32, #tpu.memory_space<vmem>>, vector<1x16xf32>,
        %get3A_709 = vector.shape_cast %get3A_708 : vector<1x16xf32> to vector<16xf32>
        %mul3A_710 = arith.mulf %get3A_709, %gather3A_117 : vector<16xf32>
        %add3A_711 = arith.addf %add3A_703, %mul3A_710 : vector<16xf32>
        %add3A_712 = arith.constant 3 : i32
        %add3A_713 = arith.addi %mul3A_171, %add3A_712 : i32
        %get3A_714 = arith.index_cast %add3A_713 : i32 to index
        %get3A_715 = arith.constant 64 : index
        %get3A_716 = tpu.vector_load %arg8[%get3A_714, %get3A_715] {strides = array<i32>} : memref<128x256xf32, #tpu.memory_space<vmem>>, vector<1x16xf32>,
        %get3A_717 = vector.shape_cast %get3A_716 : vector<1x16xf32> to vector<16xf32>
        %mul3A_718 = arith.mulf %get3A_717, %gather3A_121 : vector<16xf32>
        %add3A_719 = arith.addf %add3A_711, %mul3A_718 : vector<16xf32>
        %add3A_720 = arith.constant 4 : i32
        %add3A_721 = arith.addi %mul3A_171, %add3A_720 : i32
        %get3A_722 = arith.index_cast %add3A_721 : i32 to index
        %get3A_723 = arith.constant 64 : index
        %get3A_724 = tpu.vector_load %arg8[%get3A_722, %get3A_723] {strides = array<i32>} : memref<128x256xf32, #tpu.memory_space<vmem>>, vector<1x16xf32>,
        %get3A_725 = vector.shape_cast %get3A_724 : vector<1x16xf32> to vector<16xf32>
        %mul3A_726 = arith.mulf %get3A_725, %gather3A_125 : vector<16xf32>
        %add3A_727 = arith.addf %add3A_719, %mul3A_726 : vector<16xf32>
        %add3A_728 = arith.constant 5 : i32
        %add3A_729 = arith.addi %mul3A_171, %add3A_728 : i32
        %get3A_730 = arith.index_cast %add3A_729 : i32 to index
        %get3A_731 = arith.constant 64 : index
        %get3A_732 = tpu.vector_load %arg8[%get3A_730, %get3A_731] {strides = array<i32>} : memref<128x256xf32, #tpu.memory_space<vmem>>, vector<1x16xf32>,
        %get3A_733 = vector.shape_cast %get3A_732 : vector<1x16xf32> to vector<16xf32>
        %mul3A_734 = arith.mulf %get3A_733, %gather3A_129 : vector<16xf32>
        %add3A_735 = arith.addf %add3A_727, %mul3A_734 : vector<16xf32>
        %add3A_736 = arith.constant 6 : i32
        %add3A_737 = arith.addi %mul3A_171, %add3A_736 : i32
        %get3A_738 = arith.index_cast %add3A_737 : i32 to index
        %get3A_739 = arith.constant 64 : index
        %get3A_740 = tpu.vector_load %arg8[%get3A_738, %get3A_739] {strides = array<i32>} : memref<128x256xf32, #tpu.memory_space<vmem>>, vector<1x16xf32>,
        %get3A_741 = vector.shape_cast %get3A_740 : vector<1x16xf32> to vector<16xf32>
        %mul3A_742 = arith.mulf %get3A_741, %gather3A_133 : vector<16xf32>
        %add3A_743 = arith.addf %add3A_735, %mul3A_742 : vector<16xf32>
        %add3A_744 = arith.constant 7 : i32
        %add3A_745 = arith.addi %mul3A_171, %add3A_744 : i32
        %get3A_746 = arith.index_cast %add3A_745 : i32 to index
        %get3A_747 = arith.constant 64 : index
        %get3A_748 = tpu.vector_load %arg8[%get3A_746, %get3A_747] {strides = array<i32>} : memref<128x256xf32, #tpu.memory_space<vmem>>, vector<1x16xf32>,
        %get3A_749 = vector.shape_cast %get3A_748 : vector<1x16xf32> to vector<16xf32>
        %mul3A_750 = arith.mulf %get3A_749, %gather3A_137 : vector<16xf32>
        %add3A_751 = arith.addf %add3A_743, %mul3A_750 : vector<16xf32>
        %add3A_752 = arith.constant 8 : i32
        %add3A_753 = arith.addi %mul3A_171, %add3A_752 : i32
        %get3A_754 = arith.index_cast %add3A_753 : i32 to index
        %get3A_755 = arith.constant 64 : index
        %get3A_756 = tpu.vector_load %arg8[%get3A_754, %get3A_755] {strides = array<i32>} : memref<128x256xf32, #tpu.memory_space<vmem>>, vector<1x16xf32>,
        %get3A_757 = vector.shape_cast %get3A_756 : vector<1x16xf32> to vector<16xf32>
        %mul3A_758 = arith.mulf %get3A_757, %gather3A_141 : vector<16xf32>
        %add3A_759 = arith.addf %add3A_751, %mul3A_758 : vector<16xf32>
        %add3A_760 = arith.constant 9 : i32
        %add3A_761 = arith.addi %mul3A_171, %add3A_760 : i32
        %get3A_762 = arith.index_cast %add3A_761 : i32 to index
        %get3A_763 = arith.constant 64 : index
        %get3A_764 = tpu.vector_load %arg8[%get3A_762, %get3A_763] {strides = array<i32>} : memref<128x256xf32, #tpu.memory_space<vmem>>, vector<1x16xf32>,
        %get3A_765 = vector.shape_cast %get3A_764 : vector<1x16xf32> to vector<16xf32>
        %mul3A_766 = arith.mulf %get3A_765, %gather3A_145 : vector<16xf32>
        %add3A_767 = arith.addf %add3A_759, %mul3A_766 : vector<16xf32>
        %add3A_768 = arith.constant 10 : i32
        %add3A_769 = arith.addi %mul3A_171, %add3A_768 : i32
        %get3A_770 = arith.index_cast %add3A_769 : i32 to index
        %get3A_771 = arith.constant 64 : index
        %get3A_772 = tpu.vector_load %arg8[%get3A_770, %get3A_771] {strides = array<i32>} : memref<128x256xf32, #tpu.memory_space<vmem>>, vector<1x16xf32>,
        %get3A_773 = vector.shape_cast %get3A_772 : vector<1x16xf32> to vector<16xf32>
        %mul3A_774 = arith.mulf %get3A_773, %gather3A_149 : vector<16xf32>
        %add3A_775 = arith.addf %add3A_767, %mul3A_774 : vector<16xf32>
        %add3A_776 = arith.constant 11 : i32
        %add3A_777 = arith.addi %mul3A_171, %add3A_776 : i32
        %get3A_778 = arith.index_cast %add3A_777 : i32 to index
        %get3A_779 = arith.constant 64 : index
        %get3A_780 = tpu.vector_load %arg8[%get3A_778, %get3A_779] {strides = array<i32>} : memref<128x256xf32, #tpu.memory_space<vmem>>, vector<1x16xf32>,
        %get3A_781 = vector.shape_cast %get3A_780 : vector<1x16xf32> to vector<16xf32>
        %mul3A_782 = arith.mulf %get3A_781, %gather3A_153 : vector<16xf32>
        %add3A_783 = arith.addf %add3A_775, %mul3A_782 : vector<16xf32>
        %add3A_784 = arith.constant 12 : i32
        %add3A_785 = arith.addi %mul3A_171, %add3A_784 : i32
        %get3A_786 = arith.index_cast %add3A_785 : i32 to index
        %get3A_787 = arith.constant 64 : index
        %get3A_788 = tpu.vector_load %arg8[%get3A_786, %get3A_787] {strides = array<i32>} : memref<128x256xf32, #tpu.memory_space<vmem>>, vector<1x16xf32>,
        %get3A_789 = vector.shape_cast %get3A_788 : vector<1x16xf32> to vector<16xf32>
        %mul3A_790 = arith.mulf %get3A_789, %gather3A_157 : vector<16xf32>
        %add3A_791 = arith.addf %add3A_783, %mul3A_790 : vector<16xf32>
        %add3A_792 = arith.constant 13 : i32
        %add3A_793 = arith.addi %mul3A_171, %add3A_792 : i32
        %get3A_794 = arith.index_cast %add3A_793 : i32 to index
        %get3A_795 = arith.constant 64 : index
        %get3A_796 = tpu.vector_load %arg8[%get3A_794, %get3A_795] {strides = array<i32>} : memref<128x256xf32, #tpu.memory_space<vmem>>, vector<1x16xf32>,
        %get3A_797 = vector.shape_cast %get3A_796 : vector<1x16xf32> to vector<16xf32>
        %mul3A_798 = arith.mulf %get3A_797, %gather3A_161 : vector<16xf32>
        %add3A_799 = arith.addf %add3A_791, %mul3A_798 : vector<16xf32>
        %add3A_800 = arith.constant 14 : i32
        %add3A_801 = arith.addi %mul3A_171, %add3A_800 : i32
        %get3A_802 = arith.index_cast %add3A_801 : i32 to index
        %get3A_803 = arith.constant 64 : index
        %get3A_804 = tpu.vector_load %arg8[%get3A_802, %get3A_803] {strides = array<i32>} : memref<128x256xf32, #tpu.memory_space<vmem>>, vector<1x16xf32>,
        %get3A_805 = vector.shape_cast %get3A_804 : vector<1x16xf32> to vector<16xf32>
        %mul3A_806 = arith.mulf %get3A_805, %gather3A_165 : vector<16xf32>
        %add3A_807 = arith.addf %add3A_799, %mul3A_806 : vector<16xf32>
        %add3A_808 = arith.constant 15 : i32
        %add3A_809 = arith.addi %mul3A_171, %add3A_808 : i32
        %get3A_810 = arith.index_cast %add3A_809 : i32 to index
        %get3A_811 = arith.constant 64 : index
        %get3A_812 = tpu.vector_load %arg8[%get3A_810, %get3A_811] {strides = array<i32>} : memref<128x256xf32, #tpu.memory_space<vmem>>, vector<1x16xf32>,
        %get3A_813 = vector.shape_cast %get3A_812 : vector<1x16xf32> to vector<16xf32>
        %mul3A_814 = arith.mulf %get3A_813, %gather3A_169 : vector<16xf32>
        %add3A_815 = arith.addf %add3A_807, %mul3A_814 : vector<16xf32>
        %swap3A_816 = arith.index_cast %scan3A_99 : i32 to index
        %swap3A_817 = arith.constant 64 : index
        %swap3A_818 = tpu.vector_load %arg10[%swap3A_816, %swap3A_817] {strides = array<i32>} : memref<8x256xf32, #tpu.memory_space<vmem>>, vector<1x16xf32>,
        %swap3A_819 = vector.shape_cast %swap3A_818 : vector<1x16xf32> to vector<16xf32>
        %swap3A_820 = vector.shape_cast %add3A_815 : vector<16xf32> to vector<1x16xf32>
        tpu.vector_store %arg10[%swap3A_816, %swap3A_817], %swap3A_820 {strides = array<i32>} : memref<8x256xf32, #tpu.memory_space<vmem>>, vector<1x16xf32>,
        %get3A_821 = arith.index_cast %mul3A_171 : i32 to index
        %get3A_822 = arith.constant 80 : index
        %get3A_823 = tpu.vector_load %arg8[%get3A_821, %get3A_822] {strides = array<i32>} : memref<128x256xf32, #tpu.memory_space<vmem>>, vector<1x16xf32>,
        %get3A_824 = vector.shape_cast %get3A_823 : vector<1x16xf32> to vector<16xf32>
        %mul3A_825 = arith.mulf %get3A_824, %gather3A_109 : vector<16xf32>
        %add3A_826 = arith.constant 1 : i32
        %add3A_827 = arith.addi %mul3A_171, %add3A_826 : i32
        %get3A_828 = arith.index_cast %add3A_827 : i32 to index
        %get3A_829 = arith.constant 80 : index
        %get3A_830 = tpu.vector_load %arg8[%get3A_828, %get3A_829] {strides = array<i32>} : memref<128x256xf32, #tpu.memory_space<vmem>>, vector<1x16xf32>,
        %get3A_831 = vector.shape_cast %get3A_830 : vector<1x16xf32> to vector<16xf32>
        %mul3A_832 = arith.mulf %get3A_831, %gather3A_113 : vector<16xf32>
        %add3A_833 = arith.addf %mul3A_825, %mul3A_832 : vector<16xf32>
        %add3A_834 = arith.constant 2 : i32
        %add3A_835 = arith.addi %mul3A_171, %add3A_834 : i32
        %get3A_836 = arith.index_cast %add3A_835 : i32 to index
        %get3A_837 = arith.constant 80 : index
        %get3A_838 = tpu.vector_load %arg8[%get3A_836, %get3A_837] {strides = array<i32>} : memref<128x256xf32, #tpu.memory_space<vmem>>, vector<1x16xf32>,
        %get3A_839 = vector.shape_cast %get3A_838 : vector<1x16xf32> to vector<16xf32>
        %mul3A_840 = arith.mulf %get3A_839, %gather3A_117 : vector<16xf32>
        %add3A_841 = arith.addf %add3A_833, %mul3A_840 : vector<16xf32>
        %add3A_842 = arith.constant 3 : i32
        %add3A_843 = arith.addi %mul3A_171, %add3A_842 : i32
        %get3A_844 = arith.index_cast %add3A_843 : i32 to index
        %get3A_845 = arith.constant 80 : index
        %get3A_846 = tpu.vector_load %arg8[%get3A_844, %get3A_845] {strides = array<i32>} : memref<128x256xf32, #tpu.memory_space<vmem>>, vector<1x16xf32>,
        %get3A_847 = vector.shape_cast %get3A_846 : vector<1x16xf32> to vector<16xf32>
        %mul3A_848 = arith.mulf %get3A_847, %gather3A_121 : vector<16xf32>
        %add3A_849 = arith.addf %add3A_841, %mul3A_848 : vector<16xf32>
        %add3A_850 = arith.constant 4 : i32
        %add3A_851 = arith.addi %mul3A_171, %add3A_850 : i32
        %get3A_852 = arith.index_cast %add3A_851 : i32 to index
        %get3A_853 = arith.constant 80 : index
        %get3A_854 = tpu.vector_load %arg8[%get3A_852, %get3A_853] {strides = array<i32>} : memref<128x256xf32, #tpu.memory_space<vmem>>, vector<1x16xf32>,
        %get3A_855 = vector.shape_cast %get3A_854 : vector<1x16xf32> to vector<16xf32>
        %mul3A_856 = arith.mulf %get3A_855, %gather3A_125 : vector<16xf32>
        %add3A_857 = arith.addf %add3A_849, %mul3A_856 : vector<16xf32>
        %add3A_858 = arith.constant 5 : i32
        %add3A_859 = arith.addi %mul3A_171, %add3A_858 : i32
        %get3A_860 = arith.index_cast %add3A_859 : i32 to index
        %get3A_861 = arith.constant 80 : index
        %get3A_862 = tpu.vector_load %arg8[%get3A_860, %get3A_861] {strides = array<i32>} : memref<128x256xf32, #tpu.memory_space<vmem>>, vector<1x16xf32>,
        %get3A_863 = vector.shape_cast %get3A_862 : vector<1x16xf32> to vector<16xf32>
        %mul3A_864 = arith.mulf %get3A_863, %gather3A_129 : vector<16xf32>
        %add3A_865 = arith.addf %add3A_857, %mul3A_864 : vector<16xf32>
        %add3A_866 = arith.constant 6 : i32
        %add3A_867 = arith.addi %mul3A_171, %add3A_866 : i32
        %get3A_868 = arith.index_cast %add3A_867 : i32 to index
        %get3A_869 = arith.constant 80 : index
        %get3A_870 = tpu.vector_load %arg8[%get3A_868, %get3A_869] {strides = array<i32>} : memref<128x256xf32, #tpu.memory_space<vmem>>, vector<1x16xf32>,
        %get3A_871 = vector.shape_cast %get3A_870 : vector<1x16xf32> to vector<16xf32>
        %mul3A_872 = arith.mulf %get3A_871, %gather3A_133 : vector<16xf32>
        %add3A_873 = arith.addf %add3A_865, %mul3A_872 : vector<16xf32>
        %add3A_874 = arith.constant 7 : i32
        %add3A_875 = arith.addi %mul3A_171, %add3A_874 : i32
        %get3A_876 = arith.index_cast %add3A_875 : i32 to index
        %get3A_877 = arith.constant 80 : index
        %get3A_878 = tpu.vector_load %arg8[%get3A_876, %get3A_877] {strides = array<i32>} : memref<128x256xf32, #tpu.memory_space<vmem>>, vector<1x16xf32>,
        %get3A_879 = vector.shape_cast %get3A_878 : vector<1x16xf32> to vector<16xf32>
        %mul3A_880 = arith.mulf %get3A_879, %gather3A_137 : vector<16xf32>
        %add3A_881 = arith.addf %add3A_873, %mul3A_880 : vector<16xf32>
        %add3A_882 = arith.constant 8 : i32
        %add3A_883 = arith.addi %mul3A_171, %add3A_882 : i32
        %get3A_884 = arith.index_cast %add3A_883 : i32 to index
        %get3A_885 = arith.constant 80 : index
        %get3A_886 = tpu.vector_load %arg8[%get3A_884, %get3A_885] {strides = array<i32>} : memref<128x256xf32, #tpu.memory_space<vmem>>, vector<1x16xf32>,
        %get3A_887 = vector.shape_cast %get3A_886 : vector<1x16xf32> to vector<16xf32>
        %mul3A_888 = arith.mulf %get3A_887, %gather3A_141 : vector<16xf32>
        %add3A_889 = arith.addf %add3A_881, %mul3A_888 : vector<16xf32>
        %add3A_890 = arith.constant 9 : i32
        %add3A_891 = arith.addi %mul3A_171, %add3A_890 : i32
        %get3A_892 = arith.index_cast %add3A_891 : i32 to index
        %get3A_893 = arith.constant 80 : index
        %get3A_894 = tpu.vector_load %arg8[%get3A_892, %get3A_893] {strides = array<i32>} : memref<128x256xf32, #tpu.memory_space<vmem>>, vector<1x16xf32>,
        %get3A_895 = vector.shape_cast %get3A_894 : vector<1x16xf32> to vector<16xf32>
        %mul3A_896 = arith.mulf %get3A_895, %gather3A_145 : vector<16xf32>
        %add3A_897 = arith.addf %add3A_889, %mul3A_896 : vector<16xf32>
        %add3A_898 = arith.constant 10 : i32
        %add3A_899 = arith.addi %mul3A_171, %add3A_898 : i32
        %get3A_900 = arith.index_cast %add3A_899 : i32 to index
        %get3A_901 = arith.constant 80 : index
        %get3A_902 = tpu.vector_load %arg8[%get3A_900, %get3A_901] {strides = array<i32>} : memref<128x256xf32, #tpu.memory_space<vmem>>, vector<1x16xf32>,
        %get3A_903 = vector.shape_cast %get3A_902 : vector<1x16xf32> to vector<16xf32>
        %mul3A_904 = arith.mulf %get3A_903, %gather3A_149 : vector<16xf32>
        %add3A_905 = arith.addf %add3A_897, %mul3A_904 : vector<16xf32>
        %add3A_906 = arith.constant 11 : i32
        %add3A_907 = arith.addi %mul3A_171, %add3A_906 : i32
        %get3A_908 = arith.index_cast %add3A_907 : i32 to index
        %get3A_909 = arith.constant 80 : index
        %get3A_910 = tpu.vector_load %arg8[%get3A_908, %get3A_909] {strides = array<i32>} : memref<128x256xf32, #tpu.memory_space<vmem>>, vector<1x16xf32>,
        %get3A_911 = vector.shape_cast %get3A_910 : vector<1x16xf32> to vector<16xf32>
        %mul3A_912 = arith.mulf %get3A_911, %gather3A_153 : vector<16xf32>
        %add3A_913 = arith.addf %add3A_905, %mul3A_912 : vector<16xf32>
        %add3A_914 = arith.constant 12 : i32
        %add3A_915 = arith.addi %mul3A_171, %add3A_914 : i32
        %get3A_916 = arith.index_cast %add3A_915 : i32 to index
        %get3A_917 = arith.constant 80 : index
        %get3A_918 = tpu.vector_load %arg8[%get3A_916, %get3A_917] {strides = array<i32>} : memref<128x256xf32, #tpu.memory_space<vmem>>, vector<1x16xf32>,
        %get3A_919 = vector.shape_cast %get3A_918 : vector<1x16xf32> to vector<16xf32>
        %mul3A_920 = arith.mulf %get3A_919, %gather3A_157 : vector<16xf32>
        %add3A_921 = arith.addf %add3A_913, %mul3A_920 : vector<16xf32>
        %add3A_922 = arith.constant 13 : i32
        %add3A_923 = arith.addi %mul3A_171, %add3A_922 : i32
        %get3A_924 = arith.index_cast %add3A_923 : i32 to index
        %get3A_925 = arith.constant 80 : index
        %get3A_926 = tpu.vector_load %arg8[%get3A_924, %get3A_925] {strides = array<i32>} : memref<128x256xf32, #tpu.memory_space<vmem>>, vector<1x16xf32>,
        %get3A_927 = vector.shape_cast %get3A_926 : vector<1x16xf32> to vector<16xf32>
        %mul3A_928 = arith.mulf %get3A_927, %gather3A_161 : vector<16xf32>
        %add3A_929 = arith.addf %add3A_921, %mul3A_928 : vector<16xf32>
        %add3A_930 = arith.constant 14 : i32
        %add3A_931 = arith.addi %mul3A_171, %add3A_930 : i32
        %get3A_932 = arith.index_cast %add3A_931 : i32 to index
        %get3A_933 = arith.constant 80 : index
        %get3A_934 = tpu.vector_load %arg8[%get3A_932, %get3A_933] {strides = array<i32>} : memref<128x256xf32, #tpu.memory_space<vmem>>, vector<1x16xf32>,
        %get3A_935 = vector.shape_cast %get3A_934 : vector<1x16xf32> to vector<16xf32>
        %mul3A_936 = arith.mulf %get3A_935, %gather3A_165 : vector<16xf32>
        %add3A_937 = arith.addf %add3A_929, %mul3A_936 : vector<16xf32>
        %add3A_938 = arith.constant 15 : i32
        %add3A_939 = arith.addi %mul3A_171, %add3A_938 : i32
        %get3A_940 = arith.index_cast %add3A_939 : i32 to index
        %get3A_941 = arith.constant 80 : index
        %get3A_942 = tpu.vector_load %arg8[%get3A_940, %get3A_941] {strides = array<i32>} : memref<128x256xf32, #tpu.memory_space<vmem>>, vector<1x16xf32>,
        %get3A_943 = vector.shape_cast %get3A_942 : vector<1x16xf32> to vector<16xf32>
        %mul3A_944 = arith.mulf %get3A_943, %gather3A_169 : vector<16xf32>
        %add3A_945 = arith.addf %add3A_937, %mul3A_944 : vector<16xf32>
        %swap3A_946 = arith.index_cast %scan3A_99 : i32 to index
        %swap3A_947 = arith.constant 80 : index
        %swap3A_948 = tpu.vector_load %arg10[%swap3A_946, %swap3A_947] {strides = array<i32>} : memref<8x256xf32, #tpu.memory_space<vmem>>, vector<1x16xf32>,
        %swap3A_949 = vector.shape_cast %swap3A_948 : vector<1x16xf32> to vector<16xf32>
        %swap3A_950 = vector.shape_cast %add3A_945 : vector<16xf32> to vector<1x16xf32>
        tpu.vector_store %arg10[%swap3A_946, %swap3A_947], %swap3A_950 {strides = array<i32>} : memref<8x256xf32, #tpu.memory_space<vmem>>, vector<1x16xf32>,
        %get3A_951 = arith.index_cast %mul3A_171 : i32 to index
        %get3A_952 = arith.constant 96 : index
        %get3A_953 = tpu.vector_load %arg8[%get3A_951, %get3A_952] {strides = array<i32>} : memref<128x256xf32, #tpu.memory_space<vmem>>, vector<1x16xf32>,
        %get3A_954 = vector.shape_cast %get3A_953 : vector<1x16xf32> to vector<16xf32>
        %mul3A_955 = arith.mulf %get3A_954, %gather3A_109 : vector<16xf32>
        %add3A_956 = arith.constant 1 : i32
        %add3A_957 = arith.addi %mul3A_171, %add3A_956 : i32
        %get3A_958 = arith.index_cast %add3A_957 : i32 to index
        %get3A_959 = arith.constant 96 : index
        %get3A_960 = tpu.vector_load %arg8[%get3A_958, %get3A_959] {strides = array<i32>} : memref<128x256xf32, #tpu.memory_space<vmem>>, vector<1x16xf32>,
        %get3A_961 = vector.shape_cast %get3A_960 : vector<1x16xf32> to vector<16xf32>
        %mul3A_962 = arith.mulf %get3A_961, %gather3A_113 : vector<16xf32>
        %add3A_963 = arith.addf %mul3A_955, %mul3A_962 : vector<16xf32>
        %add3A_964 = arith.constant 2 : i32
        %add3A_965 = arith.addi %mul3A_171, %add3A_964 : i32
        %get3A_966 = arith.index_cast %add3A_965 : i32 to index
        %get3A_967 = arith.constant 96 : index
        %get3A_968 = tpu.vector_load %arg8[%get3A_966, %get3A_967] {strides = array<i32>} : memref<128x256xf32, #tpu.memory_space<vmem>>, vector<1x16xf32>,
        %get3A_969 = vector.shape_cast %get3A_968 : vector<1x16xf32> to vector<16xf32>
        %mul3A_970 = arith.mulf %get3A_969, %gather3A_117 : vector<16xf32>
        %add3A_971 = arith.addf %add3A_963, %mul3A_970 : vector<16xf32>
        %add3A_972 = arith.constant 3 : i32
        %add3A_973 = arith.addi %mul3A_171, %add3A_972 : i32
        %get3A_974 = arith.index_cast %add3A_973 : i32 to index
        %get3A_975 = arith.constant 96 : index
        %get3A_976 = tpu.vector_load %arg8[%get3A_974, %get3A_975] {strides = array<i32>} : memref<128x256xf32, #tpu.memory_space<vmem>>, vector<1x16xf32>,
        %get3A_977 = vector.shape_cast %get3A_976 : vector<1x16xf32> to vector<16xf32>
        %mul3A_978 = arith.mulf %get3A_977, %gather3A_121 : vector<16xf32>
        %add3A_979 = arith.addf %add3A_971, %mul3A_978 : vector<16xf32>
        %add3A_980 = arith.constant 4 : i32
        %add3A_981 = arith.addi %mul3A_171, %add3A_980 : i32
        %get3A_982 = arith.index_cast %add3A_981 : i32 to index
        %get3A_983 = arith.constant 96 : index
        %get3A_984 = tpu.vector_load %arg8[%get3A_982, %get3A_983] {strides = array<i32>} : memref<128x256xf32, #tpu.memory_space<vmem>>, vector<1x16xf32>,
        %get3A_985 = vector.shape_cast %get3A_984 : vector<1x16xf32> to vector<16xf32>
        %mul3A_986 = arith.mulf %get3A_985, %gather3A_125 : vector<16xf32>
        %add3A_987 = arith.addf %add3A_979, %mul3A_986 : vector<16xf32>
        %add3A_988 = arith.constant 5 : i32
        %add3A_989 = arith.addi %mul3A_171, %add3A_988 : i32
        %get3A_990 = arith.index_cast %add3A_989 : i32 to index
        %get3A_991 = arith.constant 96 : index
        %get3A_992 = tpu.vector_load %arg8[%get3A_990, %get3A_991] {strides = array<i32>} : memref<128x256xf32, #tpu.memory_space<vmem>>, vector<1x16xf32>,
        %get3A_993 = vector.shape_cast %get3A_992 : vector<1x16xf32> to vector<16xf32>
        %mul3A_994 = arith.mulf %get3A_993, %gather3A_129 : vector<16xf32>
        %add3A_995 = arith.addf %add3A_987, %mul3A_994 : vector<16xf32>
        %add3A_996 = arith.constant 6 : i32
        %add3A_997 = arith.addi %mul3A_171, %add3A_996 : i32
        %get3A_998 = arith.index_cast %add3A_997 : i32 to index
        %get3A_999 = arith.constant 96 : index
        %get3A_1000 = tpu.vector_load %arg8[%get3A_998, %get3A_999] {strides = array<i32>} : memref<128x256xf32, #tpu.memory_space<vmem>>, vector<1x16xf32>,
        %get3A_1001 = vector.shape_cast %get3A_1000 : vector<1x16xf32> to vector<16xf32>
        %mul3A_1002 = arith.mulf %get3A_1001, %gather3A_133 : vector<16xf32>
        %add3A_1003 = arith.addf %add3A_995, %mul3A_1002 : vector<16xf32>
        %add3A_1004 = arith.constant 7 : i32
        %add3A_1005 = arith.addi %mul3A_171, %add3A_1004 : i32
        %get3A_1006 = arith.index_cast %add3A_1005 : i32 to index
        %get3A_1007 = arith.constant 96 : index
        %get3A_1008 = tpu.vector_load %arg8[%get3A_1006, %get3A_1007] {strides = array<i32>} : memref<128x256xf32, #tpu.memory_space<vmem>>, vector<1x16xf32>,
        %get3A_1009 = vector.shape_cast %get3A_1008 : vector<1x16xf32> to vector<16xf32>
        %mul3A_1010 = arith.mulf %get3A_1009, %gather3A_137 : vector<16xf32>
        %add3A_1011 = arith.addf %add3A_1003, %mul3A_1010 : vector<16xf32>
        %add3A_1012 = arith.constant 8 : i32
        %add3A_1013 = arith.addi %mul3A_171, %add3A_1012 : i32
        %get3A_1014 = arith.index_cast %add3A_1013 : i32 to index
        %get3A_1015 = arith.constant 96 : index
        %get3A_1016 = tpu.vector_load %arg8[%get3A_1014, %get3A_1015] {strides = array<i32>} : memref<128x256xf32, #tpu.memory_space<vmem>>, vector<1x16xf32>,
        %get3A_1017 = vector.shape_cast %get3A_1016 : vector<1x16xf32> to vector<16xf32>
        %mul3A_1018 = arith.mulf %get3A_1017, %gather3A_141 : vector<16xf32>
        %add3A_1019 = arith.addf %add3A_1011, %mul3A_1018 : vector<16xf32>
        %add3A_1020 = arith.constant 9 : i32
        %add3A_1021 = arith.addi %mul3A_171, %add3A_1020 : i32
        %get3A_1022 = arith.index_cast %add3A_1021 : i32 to index
        %get3A_1023 = arith.constant 96 : index
        %get3A_1024 = tpu.vector_load %arg8[%get3A_1022, %get3A_1023] {strides = array<i32>} : memref<128x256xf32, #tpu.memory_space<vmem>>, vector<1x16xf32>,
        %get3A_1025 = vector.shape_cast %get3A_1024 : vector<1x16xf32> to vector<16xf32>
        %mul3A_1026 = arith.mulf %get3A_1025, %gather3A_145 : vector<16xf32>
        %add3A_1027 = arith.addf %add3A_1019, %mul3A_1026 : vector<16xf32>
        %add3A_1028 = arith.constant 10 : i32
        %add3A_1029 = arith.addi %mul3A_171, %add3A_1028 : i32
        %get3A_1030 = arith.index_cast %add3A_1029 : i32 to index
        %get3A_1031 = arith.constant 96 : index
        %get3A_1032 = tpu.vector_load %arg8[%get3A_1030, %get3A_1031] {strides = array<i32>} : memref<128x256xf32, #tpu.memory_space<vmem>>, vector<1x16xf32>,
        %get3A_1033 = vector.shape_cast %get3A_1032 : vector<1x16xf32> to vector<16xf32>
        %mul3A_1034 = arith.mulf %get3A_1033, %gather3A_149 : vector<16xf32>
        %add3A_1035 = arith.addf %add3A_1027, %mul3A_1034 : vector<16xf32>
        %add3A_1036 = arith.constant 11 : i32
        %add3A_1037 = arith.addi %mul3A_171, %add3A_1036 : i32
        %get3A_1038 = arith.index_cast %add3A_1037 : i32 to index
        %get3A_1039 = arith.constant 96 : index
        %get3A_1040 = tpu.vector_load %arg8[%get3A_1038, %get3A_1039] {strides = array<i32>} : memref<128x256xf32, #tpu.memory_space<vmem>>, vector<1x16xf32>,
        %get3A_1041 = vector.shape_cast %get3A_1040 : vector<1x16xf32> to vector<16xf32>
        %mul3A_1042 = arith.mulf %get3A_1041, %gather3A_153 : vector<16xf32>
        %add3A_1043 = arith.addf %add3A_1035, %mul3A_1042 : vector<16xf32>
        %add3A_1044 = arith.constant 12 : i32
        %add3A_1045 = arith.addi %mul3A_171, %add3A_1044 : i32
        %get3A_1046 = arith.index_cast %add3A_1045 : i32 to index
        %get3A_1047 = arith.constant 96 : index
        %get3A_1048 = tpu.vector_load %arg8[%get3A_1046, %get3A_1047] {strides = array<i32>} : memref<128x256xf32, #tpu.memory_space<vmem>>, vector<1x16xf32>,
        %get3A_1049 = vector.shape_cast %get3A_1048 : vector<1x16xf32> to vector<16xf32>
        %mul3A_1050 = arith.mulf %get3A_1049, %gather3A_157 : vector<16xf32>
        %add3A_1051 = arith.addf %add3A_1043, %mul3A_1050 : vector<16xf32>
        %add3A_1052 = arith.constant 13 : i32
        %add3A_1053 = arith.addi %mul3A_171, %add3A_1052 : i32
        %get3A_1054 = arith.index_cast %add3A_1053 : i32 to index
        %get3A_1055 = arith.constant 96 : index
        %get3A_1056 = tpu.vector_load %arg8[%get3A_1054, %get3A_1055] {strides = array<i32>} : memref<128x256xf32, #tpu.memory_space<vmem>>, vector<1x16xf32>,
        %get3A_1057 = vector.shape_cast %get3A_1056 : vector<1x16xf32> to vector<16xf32>
        %mul3A_1058 = arith.mulf %get3A_1057, %gather3A_161 : vector<16xf32>
        %add3A_1059 = arith.addf %add3A_1051, %mul3A_1058 : vector<16xf32>
        %add3A_1060 = arith.constant 14 : i32
        %add3A_1061 = arith.addi %mul3A_171, %add3A_1060 : i32
        %get3A_1062 = arith.index_cast %add3A_1061 : i32 to index
        %get3A_1063 = arith.constant 96 : index
        %get3A_1064 = tpu.vector_load %arg8[%get3A_1062, %get3A_1063] {strides = array<i32>} : memref<128x256xf32, #tpu.memory_space<vmem>>, vector<1x16xf32>,
        %get3A_1065 = vector.shape_cast %get3A_1064 : vector<1x16xf32> to vector<16xf32>
        %mul3A_1066 = arith.mulf %get3A_1065, %gather3A_165 : vector<16xf32>
        %add3A_1067 = arith.addf %add3A_1059, %mul3A_1066 : vector<16xf32>
        %add3A_1068 = arith.constant 15 : i32
        %add3A_1069 = arith.addi %mul3A_171, %add3A_1068 : i32
        %get3A_1070 = arith.index_cast %add3A_1069 : i32 to index
        %get3A_1071 = arith.constant 96 : index
        %get3A_1072 = tpu.vector_load %arg8[%get3A_1070, %get3A_1071] {strides = array<i32>} : memref<128x256xf32, #tpu.memory_space<vmem>>, vector<1x16xf32>,
        %get3A_1073 = vector.shape_cast %get3A_1072 : vector<1x16xf32> to vector<16xf32>
        %mul3A_1074 = arith.mulf %get3A_1073, %gather3A_169 : vector<16xf32>
        %add3A_1075 = arith.addf %add3A_1067, %mul3A_1074 : vector<16xf32>
        %swap3A_1076 = arith.index_cast %scan3A_99 : i32 to index
        %swap3A_1077 = arith.constant 96 : index
        %swap3A_1078 = tpu.vector_load %arg10[%swap3A_1076, %swap3A_1077] {strides = array<i32>} : memref<8x256xf32, #tpu.memory_space<vmem>>, vector<1x16xf32>,
        %swap3A_1079 = vector.shape_cast %swap3A_1078 : vector<1x16xf32> to vector<16xf32>
        %swap3A_1080 = vector.shape_cast %add3A_1075 : vector<16xf32> to vector<1x16xf32>
        tpu.vector_store %arg10[%swap3A_1076, %swap3A_1077], %swap3A_1080 {strides = array<i32>} : memref<8x256xf32, #tpu.memory_space<vmem>>, vector<1x16xf32>,
        %get3A_1081 = arith.index_cast %mul3A_171 : i32 to index
        %get3A_1082 = arith.constant 112 : index
        %get3A_1083 = tpu.vector_load %arg8[%get3A_1081, %get3A_1082] {strides = array<i32>} : memref<128x256xf32, #tpu.memory_space<vmem>>, vector<1x16xf32>,
        %get3A_1084 = vector.shape_cast %get3A_1083 : vector<1x16xf32> to vector<16xf32>
        %mul3A_1085 = arith.mulf %get3A_1084, %gather3A_109 : vector<16xf32>
        %add3A_1086 = arith.constant 1 : i32
        %add3A_1087 = arith.addi %mul3A_171, %add3A_1086 : i32
        %get3A_1088 = arith.index_cast %add3A_1087 : i32 to index
        %get3A_1089 = arith.constant 112 : index
        %get3A_1090 = tpu.vector_load %arg8[%get3A_1088, %get3A_1089] {strides = array<i32>} : memref<128x256xf32, #tpu.memory_space<vmem>>, vector<1x16xf32>,
        %get3A_1091 = vector.shape_cast %get3A_1090 : vector<1x16xf32> to vector<16xf32>
        %mul3A_1092 = arith.mulf %get3A_1091, %gather3A_113 : vector<16xf32>
        %add3A_1093 = arith.addf %mul3A_1085, %mul3A_1092 : vector<16xf32>
        %add3A_1094 = arith.constant 2 : i32
        %add3A_1095 = arith.addi %mul3A_171, %add3A_1094 : i32
        %get3A_1096 = arith.index_cast %add3A_1095 : i32 to index
        %get3A_1097 = arith.constant 112 : index
        %get3A_1098 = tpu.vector_load %arg8[%get3A_1096, %get3A_1097] {strides = array<i32>} : memref<128x256xf32, #tpu.memory_space<vmem>>, vector<1x16xf32>,
        %get3A_1099 = vector.shape_cast %get3A_1098 : vector<1x16xf32> to vector<16xf32>
        %mul3A_1100 = arith.mulf %get3A_1099, %gather3A_117 : vector<16xf32>
        %add3A_1101 = arith.addf %add3A_1093, %mul3A_1100 : vector<16xf32>
        %add3A_1102 = arith.constant 3 : i32
        %add3A_1103 = arith.addi %mul3A_171, %add3A_1102 : i32
        %get3A_1104 = arith.index_cast %add3A_1103 : i32 to index
        %get3A_1105 = arith.constant 112 : index
        %get3A_1106 = tpu.vector_load %arg8[%get3A_1104, %get3A_1105] {strides = array<i32>} : memref<128x256xf32, #tpu.memory_space<vmem>>, vector<1x16xf32>,
        %get3A_1107 = vector.shape_cast %get3A_1106 : vector<1x16xf32> to vector<16xf32>
        %mul3A_1108 = arith.mulf %get3A_1107, %gather3A_121 : vector<16xf32>
        %add3A_1109 = arith.addf %add3A_1101, %mul3A_1108 : vector<16xf32>
        %add3A_1110 = arith.constant 4 : i32
        %add3A_1111 = arith.addi %mul3A_171, %add3A_1110 : i32
        %get3A_1112 = arith.index_cast %add3A_1111 : i32 to index
        %get3A_1113 = arith.constant 112 : index
        %get3A_1114 = tpu.vector_load %arg8[%get3A_1112, %get3A_1113] {strides = array<i32>} : memref<128x256xf32, #tpu.memory_space<vmem>>, vector<1x16xf32>,
        %get3A_1115 = vector.shape_cast %get3A_1114 : vector<1x16xf32> to vector<16xf32>
        %mul3A_1116 = arith.mulf %get3A_1115, %gather3A_125 : vector<16xf32>
        %add3A_1117 = arith.addf %add3A_1109, %mul3A_1116 : vector<16xf32>
        %add3A_1118 = arith.constant 5 : i32
        %add3A_1119 = arith.addi %mul3A_171, %add3A_1118 : i32
        %get3A_1120 = arith.index_cast %add3A_1119 : i32 to index
        %get3A_1121 = arith.constant 112 : index
        %get3A_1122 = tpu.vector_load %arg8[%get3A_1120, %get3A_1121] {strides = array<i32>} : memref<128x256xf32, #tpu.memory_space<vmem>>, vector<1x16xf32>,
        %get3A_1123 = vector.shape_cast %get3A_1122 : vector<1x16xf32> to vector<16xf32>
        %mul3A_1124 = arith.mulf %get3A_1123, %gather3A_129 : vector<16xf32>
        %add3A_1125 = arith.addf %add3A_1117, %mul3A_1124 : vector<16xf32>
        %add3A_1126 = arith.constant 6 : i32
        %add3A_1127 = arith.addi %mul3A_171, %add3A_1126 : i32
        %get3A_1128 = arith.index_cast %add3A_1127 : i32 to index
        %get3A_1129 = arith.constant 112 : index
        %get3A_1130 = tpu.vector_load %arg8[%get3A_1128, %get3A_1129] {strides = array<i32>} : memref<128x256xf32, #tpu.memory_space<vmem>>, vector<1x16xf32>,
        %get3A_1131 = vector.shape_cast %get3A_1130 : vector<1x16xf32> to vector<16xf32>
        %mul3A_1132 = arith.mulf %get3A_1131, %gather3A_133 : vector<16xf32>
        %add3A_1133 = arith.addf %add3A_1125, %mul3A_1132 : vector<16xf32>
        %add3A_1134 = arith.constant 7 : i32
        %add3A_1135 = arith.addi %mul3A_171, %add3A_1134 : i32
        %get3A_1136 = arith.index_cast %add3A_1135 : i32 to index
        %get3A_1137 = arith.constant 112 : index
        %get3A_1138 = tpu.vector_load %arg8[%get3A_1136, %get3A_1137] {strides = array<i32>} : memref<128x256xf32, #tpu.memory_space<vmem>>, vector<1x16xf32>,
        %get3A_1139 = vector.shape_cast %get3A_1138 : vector<1x16xf32> to vector<16xf32>
        %mul3A_1140 = arith.mulf %get3A_1139, %gather3A_137 : vector<16xf32>
        %add3A_1141 = arith.addf %add3A_1133, %mul3A_1140 : vector<16xf32>
        %add3A_1142 = arith.constant 8 : i32
        %add3A_1143 = arith.addi %mul3A_171, %add3A_1142 : i32
        %get3A_1144 = arith.index_cast %add3A_1143 : i32 to index
        %get3A_1145 = arith.constant 112 : index
        %get3A_1146 = tpu.vector_load %arg8[%get3A_1144, %get3A_1145] {strides = array<i32>} : memref<128x256xf32, #tpu.memory_space<vmem>>, vector<1x16xf32>,
        %get3A_1147 = vector.shape_cast %get3A_1146 : vector<1x16xf32> to vector<16xf32>
        %mul3A_1148 = arith.mulf %get3A_1147, %gather3A_141 : vector<16xf32>
        %add3A_1149 = arith.addf %add3A_1141, %mul3A_1148 : vector<16xf32>
        %add3A_1150 = arith.constant 9 : i32
        %add3A_1151 = arith.addi %mul3A_171, %add3A_1150 : i32
        %get3A_1152 = arith.index_cast %add3A_1151 : i32 to index
        %get3A_1153 = arith.constant 112 : index
        %get3A_1154 = tpu.vector_load %arg8[%get3A_1152, %get3A_1153] {strides = array<i32>} : memref<128x256xf32, #tpu.memory_space<vmem>>, vector<1x16xf32>,
        %get3A_1155 = vector.shape_cast %get3A_1154 : vector<1x16xf32> to vector<16xf32>
        %mul3A_1156 = arith.mulf %get3A_1155, %gather3A_145 : vector<16xf32>
        %add3A_1157 = arith.addf %add3A_1149, %mul3A_1156 : vector<16xf32>
        %add3A_1158 = arith.constant 10 : i32
        %add3A_1159 = arith.addi %mul3A_171, %add3A_1158 : i32
        %get3A_1160 = arith.index_cast %add3A_1159 : i32 to index
        %get3A_1161 = arith.constant 112 : index
        %get3A_1162 = tpu.vector_load %arg8[%get3A_1160, %get3A_1161] {strides = array<i32>} : memref<128x256xf32, #tpu.memory_space<vmem>>, vector<1x16xf32>,
        %get3A_1163 = vector.shape_cast %get3A_1162 : vector<1x16xf32> to vector<16xf32>
        %mul3A_1164 = arith.mulf %get3A_1163, %gather3A_149 : vector<16xf32>
        %add3A_1165 = arith.addf %add3A_1157, %mul3A_1164 : vector<16xf32>
        %add3A_1166 = arith.constant 11 : i32
        %add3A_1167 = arith.addi %mul3A_171, %add3A_1166 : i32
        %get3A_1168 = arith.index_cast %add3A_1167 : i32 to index
        %get3A_1169 = arith.constant 112 : index
        %get3A_1170 = tpu.vector_load %arg8[%get3A_1168, %get3A_1169] {strides = array<i32>} : memref<128x256xf32, #tpu.memory_space<vmem>>, vector<1x16xf32>,
        %get3A_1171 = vector.shape_cast %get3A_1170 : vector<1x16xf32> to vector<16xf32>
        %mul3A_1172 = arith.mulf %get3A_1171, %gather3A_153 : vector<16xf32>
        %add3A_1173 = arith.addf %add3A_1165, %mul3A_1172 : vector<16xf32>
        %add3A_1174 = arith.constant 12 : i32
        %add3A_1175 = arith.addi %mul3A_171, %add3A_1174 : i32
        %get3A_1176 = arith.index_cast %add3A_1175 : i32 to index
        %get3A_1177 = arith.constant 112 : index
        %get3A_1178 = tpu.vector_load %arg8[%get3A_1176, %get3A_1177] {strides = array<i32>} : memref<128x256xf32, #tpu.memory_space<vmem>>, vector<1x16xf32>,
        %get3A_1179 = vector.shape_cast %get3A_1178 : vector<1x16xf32> to vector<16xf32>
        %mul3A_1180 = arith.mulf %get3A_1179, %gather3A_157 : vector<16xf32>
        %add3A_1181 = arith.addf %add3A_1173, %mul3A_1180 : vector<16xf32>
        %add3A_1182 = arith.constant 13 : i32
        %add3A_1183 = arith.addi %mul3A_171, %add3A_1182 : i32
        %get3A_1184 = arith.index_cast %add3A_1183 : i32 to index
        %get3A_1185 = arith.constant 112 : index
        %get3A_1186 = tpu.vector_load %arg8[%get3A_1184, %get3A_1185] {strides = array<i32>} : memref<128x256xf32, #tpu.memory_space<vmem>>, vector<1x16xf32>,
        %get3A_1187 = vector.shape_cast %get3A_1186 : vector<1x16xf32> to vector<16xf32>
        %mul3A_1188 = arith.mulf %get3A_1187, %gather3A_161 : vector<16xf32>
        %add3A_1189 = arith.addf %add3A_1181, %mul3A_1188 : vector<16xf32>
        %add3A_1190 = arith.constant 14 : i32
        %add3A_1191 = arith.addi %mul3A_171, %add3A_1190 : i32
        %get3A_1192 = arith.index_cast %add3A_1191 : i32 to index
        %get3A_1193 = arith.constant 112 : index
        %get3A_1194 = tpu.vector_load %arg8[%get3A_1192, %get3A_1193] {strides = array<i32>} : memref<128x256xf32, #tpu.memory_space<vmem>>, vector<1x16xf32>,
        %get3A_1195 = vector.shape_cast %get3A_1194 : vector<1x16xf32> to vector<16xf32>
        %mul3A_1196 = arith.mulf %get3A_1195, %gather3A_165 : vector<16xf32>
        %add3A_1197 = arith.addf %add3A_1189, %mul3A_1196 : vector<16xf32>
        %add3A_1198 = arith.constant 15 : i32
        %add3A_1199 = arith.addi %mul3A_171, %add3A_1198 : i32
        %get3A_1200 = arith.index_cast %add3A_1199 : i32 to index
        %get3A_1201 = arith.constant 112 : index
        %get3A_1202 = tpu.vector_load %arg8[%get3A_1200, %get3A_1201] {strides = array<i32>} : memref<128x256xf32, #tpu.memory_space<vmem>>, vector<1x16xf32>,
        %get3A_1203 = vector.shape_cast %get3A_1202 : vector<1x16xf32> to vector<16xf32>
        %mul3A_1204 = arith.mulf %get3A_1203, %gather3A_169 : vector<16xf32>
        %add3A_1205 = arith.addf %add3A_1197, %mul3A_1204 : vector<16xf32>
        %swap3A_1206 = arith.index_cast %scan3A_99 : i32 to index
        %swap3A_1207 = arith.constant 112 : index
        %swap3A_1208 = tpu.vector_load %arg10[%swap3A_1206, %swap3A_1207] {strides = array<i32>} : memref<8x256xf32, #tpu.memory_space<vmem>>, vector<1x16xf32>,
        %swap3A_1209 = vector.shape_cast %swap3A_1208 : vector<1x16xf32> to vector<16xf32>
        %swap3A_1210 = vector.shape_cast %add3A_1205 : vector<16xf32> to vector<1x16xf32>
        tpu.vector_store %arg10[%swap3A_1206, %swap3A_1207], %swap3A_1210 {strides = array<i32>} : memref<8x256xf32, #tpu.memory_space<vmem>>, vector<1x16xf32>,
        %get3A_1211 = arith.index_cast %mul3A_171 : i32 to index
        %get3A_1212 = arith.constant 128 : index
        %get3A_1213 = tpu.vector_load %arg8[%get3A_1211, %get3A_1212] {strides = array<i32>} : memref<128x256xf32, #tpu.memory_space<vmem>>, vector<1x16xf32>,
        %get3A_1214 = vector.shape_cast %get3A_1213 : vector<1x16xf32> to vector<16xf32>
        %mul3A_1215 = arith.mulf %get3A_1214, %gather3A_109 : vector<16xf32>
        %add3A_1216 = arith.constant 1 : i32
        %add3A_1217 = arith.addi %mul3A_171, %add3A_1216 : i32
        %get3A_1218 = arith.index_cast %add3A_1217 : i32 to index
        %get3A_1219 = arith.constant 128 : index
        %get3A_1220 = tpu.vector_load %arg8[%get3A_1218, %get3A_1219] {strides = array<i32>} : memref<128x256xf32, #tpu.memory_space<vmem>>, vector<1x16xf32>,
        %get3A_1221 = vector.shape_cast %get3A_1220 : vector<1x16xf32> to vector<16xf32>
        %mul3A_1222 = arith.mulf %get3A_1221, %gather3A_113 : vector<16xf32>
        %add3A_1223 = arith.addf %mul3A_1215, %mul3A_1222 : vector<16xf32>
        %add3A_1224 = arith.constant 2 : i32
        %add3A_1225 = arith.addi %mul3A_171, %add3A_1224 : i32
        %get3A_1226 = arith.index_cast %add3A_1225 : i32 to index
        %get3A_1227 = arith.constant 128 : index
        %get3A_1228 = tpu.vector_load %arg8[%get3A_1226, %get3A_1227] {strides = array<i32>} : memref<128x256xf32, #tpu.memory_space<vmem>>, vector<1x16xf32>,
        %get3A_1229 = vector.shape_cast %get3A_1228 : vector<1x16xf32> to vector<16xf32>
        %mul3A_1230 = arith.mulf %get3A_1229, %gather3A_117 : vector<16xf32>
        %add3A_1231 = arith.addf %add3A_1223, %mul3A_1230 : vector<16xf32>
        %add3A_1232 = arith.constant 3 : i32
        %add3A_1233 = arith.addi %mul3A_171, %add3A_1232 : i32
        %get3A_1234 = arith.index_cast %add3A_1233 : i32 to index
        %get3A_1235 = arith.constant 128 : index
        %get3A_1236 = tpu.vector_load %arg8[%get3A_1234, %get3A_1235] {strides = array<i32>} : memref<128x256xf32, #tpu.memory_space<vmem>>, vector<1x16xf32>,
        %get3A_1237 = vector.shape_cast %get3A_1236 : vector<1x16xf32> to vector<16xf32>
        %mul3A_1238 = arith.mulf %get3A_1237, %gather3A_121 : vector<16xf32>
        %add3A_1239 = arith.addf %add3A_1231, %mul3A_1238 : vector<16xf32>
        %add3A_1240 = arith.constant 4 : i32
        %add3A_1241 = arith.addi %mul3A_171, %add3A_1240 : i32
        %get3A_1242 = arith.index_cast %add3A_1241 : i32 to index
        %get3A_1243 = arith.constant 128 : index
        %get3A_1244 = tpu.vector_load %arg8[%get3A_1242, %get3A_1243] {strides = array<i32>} : memref<128x256xf32, #tpu.memory_space<vmem>>, vector<1x16xf32>,
        %get3A_1245 = vector.shape_cast %get3A_1244 : vector<1x16xf32> to vector<16xf32>
        %mul3A_1246 = arith.mulf %get3A_1245, %gather3A_125 : vector<16xf32>
        %add3A_1247 = arith.addf %add3A_1239, %mul3A_1246 : vector<16xf32>
        %add3A_1248 = arith.constant 5 : i32
        %add3A_1249 = arith.addi %mul3A_171, %add3A_1248 : i32
        %get3A_1250 = arith.index_cast %add3A_1249 : i32 to index
        %get3A_1251 = arith.constant 128 : index
        %get3A_1252 = tpu.vector_load %arg8[%get3A_1250, %get3A_1251] {strides = array<i32>} : memref<128x256xf32, #tpu.memory_space<vmem>>, vector<1x16xf32>,
        %get3A_1253 = vector.shape_cast %get3A_1252 : vector<1x16xf32> to vector<16xf32>
        %mul3A_1254 = arith.mulf %get3A_1253, %gather3A_129 : vector<16xf32>
        %add3A_1255 = arith.addf %add3A_1247, %mul3A_1254 : vector<16xf32>
        %add3A_1256 = arith.constant 6 : i32
        %add3A_1257 = arith.addi %mul3A_171, %add3A_1256 : i32
        %get3A_1258 = arith.index_cast %add3A_1257 : i32 to index
        %get3A_1259 = arith.constant 128 : index
        %get3A_1260 = tpu.vector_load %arg8[%get3A_1258, %get3A_1259] {strides = array<i32>} : memref<128x256xf32, #tpu.memory_space<vmem>>, vector<1x16xf32>,
        %get3A_1261 = vector.shape_cast %get3A_1260 : vector<1x16xf32> to vector<16xf32>
        %mul3A_1262 = arith.mulf %get3A_1261, %gather3A_133 : vector<16xf32>
        %add3A_1263 = arith.addf %add3A_1255, %mul3A_1262 : vector<16xf32>
        %add3A_1264 = arith.constant 7 : i32
        %add3A_1265 = arith.addi %mul3A_171, %add3A_1264 : i32
        %get3A_1266 = arith.index_cast %add3A_1265 : i32 to index
        %get3A_1267 = arith.constant 128 : index
        %get3A_1268 = tpu.vector_load %arg8[%get3A_1266, %get3A_1267] {strides = array<i32>} : memref<128x256xf32, #tpu.memory_space<vmem>>, vector<1x16xf32>,
        %get3A_1269 = vector.shape_cast %get3A_1268 : vector<1x16xf32> to vector<16xf32>
        %mul3A_1270 = arith.mulf %get3A_1269, %gather3A_137 : vector<16xf32>
        %add3A_1271 = arith.addf %add3A_1263, %mul3A_1270 : vector<16xf32>
        %add3A_1272 = arith.constant 8 : i32
        %add3A_1273 = arith.addi %mul3A_171, %add3A_1272 : i32
        %get3A_1274 = arith.index_cast %add3A_1273 : i32 to index
        %get3A_1275 = arith.constant 128 : index
        %get3A_1276 = tpu.vector_load %arg8[%get3A_1274, %get3A_1275] {strides = array<i32>} : memref<128x256xf32, #tpu.memory_space<vmem>>, vector<1x16xf32>,
        %get3A_1277 = vector.shape_cast %get3A_1276 : vector<1x16xf32> to vector<16xf32>
        %mul3A_1278 = arith.mulf %get3A_1277, %gather3A_141 : vector<16xf32>
        %add3A_1279 = arith.addf %add3A_1271, %mul3A_1278 : vector<16xf32>
        %add3A_1280 = arith.constant 9 : i32
        %add3A_1281 = arith.addi %mul3A_171, %add3A_1280 : i32
        %get3A_1282 = arith.index_cast %add3A_1281 : i32 to index
        %get3A_1283 = arith.constant 128 : index
        %get3A_1284 = tpu.vector_load %arg8[%get3A_1282, %get3A_1283] {strides = array<i32>} : memref<128x256xf32, #tpu.memory_space<vmem>>, vector<1x16xf32>,
        %get3A_1285 = vector.shape_cast %get3A_1284 : vector<1x16xf32> to vector<16xf32>
        %mul3A_1286 = arith.mulf %get3A_1285, %gather3A_145 : vector<16xf32>
        %add3A_1287 = arith.addf %add3A_1279, %mul3A_1286 : vector<16xf32>
        %add3A_1288 = arith.constant 10 : i32
        %add3A_1289 = arith.addi %mul3A_171, %add3A_1288 : i32
        %get3A_1290 = arith.index_cast %add3A_1289 : i32 to index
        %get3A_1291 = arith.constant 128 : index
        %get3A_1292 = tpu.vector_load %arg8[%get3A_1290, %get3A_1291] {strides = array<i32>} : memref<128x256xf32, #tpu.memory_space<vmem>>, vector<1x16xf32>,
        %get3A_1293 = vector.shape_cast %get3A_1292 : vector<1x16xf32> to vector<16xf32>
        %mul3A_1294 = arith.mulf %get3A_1293, %gather3A_149 : vector<16xf32>
        %add3A_1295 = arith.addf %add3A_1287, %mul3A_1294 : vector<16xf32>
        %add3A_1296 = arith.constant 11 : i32
        %add3A_1297 = arith.addi %mul3A_171, %add3A_1296 : i32
        %get3A_1298 = arith.index_cast %add3A_1297 : i32 to index
        %get3A_1299 = arith.constant 128 : index
        %get3A_1300 = tpu.vector_load %arg8[%get3A_1298, %get3A_1299] {strides = array<i32>} : memref<128x256xf32, #tpu.memory_space<vmem>>, vector<1x16xf32>,
        %get3A_1301 = vector.shape_cast %get3A_1300 : vector<1x16xf32> to vector<16xf32>
        %mul3A_1302 = arith.mulf %get3A_1301, %gather3A_153 : vector<16xf32>
        %add3A_1303 = arith.addf %add3A_1295, %mul3A_1302 : vector<16xf32>
        %add3A_1304 = arith.constant 12 : i32
        %add3A_1305 = arith.addi %mul3A_171, %add3A_1304 : i32
        %get3A_1306 = arith.index_cast %add3A_1305 : i32 to index
        %get3A_1307 = arith.constant 128 : index
        %get3A_1308 = tpu.vector_load %arg8[%get3A_1306, %get3A_1307] {strides = array<i32>} : memref<128x256xf32, #tpu.memory_space<vmem>>, vector<1x16xf32>,
        %get3A_1309 = vector.shape_cast %get3A_1308 : vector<1x16xf32> to vector<16xf32>
        %mul3A_1310 = arith.mulf %get3A_1309, %gather3A_157 : vector<16xf32>
        %add3A_1311 = arith.addf %add3A_1303, %mul3A_1310 : vector<16xf32>
        %add3A_1312 = arith.constant 13 : i32
        %add3A_1313 = arith.addi %mul3A_171, %add3A_1312 : i32
        %get3A_1314 = arith.index_cast %add3A_1313 : i32 to index
        %get3A_1315 = arith.constant 128 : index
        %get3A_1316 = tpu.vector_load %arg8[%get3A_1314, %get3A_1315] {strides = array<i32>} : memref<128x256xf32, #tpu.memory_space<vmem>>, vector<1x16xf32>,
        %get3A_1317 = vector.shape_cast %get3A_1316 : vector<1x16xf32> to vector<16xf32>
        %mul3A_1318 = arith.mulf %get3A_1317, %gather3A_161 : vector<16xf32>
        %add3A_1319 = arith.addf %add3A_1311, %mul3A_1318 : vector<16xf32>
        %add3A_1320 = arith.constant 14 : i32
        %add3A_1321 = arith.addi %mul3A_171, %add3A_1320 : i32
        %get3A_1322 = arith.index_cast %add3A_1321 : i32 to index
        %get3A_1323 = arith.constant 128 : index
        %get3A_1324 = tpu.vector_load %arg8[%get3A_1322, %get3A_1323] {strides = array<i32>} : memref<128x256xf32, #tpu.memory_space<vmem>>, vector<1x16xf32>,
        %get3A_1325 = vector.shape_cast %get3A_1324 : vector<1x16xf32> to vector<16xf32>
        %mul3A_1326 = arith.mulf %get3A_1325, %gather3A_165 : vector<16xf32>
        %add3A_1327 = arith.addf %add3A_1319, %mul3A_1326 : vector<16xf32>
        %add3A_1328 = arith.constant 15 : i32
        %add3A_1329 = arith.addi %mul3A_171, %add3A_1328 : i32
        %get3A_1330 = arith.index_cast %add3A_1329 : i32 to index
        %get3A_1331 = arith.constant 128 : index
        %get3A_1332 = tpu.vector_load %arg8[%get3A_1330, %get3A_1331] {strides = array<i32>} : memref<128x256xf32, #tpu.memory_space<vmem>>, vector<1x16xf32>,
        %get3A_1333 = vector.shape_cast %get3A_1332 : vector<1x16xf32> to vector<16xf32>
        %mul3A_1334 = arith.mulf %get3A_1333, %gather3A_169 : vector<16xf32>
        %add3A_1335 = arith.addf %add3A_1327, %mul3A_1334 : vector<16xf32>
        %swap3A_1336 = arith.index_cast %scan3A_99 : i32 to index
        %swap3A_1337 = arith.constant 128 : index
        %swap3A_1338 = tpu.vector_load %arg10[%swap3A_1336, %swap3A_1337] {strides = array<i32>} : memref<8x256xf32, #tpu.memory_space<vmem>>, vector<1x16xf32>,
        %swap3A_1339 = vector.shape_cast %swap3A_1338 : vector<1x16xf32> to vector<16xf32>
        %swap3A_1340 = vector.shape_cast %add3A_1335 : vector<16xf32> to vector<1x16xf32>
        tpu.vector_store %arg10[%swap3A_1336, %swap3A_1337], %swap3A_1340 {strides = array<i32>} : memref<8x256xf32, #tpu.memory_space<vmem>>, vector<1x16xf32>,
        %get3A_1341 = arith.index_cast %mul3A_171 : i32 to index
        %get3A_1342 = arith.constant 144 : index
        %get3A_1343 = tpu.vector_load %arg8[%get3A_1341, %get3A_1342] {strides = array<i32>} : memref<128x256xf32, #tpu.memory_space<vmem>>, vector<1x16xf32>,
        %get3A_1344 = vector.shape_cast %get3A_1343 : vector<1x16xf32> to vector<16xf32>
        %mul3A_1345 = arith.mulf %get3A_1344, %gather3A_109 : vector<16xf32>
        %add3A_1346 = arith.constant 1 : i32
        %add3A_1347 = arith.addi %mul3A_171, %add3A_1346 : i32
        %get3A_1348 = arith.index_cast %add3A_1347 : i32 to index
        %get3A_1349 = arith.constant 144 : index
        %get3A_1350 = tpu.vector_load %arg8[%get3A_1348, %get3A_1349] {strides = array<i32>} : memref<128x256xf32, #tpu.memory_space<vmem>>, vector<1x16xf32>,
        %get3A_1351 = vector.shape_cast %get3A_1350 : vector<1x16xf32> to vector<16xf32>
        %mul3A_1352 = arith.mulf %get3A_1351, %gather3A_113 : vector<16xf32>
        %add3A_1353 = arith.addf %mul3A_1345, %mul3A_1352 : vector<16xf32>
        %add3A_1354 = arith.constant 2 : i32
        %add3A_1355 = arith.addi %mul3A_171, %add3A_1354 : i32
        %get3A_1356 = arith.index_cast %add3A_1355 : i32 to index
        %get3A_1357 = arith.constant 144 : index
        %get3A_1358 = tpu.vector_load %arg8[%get3A_1356, %get3A_1357] {strides = array<i32>} : memref<128x256xf32, #tpu.memory_space<vmem>>, vector<1x16xf32>,
        %get3A_1359 = vector.shape_cast %get3A_1358 : vector<1x16xf32> to vector<16xf32>
        %mul3A_1360 = arith.mulf %get3A_1359, %gather3A_117 : vector<16xf32>
        %add3A_1361 = arith.addf %add3A_1353, %mul3A_1360 : vector<16xf32>
        %add3A_1362 = arith.constant 3 : i32
        %add3A_1363 = arith.addi %mul3A_171, %add3A_1362 : i32
        %get3A_1364 = arith.index_cast %add3A_1363 : i32 to index
        %get3A_1365 = arith.constant 144 : index
        %get3A_1366 = tpu.vector_load %arg8[%get3A_1364, %get3A_1365] {strides = array<i32>} : memref<128x256xf32, #tpu.memory_space<vmem>>, vector<1x16xf32>,
        %get3A_1367 = vector.shape_cast %get3A_1366 : vector<1x16xf32> to vector<16xf32>
        %mul3A_1368 = arith.mulf %get3A_1367, %gather3A_121 : vector<16xf32>
        %add3A_1369 = arith.addf %add3A_1361, %mul3A_1368 : vector<16xf32>
        %add3A_1370 = arith.constant 4 : i32
        %add3A_1371 = arith.addi %mul3A_171, %add3A_1370 : i32
        %get3A_1372 = arith.index_cast %add3A_1371 : i32 to index
        %get3A_1373 = arith.constant 144 : index
        %get3A_1374 = tpu.vector_load %arg8[%get3A_1372, %get3A_1373] {strides = array<i32>} : memref<128x256xf32, #tpu.memory_space<vmem>>, vector<1x16xf32>,
        %get3A_1375 = vector.shape_cast %get3A_1374 : vector<1x16xf32> to vector<16xf32>
        %mul3A_1376 = arith.mulf %get3A_1375, %gather3A_125 : vector<16xf32>
        %add3A_1377 = arith.addf %add3A_1369, %mul3A_1376 : vector<16xf32>
        %add3A_1378 = arith.constant 5 : i32
        %add3A_1379 = arith.addi %mul3A_171, %add3A_1378 : i32
        %get3A_1380 = arith.index_cast %add3A_1379 : i32 to index
        %get3A_1381 = arith.constant 144 : index
        %get3A_1382 = tpu.vector_load %arg8[%get3A_1380, %get3A_1381] {strides = array<i32>} : memref<128x256xf32, #tpu.memory_space<vmem>>, vector<1x16xf32>,
        %get3A_1383 = vector.shape_cast %get3A_1382 : vector<1x16xf32> to vector<16xf32>
        %mul3A_1384 = arith.mulf %get3A_1383, %gather3A_129 : vector<16xf32>
        %add3A_1385 = arith.addf %add3A_1377, %mul3A_1384 : vector<16xf32>
        %add3A_1386 = arith.constant 6 : i32
        %add3A_1387 = arith.addi %mul3A_171, %add3A_1386 : i32
        %get3A_1388 = arith.index_cast %add3A_1387 : i32 to index
        %get3A_1389 = arith.constant 144 : index
        %get3A_1390 = tpu.vector_load %arg8[%get3A_1388, %get3A_1389] {strides = array<i32>} : memref<128x256xf32, #tpu.memory_space<vmem>>, vector<1x16xf32>,
        %get3A_1391 = vector.shape_cast %get3A_1390 : vector<1x16xf32> to vector<16xf32>
        %mul3A_1392 = arith.mulf %get3A_1391, %gather3A_133 : vector<16xf32>
        %add3A_1393 = arith.addf %add3A_1385, %mul3A_1392 : vector<16xf32>
        %add3A_1394 = arith.constant 7 : i32
        %add3A_1395 = arith.addi %mul3A_171, %add3A_1394 : i32
        %get3A_1396 = arith.index_cast %add3A_1395 : i32 to index
        %get3A_1397 = arith.constant 144 : index
        %get3A_1398 = tpu.vector_load %arg8[%get3A_1396, %get3A_1397] {strides = array<i32>} : memref<128x256xf32, #tpu.memory_space<vmem>>, vector<1x16xf32>,
        %get3A_1399 = vector.shape_cast %get3A_1398 : vector<1x16xf32> to vector<16xf32>
        %mul3A_1400 = arith.mulf %get3A_1399, %gather3A_137 : vector<16xf32>
        %add3A_1401 = arith.addf %add3A_1393, %mul3A_1400 : vector<16xf32>
        %add3A_1402 = arith.constant 8 : i32
        %add3A_1403 = arith.addi %mul3A_171, %add3A_1402 : i32
        %get3A_1404 = arith.index_cast %add3A_1403 : i32 to index
        %get3A_1405 = arith.constant 144 : index
        %get3A_1406 = tpu.vector_load %arg8[%get3A_1404, %get3A_1405] {strides = array<i32>} : memref<128x256xf32, #tpu.memory_space<vmem>>, vector<1x16xf32>,
        %get3A_1407 = vector.shape_cast %get3A_1406 : vector<1x16xf32> to vector<16xf32>
        %mul3A_1408 = arith.mulf %get3A_1407, %gather3A_141 : vector<16xf32>
        %add3A_1409 = arith.addf %add3A_1401, %mul3A_1408 : vector<16xf32>
        %add3A_1410 = arith.constant 9 : i32
        %add3A_1411 = arith.addi %mul3A_171, %add3A_1410 : i32
        %get3A_1412 = arith.index_cast %add3A_1411 : i32 to index
        %get3A_1413 = arith.constant 144 : index
        %get3A_1414 = tpu.vector_load %arg8[%get3A_1412, %get3A_1413] {strides = array<i32>} : memref<128x256xf32, #tpu.memory_space<vmem>>, vector<1x16xf32>,
        %get3A_1415 = vector.shape_cast %get3A_1414 : vector<1x16xf32> to vector<16xf32>
        %mul3A_1416 = arith.mulf %get3A_1415, %gather3A_145 : vector<16xf32>
        %add3A_1417 = arith.addf %add3A_1409, %mul3A_1416 : vector<16xf32>
        %add3A_1418 = arith.constant 10 : i32
        %add3A_1419 = arith.addi %mul3A_171, %add3A_1418 : i32
        %get3A_1420 = arith.index_cast %add3A_1419 : i32 to index
        %get3A_1421 = arith.constant 144 : index
        %get3A_1422 = tpu.vector_load %arg8[%get3A_1420, %get3A_1421] {strides = array<i32>} : memref<128x256xf32, #tpu.memory_space<vmem>>, vector<1x16xf32>,
        %get3A_1423 = vector.shape_cast %get3A_1422 : vector<1x16xf32> to vector<16xf32>
        %mul3A_1424 = arith.mulf %get3A_1423, %gather3A_149 : vector<16xf32>
        %add3A_1425 = arith.addf %add3A_1417, %mul3A_1424 : vector<16xf32>
        %add3A_1426 = arith.constant 11 : i32
        %add3A_1427 = arith.addi %mul3A_171, %add3A_1426 : i32
        %get3A_1428 = arith.index_cast %add3A_1427 : i32 to index
        %get3A_1429 = arith.constant 144 : index
        %get3A_1430 = tpu.vector_load %arg8[%get3A_1428, %get3A_1429] {strides = array<i32>} : memref<128x256xf32, #tpu.memory_space<vmem>>, vector<1x16xf32>,
        %get3A_1431 = vector.shape_cast %get3A_1430 : vector<1x16xf32> to vector<16xf32>
        %mul3A_1432 = arith.mulf %get3A_1431, %gather3A_153 : vector<16xf32>
        %add3A_1433 = arith.addf %add3A_1425, %mul3A_1432 : vector<16xf32>
        %add3A_1434 = arith.constant 12 : i32
        %add3A_1435 = arith.addi %mul3A_171, %add3A_1434 : i32
        %get3A_1436 = arith.index_cast %add3A_1435 : i32 to index
        %get3A_1437 = arith.constant 144 : index
        %get3A_1438 = tpu.vector_load %arg8[%get3A_1436, %get3A_1437] {strides = array<i32>} : memref<128x256xf32, #tpu.memory_space<vmem>>, vector<1x16xf32>,
        %get3A_1439 = vector.shape_cast %get3A_1438 : vector<1x16xf32> to vector<16xf32>
        %mul3A_1440 = arith.mulf %get3A_1439, %gather3A_157 : vector<16xf32>
        %add3A_1441 = arith.addf %add3A_1433, %mul3A_1440 : vector<16xf32>
        %add3A_1442 = arith.constant 13 : i32
        %add3A_1443 = arith.addi %mul3A_171, %add3A_1442 : i32
        %get3A_1444 = arith.index_cast %add3A_1443 : i32 to index
        %get3A_1445 = arith.constant 144 : index
        %get3A_1446 = tpu.vector_load %arg8[%get3A_1444, %get3A_1445] {strides = array<i32>} : memref<128x256xf32, #tpu.memory_space<vmem>>, vector<1x16xf32>,
        %get3A_1447 = vector.shape_cast %get3A_1446 : vector<1x16xf32> to vector<16xf32>
        %mul3A_1448 = arith.mulf %get3A_1447, %gather3A_161 : vector<16xf32>
        %add3A_1449 = arith.addf %add3A_1441, %mul3A_1448 : vector<16xf32>
        %add3A_1450 = arith.constant 14 : i32
        %add3A_1451 = arith.addi %mul3A_171, %add3A_1450 : i32
        %get3A_1452 = arith.index_cast %add3A_1451 : i32 to index
        %get3A_1453 = arith.constant 144 : index
        %get3A_1454 = tpu.vector_load %arg8[%get3A_1452, %get3A_1453] {strides = array<i32>} : memref<128x256xf32, #tpu.memory_space<vmem>>, vector<1x16xf32>,
        %get3A_1455 = vector.shape_cast %get3A_1454 : vector<1x16xf32> to vector<16xf32>
        %mul3A_1456 = arith.mulf %get3A_1455, %gather3A_165 : vector<16xf32>
        %add3A_1457 = arith.addf %add3A_1449, %mul3A_1456 : vector<16xf32>
        %add3A_1458 = arith.constant 15 : i32
        %add3A_1459 = arith.addi %mul3A_171, %add3A_1458 : i32
        %get3A_1460 = arith.index_cast %add3A_1459 : i32 to index
        %get3A_1461 = arith.constant 144 : index
        %get3A_1462 = tpu.vector_load %arg8[%get3A_1460, %get3A_1461] {strides = array<i32>} : memref<128x256xf32, #tpu.memory_space<vmem>>, vector<1x16xf32>,
        %get3A_1463 = vector.shape_cast %get3A_1462 : vector<1x16xf32> to vector<16xf32>
        %mul3A_1464 = arith.mulf %get3A_1463, %gather3A_169 : vector<16xf32>
        %add3A_1465 = arith.addf %add3A_1457, %mul3A_1464 : vector<16xf32>
        %swap3A_1466 = arith.index_cast %scan3A_99 : i32 to index
        %swap3A_1467 = arith.constant 144 : index
        %swap3A_1468 = tpu.vector_load %arg10[%swap3A_1466, %swap3A_1467] {strides = array<i32>} : memref<8x256xf32, #tpu.memory_space<vmem>>, vector<1x16xf32>,
        %swap3A_1469 = vector.shape_cast %swap3A_1468 : vector<1x16xf32> to vector<16xf32>
        %swap3A_1470 = vector.shape_cast %add3A_1465 : vector<16xf32> to vector<1x16xf32>
        tpu.vector_store %arg10[%swap3A_1466, %swap3A_1467], %swap3A_1470 {strides = array<i32>} : memref<8x256xf32, #tpu.memory_space<vmem>>, vector<1x16xf32>,
        %get3A_1471 = arith.index_cast %mul3A_171 : i32 to index
        %get3A_1472 = arith.constant 160 : index
        %get3A_1473 = tpu.vector_load %arg8[%get3A_1471, %get3A_1472] {strides = array<i32>} : memref<128x256xf32, #tpu.memory_space<vmem>>, vector<1x16xf32>,
        %get3A_1474 = vector.shape_cast %get3A_1473 : vector<1x16xf32> to vector<16xf32>
        %mul3A_1475 = arith.mulf %get3A_1474, %gather3A_109 : vector<16xf32>
        %add3A_1476 = arith.constant 1 : i32
        %add3A_1477 = arith.addi %mul3A_171, %add3A_1476 : i32
        %get3A_1478 = arith.index_cast %add3A_1477 : i32 to index
        %get3A_1479 = arith.constant 160 : index
        %get3A_1480 = tpu.vector_load %arg8[%get3A_1478, %get3A_1479] {strides = array<i32>} : memref<128x256xf32, #tpu.memory_space<vmem>>, vector<1x16xf32>,
        %get3A_1481 = vector.shape_cast %get3A_1480 : vector<1x16xf32> to vector<16xf32>
        %mul3A_1482 = arith.mulf %get3A_1481, %gather3A_113 : vector<16xf32>
        %add3A_1483 = arith.addf %mul3A_1475, %mul3A_1482 : vector<16xf32>
        %add3A_1484 = arith.constant 2 : i32
        %add3A_1485 = arith.addi %mul3A_171, %add3A_1484 : i32
        %get3A_1486 = arith.index_cast %add3A_1485 : i32 to index
        %get3A_1487 = arith.constant 160 : index
        %get3A_1488 = tpu.vector_load %arg8[%get3A_1486, %get3A_1487] {strides = array<i32>} : memref<128x256xf32, #tpu.memory_space<vmem>>, vector<1x16xf32>,
        %get3A_1489 = vector.shape_cast %get3A_1488 : vector<1x16xf32> to vector<16xf32>
        %mul3A_1490 = arith.mulf %get3A_1489, %gather3A_117 : vector<16xf32>
        %add3A_1491 = arith.addf %add3A_1483, %mul3A_1490 : vector<16xf32>
        %add3A_1492 = arith.constant 3 : i32
        %add3A_1493 = arith.addi %mul3A_171, %add3A_1492 : i32
        %get3A_1494 = arith.index_cast %add3A_1493 : i32 to index
        %get3A_1495 = arith.constant 160 : index
        %get3A_1496 = tpu.vector_load %arg8[%get3A_1494, %get3A_1495] {strides = array<i32>} : memref<128x256xf32, #tpu.memory_space<vmem>>, vector<1x16xf32>,
        %get3A_1497 = vector.shape_cast %get3A_1496 : vector<1x16xf32> to vector<16xf32>
        %mul3A_1498 = arith.mulf %get3A_1497, %gather3A_121 : vector<16xf32>
        %add3A_1499 = arith.addf %add3A_1491, %mul3A_1498 : vector<16xf32>
        %add3A_1500 = arith.constant 4 : i32
        %add3A_1501 = arith.addi %mul3A_171, %add3A_1500 : i32
        %get3A_1502 = arith.index_cast %add3A_1501 : i32 to index
        %get3A_1503 = arith.constant 160 : index
        %get3A_1504 = tpu.vector_load %arg8[%get3A_1502, %get3A_1503] {strides = array<i32>} : memref<128x256xf32, #tpu.memory_space<vmem>>, vector<1x16xf32>,
        %get3A_1505 = vector.shape_cast %get3A_1504 : vector<1x16xf32> to vector<16xf32>
        %mul3A_1506 = arith.mulf %get3A_1505, %gather3A_125 : vector<16xf32>
        %add3A_1507 = arith.addf %add3A_1499, %mul3A_1506 : vector<16xf32>
        %add3A_1508 = arith.constant 5 : i32
        %add3A_1509 = arith.addi %mul3A_171, %add3A_1508 : i32
        %get3A_1510 = arith.index_cast %add3A_1509 : i32 to index
        %get3A_1511 = arith.constant 160 : index
        %get3A_1512 = tpu.vector_load %arg8[%get3A_1510, %get3A_1511] {strides = array<i32>} : memref<128x256xf32, #tpu.memory_space<vmem>>, vector<1x16xf32>,
        %get3A_1513 = vector.shape_cast %get3A_1512 : vector<1x16xf32> to vector<16xf32>
        %mul3A_1514 = arith.mulf %get3A_1513, %gather3A_129 : vector<16xf32>
        %add3A_1515 = arith.addf %add3A_1507, %mul3A_1514 : vector<16xf32>
        %add3A_1516 = arith.constant 6 : i32
        %add3A_1517 = arith.addi %mul3A_171, %add3A_1516 : i32
        %get3A_1518 = arith.index_cast %add3A_1517 : i32 to index
        %get3A_1519 = arith.constant 160 : index
        %get3A_1520 = tpu.vector_load %arg8[%get3A_1518, %get3A_1519] {strides = array<i32>} : memref<128x256xf32, #tpu.memory_space<vmem>>, vector<1x16xf32>,
        %get3A_1521 = vector.shape_cast %get3A_1520 : vector<1x16xf32> to vector<16xf32>
        %mul3A_1522 = arith.mulf %get3A_1521, %gather3A_133 : vector<16xf32>
        %add3A_1523 = arith.addf %add3A_1515, %mul3A_1522 : vector<16xf32>
        %add3A_1524 = arith.constant 7 : i32
        %add3A_1525 = arith.addi %mul3A_171, %add3A_1524 : i32
        %get3A_1526 = arith.index_cast %add3A_1525 : i32 to index
        %get3A_1527 = arith.constant 160 : index
        %get3A_1528 = tpu.vector_load %arg8[%get3A_1526, %get3A_1527] {strides = array<i32>} : memref<128x256xf32, #tpu.memory_space<vmem>>, vector<1x16xf32>,
        %get3A_1529 = vector.shape_cast %get3A_1528 : vector<1x16xf32> to vector<16xf32>
        %mul3A_1530 = arith.mulf %get3A_1529, %gather3A_137 : vector<16xf32>
        %add3A_1531 = arith.addf %add3A_1523, %mul3A_1530 : vector<16xf32>
        %add3A_1532 = arith.constant 8 : i32
        %add3A_1533 = arith.addi %mul3A_171, %add3A_1532 : i32
        %get3A_1534 = arith.index_cast %add3A_1533 : i32 to index
        %get3A_1535 = arith.constant 160 : index
        %get3A_1536 = tpu.vector_load %arg8[%get3A_1534, %get3A_1535] {strides = array<i32>} : memref<128x256xf32, #tpu.memory_space<vmem>>, vector<1x16xf32>,
        %get3A_1537 = vector.shape_cast %get3A_1536 : vector<1x16xf32> to vector<16xf32>
        %mul3A_1538 = arith.mulf %get3A_1537, %gather3A_141 : vector<16xf32>
        %add3A_1539 = arith.addf %add3A_1531, %mul3A_1538 : vector<16xf32>
        %add3A_1540 = arith.constant 9 : i32
        %add3A_1541 = arith.addi %mul3A_171, %add3A_1540 : i32
        %get3A_1542 = arith.index_cast %add3A_1541 : i32 to index
        %get3A_1543 = arith.constant 160 : index
        %get3A_1544 = tpu.vector_load %arg8[%get3A_1542, %get3A_1543] {strides = array<i32>} : memref<128x256xf32, #tpu.memory_space<vmem>>, vector<1x16xf32>,
        %get3A_1545 = vector.shape_cast %get3A_1544 : vector<1x16xf32> to vector<16xf32>
        %mul3A_1546 = arith.mulf %get3A_1545, %gather3A_145 : vector<16xf32>
        %add3A_1547 = arith.addf %add3A_1539, %mul3A_1546 : vector<16xf32>
        %add3A_1548 = arith.constant 10 : i32
        %add3A_1549 = arith.addi %mul3A_171, %add3A_1548 : i32
        %get3A_1550 = arith.index_cast %add3A_1549 : i32 to index
        %get3A_1551 = arith.constant 160 : index
        %get3A_1552 = tpu.vector_load %arg8[%get3A_1550, %get3A_1551] {strides = array<i32>} : memref<128x256xf32, #tpu.memory_space<vmem>>, vector<1x16xf32>,
        %get3A_1553 = vector.shape_cast %get3A_1552 : vector<1x16xf32> to vector<16xf32>
        %mul3A_1554 = arith.mulf %get3A_1553, %gather3A_149 : vector<16xf32>
        %add3A_1555 = arith.addf %add3A_1547, %mul3A_1554 : vector<16xf32>
        %add3A_1556 = arith.constant 11 : i32
        %add3A_1557 = arith.addi %mul3A_171, %add3A_1556 : i32
        %get3A_1558 = arith.index_cast %add3A_1557 : i32 to index
        %get3A_1559 = arith.constant 160 : index
        %get3A_1560 = tpu.vector_load %arg8[%get3A_1558, %get3A_1559] {strides = array<i32>} : memref<128x256xf32, #tpu.memory_space<vmem>>, vector<1x16xf32>,
        %get3A_1561 = vector.shape_cast %get3A_1560 : vector<1x16xf32> to vector<16xf32>
        %mul3A_1562 = arith.mulf %get3A_1561, %gather3A_153 : vector<16xf32>
        %add3A_1563 = arith.addf %add3A_1555, %mul3A_1562 : vector<16xf32>
        %add3A_1564 = arith.constant 12 : i32
        %add3A_1565 = arith.addi %mul3A_171, %add3A_1564 : i32
        %get3A_1566 = arith.index_cast %add3A_1565 : i32 to index
        %get3A_1567 = arith.constant 160 : index
        %get3A_1568 = tpu.vector_load %arg8[%get3A_1566, %get3A_1567] {strides = array<i32>} : memref<128x256xf32, #tpu.memory_space<vmem>>, vector<1x16xf32>,
        %get3A_1569 = vector.shape_cast %get3A_1568 : vector<1x16xf32> to vector<16xf32>
        %mul3A_1570 = arith.mulf %get3A_1569, %gather3A_157 : vector<16xf32>
        %add3A_1571 = arith.addf %add3A_1563, %mul3A_1570 : vector<16xf32>
        %add3A_1572 = arith.constant 13 : i32
        %add3A_1573 = arith.addi %mul3A_171, %add3A_1572 : i32
        %get3A_1574 = arith.index_cast %add3A_1573 : i32 to index
        %get3A_1575 = arith.constant 160 : index
        %get3A_1576 = tpu.vector_load %arg8[%get3A_1574, %get3A_1575] {strides = array<i32>} : memref<128x256xf32, #tpu.memory_space<vmem>>, vector<1x16xf32>,
        %get3A_1577 = vector.shape_cast %get3A_1576 : vector<1x16xf32> to vector<16xf32>
        %mul3A_1578 = arith.mulf %get3A_1577, %gather3A_161 : vector<16xf32>
        %add3A_1579 = arith.addf %add3A_1571, %mul3A_1578 : vector<16xf32>
        %add3A_1580 = arith.constant 14 : i32
        %add3A_1581 = arith.addi %mul3A_171, %add3A_1580 : i32
        %get3A_1582 = arith.index_cast %add3A_1581 : i32 to index
        %get3A_1583 = arith.constant 160 : index
        %get3A_1584 = tpu.vector_load %arg8[%get3A_1582, %get3A_1583] {strides = array<i32>} : memref<128x256xf32, #tpu.memory_space<vmem>>, vector<1x16xf32>,
        %get3A_1585 = vector.shape_cast %get3A_1584 : vector<1x16xf32> to vector<16xf32>
        %mul3A_1586 = arith.mulf %get3A_1585, %gather3A_165 : vector<16xf32>
        %add3A_1587 = arith.addf %add3A_1579, %mul3A_1586 : vector<16xf32>
        %add3A_1588 = arith.constant 15 : i32
        %add3A_1589 = arith.addi %mul3A_171, %add3A_1588 : i32
        %get3A_1590 = arith.index_cast %add3A_1589 : i32 to index
        %get3A_1591 = arith.constant 160 : index
        %get3A_1592 = tpu.vector_load %arg8[%get3A_1590, %get3A_1591] {strides = array<i32>} : memref<128x256xf32, #tpu.memory_space<vmem>>, vector<1x16xf32>,
        %get3A_1593 = vector.shape_cast %get3A_1592 : vector<1x16xf32> to vector<16xf32>
        %mul3A_1594 = arith.mulf %get3A_1593, %gather3A_169 : vector<16xf32>
        %add3A_1595 = arith.addf %add3A_1587, %mul3A_1594 : vector<16xf32>
        %swap3A_1596 = arith.index_cast %scan3A_99 : i32 to index
        %swap3A_1597 = arith.constant 160 : index
        %swap3A_1598 = tpu.vector_load %arg10[%swap3A_1596, %swap3A_1597] {strides = array<i32>} : memref<8x256xf32, #tpu.memory_space<vmem>>, vector<1x16xf32>,
        %swap3A_1599 = vector.shape_cast %swap3A_1598 : vector<1x16xf32> to vector<16xf32>
        %swap3A_1600 = vector.shape_cast %add3A_1595 : vector<16xf32> to vector<1x16xf32>
        tpu.vector_store %arg10[%swap3A_1596, %swap3A_1597], %swap3A_1600 {strides = array<i32>} : memref<8x256xf32, #tpu.memory_space<vmem>>, vector<1x16xf32>,
        %get3A_1601 = arith.index_cast %mul3A_171 : i32 to index
        %get3A_1602 = arith.constant 176 : index
        %get3A_1603 = tpu.vector_load %arg8[%get3A_1601, %get3A_1602] {strides = array<i32>} : memref<128x256xf32, #tpu.memory_space<vmem>>, vector<1x16xf32>,
        %get3A_1604 = vector.shape_cast %get3A_1603 : vector<1x16xf32> to vector<16xf32>
        %mul3A_1605 = arith.mulf %get3A_1604, %gather3A_109 : vector<16xf32>
        %add3A_1606 = arith.constant 1 : i32
        %add3A_1607 = arith.addi %mul3A_171, %add3A_1606 : i32
        %get3A_1608 = arith.index_cast %add3A_1607 : i32 to index
        %get3A_1609 = arith.constant 176 : index
        %get3A_1610 = tpu.vector_load %arg8[%get3A_1608, %get3A_1609] {strides = array<i32>} : memref<128x256xf32, #tpu.memory_space<vmem>>, vector<1x16xf32>,
        %get3A_1611 = vector.shape_cast %get3A_1610 : vector<1x16xf32> to vector<16xf32>
        %mul3A_1612 = arith.mulf %get3A_1611, %gather3A_113 : vector<16xf32>
        %add3A_1613 = arith.addf %mul3A_1605, %mul3A_1612 : vector<16xf32>
        %add3A_1614 = arith.constant 2 : i32
        %add3A_1615 = arith.addi %mul3A_171, %add3A_1614 : i32
        %get3A_1616 = arith.index_cast %add3A_1615 : i32 to index
        %get3A_1617 = arith.constant 176 : index
        %get3A_1618 = tpu.vector_load %arg8[%get3A_1616, %get3A_1617] {strides = array<i32>} : memref<128x256xf32, #tpu.memory_space<vmem>>, vector<1x16xf32>,
        %get3A_1619 = vector.shape_cast %get3A_1618 : vector<1x16xf32> to vector<16xf32>
        %mul3A_1620 = arith.mulf %get3A_1619, %gather3A_117 : vector<16xf32>
        %add3A_1621 = arith.addf %add3A_1613, %mul3A_1620 : vector<16xf32>
        %add3A_1622 = arith.constant 3 : i32
        %add3A_1623 = arith.addi %mul3A_171, %add3A_1622 : i32
        %get3A_1624 = arith.index_cast %add3A_1623 : i32 to index
        %get3A_1625 = arith.constant 176 : index
        %get3A_1626 = tpu.vector_load %arg8[%get3A_1624, %get3A_1625] {strides = array<i32>} : memref<128x256xf32, #tpu.memory_space<vmem>>, vector<1x16xf32>,
        %get3A_1627 = vector.shape_cast %get3A_1626 : vector<1x16xf32> to vector<16xf32>
        %mul3A_1628 = arith.mulf %get3A_1627, %gather3A_121 : vector<16xf32>
        %add3A_1629 = arith.addf %add3A_1621, %mul3A_1628 : vector<16xf32>
        %add3A_1630 = arith.constant 4 : i32
        %add3A_1631 = arith.addi %mul3A_171, %add3A_1630 : i32
        %get3A_1632 = arith.index_cast %add3A_1631 : i32 to index
        %get3A_1633 = arith.constant 176 : index
        %get3A_1634 = tpu.vector_load %arg8[%get3A_1632, %get3A_1633] {strides = array<i32>} : memref<128x256xf32, #tpu.memory_space<vmem>>, vector<1x16xf32>,
        %get3A_1635 = vector.shape_cast %get3A_1634 : vector<1x16xf32> to vector<16xf32>
        %mul3A_1636 = arith.mulf %get3A_1635, %gather3A_125 : vector<16xf32>
        %add3A_1637 = arith.addf %add3A_1629, %mul3A_1636 : vector<16xf32>
        %add3A_1638 = arith.constant 5 : i32
        %add3A_1639 = arith.addi %mul3A_171, %add3A_1638 : i32
        %get3A_1640 = arith.index_cast %add3A_1639 : i32 to index
        %get3A_1641 = arith.constant 176 : index
        %get3A_1642 = tpu.vector_load %arg8[%get3A_1640, %get3A_1641] {strides = array<i32>} : memref<128x256xf32, #tpu.memory_space<vmem>>, vector<1x16xf32>,
        %get3A_1643 = vector.shape_cast %get3A_1642 : vector<1x16xf32> to vector<16xf32>
        %mul3A_1644 = arith.mulf %get3A_1643, %gather3A_129 : vector<16xf32>
        %add3A_1645 = arith.addf %add3A_1637, %mul3A_1644 : vector<16xf32>
        %add3A_1646 = arith.constant 6 : i32
        %add3A_1647 = arith.addi %mul3A_171, %add3A_1646 : i32
        %get3A_1648 = arith.index_cast %add3A_1647 : i32 to index
        %get3A_1649 = arith.constant 176 : index
        %get3A_1650 = tpu.vector_load %arg8[%get3A_1648, %get3A_1649] {strides = array<i32>} : memref<128x256xf32, #tpu.memory_space<vmem>>, vector<1x16xf32>,
        %get3A_1651 = vector.shape_cast %get3A_1650 : vector<1x16xf32> to vector<16xf32>
        %mul3A_1652 = arith.mulf %get3A_1651, %gather3A_133 : vector<16xf32>
        %add3A_1653 = arith.addf %add3A_1645, %mul3A_1652 : vector<16xf32>
        %add3A_1654 = arith.constant 7 : i32
        %add3A_1655 = arith.addi %mul3A_171, %add3A_1654 : i32
        %get3A_1656 = arith.index_cast %add3A_1655 : i32 to index
        %get3A_1657 = arith.constant 176 : index
        %get3A_1658 = tpu.vector_load %arg8[%get3A_1656, %get3A_1657] {strides = array<i32>} : memref<128x256xf32, #tpu.memory_space<vmem>>, vector<1x16xf32>,
        %get3A_1659 = vector.shape_cast %get3A_1658 : vector<1x16xf32> to vector<16xf32>
        %mul3A_1660 = arith.mulf %get3A_1659, %gather3A_137 : vector<16xf32>
        %add3A_1661 = arith.addf %add3A_1653, %mul3A_1660 : vector<16xf32>
        %add3A_1662 = arith.constant 8 : i32
        %add3A_1663 = arith.addi %mul3A_171, %add3A_1662 : i32
        %get3A_1664 = arith.index_cast %add3A_1663 : i32 to index
        %get3A_1665 = arith.constant 176 : index
        %get3A_1666 = tpu.vector_load %arg8[%get3A_1664, %get3A_1665] {strides = array<i32>} : memref<128x256xf32, #tpu.memory_space<vmem>>, vector<1x16xf32>,
        %get3A_1667 = vector.shape_cast %get3A_1666 : vector<1x16xf32> to vector<16xf32>
        %mul3A_1668 = arith.mulf %get3A_1667, %gather3A_141 : vector<16xf32>
        %add3A_1669 = arith.addf %add3A_1661, %mul3A_1668 : vector<16xf32>
        %add3A_1670 = arith.constant 9 : i32
        %add3A_1671 = arith.addi %mul3A_171, %add3A_1670 : i32
        %get3A_1672 = arith.index_cast %add3A_1671 : i32 to index
        %get3A_1673 = arith.constant 176 : index
        %get3A_1674 = tpu.vector_load %arg8[%get3A_1672, %get3A_1673] {strides = array<i32>} : memref<128x256xf32, #tpu.memory_space<vmem>>, vector<1x16xf32>,
        %get3A_1675 = vector.shape_cast %get3A_1674 : vector<1x16xf32> to vector<16xf32>
        %mul3A_1676 = arith.mulf %get3A_1675, %gather3A_145 : vector<16xf32>
        %add3A_1677 = arith.addf %add3A_1669, %mul3A_1676 : vector<16xf32>
        %add3A_1678 = arith.constant 10 : i32
        %add3A_1679 = arith.addi %mul3A_171, %add3A_1678 : i32
        %get3A_1680 = arith.index_cast %add3A_1679 : i32 to index
        %get3A_1681 = arith.constant 176 : index
        %get3A_1682 = tpu.vector_load %arg8[%get3A_1680, %get3A_1681] {strides = array<i32>} : memref<128x256xf32, #tpu.memory_space<vmem>>, vector<1x16xf32>,
        %get3A_1683 = vector.shape_cast %get3A_1682 : vector<1x16xf32> to vector<16xf32>
        %mul3A_1684 = arith.mulf %get3A_1683, %gather3A_149 : vector<16xf32>
        %add3A_1685 = arith.addf %add3A_1677, %mul3A_1684 : vector<16xf32>
        %add3A_1686 = arith.constant 11 : i32
        %add3A_1687 = arith.addi %mul3A_171, %add3A_1686 : i32
        %get3A_1688 = arith.index_cast %add3A_1687 : i32 to index
        %get3A_1689 = arith.constant 176 : index
        %get3A_1690 = tpu.vector_load %arg8[%get3A_1688, %get3A_1689] {strides = array<i32>} : memref<128x256xf32, #tpu.memory_space<vmem>>, vector<1x16xf32>,
        %get3A_1691 = vector.shape_cast %get3A_1690 : vector<1x16xf32> to vector<16xf32>
        %mul3A_1692 = arith.mulf %get3A_1691, %gather3A_153 : vector<16xf32>
        %add3A_1693 = arith.addf %add3A_1685, %mul3A_1692 : vector<16xf32>
        %add3A_1694 = arith.constant 12 : i32
        %add3A_1695 = arith.addi %mul3A_171, %add3A_1694 : i32
        %get3A_1696 = arith.index_cast %add3A_1695 : i32 to index
        %get3A_1697 = arith.constant 176 : index
        %get3A_1698 = tpu.vector_load %arg8[%get3A_1696, %get3A_1697] {strides = array<i32>} : memref<128x256xf32, #tpu.memory_space<vmem>>, vector<1x16xf32>,
        %get3A_1699 = vector.shape_cast %get3A_1698 : vector<1x16xf32> to vector<16xf32>
        %mul3A_1700 = arith.mulf %get3A_1699, %gather3A_157 : vector<16xf32>
        %add3A_1701 = arith.addf %add3A_1693, %mul3A_1700 : vector<16xf32>
        %add3A_1702 = arith.constant 13 : i32
        %add3A_1703 = arith.addi %mul3A_171, %add3A_1702 : i32
        %get3A_1704 = arith.index_cast %add3A_1703 : i32 to index
        %get3A_1705 = arith.constant 176 : index
        %get3A_1706 = tpu.vector_load %arg8[%get3A_1704, %get3A_1705] {strides = array<i32>} : memref<128x256xf32, #tpu.memory_space<vmem>>, vector<1x16xf32>,
        %get3A_1707 = vector.shape_cast %get3A_1706 : vector<1x16xf32> to vector<16xf32>
        %mul3A_1708 = arith.mulf %get3A_1707, %gather3A_161 : vector<16xf32>
        %add3A_1709 = arith.addf %add3A_1701, %mul3A_1708 : vector<16xf32>
        %add3A_1710 = arith.constant 14 : i32
        %add3A_1711 = arith.addi %mul3A_171, %add3A_1710 : i32
        %get3A_1712 = arith.index_cast %add3A_1711 : i32 to index
        %get3A_1713 = arith.constant 176 : index
        %get3A_1714 = tpu.vector_load %arg8[%get3A_1712, %get3A_1713] {strides = array<i32>} : memref<128x256xf32, #tpu.memory_space<vmem>>, vector<1x16xf32>,
        %get3A_1715 = vector.shape_cast %get3A_1714 : vector<1x16xf32> to vector<16xf32>
        %mul3A_1716 = arith.mulf %get3A_1715, %gather3A_165 : vector<16xf32>
        %add3A_1717 = arith.addf %add3A_1709, %mul3A_1716 : vector<16xf32>
        %add3A_1718 = arith.constant 15 : i32
        %add3A_1719 = arith.addi %mul3A_171, %add3A_1718 : i32
        %get3A_1720 = arith.index_cast %add3A_1719 : i32 to index
        %get3A_1721 = arith.constant 176 : index
        %get3A_1722 = tpu.vector_load %arg8[%get3A_1720, %get3A_1721] {strides = array<i32>} : memref<128x256xf32, #tpu.memory_space<vmem>>, vector<1x16xf32>,
        %get3A_1723 = vector.shape_cast %get3A_1722 : vector<1x16xf32> to vector<16xf32>
        %mul3A_1724 = arith.mulf %get3A_1723, %gather3A_169 : vector<16xf32>
        %add3A_1725 = arith.addf %add3A_1717, %mul3A_1724 : vector<16xf32>
        %swap3A_1726 = arith.index_cast %scan3A_99 : i32 to index
        %swap3A_1727 = arith.constant 176 : index
        %swap3A_1728 = tpu.vector_load %arg10[%swap3A_1726, %swap3A_1727] {strides = array<i32>} : memref<8x256xf32, #tpu.memory_space<vmem>>, vector<1x16xf32>,
        %swap3A_1729 = vector.shape_cast %swap3A_1728 : vector<1x16xf32> to vector<16xf32>
        %swap3A_1730 = vector.shape_cast %add3A_1725 : vector<16xf32> to vector<1x16xf32>
        tpu.vector_store %arg10[%swap3A_1726, %swap3A_1727], %swap3A_1730 {strides = array<i32>} : memref<8x256xf32, #tpu.memory_space<vmem>>, vector<1x16xf32>,
        %get3A_1731 = arith.index_cast %mul3A_171 : i32 to index
        %get3A_1732 = arith.constant 192 : index
        %get3A_1733 = tpu.vector_load %arg8[%get3A_1731, %get3A_1732] {strides = array<i32>} : memref<128x256xf32, #tpu.memory_space<vmem>>, vector<1x16xf32>,
        %get3A_1734 = vector.shape_cast %get3A_1733 : vector<1x16xf32> to vector<16xf32>
        %mul3A_1735 = arith.mulf %get3A_1734, %gather3A_109 : vector<16xf32>
        %add3A_1736 = arith.constant 1 : i32
        %add3A_1737 = arith.addi %mul3A_171, %add3A_1736 : i32
        %get3A_1738 = arith.index_cast %add3A_1737 : i32 to index
        %get3A_1739 = arith.constant 192 : index
        %get3A_1740 = tpu.vector_load %arg8[%get3A_1738, %get3A_1739] {strides = array<i32>} : memref<128x256xf32, #tpu.memory_space<vmem>>, vector<1x16xf32>,
        %get3A_1741 = vector.shape_cast %get3A_1740 : vector<1x16xf32> to vector<16xf32>
        %mul3A_1742 = arith.mulf %get3A_1741, %gather3A_113 : vector<16xf32>
        %add3A_1743 = arith.addf %mul3A_1735, %mul3A_1742 : vector<16xf32>
        %add3A_1744 = arith.constant 2 : i32
        %add3A_1745 = arith.addi %mul3A_171, %add3A_1744 : i32
        %get3A_1746 = arith.index_cast %add3A_1745 : i32 to index
        %get3A_1747 = arith.constant 192 : index
        %get3A_1748 = tpu.vector_load %arg8[%get3A_1746, %get3A_1747] {strides = array<i32>} : memref<128x256xf32, #tpu.memory_space<vmem>>, vector<1x16xf32>,
        %get3A_1749 = vector.shape_cast %get3A_1748 : vector<1x16xf32> to vector<16xf32>
        %mul3A_1750 = arith.mulf %get3A_1749, %gather3A_117 : vector<16xf32>
        %add3A_1751 = arith.addf %add3A_1743, %mul3A_1750 : vector<16xf32>
        %add3A_1752 = arith.constant 3 : i32
        %add3A_1753 = arith.addi %mul3A_171, %add3A_1752 : i32
        %get3A_1754 = arith.index_cast %add3A_1753 : i32 to index
        %get3A_1755 = arith.constant 192 : index
        %get3A_1756 = tpu.vector_load %arg8[%get3A_1754, %get3A_1755] {strides = array<i32>} : memref<128x256xf32, #tpu.memory_space<vmem>>, vector<1x16xf32>,
        %get3A_1757 = vector.shape_cast %get3A_1756 : vector<1x16xf32> to vector<16xf32>
        %mul3A_1758 = arith.mulf %get3A_1757, %gather3A_121 : vector<16xf32>
        %add3A_1759 = arith.addf %add3A_1751, %mul3A_1758 : vector<16xf32>
        %add3A_1760 = arith.constant 4 : i32
        %add3A_1761 = arith.addi %mul3A_171, %add3A_1760 : i32
        %get3A_1762 = arith.index_cast %add3A_1761 : i32 to index
        %get3A_1763 = arith.constant 192 : index
        %get3A_1764 = tpu.vector_load %arg8[%get3A_1762, %get3A_1763] {strides = array<i32>} : memref<128x256xf32, #tpu.memory_space<vmem>>, vector<1x16xf32>,
        %get3A_1765 = vector.shape_cast %get3A_1764 : vector<1x16xf32> to vector<16xf32>
        %mul3A_1766 = arith.mulf %get3A_1765, %gather3A_125 : vector<16xf32>
        %add3A_1767 = arith.addf %add3A_1759, %mul3A_1766 : vector<16xf32>
        %add3A_1768 = arith.constant 5 : i32
        %add3A_1769 = arith.addi %mul3A_171, %add3A_1768 : i32
        %get3A_1770 = arith.index_cast %add3A_1769 : i32 to index
        %get3A_1771 = arith.constant 192 : index
        %get3A_1772 = tpu.vector_load %arg8[%get3A_1770, %get3A_1771] {strides = array<i32>} : memref<128x256xf32, #tpu.memory_space<vmem>>, vector<1x16xf32>,
        %get3A_1773 = vector.shape_cast %get3A_1772 : vector<1x16xf32> to vector<16xf32>
        %mul3A_1774 = arith.mulf %get3A_1773, %gather3A_129 : vector<16xf32>
        %add3A_1775 = arith.addf %add3A_1767, %mul3A_1774 : vector<16xf32>
        %add3A_1776 = arith.constant 6 : i32
        %add3A_1777 = arith.addi %mul3A_171, %add3A_1776 : i32
        %get3A_1778 = arith.index_cast %add3A_1777 : i32 to index
        %get3A_1779 = arith.constant 192 : index
        %get3A_1780 = tpu.vector_load %arg8[%get3A_1778, %get3A_1779] {strides = array<i32>} : memref<128x256xf32, #tpu.memory_space<vmem>>, vector<1x16xf32>,
        %get3A_1781 = vector.shape_cast %get3A_1780 : vector<1x16xf32> to vector<16xf32>
        %mul3A_1782 = arith.mulf %get3A_1781, %gather3A_133 : vector<16xf32>
        %add3A_1783 = arith.addf %add3A_1775, %mul3A_1782 : vector<16xf32>
        %add3A_1784 = arith.constant 7 : i32
        %add3A_1785 = arith.addi %mul3A_171, %add3A_1784 : i32
        %get3A_1786 = arith.index_cast %add3A_1785 : i32 to index
        %get3A_1787 = arith.constant 192 : index
        %get3A_1788 = tpu.vector_load %arg8[%get3A_1786, %get3A_1787] {strides = array<i32>} : memref<128x256xf32, #tpu.memory_space<vmem>>, vector<1x16xf32>,
        %get3A_1789 = vector.shape_cast %get3A_1788 : vector<1x16xf32> to vector<16xf32>
        %mul3A_1790 = arith.mulf %get3A_1789, %gather3A_137 : vector<16xf32>
        %add3A_1791 = arith.addf %add3A_1783, %mul3A_1790 : vector<16xf32>
        %add3A_1792 = arith.constant 8 : i32
        %add3A_1793 = arith.addi %mul3A_171, %add3A_1792 : i32
        %get3A_1794 = arith.index_cast %add3A_1793 : i32 to index
        %get3A_1795 = arith.constant 192 : index
        %get3A_1796 = tpu.vector_load %arg8[%get3A_1794, %get3A_1795] {strides = array<i32>} : memref<128x256xf32, #tpu.memory_space<vmem>>, vector<1x16xf32>,
        %get3A_1797 = vector.shape_cast %get3A_1796 : vector<1x16xf32> to vector<16xf32>
        %mul3A_1798 = arith.mulf %get3A_1797, %gather3A_141 : vector<16xf32>
        %add3A_1799 = arith.addf %add3A_1791, %mul3A_1798 : vector<16xf32>
        %add3A_1800 = arith.constant 9 : i32
        %add3A_1801 = arith.addi %mul3A_171, %add3A_1800 : i32
        %get3A_1802 = arith.index_cast %add3A_1801 : i32 to index
        %get3A_1803 = arith.constant 192 : index
        %get3A_1804 = tpu.vector_load %arg8[%get3A_1802, %get3A_1803] {strides = array<i32>} : memref<128x256xf32, #tpu.memory_space<vmem>>, vector<1x16xf32>,
        %get3A_1805 = vector.shape_cast %get3A_1804 : vector<1x16xf32> to vector<16xf32>
        %mul3A_1806 = arith.mulf %get3A_1805, %gather3A_145 : vector<16xf32>
        %add3A_1807 = arith.addf %add3A_1799, %mul3A_1806 : vector<16xf32>
        %add3A_1808 = arith.constant 10 : i32
        %add3A_1809 = arith.addi %mul3A_171, %add3A_1808 : i32
        %get3A_1810 = arith.index_cast %add3A_1809 : i32 to index
        %get3A_1811 = arith.constant 192 : index
        %get3A_1812 = tpu.vector_load %arg8[%get3A_1810, %get3A_1811] {strides = array<i32>} : memref<128x256xf32, #tpu.memory_space<vmem>>, vector<1x16xf32>,
        %get3A_1813 = vector.shape_cast %get3A_1812 : vector<1x16xf32> to vector<16xf32>
        %mul3A_1814 = arith.mulf %get3A_1813, %gather3A_149 : vector<16xf32>
        %add3A_1815 = arith.addf %add3A_1807, %mul3A_1814 : vector<16xf32>
        %add3A_1816 = arith.constant 11 : i32
        %add3A_1817 = arith.addi %mul3A_171, %add3A_1816 : i32
        %get3A_1818 = arith.index_cast %add3A_1817 : i32 to index
        %get3A_1819 = arith.constant 192 : index
        %get3A_1820 = tpu.vector_load %arg8[%get3A_1818, %get3A_1819] {strides = array<i32>} : memref<128x256xf32, #tpu.memory_space<vmem>>, vector<1x16xf32>,
        %get3A_1821 = vector.shape_cast %get3A_1820 : vector<1x16xf32> to vector<16xf32>
        %mul3A_1822 = arith.mulf %get3A_1821, %gather3A_153 : vector<16xf32>
        %add3A_1823 = arith.addf %add3A_1815, %mul3A_1822 : vector<16xf32>
        %add3A_1824 = arith.constant 12 : i32
        %add3A_1825 = arith.addi %mul3A_171, %add3A_1824 : i32
        %get3A_1826 = arith.index_cast %add3A_1825 : i32 to index
        %get3A_1827 = arith.constant 192 : index
        %get3A_1828 = tpu.vector_load %arg8[%get3A_1826, %get3A_1827] {strides = array<i32>} : memref<128x256xf32, #tpu.memory_space<vmem>>, vector<1x16xf32>,
        %get3A_1829 = vector.shape_cast %get3A_1828 : vector<1x16xf32> to vector<16xf32>
        %mul3A_1830 = arith.mulf %get3A_1829, %gather3A_157 : vector<16xf32>
        %add3A_1831 = arith.addf %add3A_1823, %mul3A_1830 : vector<16xf32>
        %add3A_1832 = arith.constant 13 : i32
        %add3A_1833 = arith.addi %mul3A_171, %add3A_1832 : i32
        %get3A_1834 = arith.index_cast %add3A_1833 : i32 to index
        %get3A_1835 = arith.constant 192 : index
        %get3A_1836 = tpu.vector_load %arg8[%get3A_1834, %get3A_1835] {strides = array<i32>} : memref<128x256xf32, #tpu.memory_space<vmem>>, vector<1x16xf32>,
        %get3A_1837 = vector.shape_cast %get3A_1836 : vector<1x16xf32> to vector<16xf32>
        %mul3A_1838 = arith.mulf %get3A_1837, %gather3A_161 : vector<16xf32>
        %add3A_1839 = arith.addf %add3A_1831, %mul3A_1838 : vector<16xf32>
        %add3A_1840 = arith.constant 14 : i32
        %add3A_1841 = arith.addi %mul3A_171, %add3A_1840 : i32
        %get3A_1842 = arith.index_cast %add3A_1841 : i32 to index
        %get3A_1843 = arith.constant 192 : index
        %get3A_1844 = tpu.vector_load %arg8[%get3A_1842, %get3A_1843] {strides = array<i32>} : memref<128x256xf32, #tpu.memory_space<vmem>>, vector<1x16xf32>,
        %get3A_1845 = vector.shape_cast %get3A_1844 : vector<1x16xf32> to vector<16xf32>
        %mul3A_1846 = arith.mulf %get3A_1845, %gather3A_165 : vector<16xf32>
        %add3A_1847 = arith.addf %add3A_1839, %mul3A_1846 : vector<16xf32>
        %add3A_1848 = arith.constant 15 : i32
        %add3A_1849 = arith.addi %mul3A_171, %add3A_1848 : i32
        %get3A_1850 = arith.index_cast %add3A_1849 : i32 to index
        %get3A_1851 = arith.constant 192 : index
        %get3A_1852 = tpu.vector_load %arg8[%get3A_1850, %get3A_1851] {strides = array<i32>} : memref<128x256xf32, #tpu.memory_space<vmem>>, vector<1x16xf32>,
        %get3A_1853 = vector.shape_cast %get3A_1852 : vector<1x16xf32> to vector<16xf32>
        %mul3A_1854 = arith.mulf %get3A_1853, %gather3A_169 : vector<16xf32>
        %add3A_1855 = arith.addf %add3A_1847, %mul3A_1854 : vector<16xf32>
        %swap3A_1856 = arith.index_cast %scan3A_99 : i32 to index
        %swap3A_1857 = arith.constant 192 : index
        %swap3A_1858 = tpu.vector_load %arg10[%swap3A_1856, %swap3A_1857] {strides = array<i32>} : memref<8x256xf32, #tpu.memory_space<vmem>>, vector<1x16xf32>,
        %swap3A_1859 = vector.shape_cast %swap3A_1858 : vector<1x16xf32> to vector<16xf32>
        %swap3A_1860 = vector.shape_cast %add3A_1855 : vector<16xf32> to vector<1x16xf32>
        tpu.vector_store %arg10[%swap3A_1856, %swap3A_1857], %swap3A_1860 {strides = array<i32>} : memref<8x256xf32, #tpu.memory_space<vmem>>, vector<1x16xf32>,
        %get3A_1861 = arith.index_cast %mul3A_171 : i32 to index
        %get3A_1862 = arith.constant 208 : index
        %get3A_1863 = tpu.vector_load %arg8[%get3A_1861, %get3A_1862] {strides = array<i32>} : memref<128x256xf32, #tpu.memory_space<vmem>>, vector<1x16xf32>,
        %get3A_1864 = vector.shape_cast %get3A_1863 : vector<1x16xf32> to vector<16xf32>
        %mul3A_1865 = arith.mulf %get3A_1864, %gather3A_109 : vector<16xf32>
        %add3A_1866 = arith.constant 1 : i32
        %add3A_1867 = arith.addi %mul3A_171, %add3A_1866 : i32
        %get3A_1868 = arith.index_cast %add3A_1867 : i32 to index
        %get3A_1869 = arith.constant 208 : index
        %get3A_1870 = tpu.vector_load %arg8[%get3A_1868, %get3A_1869] {strides = array<i32>} : memref<128x256xf32, #tpu.memory_space<vmem>>, vector<1x16xf32>,
        %get3A_1871 = vector.shape_cast %get3A_1870 : vector<1x16xf32> to vector<16xf32>
        %mul3A_1872 = arith.mulf %get3A_1871, %gather3A_113 : vector<16xf32>
        %add3A_1873 = arith.addf %mul3A_1865, %mul3A_1872 : vector<16xf32>
        %add3A_1874 = arith.constant 2 : i32
        %add3A_1875 = arith.addi %mul3A_171, %add3A_1874 : i32
        %get3A_1876 = arith.index_cast %add3A_1875 : i32 to index
        %get3A_1877 = arith.constant 208 : index
        %get3A_1878 = tpu.vector_load %arg8[%get3A_1876, %get3A_1877] {strides = array<i32>} : memref<128x256xf32, #tpu.memory_space<vmem>>, vector<1x16xf32>,
        %get3A_1879 = vector.shape_cast %get3A_1878 : vector<1x16xf32> to vector<16xf32>
        %mul3A_1880 = arith.mulf %get3A_1879, %gather3A_117 : vector<16xf32>
        %add3A_1881 = arith.addf %add3A_1873, %mul3A_1880 : vector<16xf32>
        %add3A_1882 = arith.constant 3 : i32
        %add3A_1883 = arith.addi %mul3A_171, %add3A_1882 : i32
        %get3A_1884 = arith.index_cast %add3A_1883 : i32 to index
        %get3A_1885 = arith.constant 208 : index
        %get3A_1886 = tpu.vector_load %arg8[%get3A_1884, %get3A_1885] {strides = array<i32>} : memref<128x256xf32, #tpu.memory_space<vmem>>, vector<1x16xf32>,
        %get3A_1887 = vector.shape_cast %get3A_1886 : vector<1x16xf32> to vector<16xf32>
        %mul3A_1888 = arith.mulf %get3A_1887, %gather3A_121 : vector<16xf32>
        %add3A_1889 = arith.addf %add3A_1881, %mul3A_1888 : vector<16xf32>
        %add3A_1890 = arith.constant 4 : i32
        %add3A_1891 = arith.addi %mul3A_171, %add3A_1890 : i32
        %get3A_1892 = arith.index_cast %add3A_1891 : i32 to index
        %get3A_1893 = arith.constant 208 : index
        %get3A_1894 = tpu.vector_load %arg8[%get3A_1892, %get3A_1893] {strides = array<i32>} : memref<128x256xf32, #tpu.memory_space<vmem>>, vector<1x16xf32>,
        %get3A_1895 = vector.shape_cast %get3A_1894 : vector<1x16xf32> to vector<16xf32>
        %mul3A_1896 = arith.mulf %get3A_1895, %gather3A_125 : vector<16xf32>
        %add3A_1897 = arith.addf %add3A_1889, %mul3A_1896 : vector<16xf32>
        %add3A_1898 = arith.constant 5 : i32
        %add3A_1899 = arith.addi %mul3A_171, %add3A_1898 : i32
        %get3A_1900 = arith.index_cast %add3A_1899 : i32 to index
        %get3A_1901 = arith.constant 208 : index
        %get3A_1902 = tpu.vector_load %arg8[%get3A_1900, %get3A_1901] {strides = array<i32>} : memref<128x256xf32, #tpu.memory_space<vmem>>, vector<1x16xf32>,
        %get3A_1903 = vector.shape_cast %get3A_1902 : vector<1x16xf32> to vector<16xf32>
        %mul3A_1904 = arith.mulf %get3A_1903, %gather3A_129 : vector<16xf32>
        %add3A_1905 = arith.addf %add3A_1897, %mul3A_1904 : vector<16xf32>
        %add3A_1906 = arith.constant 6 : i32
        %add3A_1907 = arith.addi %mul3A_171, %add3A_1906 : i32
        %get3A_1908 = arith.index_cast %add3A_1907 : i32 to index
        %get3A_1909 = arith.constant 208 : index
        %get3A_1910 = tpu.vector_load %arg8[%get3A_1908, %get3A_1909] {strides = array<i32>} : memref<128x256xf32, #tpu.memory_space<vmem>>, vector<1x16xf32>,
        %get3A_1911 = vector.shape_cast %get3A_1910 : vector<1x16xf32> to vector<16xf32>
        %mul3A_1912 = arith.mulf %get3A_1911, %gather3A_133 : vector<16xf32>
        %add3A_1913 = arith.addf %add3A_1905, %mul3A_1912 : vector<16xf32>
        %add3A_1914 = arith.constant 7 : i32
        %add3A_1915 = arith.addi %mul3A_171, %add3A_1914 : i32
        %get3A_1916 = arith.index_cast %add3A_1915 : i32 to index
        %get3A_1917 = arith.constant 208 : index
        %get3A_1918 = tpu.vector_load %arg8[%get3A_1916, %get3A_1917] {strides = array<i32>} : memref<128x256xf32, #tpu.memory_space<vmem>>, vector<1x16xf32>,
        %get3A_1919 = vector.shape_cast %get3A_1918 : vector<1x16xf32> to vector<16xf32>
        %mul3A_1920 = arith.mulf %get3A_1919, %gather3A_137 : vector<16xf32>
        %add3A_1921 = arith.addf %add3A_1913, %mul3A_1920 : vector<16xf32>
        %add3A_1922 = arith.constant 8 : i32
        %add3A_1923 = arith.addi %mul3A_171, %add3A_1922 : i32
        %get3A_1924 = arith.index_cast %add3A_1923 : i32 to index
        %get3A_1925 = arith.constant 208 : index
        %get3A_1926 = tpu.vector_load %arg8[%get3A_1924, %get3A_1925] {strides = array<i32>} : memref<128x256xf32, #tpu.memory_space<vmem>>, vector<1x16xf32>,
        %get3A_1927 = vector.shape_cast %get3A_1926 : vector<1x16xf32> to vector<16xf32>
        %mul3A_1928 = arith.mulf %get3A_1927, %gather3A_141 : vector<16xf32>
        %add3A_1929 = arith.addf %add3A_1921, %mul3A_1928 : vector<16xf32>
        %add3A_1930 = arith.constant 9 : i32
        %add3A_1931 = arith.addi %mul3A_171, %add3A_1930 : i32
        %get3A_1932 = arith.index_cast %add3A_1931 : i32 to index
        %get3A_1933 = arith.constant 208 : index
        %get3A_1934 = tpu.vector_load %arg8[%get3A_1932, %get3A_1933] {strides = array<i32>} : memref<128x256xf32, #tpu.memory_space<vmem>>, vector<1x16xf32>,
        %get3A_1935 = vector.shape_cast %get3A_1934 : vector<1x16xf32> to vector<16xf32>
        %mul3A_1936 = arith.mulf %get3A_1935, %gather3A_145 : vector<16xf32>
        %add3A_1937 = arith.addf %add3A_1929, %mul3A_1936 : vector<16xf32>
        %add3A_1938 = arith.constant 10 : i32
        %add3A_1939 = arith.addi %mul3A_171, %add3A_1938 : i32
        %get3A_1940 = arith.index_cast %add3A_1939 : i32 to index
        %get3A_1941 = arith.constant 208 : index
        %get3A_1942 = tpu.vector_load %arg8[%get3A_1940, %get3A_1941] {strides = array<i32>} : memref<128x256xf32, #tpu.memory_space<vmem>>, vector<1x16xf32>,
        %get3A_1943 = vector.shape_cast %get3A_1942 : vector<1x16xf32> to vector<16xf32>
        %mul3A_1944 = arith.mulf %get3A_1943, %gather3A_149 : vector<16xf32>
        %add3A_1945 = arith.addf %add3A_1937, %mul3A_1944 : vector<16xf32>
        %add3A_1946 = arith.constant 11 : i32
        %add3A_1947 = arith.addi %mul3A_171, %add3A_1946 : i32
        %get3A_1948 = arith.index_cast %add3A_1947 : i32 to index
        %get3A_1949 = arith.constant 208 : index
        %get3A_1950 = tpu.vector_load %arg8[%get3A_1948, %get3A_1949] {strides = array<i32>} : memref<128x256xf32, #tpu.memory_space<vmem>>, vector<1x16xf32>,
        %get3A_1951 = vector.shape_cast %get3A_1950 : vector<1x16xf32> to vector<16xf32>
        %mul3A_1952 = arith.mulf %get3A_1951, %gather3A_153 : vector<16xf32>
        %add3A_1953 = arith.addf %add3A_1945, %mul3A_1952 : vector<16xf32>
        %add3A_1954 = arith.constant 12 : i32
        %add3A_1955 = arith.addi %mul3A_171, %add3A_1954 : i32
        %get3A_1956 = arith.index_cast %add3A_1955 : i32 to index
        %get3A_1957 = arith.constant 208 : index
        %get3A_1958 = tpu.vector_load %arg8[%get3A_1956, %get3A_1957] {strides = array<i32>} : memref<128x256xf32, #tpu.memory_space<vmem>>, vector<1x16xf32>,
        %get3A_1959 = vector.shape_cast %get3A_1958 : vector<1x16xf32> to vector<16xf32>
        %mul3A_1960 = arith.mulf %get3A_1959, %gather3A_157 : vector<16xf32>
        %add3A_1961 = arith.addf %add3A_1953, %mul3A_1960 : vector<16xf32>
        %add3A_1962 = arith.constant 13 : i32
        %add3A_1963 = arith.addi %mul3A_171, %add3A_1962 : i32
        %get3A_1964 = arith.index_cast %add3A_1963 : i32 to index
        %get3A_1965 = arith.constant 208 : index
        %get3A_1966 = tpu.vector_load %arg8[%get3A_1964, %get3A_1965] {strides = array<i32>} : memref<128x256xf32, #tpu.memory_space<vmem>>, vector<1x16xf32>,
        %get3A_1967 = vector.shape_cast %get3A_1966 : vector<1x16xf32> to vector<16xf32>
        %mul3A_1968 = arith.mulf %get3A_1967, %gather3A_161 : vector<16xf32>
        %add3A_1969 = arith.addf %add3A_1961, %mul3A_1968 : vector<16xf32>
        %add3A_1970 = arith.constant 14 : i32
        %add3A_1971 = arith.addi %mul3A_171, %add3A_1970 : i32
        %get3A_1972 = arith.index_cast %add3A_1971 : i32 to index
        %get3A_1973 = arith.constant 208 : index
        %get3A_1974 = tpu.vector_load %arg8[%get3A_1972, %get3A_1973] {strides = array<i32>} : memref<128x256xf32, #tpu.memory_space<vmem>>, vector<1x16xf32>,
        %get3A_1975 = vector.shape_cast %get3A_1974 : vector<1x16xf32> to vector<16xf32>
        %mul3A_1976 = arith.mulf %get3A_1975, %gather3A_165 : vector<16xf32>
        %add3A_1977 = arith.addf %add3A_1969, %mul3A_1976 : vector<16xf32>
        %add3A_1978 = arith.constant 15 : i32
        %add3A_1979 = arith.addi %mul3A_171, %add3A_1978 : i32
        %get3A_1980 = arith.index_cast %add3A_1979 : i32 to index
        %get3A_1981 = arith.constant 208 : index
        %get3A_1982 = tpu.vector_load %arg8[%get3A_1980, %get3A_1981] {strides = array<i32>} : memref<128x256xf32, #tpu.memory_space<vmem>>, vector<1x16xf32>,
        %get3A_1983 = vector.shape_cast %get3A_1982 : vector<1x16xf32> to vector<16xf32>
        %mul3A_1984 = arith.mulf %get3A_1983, %gather3A_169 : vector<16xf32>
        %add3A_1985 = arith.addf %add3A_1977, %mul3A_1984 : vector<16xf32>
        %swap3A_1986 = arith.index_cast %scan3A_99 : i32 to index
        %swap3A_1987 = arith.constant 208 : index
        %swap3A_1988 = tpu.vector_load %arg10[%swap3A_1986, %swap3A_1987] {strides = array<i32>} : memref<8x256xf32, #tpu.memory_space<vmem>>, vector<1x16xf32>,
        %swap3A_1989 = vector.shape_cast %swap3A_1988 : vector<1x16xf32> to vector<16xf32>
        %swap3A_1990 = vector.shape_cast %add3A_1985 : vector<16xf32> to vector<1x16xf32>
        tpu.vector_store %arg10[%swap3A_1986, %swap3A_1987], %swap3A_1990 {strides = array<i32>} : memref<8x256xf32, #tpu.memory_space<vmem>>, vector<1x16xf32>,
        %get3A_1991 = arith.index_cast %mul3A_171 : i32 to index
        %get3A_1992 = arith.constant 224 : index
        %get3A_1993 = tpu.vector_load %arg8[%get3A_1991, %get3A_1992] {strides = array<i32>} : memref<128x256xf32, #tpu.memory_space<vmem>>, vector<1x16xf32>,
        %get3A_1994 = vector.shape_cast %get3A_1993 : vector<1x16xf32> to vector<16xf32>
        %mul3A_1995 = arith.mulf %get3A_1994, %gather3A_109 : vector<16xf32>
        %add3A_1996 = arith.constant 1 : i32
        %add3A_1997 = arith.addi %mul3A_171, %add3A_1996 : i32
        %get3A_1998 = arith.index_cast %add3A_1997 : i32 to index
        %get3A_1999 = arith.constant 224 : index
        %get3A_2000 = tpu.vector_load %arg8[%get3A_1998, %get3A_1999] {strides = array<i32>} : memref<128x256xf32, #tpu.memory_space<vmem>>, vector<1x16xf32>,
        %get3A_2001 = vector.shape_cast %get3A_2000 : vector<1x16xf32> to vector<16xf32>
        %mul3A_2002 = arith.mulf %get3A_2001, %gather3A_113 : vector<16xf32>
        %add3A_2003 = arith.addf %mul3A_1995, %mul3A_2002 : vector<16xf32>
        %add3A_2004 = arith.constant 2 : i32
        %add3A_2005 = arith.addi %mul3A_171, %add3A_2004 : i32
        %get3A_2006 = arith.index_cast %add3A_2005 : i32 to index
        %get3A_2007 = arith.constant 224 : index
        %get3A_2008 = tpu.vector_load %arg8[%get3A_2006, %get3A_2007] {strides = array<i32>} : memref<128x256xf32, #tpu.memory_space<vmem>>, vector<1x16xf32>,
        %get3A_2009 = vector.shape_cast %get3A_2008 : vector<1x16xf32> to vector<16xf32>
        %mul3A_2010 = arith.mulf %get3A_2009, %gather3A_117 : vector<16xf32>
        %add3A_2011 = arith.addf %add3A_2003, %mul3A_2010 : vector<16xf32>
        %add3A_2012 = arith.constant 3 : i32
        %add3A_2013 = arith.addi %mul3A_171, %add3A_2012 : i32
        %get3A_2014 = arith.index_cast %add3A_2013 : i32 to index
        %get3A_2015 = arith.constant 224 : index
        %get3A_2016 = tpu.vector_load %arg8[%get3A_2014, %get3A_2015] {strides = array<i32>} : memref<128x256xf32, #tpu.memory_space<vmem>>, vector<1x16xf32>,
        %get3A_2017 = vector.shape_cast %get3A_2016 : vector<1x16xf32> to vector<16xf32>
        %mul3A_2018 = arith.mulf %get3A_2017, %gather3A_121 : vector<16xf32>
        %add3A_2019 = arith.addf %add3A_2011, %mul3A_2018 : vector<16xf32>
        %add3A_2020 = arith.constant 4 : i32
        %add3A_2021 = arith.addi %mul3A_171, %add3A_2020 : i32
        %get3A_2022 = arith.index_cast %add3A_2021 : i32 to index
        %get3A_2023 = arith.constant 224 : index
        %get3A_2024 = tpu.vector_load %arg8[%get3A_2022, %get3A_2023] {strides = array<i32>} : memref<128x256xf32, #tpu.memory_space<vmem>>, vector<1x16xf32>,
        %get3A_2025 = vector.shape_cast %get3A_2024 : vector<1x16xf32> to vector<16xf32>
        %mul3A_2026 = arith.mulf %get3A_2025, %gather3A_125 : vector<16xf32>
        %add3A_2027 = arith.addf %add3A_2019, %mul3A_2026 : vector<16xf32>
        %add3A_2028 = arith.constant 5 : i32
        %add3A_2029 = arith.addi %mul3A_171, %add3A_2028 : i32
        %get3A_2030 = arith.index_cast %add3A_2029 : i32 to index
        %get3A_2031 = arith.constant 224 : index
        %get3A_2032 = tpu.vector_load %arg8[%get3A_2030, %get3A_2031] {strides = array<i32>} : memref<128x256xf32, #tpu.memory_space<vmem>>, vector<1x16xf32>,
        %get3A_2033 = vector.shape_cast %get3A_2032 : vector<1x16xf32> to vector<16xf32>
        %mul3A_2034 = arith.mulf %get3A_2033, %gather3A_129 : vector<16xf32>
        %add3A_2035 = arith.addf %add3A_2027, %mul3A_2034 : vector<16xf32>
        %add3A_2036 = arith.constant 6 : i32
        %add3A_2037 = arith.addi %mul3A_171, %add3A_2036 : i32
        %get3A_2038 = arith.index_cast %add3A_2037 : i32 to index
        %get3A_2039 = arith.constant 224 : index
        %get3A_2040 = tpu.vector_load %arg8[%get3A_2038, %get3A_2039] {strides = array<i32>} : memref<128x256xf32, #tpu.memory_space<vmem>>, vector<1x16xf32>,
        %get3A_2041 = vector.shape_cast %get3A_2040 : vector<1x16xf32> to vector<16xf32>
        %mul3A_2042 = arith.mulf %get3A_2041, %gather3A_133 : vector<16xf32>
        %add3A_2043 = arith.addf %add3A_2035, %mul3A_2042 : vector<16xf32>
        %add3A_2044 = arith.constant 7 : i32
        %add3A_2045 = arith.addi %mul3A_171, %add3A_2044 : i32
        %get3A_2046 = arith.index_cast %add3A_2045 : i32 to index
        %get3A_2047 = arith.constant 224 : index
        %get3A_2048 = tpu.vector_load %arg8[%get3A_2046, %get3A_2047] {strides = array<i32>} : memref<128x256xf32, #tpu.memory_space<vmem>>, vector<1x16xf32>,
        %get3A_2049 = vector.shape_cast %get3A_2048 : vector<1x16xf32> to vector<16xf32>
        %mul3A_2050 = arith.mulf %get3A_2049, %gather3A_137 : vector<16xf32>
        %add3A_2051 = arith.addf %add3A_2043, %mul3A_2050 : vector<16xf32>
        %add3A_2052 = arith.constant 8 : i32
        %add3A_2053 = arith.addi %mul3A_171, %add3A_2052 : i32
        %get3A_2054 = arith.index_cast %add3A_2053 : i32 to index
        %get3A_2055 = arith.constant 224 : index
        %get3A_2056 = tpu.vector_load %arg8[%get3A_2054, %get3A_2055] {strides = array<i32>} : memref<128x256xf32, #tpu.memory_space<vmem>>, vector<1x16xf32>,
        %get3A_2057 = vector.shape_cast %get3A_2056 : vector<1x16xf32> to vector<16xf32>
        %mul3A_2058 = arith.mulf %get3A_2057, %gather3A_141 : vector<16xf32>
        %add3A_2059 = arith.addf %add3A_2051, %mul3A_2058 : vector<16xf32>
        %add3A_2060 = arith.constant 9 : i32
        %add3A_2061 = arith.addi %mul3A_171, %add3A_2060 : i32
        %get3A_2062 = arith.index_cast %add3A_2061 : i32 to index
        %get3A_2063 = arith.constant 224 : index
        %get3A_2064 = tpu.vector_load %arg8[%get3A_2062, %get3A_2063] {strides = array<i32>} : memref<128x256xf32, #tpu.memory_space<vmem>>, vector<1x16xf32>,
        %get3A_2065 = vector.shape_cast %get3A_2064 : vector<1x16xf32> to vector<16xf32>
        %mul3A_2066 = arith.mulf %get3A_2065, %gather3A_145 : vector<16xf32>
        %add3A_2067 = arith.addf %add3A_2059, %mul3A_2066 : vector<16xf32>
        %add3A_2068 = arith.constant 10 : i32
        %add3A_2069 = arith.addi %mul3A_171, %add3A_2068 : i32
        %get3A_2070 = arith.index_cast %add3A_2069 : i32 to index
        %get3A_2071 = arith.constant 224 : index
        %get3A_2072 = tpu.vector_load %arg8[%get3A_2070, %get3A_2071] {strides = array<i32>} : memref<128x256xf32, #tpu.memory_space<vmem>>, vector<1x16xf32>,
        %get3A_2073 = vector.shape_cast %get3A_2072 : vector<1x16xf32> to vector<16xf32>
        %mul3A_2074 = arith.mulf %get3A_2073, %gather3A_149 : vector<16xf32>
        %add3A_2075 = arith.addf %add3A_2067, %mul3A_2074 : vector<16xf32>
        %add3A_2076 = arith.constant 11 : i32
        %add3A_2077 = arith.addi %mul3A_171, %add3A_2076 : i32
        %get3A_2078 = arith.index_cast %add3A_2077 : i32 to index
        %get3A_2079 = arith.constant 224 : index
        %get3A_2080 = tpu.vector_load %arg8[%get3A_2078, %get3A_2079] {strides = array<i32>} : memref<128x256xf32, #tpu.memory_space<vmem>>, vector<1x16xf32>,
        %get3A_2081 = vector.shape_cast %get3A_2080 : vector<1x16xf32> to vector<16xf32>
        %mul3A_2082 = arith.mulf %get3A_2081, %gather3A_153 : vector<16xf32>
        %add3A_2083 = arith.addf %add3A_2075, %mul3A_2082 : vector<16xf32>
        %add3A_2084 = arith.constant 12 : i32
        %add3A_2085 = arith.addi %mul3A_171, %add3A_2084 : i32
        %get3A_2086 = arith.index_cast %add3A_2085 : i32 to index
        %get3A_2087 = arith.constant 224 : index
        %get3A_2088 = tpu.vector_load %arg8[%get3A_2086, %get3A_2087] {strides = array<i32>} : memref<128x256xf32, #tpu.memory_space<vmem>>, vector<1x16xf32>,
        %get3A_2089 = vector.shape_cast %get3A_2088 : vector<1x16xf32> to vector<16xf32>
        %mul3A_2090 = arith.mulf %get3A_2089, %gather3A_157 : vector<16xf32>
        %add3A_2091 = arith.addf %add3A_2083, %mul3A_2090 : vector<16xf32>
        %add3A_2092 = arith.constant 13 : i32
        %add3A_2093 = arith.addi %mul3A_171, %add3A_2092 : i32
        %get3A_2094 = arith.index_cast %add3A_2093 : i32 to index
        %get3A_2095 = arith.constant 224 : index
        %get3A_2096 = tpu.vector_load %arg8[%get3A_2094, %get3A_2095] {strides = array<i32>} : memref<128x256xf32, #tpu.memory_space<vmem>>, vector<1x16xf32>,
        %get3A_2097 = vector.shape_cast %get3A_2096 : vector<1x16xf32> to vector<16xf32>
        %mul3A_2098 = arith.mulf %get3A_2097, %gather3A_161 : vector<16xf32>
        %add3A_2099 = arith.addf %add3A_2091, %mul3A_2098 : vector<16xf32>
        %add3A_2100 = arith.constant 14 : i32
        %add3A_2101 = arith.addi %mul3A_171, %add3A_2100 : i32
        %get3A_2102 = arith.index_cast %add3A_2101 : i32 to index
        %get3A_2103 = arith.constant 224 : index
        %get3A_2104 = tpu.vector_load %arg8[%get3A_2102, %get3A_2103] {strides = array<i32>} : memref<128x256xf32, #tpu.memory_space<vmem>>, vector<1x16xf32>,
        %get3A_2105 = vector.shape_cast %get3A_2104 : vector<1x16xf32> to vector<16xf32>
        %mul3A_2106 = arith.mulf %get3A_2105, %gather3A_165 : vector<16xf32>
        %add3A_2107 = arith.addf %add3A_2099, %mul3A_2106 : vector<16xf32>
        %add3A_2108 = arith.constant 15 : i32
        %add3A_2109 = arith.addi %mul3A_171, %add3A_2108 : i32
        %get3A_2110 = arith.index_cast %add3A_2109 : i32 to index
        %get3A_2111 = arith.constant 224 : index
        %get3A_2112 = tpu.vector_load %arg8[%get3A_2110, %get3A_2111] {strides = array<i32>} : memref<128x256xf32, #tpu.memory_space<vmem>>, vector<1x16xf32>,
        %get3A_2113 = vector.shape_cast %get3A_2112 : vector<1x16xf32> to vector<16xf32>
        %mul3A_2114 = arith.mulf %get3A_2113, %gather3A_169 : vector<16xf32>
        %add3A_2115 = arith.addf %add3A_2107, %mul3A_2114 : vector<16xf32>
        %swap3A_2116 = arith.index_cast %scan3A_99 : i32 to index
        %swap3A_2117 = arith.constant 224 : index
        %swap3A_2118 = tpu.vector_load %arg10[%swap3A_2116, %swap3A_2117] {strides = array<i32>} : memref<8x256xf32, #tpu.memory_space<vmem>>, vector<1x16xf32>,
        %swap3A_2119 = vector.shape_cast %swap3A_2118 : vector<1x16xf32> to vector<16xf32>
        %swap3A_2120 = vector.shape_cast %add3A_2115 : vector<16xf32> to vector<1x16xf32>
        tpu.vector_store %arg10[%swap3A_2116, %swap3A_2117], %swap3A_2120 {strides = array<i32>} : memref<8x256xf32, #tpu.memory_space<vmem>>, vector<1x16xf32>,
        %get3A_2121 = arith.index_cast %mul3A_171 : i32 to index
        %get3A_2122 = arith.constant 240 : index
        %get3A_2123 = tpu.vector_load %arg8[%get3A_2121, %get3A_2122] {strides = array<i32>} : memref<128x256xf32, #tpu.memory_space<vmem>>, vector<1x16xf32>,
        %get3A_2124 = vector.shape_cast %get3A_2123 : vector<1x16xf32> to vector<16xf32>
        %mul3A_2125 = arith.mulf %get3A_2124, %gather3A_109 : vector<16xf32>
        %add3A_2126 = arith.constant 1 : i32
        %add3A_2127 = arith.addi %mul3A_171, %add3A_2126 : i32
        %get3A_2128 = arith.index_cast %add3A_2127 : i32 to index
        %get3A_2129 = arith.constant 240 : index
        %get3A_2130 = tpu.vector_load %arg8[%get3A_2128, %get3A_2129] {strides = array<i32>} : memref<128x256xf32, #tpu.memory_space<vmem>>, vector<1x16xf32>,
        %get3A_2131 = vector.shape_cast %get3A_2130 : vector<1x16xf32> to vector<16xf32>
        %mul3A_2132 = arith.mulf %get3A_2131, %gather3A_113 : vector<16xf32>
        %add3A_2133 = arith.addf %mul3A_2125, %mul3A_2132 : vector<16xf32>
        %add3A_2134 = arith.constant 2 : i32
        %add3A_2135 = arith.addi %mul3A_171, %add3A_2134 : i32
        %get3A_2136 = arith.index_cast %add3A_2135 : i32 to index
        %get3A_2137 = arith.constant 240 : index
        %get3A_2138 = tpu.vector_load %arg8[%get3A_2136, %get3A_2137] {strides = array<i32>} : memref<128x256xf32, #tpu.memory_space<vmem>>, vector<1x16xf32>,
        %get3A_2139 = vector.shape_cast %get3A_2138 : vector<1x16xf32> to vector<16xf32>
        %mul3A_2140 = arith.mulf %get3A_2139, %gather3A_117 : vector<16xf32>
        %add3A_2141 = arith.addf %add3A_2133, %mul3A_2140 : vector<16xf32>
        %add3A_2142 = arith.constant 3 : i32
        %add3A_2143 = arith.addi %mul3A_171, %add3A_2142 : i32
        %get3A_2144 = arith.index_cast %add3A_2143 : i32 to index
        %get3A_2145 = arith.constant 240 : index
        %get3A_2146 = tpu.vector_load %arg8[%get3A_2144, %get3A_2145] {strides = array<i32>} : memref<128x256xf32, #tpu.memory_space<vmem>>, vector<1x16xf32>,
        %get3A_2147 = vector.shape_cast %get3A_2146 : vector<1x16xf32> to vector<16xf32>
        %mul3A_2148 = arith.mulf %get3A_2147, %gather3A_121 : vector<16xf32>
        %add3A_2149 = arith.addf %add3A_2141, %mul3A_2148 : vector<16xf32>
        %add3A_2150 = arith.constant 4 : i32
        %add3A_2151 = arith.addi %mul3A_171, %add3A_2150 : i32
        %get3A_2152 = arith.index_cast %add3A_2151 : i32 to index
        %get3A_2153 = arith.constant 240 : index
        %get3A_2154 = tpu.vector_load %arg8[%get3A_2152, %get3A_2153] {strides = array<i32>} : memref<128x256xf32, #tpu.memory_space<vmem>>, vector<1x16xf32>,
        %get3A_2155 = vector.shape_cast %get3A_2154 : vector<1x16xf32> to vector<16xf32>
        %mul3A_2156 = arith.mulf %get3A_2155, %gather3A_125 : vector<16xf32>
        %add3A_2157 = arith.addf %add3A_2149, %mul3A_2156 : vector<16xf32>
        %add3A_2158 = arith.constant 5 : i32
        %add3A_2159 = arith.addi %mul3A_171, %add3A_2158 : i32
        %get3A_2160 = arith.index_cast %add3A_2159 : i32 to index
        %get3A_2161 = arith.constant 240 : index
        %get3A_2162 = tpu.vector_load %arg8[%get3A_2160, %get3A_2161] {strides = array<i32>} : memref<128x256xf32, #tpu.memory_space<vmem>>, vector<1x16xf32>,
        %get3A_2163 = vector.shape_cast %get3A_2162 : vector<1x16xf32> to vector<16xf32>
        %mul3A_2164 = arith.mulf %get3A_2163, %gather3A_129 : vector<16xf32>
        %add3A_2165 = arith.addf %add3A_2157, %mul3A_2164 : vector<16xf32>
        %add3A_2166 = arith.constant 6 : i32
        %add3A_2167 = arith.addi %mul3A_171, %add3A_2166 : i32
        %get3A_2168 = arith.index_cast %add3A_2167 : i32 to index
        %get3A_2169 = arith.constant 240 : index
        %get3A_2170 = tpu.vector_load %arg8[%get3A_2168, %get3A_2169] {strides = array<i32>} : memref<128x256xf32, #tpu.memory_space<vmem>>, vector<1x16xf32>,
        %get3A_2171 = vector.shape_cast %get3A_2170 : vector<1x16xf32> to vector<16xf32>
        %mul3A_2172 = arith.mulf %get3A_2171, %gather3A_133 : vector<16xf32>
        %add3A_2173 = arith.addf %add3A_2165, %mul3A_2172 : vector<16xf32>
        %add3A_2174 = arith.constant 7 : i32
        %add3A_2175 = arith.addi %mul3A_171, %add3A_2174 : i32
        %get3A_2176 = arith.index_cast %add3A_2175 : i32 to index
        %get3A_2177 = arith.constant 240 : index
        %get3A_2178 = tpu.vector_load %arg8[%get3A_2176, %get3A_2177] {strides = array<i32>} : memref<128x256xf32, #tpu.memory_space<vmem>>, vector<1x16xf32>,
        %get3A_2179 = vector.shape_cast %get3A_2178 : vector<1x16xf32> to vector<16xf32>
        %mul3A_2180 = arith.mulf %get3A_2179, %gather3A_137 : vector<16xf32>
        %add3A_2181 = arith.addf %add3A_2173, %mul3A_2180 : vector<16xf32>
        %add3A_2182 = arith.constant 8 : i32
        %add3A_2183 = arith.addi %mul3A_171, %add3A_2182 : i32
        %get3A_2184 = arith.index_cast %add3A_2183 : i32 to index
        %get3A_2185 = arith.constant 240 : index
        %get3A_2186 = tpu.vector_load %arg8[%get3A_2184, %get3A_2185] {strides = array<i32>} : memref<128x256xf32, #tpu.memory_space<vmem>>, vector<1x16xf32>,
        %get3A_2187 = vector.shape_cast %get3A_2186 : vector<1x16xf32> to vector<16xf32>
        %mul3A_2188 = arith.mulf %get3A_2187, %gather3A_141 : vector<16xf32>
        %add3A_2189 = arith.addf %add3A_2181, %mul3A_2188 : vector<16xf32>
        %add3A_2190 = arith.constant 9 : i32
        %add3A_2191 = arith.addi %mul3A_171, %add3A_2190 : i32
        %get3A_2192 = arith.index_cast %add3A_2191 : i32 to index
        %get3A_2193 = arith.constant 240 : index
        %get3A_2194 = tpu.vector_load %arg8[%get3A_2192, %get3A_2193] {strides = array<i32>} : memref<128x256xf32, #tpu.memory_space<vmem>>, vector<1x16xf32>,
        %get3A_2195 = vector.shape_cast %get3A_2194 : vector<1x16xf32> to vector<16xf32>
        %mul3A_2196 = arith.mulf %get3A_2195, %gather3A_145 : vector<16xf32>
        %add3A_2197 = arith.addf %add3A_2189, %mul3A_2196 : vector<16xf32>
        %add3A_2198 = arith.constant 10 : i32
        %add3A_2199 = arith.addi %mul3A_171, %add3A_2198 : i32
        %get3A_2200 = arith.index_cast %add3A_2199 : i32 to index
        %get3A_2201 = arith.constant 240 : index
        %get3A_2202 = tpu.vector_load %arg8[%get3A_2200, %get3A_2201] {strides = array<i32>} : memref<128x256xf32, #tpu.memory_space<vmem>>, vector<1x16xf32>,
        %get3A_2203 = vector.shape_cast %get3A_2202 : vector<1x16xf32> to vector<16xf32>
        %mul3A_2204 = arith.mulf %get3A_2203, %gather3A_149 : vector<16xf32>
        %add3A_2205 = arith.addf %add3A_2197, %mul3A_2204 : vector<16xf32>
        %add3A_2206 = arith.constant 11 : i32
        %add3A_2207 = arith.addi %mul3A_171, %add3A_2206 : i32
        %get3A_2208 = arith.index_cast %add3A_2207 : i32 to index
        %get3A_2209 = arith.constant 240 : index
        %get3A_2210 = tpu.vector_load %arg8[%get3A_2208, %get3A_2209] {strides = array<i32>} : memref<128x256xf32, #tpu.memory_space<vmem>>, vector<1x16xf32>,
        %get3A_2211 = vector.shape_cast %get3A_2210 : vector<1x16xf32> to vector<16xf32>
        %mul3A_2212 = arith.mulf %get3A_2211, %gather3A_153 : vector<16xf32>
        %add3A_2213 = arith.addf %add3A_2205, %mul3A_2212 : vector<16xf32>
        %add3A_2214 = arith.constant 12 : i32
        %add3A_2215 = arith.addi %mul3A_171, %add3A_2214 : i32
        %get3A_2216 = arith.index_cast %add3A_2215 : i32 to index
        %get3A_2217 = arith.constant 240 : index
        %get3A_2218 = tpu.vector_load %arg8[%get3A_2216, %get3A_2217] {strides = array<i32>} : memref<128x256xf32, #tpu.memory_space<vmem>>, vector<1x16xf32>,
        %get3A_2219 = vector.shape_cast %get3A_2218 : vector<1x16xf32> to vector<16xf32>
        %mul3A_2220 = arith.mulf %get3A_2219, %gather3A_157 : vector<16xf32>
        %add3A_2221 = arith.addf %add3A_2213, %mul3A_2220 : vector<16xf32>
        %add3A_2222 = arith.constant 13 : i32
        %add3A_2223 = arith.addi %mul3A_171, %add3A_2222 : i32
        %get3A_2224 = arith.index_cast %add3A_2223 : i32 to index
        %get3A_2225 = arith.constant 240 : index
        %get3A_2226 = tpu.vector_load %arg8[%get3A_2224, %get3A_2225] {strides = array<i32>} : memref<128x256xf32, #tpu.memory_space<vmem>>, vector<1x16xf32>,
        %get3A_2227 = vector.shape_cast %get3A_2226 : vector<1x16xf32> to vector<16xf32>
        %mul3A_2228 = arith.mulf %get3A_2227, %gather3A_161 : vector<16xf32>
        %add3A_2229 = arith.addf %add3A_2221, %mul3A_2228 : vector<16xf32>
        %add3A_2230 = arith.constant 14 : i32
        %add3A_2231 = arith.addi %mul3A_171, %add3A_2230 : i32
        %get3A_2232 = arith.index_cast %add3A_2231 : i32 to index
        %get3A_2233 = arith.constant 240 : index
        %get3A_2234 = tpu.vector_load %arg8[%get3A_2232, %get3A_2233] {strides = array<i32>} : memref<128x256xf32, #tpu.memory_space<vmem>>, vector<1x16xf32>,
        %get3A_2235 = vector.shape_cast %get3A_2234 : vector<1x16xf32> to vector<16xf32>
        %mul3A_2236 = arith.mulf %get3A_2235, %gather3A_165 : vector<16xf32>
        %add3A_2237 = arith.addf %add3A_2229, %mul3A_2236 : vector<16xf32>
        %add3A_2238 = arith.constant 15 : i32
        %add3A_2239 = arith.addi %mul3A_171, %add3A_2238 : i32
        %get3A_2240 = arith.index_cast %add3A_2239 : i32 to index
        %get3A_2241 = arith.constant 240 : index
        %get3A_2242 = tpu.vector_load %arg8[%get3A_2240, %get3A_2241] {strides = array<i32>} : memref<128x256xf32, #tpu.memory_space<vmem>>, vector<1x16xf32>,
        %get3A_2243 = vector.shape_cast %get3A_2242 : vector<1x16xf32> to vector<16xf32>
        %mul3A_2244 = arith.mulf %get3A_2243, %gather3A_169 : vector<16xf32>
        %add3A_2245 = arith.addf %add3A_2237, %mul3A_2244 : vector<16xf32>
        %swap3A_2246 = arith.index_cast %scan3A_99 : i32 to index
        %swap3A_2247 = arith.constant 240 : index
        %swap3A_2248 = tpu.vector_load %arg10[%swap3A_2246, %swap3A_2247] {strides = array<i32>} : memref<8x256xf32, #tpu.memory_space<vmem>>, vector<1x16xf32>,
        %swap3A_2249 = vector.shape_cast %swap3A_2248 : vector<1x16xf32> to vector<16xf32>
        %swap3A_2250 = vector.shape_cast %add3A_2245 : vector<16xf32> to vector<1x16xf32>
        tpu.vector_store %arg10[%swap3A_2246, %swap3A_2247], %swap3A_2250 {strides = array<i32>} : memref<8x256xf32, #tpu.memory_space<vmem>>, vector<1x16xf32>,
        %scan3A_2251 = arith.constant 0 : i32
        scf.yield %scan3A_2251 : i32
      }
      %scan3A_56 = arith.constant 8 : i32
      %add3A_57 = arith.addi %mul3A_2, %add3A_35 : i32
      %mul3A_58 = arith.constant 8 : i32
      %mul3A_59 = arith.muli %add3A_57, %mul3A_58 : i32
      %dma_start3A_60 = arith.constant 0 : i32
      %dma_start3A_61 = tpu.memref_slice %arg5[%mul3A_59, %dma_start3A_60] : memref<49152x256xf32, #tpu.memory_space<hbm>> -> memref<8x256xf32, #tpu.memory_space<hbm>>
      %dma_start3A_62 = arith.constant 0 : i32
      %dma_start3A_63 = tpu.memref_slice %arg5[%mul3A_59, %dma_start3A_62] : memref<49152x256xf32, #tpu.memory_space<hbm>> -> memref<8x256xf32, #tpu.memory_space<hbm>>
      tpu.enqueue_dma source(%arg10 : memref<8x256xf32, #tpu.memory_space<vmem>>) target(%dma_start3A_63 : memref<8x256xf32, #tpu.memory_space<hbm>>) target_semaphore(%arg14 : memref<!tpu.dma_semaphore, #tpu.memory_space<semaphore_mem>>)
      %add3A_64 = arith.constant 1 : i32
      %add3A_65 = arith.addi %mul3A_33, %add3A_64 : i32
      %dma_wait3A_66 = arith.constant 0 : i32
      %dma_wait3A_67 = arith.constant 0 : i32
      %dma_wait3A_68 = tpu.memref_slice %arg2[%dma_wait3A_66, %dma_wait3A_67] : memref<174080x256xf32, #tpu.memory_space<hbm>> -> memref<128x256xf32, #tpu.memory_space<hbm>>
      %dma_wait3A_69 = arith.constant 0 : i32
      %dma_wait3A_70 = arith.constant 0 : i32
      %dma_wait3A_71 = tpu.memref_slice %arg2[%dma_wait3A_69, %dma_wait3A_70] : memref<174080x256xf32, #tpu.memory_space<hbm>> -> memref<128x256xf32, #tpu.memory_space<hbm>>
      tpu.wait_dma2 semaphore(%arg13 : memref<!tpu.dma_semaphore, #tpu.memory_space<semaphore_mem>>) src(%dma_wait3A_71 : memref<128x256xf32, #tpu.memory_space<hbm>>) dst(%arg9 : memref<128x256xf32, #tpu.memory_space<vmem>>)
      %add3A_72 = arith.constant 1 : i32
      %add3A_73 = arith.addi %add3A_65, %add3A_72 : i32
      %lt3A_74 = arith.constant 192 : i32
      %lt3A_75 = arith.cmpi slt, %add3A_73, %lt3A_74 : i32
      %convert_element_type3A_76 = arith.extui %lt3A_75 : i1 to i32
      %cond3A_77 = arith.constant 0 : i32
      %cond3A_78 = arith.cmpi ne, %convert_element_type3A_76, %cond3A_77 : i32
      scf.if %cond3A_78 {
        %add3A_99 = arith.constant 1 : i32
        %add3A_100 = arith.addi %add3A_65, %add3A_99 : i32
        %dma_start3A_101 = arith.constant 0 : i32
        %dma_start3A_102 = tpu.memref_slice %arg6[%add3A_100, %dma_start3A_101] : memref<192x128xi32, #tpu.memory_space<vmem>> -> memref<1x128xi32, #tpu.memory_space<vmem>>
        %dma_start3A_103 = tpu.memref_squeeze %dma_start3A_102 : memref<1x128xi32, #tpu.memory_space<vmem>> -> memref<128xi32, #tpu.memory_space<vmem>>
        %dma_start3A_104 = arith.constant 0 : i32
        %dma_start3A_105 = arith.constant 0 : i32
        %dma_start3A_106 = tpu.memref_slice %arg2[%dma_start3A_104, %dma_start3A_105] : memref<174080x256xf32, #tpu.memory_space<hbm>> -> memref<174080x256xf32, #tpu.memory_space<hbm>>
        tpu.enqueue_indirect_dma source(%dma_start3A_106 : memref<174080x256xf32, #tpu.memory_space<hbm>>) target(%arg8 : memref<128x256xf32, #tpu.memory_space<vmem>>) offsets(%dma_start3A_103 : memref<128xi32, #tpu.memory_space<vmem>>) semaphore(%arg12 : memref<!tpu.dma_semaphore, #tpu.memory_space<semaphore_mem>>)
      } else {
      }
      %ge3A_79 = arith.constant 2 : i32
      %ge3A_80 = arith.cmpi sge, %add3A_65, %ge3A_79 : i32
      %convert_element_type3A_81 = arith.extui %ge3A_80 : i1 to i32
      %cond3A_82 = arith.constant 0 : i32
      %cond3A_83 = arith.cmpi ne, %convert_element_type3A_81, %cond3A_82 : i32
      scf.if %cond3A_83 {
        %dma_wait3A_99 = arith.constant 0 : i32
        %dma_wait3A_100 = arith.constant 0 : i32
        %dma_wait3A_101 = tpu.memref_slice %arg5[%dma_wait3A_99, %dma_wait3A_100] : memref<49152x256xf32, #tpu.memory_space<hbm>> -> memref<8x256xf32, #tpu.memory_space<hbm>>
        %dma_wait3A_102 = arith.constant 0 : i32
        %dma_wait3A_103 = arith.constant 0 : i32
        %dma_wait3A_104 = tpu.memref_slice %arg5[%dma_wait3A_102, %dma_wait3A_103] : memref<49152x256xf32, #tpu.memory_space<hbm>> -> memref<8x256xf32, #tpu.memory_space<hbm>>
        tpu.wait_dma2 semaphore(%arg15 : memref<!tpu.dma_semaphore, #tpu.memory_space<semaphore_mem>>) src(%arg11 : memref<8x256xf32, #tpu.memory_space<vmem>>) dst(%dma_wait3A_104 : memref<8x256xf32, #tpu.memory_space<hbm>>)
      } else {
      }
      %scan3A_84 = arith.constant 0 : i32
      %scan3A_85 = arith.constant 0 : i32
      %scan3A_86 = arith.constant 8 : i32
      %scan3A_87 = arith.addi %scan3A_85, %scan3A_86 : i32
      %scan3A_88 = arith.constant 1 : i32
      %scan3A_89 = scf.for %scan3A_99 = %scan3A_85 to %scan3A_87 step %scan3A_88 iter_args(%scan3A_100 = %scan3A_84) -> (i32)  : i32 {
        %mul3A_101 = arith.constant 8 : i32
        %mul3A_102 = arith.muli %add3A_65, %mul3A_101 : i32
        %add3A_103 = arith.addi %mul3A_102, %scan3A_99 : i32
        %mul3A_104 = arith.constant 16 : i32
        %mul3A_105 = arith.muli %add3A_103, %mul3A_104 : i32
        %get3A = arith.index_cast %mul3A_105 : i32 to index
        %get3A_106 = tpu.vector_load %arg7[%get3A] {strides = array<i32>} : memref<24576xf32, #tpu.memory_space<vmem>>, vector<16xf32>,
        %get3A_107 = vector.shape_cast %get3A_106 : vector<16xf32> to vector<16xf32>
        %broadcast_in_dim3A = arith.constant 0 : i32
        %broadcast_in_dim3A_108 = vector.broadcast %broadcast_in_dim3A : i32 to vector<16x1xi32>
        %gather3A = vector.shape_cast %broadcast_in_dim3A_108 : vector<16x1xi32> to vector<16xi32>
        %gather3A_109 = tpu.dynamic_gather %get3A_107[%gather3A] in [0] : vector<16xf32>, vector<16xi32> -> vector<16xf32>
        %broadcast_in_dim3A_110 = arith.constant 1 : i32
        %broadcast_in_dim3A_111 = vector.broadcast %broadcast_in_dim3A_110 : i32 to vector<16x1xi32>
        %gather3A_112 = vector.shape_cast %broadcast_in_dim3A_111 : vector<16x1xi32> to vector<16xi32>
        %gather3A_113 = tpu.dynamic_gather %get3A_107[%gather3A_112] in [0] : vector<16xf32>, vector<16xi32> -> vector<16xf32>
        %broadcast_in_dim3A_114 = arith.constant 2 : i32
        %broadcast_in_dim3A_115 = vector.broadcast %broadcast_in_dim3A_114 : i32 to vector<16x1xi32>
        %gather3A_116 = vector.shape_cast %broadcast_in_dim3A_115 : vector<16x1xi32> to vector<16xi32>
        %gather3A_117 = tpu.dynamic_gather %get3A_107[%gather3A_116] in [0] : vector<16xf32>, vector<16xi32> -> vector<16xf32>
        %broadcast_in_dim3A_118 = arith.constant 3 : i32
        %broadcast_in_dim3A_119 = vector.broadcast %broadcast_in_dim3A_118 : i32 to vector<16x1xi32>
        %gather3A_120 = vector.shape_cast %broadcast_in_dim3A_119 : vector<16x1xi32> to vector<16xi32>
        %gather3A_121 = tpu.dynamic_gather %get3A_107[%gather3A_120] in [0] : vector<16xf32>, vector<16xi32> -> vector<16xf32>
        %broadcast_in_dim3A_122 = arith.constant 4 : i32
        %broadcast_in_dim3A_123 = vector.broadcast %broadcast_in_dim3A_122 : i32 to vector<16x1xi32>
        %gather3A_124 = vector.shape_cast %broadcast_in_dim3A_123 : vector<16x1xi32> to vector<16xi32>
        %gather3A_125 = tpu.dynamic_gather %get3A_107[%gather3A_124] in [0] : vector<16xf32>, vector<16xi32> -> vector<16xf32>
        %broadcast_in_dim3A_126 = arith.constant 5 : i32
        %broadcast_in_dim3A_127 = vector.broadcast %broadcast_in_dim3A_126 : i32 to vector<16x1xi32>
        %gather3A_128 = vector.shape_cast %broadcast_in_dim3A_127 : vector<16x1xi32> to vector<16xi32>
        %gather3A_129 = tpu.dynamic_gather %get3A_107[%gather3A_128] in [0] : vector<16xf32>, vector<16xi32> -> vector<16xf32>
        %broadcast_in_dim3A_130 = arith.constant 6 : i32
        %broadcast_in_dim3A_131 = vector.broadcast %broadcast_in_dim3A_130 : i32 to vector<16x1xi32>
        %gather3A_132 = vector.shape_cast %broadcast_in_dim3A_131 : vector<16x1xi32> to vector<16xi32>
        %gather3A_133 = tpu.dynamic_gather %get3A_107[%gather3A_132] in [0] : vector<16xf32>, vector<16xi32> -> vector<16xf32>
        %broadcast_in_dim3A_134 = arith.constant 7 : i32
        %broadcast_in_dim3A_135 = vector.broadcast %broadcast_in_dim3A_134 : i32 to vector<16x1xi32>
        %gather3A_136 = vector.shape_cast %broadcast_in_dim3A_135 : vector<16x1xi32> to vector<16xi32>
        %gather3A_137 = tpu.dynamic_gather %get3A_107[%gather3A_136] in [0] : vector<16xf32>, vector<16xi32> -> vector<16xf32>
        %broadcast_in_dim3A_138 = arith.constant 8 : i32
        %broadcast_in_dim3A_139 = vector.broadcast %broadcast_in_dim3A_138 : i32 to vector<16x1xi32>
        %gather3A_140 = vector.shape_cast %broadcast_in_dim3A_139 : vector<16x1xi32> to vector<16xi32>
        %gather3A_141 = tpu.dynamic_gather %get3A_107[%gather3A_140] in [0] : vector<16xf32>, vector<16xi32> -> vector<16xf32>
        %broadcast_in_dim3A_142 = arith.constant 9 : i32
        %broadcast_in_dim3A_143 = vector.broadcast %broadcast_in_dim3A_142 : i32 to vector<16x1xi32>
        %gather3A_144 = vector.shape_cast %broadcast_in_dim3A_143 : vector<16x1xi32> to vector<16xi32>
        %gather3A_145 = tpu.dynamic_gather %get3A_107[%gather3A_144] in [0] : vector<16xf32>, vector<16xi32> -> vector<16xf32>
        %broadcast_in_dim3A_146 = arith.constant 10 : i32
        %broadcast_in_dim3A_147 = vector.broadcast %broadcast_in_dim3A_146 : i32 to vector<16x1xi32>
        %gather3A_148 = vector.shape_cast %broadcast_in_dim3A_147 : vector<16x1xi32> to vector<16xi32>
        %gather3A_149 = tpu.dynamic_gather %get3A_107[%gather3A_148] in [0] : vector<16xf32>, vector<16xi32> -> vector<16xf32>
        %broadcast_in_dim3A_150 = arith.constant 11 : i32
        %broadcast_in_dim3A_151 = vector.broadcast %broadcast_in_dim3A_150 : i32 to vector<16x1xi32>
        %gather3A_152 = vector.shape_cast %broadcast_in_dim3A_151 : vector<16x1xi32> to vector<16xi32>
        %gather3A_153 = tpu.dynamic_gather %get3A_107[%gather3A_152] in [0] : vector<16xf32>, vector<16xi32> -> vector<16xf32>
        %broadcast_in_dim3A_154 = arith.constant 12 : i32
        %broadcast_in_dim3A_155 = vector.broadcast %broadcast_in_dim3A_154 : i32 to vector<16x1xi32>
        %gather3A_156 = vector.shape_cast %broadcast_in_dim3A_155 : vector<16x1xi32> to vector<16xi32>
        %gather3A_157 = tpu.dynamic_gather %get3A_107[%gather3A_156] in [0] : vector<16xf32>, vector<16xi32> -> vector<16xf32>
        %broadcast_in_dim3A_158 = arith.constant 13 : i32
        %broadcast_in_dim3A_159 = vector.broadcast %broadcast_in_dim3A_158 : i32 to vector<16x1xi32>
        %gather3A_160 = vector.shape_cast %broadcast_in_dim3A_159 : vector<16x1xi32> to vector<16xi32>
        %gather3A_161 = tpu.dynamic_gather %get3A_107[%gather3A_160] in [0] : vector<16xf32>, vector<16xi32> -> vector<16xf32>
        %broadcast_in_dim3A_162 = arith.constant 14 : i32
        %broadcast_in_dim3A_163 = vector.broadcast %broadcast_in_dim3A_162 : i32 to vector<16x1xi32>
        %gather3A_164 = vector.shape_cast %broadcast_in_dim3A_163 : vector<16x1xi32> to vector<16xi32>
        %gather3A_165 = tpu.dynamic_gather %get3A_107[%gather3A_164] in [0] : vector<16xf32>, vector<16xi32> -> vector<16xf32>
        %broadcast_in_dim3A_166 = arith.constant 15 : i32
        %broadcast_in_dim3A_167 = vector.broadcast %broadcast_in_dim3A_166 : i32 to vector<16x1xi32>
        %gather3A_168 = vector.shape_cast %broadcast_in_dim3A_167 : vector<16x1xi32> to vector<16xi32>
        %gather3A_169 = tpu.dynamic_gather %get3A_107[%gather3A_168] in [0] : vector<16xf32>, vector<16xi32> -> vector<16xf32>
        %mul3A_170 = arith.constant 16 : i32
        %mul3A_171 = arith.muli %scan3A_99, %mul3A_170 : i32
        %get3A_172 = arith.index_cast %mul3A_171 : i32 to index
        %get3A_173 = arith.constant 0 : index
        %get3A_174 = tpu.vector_load %arg9[%get3A_172, %get3A_173] {strides = array<i32>} : memref<128x256xf32, #tpu.memory_space<vmem>>, vector<1x16xf32>,
        %get3A_175 = vector.shape_cast %get3A_174 : vector<1x16xf32> to vector<16xf32>
        %mul3A_176 = arith.mulf %get3A_175, %gather3A_109 : vector<16xf32>
        %add3A_177 = arith.constant 1 : i32
        %add3A_178 = arith.addi %mul3A_171, %add3A_177 : i32
        %get3A_179 = arith.index_cast %add3A_178 : i32 to index
        %get3A_180 = arith.constant 0 : index
        %get3A_181 = tpu.vector_load %arg9[%get3A_179, %get3A_180] {strides = array<i32>} : memref<128x256xf32, #tpu.memory_space<vmem>>, vector<1x16xf32>,
        %get3A_182 = vector.shape_cast %get3A_181 : vector<1x16xf32> to vector<16xf32>
        %mul3A_183 = arith.mulf %get3A_182, %gather3A_113 : vector<16xf32>
        %add3A_184 = arith.addf %mul3A_176, %mul3A_183 : vector<16xf32>
        %add3A_185 = arith.constant 2 : i32
        %add3A_186 = arith.addi %mul3A_171, %add3A_185 : i32
        %get3A_187 = arith.index_cast %add3A_186 : i32 to index
        %get3A_188 = arith.constant 0 : index
        %get3A_189 = tpu.vector_load %arg9[%get3A_187, %get3A_188] {strides = array<i32>} : memref<128x256xf32, #tpu.memory_space<vmem>>, vector<1x16xf32>,
        %get3A_190 = vector.shape_cast %get3A_189 : vector<1x16xf32> to vector<16xf32>
        %mul3A_191 = arith.mulf %get3A_190, %gather3A_117 : vector<16xf32>
        %add3A_192 = arith.addf %add3A_184, %mul3A_191 : vector<16xf32>
        %add3A_193 = arith.constant 3 : i32
        %add3A_194 = arith.addi %mul3A_171, %add3A_193 : i32
        %get3A_195 = arith.index_cast %add3A_194 : i32 to index
        %get3A_196 = arith.constant 0 : index
        %get3A_197 = tpu.vector_load %arg9[%get3A_195, %get3A_196] {strides = array<i32>} : memref<128x256xf32, #tpu.memory_space<vmem>>, vector<1x16xf32>,
        %get3A_198 = vector.shape_cast %get3A_197 : vector<1x16xf32> to vector<16xf32>
        %mul3A_199 = arith.mulf %get3A_198, %gather3A_121 : vector<16xf32>
        %add3A_200 = arith.addf %add3A_192, %mul3A_199 : vector<16xf32>
        %add3A_201 = arith.constant 4 : i32
        %add3A_202 = arith.addi %mul3A_171, %add3A_201 : i32
        %get3A_203 = arith.index_cast %add3A_202 : i32 to index
        %get3A_204 = arith.constant 0 : index
        %get3A_205 = tpu.vector_load %arg9[%get3A_203, %get3A_204] {strides = array<i32>} : memref<128x256xf32, #tpu.memory_space<vmem>>, vector<1x16xf32>,
        %get3A_206 = vector.shape_cast %get3A_205 : vector<1x16xf32> to vector<16xf32>
        %mul3A_207 = arith.mulf %get3A_206, %gather3A_125 : vector<16xf32>
        %add3A_208 = arith.addf %add3A_200, %mul3A_207 : vector<16xf32>
        %add3A_209 = arith.constant 5 : i32
        %add3A_210 = arith.addi %mul3A_171, %add3A_209 : i32
        %get3A_211 = arith.index_cast %add3A_210 : i32 to index
        %get3A_212 = arith.constant 0 : index
        %get3A_213 = tpu.vector_load %arg9[%get3A_211, %get3A_212] {strides = array<i32>} : memref<128x256xf32, #tpu.memory_space<vmem>>, vector<1x16xf32>,
        %get3A_214 = vector.shape_cast %get3A_213 : vector<1x16xf32> to vector<16xf32>
        %mul3A_215 = arith.mulf %get3A_214, %gather3A_129 : vector<16xf32>
        %add3A_216 = arith.addf %add3A_208, %mul3A_215 : vector<16xf32>
        %add3A_217 = arith.constant 6 : i32
        %add3A_218 = arith.addi %mul3A_171, %add3A_217 : i32
        %get3A_219 = arith.index_cast %add3A_218 : i32 to index
        %get3A_220 = arith.constant 0 : index
        %get3A_221 = tpu.vector_load %arg9[%get3A_219, %get3A_220] {strides = array<i32>} : memref<128x256xf32, #tpu.memory_space<vmem>>, vector<1x16xf32>,
        %get3A_222 = vector.shape_cast %get3A_221 : vector<1x16xf32> to vector<16xf32>
        %mul3A_223 = arith.mulf %get3A_222, %gather3A_133 : vector<16xf32>
        %add3A_224 = arith.addf %add3A_216, %mul3A_223 : vector<16xf32>
        %add3A_225 = arith.constant 7 : i32
        %add3A_226 = arith.addi %mul3A_171, %add3A_225 : i32
        %get3A_227 = arith.index_cast %add3A_226 : i32 to index
        %get3A_228 = arith.constant 0 : index
        %get3A_229 = tpu.vector_load %arg9[%get3A_227, %get3A_228] {strides = array<i32>} : memref<128x256xf32, #tpu.memory_space<vmem>>, vector<1x16xf32>,
        %get3A_230 = vector.shape_cast %get3A_229 : vector<1x16xf32> to vector<16xf32>
        %mul3A_231 = arith.mulf %get3A_230, %gather3A_137 : vector<16xf32>
        %add3A_232 = arith.addf %add3A_224, %mul3A_231 : vector<16xf32>
        %add3A_233 = arith.constant 8 : i32
        %add3A_234 = arith.addi %mul3A_171, %add3A_233 : i32
        %get3A_235 = arith.index_cast %add3A_234 : i32 to index
        %get3A_236 = arith.constant 0 : index
        %get3A_237 = tpu.vector_load %arg9[%get3A_235, %get3A_236] {strides = array<i32>} : memref<128x256xf32, #tpu.memory_space<vmem>>, vector<1x16xf32>,
        %get3A_238 = vector.shape_cast %get3A_237 : vector<1x16xf32> to vector<16xf32>
        %mul3A_239 = arith.mulf %get3A_238, %gather3A_141 : vector<16xf32>
        %add3A_240 = arith.addf %add3A_232, %mul3A_239 : vector<16xf32>
        %add3A_241 = arith.constant 9 : i32
        %add3A_242 = arith.addi %mul3A_171, %add3A_241 : i32
        %get3A_243 = arith.index_cast %add3A_242 : i32 to index
        %get3A_244 = arith.constant 0 : index
        %get3A_245 = tpu.vector_load %arg9[%get3A_243, %get3A_244] {strides = array<i32>} : memref<128x256xf32, #tpu.memory_space<vmem>>, vector<1x16xf32>,
        %get3A_246 = vector.shape_cast %get3A_245 : vector<1x16xf32> to vector<16xf32>
        %mul3A_247 = arith.mulf %get3A_246, %gather3A_145 : vector<16xf32>
        %add3A_248 = arith.addf %add3A_240, %mul3A_247 : vector<16xf32>
        %add3A_249 = arith.constant 10 : i32
        %add3A_250 = arith.addi %mul3A_171, %add3A_249 : i32
        %get3A_251 = arith.index_cast %add3A_250 : i32 to index
        %get3A_252 = arith.constant 0 : index
        %get3A_253 = tpu.vector_load %arg9[%get3A_251, %get3A_252] {strides = array<i32>} : memref<128x256xf32, #tpu.memory_space<vmem>>, vector<1x16xf32>,
        %get3A_254 = vector.shape_cast %get3A_253 : vector<1x16xf32> to vector<16xf32>
        %mul3A_255 = arith.mulf %get3A_254, %gather3A_149 : vector<16xf32>
        %add3A_256 = arith.addf %add3A_248, %mul3A_255 : vector<16xf32>
        %add3A_257 = arith.constant 11 : i32
        %add3A_258 = arith.addi %mul3A_171, %add3A_257 : i32
        %get3A_259 = arith.index_cast %add3A_258 : i32 to index
        %get3A_260 = arith.constant 0 : index
        %get3A_261 = tpu.vector_load %arg9[%get3A_259, %get3A_260] {strides = array<i32>} : memref<128x256xf32, #tpu.memory_space<vmem>>, vector<1x16xf32>,
        %get3A_262 = vector.shape_cast %get3A_261 : vector<1x16xf32> to vector<16xf32>
        %mul3A_263 = arith.mulf %get3A_262, %gather3A_153 : vector<16xf32>
        %add3A_264 = arith.addf %add3A_256, %mul3A_263 : vector<16xf32>
        %add3A_265 = arith.constant 12 : i32
        %add3A_266 = arith.addi %mul3A_171, %add3A_265 : i32
        %get3A_267 = arith.index_cast %add3A_266 : i32 to index
        %get3A_268 = arith.constant 0 : index
        %get3A_269 = tpu.vector_load %arg9[%get3A_267, %get3A_268] {strides = array<i32>} : memref<128x256xf32, #tpu.memory_space<vmem>>, vector<1x16xf32>,
        %get3A_270 = vector.shape_cast %get3A_269 : vector<1x16xf32> to vector<16xf32>
        %mul3A_271 = arith.mulf %get3A_270, %gather3A_157 : vector<16xf32>
        %add3A_272 = arith.addf %add3A_264, %mul3A_271 : vector<16xf32>
        %add3A_273 = arith.constant 13 : i32
        %add3A_274 = arith.addi %mul3A_171, %add3A_273 : i32
        %get3A_275 = arith.index_cast %add3A_274 : i32 to index
        %get3A_276 = arith.constant 0 : index
        %get3A_277 = tpu.vector_load %arg9[%get3A_275, %get3A_276] {strides = array<i32>} : memref<128x256xf32, #tpu.memory_space<vmem>>, vector<1x16xf32>,
        %get3A_278 = vector.shape_cast %get3A_277 : vector<1x16xf32> to vector<16xf32>
        %mul3A_279 = arith.mulf %get3A_278, %gather3A_161 : vector<16xf32>
        %add3A_280 = arith.addf %add3A_272, %mul3A_279 : vector<16xf32>
        %add3A_281 = arith.constant 14 : i32
        %add3A_282 = arith.addi %mul3A_171, %add3A_281 : i32
        %get3A_283 = arith.index_cast %add3A_282 : i32 to index
        %get3A_284 = arith.constant 0 : index
        %get3A_285 = tpu.vector_load %arg9[%get3A_283, %get3A_284] {strides = array<i32>} : memref<128x256xf32, #tpu.memory_space<vmem>>, vector<1x16xf32>,
        %get3A_286 = vector.shape_cast %get3A_285 : vector<1x16xf32> to vector<16xf32>
        %mul3A_287 = arith.mulf %get3A_286, %gather3A_165 : vector<16xf32>
        %add3A_288 = arith.addf %add3A_280, %mul3A_287 : vector<16xf32>
        %add3A_289 = arith.constant 15 : i32
        %add3A_290 = arith.addi %mul3A_171, %add3A_289 : i32
        %get3A_291 = arith.index_cast %add3A_290 : i32 to index
        %get3A_292 = arith.constant 0 : index
        %get3A_293 = tpu.vector_load %arg9[%get3A_291, %get3A_292] {strides = array<i32>} : memref<128x256xf32, #tpu.memory_space<vmem>>, vector<1x16xf32>,
        %get3A_294 = vector.shape_cast %get3A_293 : vector<1x16xf32> to vector<16xf32>
        %mul3A_295 = arith.mulf %get3A_294, %gather3A_169 : vector<16xf32>
        %add3A_296 = arith.addf %add3A_288, %mul3A_295 : vector<16xf32>
        %swap3A = arith.index_cast %scan3A_99 : i32 to index
        %swap3A_297 = arith.constant 0 : index
        %swap3A_298 = tpu.vector_load %arg11[%swap3A, %swap3A_297] {strides = array<i32>} : memref<8x256xf32, #tpu.memory_space<vmem>>, vector<1x16xf32>,
        %swap3A_299 = vector.shape_cast %swap3A_298 : vector<1x16xf32> to vector<16xf32>
        %swap3A_300 = vector.shape_cast %add3A_296 : vector<16xf32> to vector<1x16xf32>
        tpu.vector_store %arg11[%swap3A, %swap3A_297], %swap3A_300 {strides = array<i32>} : memref<8x256xf32, #tpu.memory_space<vmem>>, vector<1x16xf32>,
        %get3A_301 = arith.index_cast %mul3A_171 : i32 to index
        %get3A_302 = arith.constant 16 : index
        %get3A_303 = tpu.vector_load %arg9[%get3A_301, %get3A_302] {strides = array<i32>} : memref<128x256xf32, #tpu.memory_space<vmem>>, vector<1x16xf32>,
        %get3A_304 = vector.shape_cast %get3A_303 : vector<1x16xf32> to vector<16xf32>
        %mul3A_305 = arith.mulf %get3A_304, %gather3A_109 : vector<16xf32>
        %add3A_306 = arith.constant 1 : i32
        %add3A_307 = arith.addi %mul3A_171, %add3A_306 : i32
        %get3A_308 = arith.index_cast %add3A_307 : i32 to index
        %get3A_309 = arith.constant 16 : index
        %get3A_310 = tpu.vector_load %arg9[%get3A_308, %get3A_309] {strides = array<i32>} : memref<128x256xf32, #tpu.memory_space<vmem>>, vector<1x16xf32>,
        %get3A_311 = vector.shape_cast %get3A_310 : vector<1x16xf32> to vector<16xf32>
        %mul3A_312 = arith.mulf %get3A_311, %gather3A_113 : vector<16xf32>
        %add3A_313 = arith.addf %mul3A_305, %mul3A_312 : vector<16xf32>
        %add3A_314 = arith.constant 2 : i32
        %add3A_315 = arith.addi %mul3A_171, %add3A_314 : i32
        %get3A_316 = arith.index_cast %add3A_315 : i32 to index
        %get3A_317 = arith.constant 16 : index
        %get3A_318 = tpu.vector_load %arg9[%get3A_316, %get3A_317] {strides = array<i32>} : memref<128x256xf32, #tpu.memory_space<vmem>>, vector<1x16xf32>,
        %get3A_319 = vector.shape_cast %get3A_318 : vector<1x16xf32> to vector<16xf32>
        %mul3A_320 = arith.mulf %get3A_319, %gather3A_117 : vector<16xf32>
        %add3A_321 = arith.addf %add3A_313, %mul3A_320 : vector<16xf32>
        %add3A_322 = arith.constant 3 : i32
        %add3A_323 = arith.addi %mul3A_171, %add3A_322 : i32
        %get3A_324 = arith.index_cast %add3A_323 : i32 to index
        %get3A_325 = arith.constant 16 : index
        %get3A_326 = tpu.vector_load %arg9[%get3A_324, %get3A_325] {strides = array<i32>} : memref<128x256xf32, #tpu.memory_space<vmem>>, vector<1x16xf32>,
        %get3A_327 = vector.shape_cast %get3A_326 : vector<1x16xf32> to vector<16xf32>
        %mul3A_328 = arith.mulf %get3A_327, %gather3A_121 : vector<16xf32>
        %add3A_329 = arith.addf %add3A_321, %mul3A_328 : vector<16xf32>
        %add3A_330 = arith.constant 4 : i32
        %add3A_331 = arith.addi %mul3A_171, %add3A_330 : i32
        %get3A_332 = arith.index_cast %add3A_331 : i32 to index
        %get3A_333 = arith.constant 16 : index
        %get3A_334 = tpu.vector_load %arg9[%get3A_332, %get3A_333] {strides = array<i32>} : memref<128x256xf32, #tpu.memory_space<vmem>>, vector<1x16xf32>,
        %get3A_335 = vector.shape_cast %get3A_334 : vector<1x16xf32> to vector<16xf32>
        %mul3A_336 = arith.mulf %get3A_335, %gather3A_125 : vector<16xf32>
        %add3A_337 = arith.addf %add3A_329, %mul3A_336 : vector<16xf32>
        %add3A_338 = arith.constant 5 : i32
        %add3A_339 = arith.addi %mul3A_171, %add3A_338 : i32
        %get3A_340 = arith.index_cast %add3A_339 : i32 to index
        %get3A_341 = arith.constant 16 : index
        %get3A_342 = tpu.vector_load %arg9[%get3A_340, %get3A_341] {strides = array<i32>} : memref<128x256xf32, #tpu.memory_space<vmem>>, vector<1x16xf32>,
        %get3A_343 = vector.shape_cast %get3A_342 : vector<1x16xf32> to vector<16xf32>
        %mul3A_344 = arith.mulf %get3A_343, %gather3A_129 : vector<16xf32>
        %add3A_345 = arith.addf %add3A_337, %mul3A_344 : vector<16xf32>
        %add3A_346 = arith.constant 6 : i32
        %add3A_347 = arith.addi %mul3A_171, %add3A_346 : i32
        %get3A_348 = arith.index_cast %add3A_347 : i32 to index
        %get3A_349 = arith.constant 16 : index
        %get3A_350 = tpu.vector_load %arg9[%get3A_348, %get3A_349] {strides = array<i32>} : memref<128x256xf32, #tpu.memory_space<vmem>>, vector<1x16xf32>,
        %get3A_351 = vector.shape_cast %get3A_350 : vector<1x16xf32> to vector<16xf32>
        %mul3A_352 = arith.mulf %get3A_351, %gather3A_133 : vector<16xf32>
        %add3A_353 = arith.addf %add3A_345, %mul3A_352 : vector<16xf32>
        %add3A_354 = arith.constant 7 : i32
        %add3A_355 = arith.addi %mul3A_171, %add3A_354 : i32
        %get3A_356 = arith.index_cast %add3A_355 : i32 to index
        %get3A_357 = arith.constant 16 : index
        %get3A_358 = tpu.vector_load %arg9[%get3A_356, %get3A_357] {strides = array<i32>} : memref<128x256xf32, #tpu.memory_space<vmem>>, vector<1x16xf32>,
        %get3A_359 = vector.shape_cast %get3A_358 : vector<1x16xf32> to vector<16xf32>
        %mul3A_360 = arith.mulf %get3A_359, %gather3A_137 : vector<16xf32>
        %add3A_361 = arith.addf %add3A_353, %mul3A_360 : vector<16xf32>
        %add3A_362 = arith.constant 8 : i32
        %add3A_363 = arith.addi %mul3A_171, %add3A_362 : i32
        %get3A_364 = arith.index_cast %add3A_363 : i32 to index
        %get3A_365 = arith.constant 16 : index
        %get3A_366 = tpu.vector_load %arg9[%get3A_364, %get3A_365] {strides = array<i32>} : memref<128x256xf32, #tpu.memory_space<vmem>>, vector<1x16xf32>,
        %get3A_367 = vector.shape_cast %get3A_366 : vector<1x16xf32> to vector<16xf32>
        %mul3A_368 = arith.mulf %get3A_367, %gather3A_141 : vector<16xf32>
        %add3A_369 = arith.addf %add3A_361, %mul3A_368 : vector<16xf32>
        %add3A_370 = arith.constant 9 : i32
        %add3A_371 = arith.addi %mul3A_171, %add3A_370 : i32
        %get3A_372 = arith.index_cast %add3A_371 : i32 to index
        %get3A_373 = arith.constant 16 : index
        %get3A_374 = tpu.vector_load %arg9[%get3A_372, %get3A_373] {strides = array<i32>} : memref<128x256xf32, #tpu.memory_space<vmem>>, vector<1x16xf32>,
        %get3A_375 = vector.shape_cast %get3A_374 : vector<1x16xf32> to vector<16xf32>
        %mul3A_376 = arith.mulf %get3A_375, %gather3A_145 : vector<16xf32>
        %add3A_377 = arith.addf %add3A_369, %mul3A_376 : vector<16xf32>
        %add3A_378 = arith.constant 10 : i32
        %add3A_379 = arith.addi %mul3A_171, %add3A_378 : i32
        %get3A_380 = arith.index_cast %add3A_379 : i32 to index
        %get3A_381 = arith.constant 16 : index
        %get3A_382 = tpu.vector_load %arg9[%get3A_380, %get3A_381] {strides = array<i32>} : memref<128x256xf32, #tpu.memory_space<vmem>>, vector<1x16xf32>,
        %get3A_383 = vector.shape_cast %get3A_382 : vector<1x16xf32> to vector<16xf32>
        %mul3A_384 = arith.mulf %get3A_383, %gather3A_149 : vector<16xf32>
        %add3A_385 = arith.addf %add3A_377, %mul3A_384 : vector<16xf32>
        %add3A_386 = arith.constant 11 : i32
        %add3A_387 = arith.addi %mul3A_171, %add3A_386 : i32
        %get3A_388 = arith.index_cast %add3A_387 : i32 to index
        %get3A_389 = arith.constant 16 : index
        %get3A_390 = tpu.vector_load %arg9[%get3A_388, %get3A_389] {strides = array<i32>} : memref<128x256xf32, #tpu.memory_space<vmem>>, vector<1x16xf32>,
        %get3A_391 = vector.shape_cast %get3A_390 : vector<1x16xf32> to vector<16xf32>
        %mul3A_392 = arith.mulf %get3A_391, %gather3A_153 : vector<16xf32>
        %add3A_393 = arith.addf %add3A_385, %mul3A_392 : vector<16xf32>
        %add3A_394 = arith.constant 12 : i32
        %add3A_395 = arith.addi %mul3A_171, %add3A_394 : i32
        %get3A_396 = arith.index_cast %add3A_395 : i32 to index
        %get3A_397 = arith.constant 16 : index
        %get3A_398 = tpu.vector_load %arg9[%get3A_396, %get3A_397] {strides = array<i32>} : memref<128x256xf32, #tpu.memory_space<vmem>>, vector<1x16xf32>,
        %get3A_399 = vector.shape_cast %get3A_398 : vector<1x16xf32> to vector<16xf32>
        %mul3A_400 = arith.mulf %get3A_399, %gather3A_157 : vector<16xf32>
        %add3A_401 = arith.addf %add3A_393, %mul3A_400 : vector<16xf32>
        %add3A_402 = arith.constant 13 : i32
        %add3A_403 = arith.addi %mul3A_171, %add3A_402 : i32
        %get3A_404 = arith.index_cast %add3A_403 : i32 to index
        %get3A_405 = arith.constant 16 : index
        %get3A_406 = tpu.vector_load %arg9[%get3A_404, %get3A_405] {strides = array<i32>} : memref<128x256xf32, #tpu.memory_space<vmem>>, vector<1x16xf32>,
        %get3A_407 = vector.shape_cast %get3A_406 : vector<1x16xf32> to vector<16xf32>
        %mul3A_408 = arith.mulf %get3A_407, %gather3A_161 : vector<16xf32>
        %add3A_409 = arith.addf %add3A_401, %mul3A_408 : vector<16xf32>
        %add3A_410 = arith.constant 14 : i32
        %add3A_411 = arith.addi %mul3A_171, %add3A_410 : i32
        %get3A_412 = arith.index_cast %add3A_411 : i32 to index
        %get3A_413 = arith.constant 16 : index
        %get3A_414 = tpu.vector_load %arg9[%get3A_412, %get3A_413] {strides = array<i32>} : memref<128x256xf32, #tpu.memory_space<vmem>>, vector<1x16xf32>,
        %get3A_415 = vector.shape_cast %get3A_414 : vector<1x16xf32> to vector<16xf32>
        %mul3A_416 = arith.mulf %get3A_415, %gather3A_165 : vector<16xf32>
        %add3A_417 = arith.addf %add3A_409, %mul3A_416 : vector<16xf32>
        %add3A_418 = arith.constant 15 : i32
        %add3A_419 = arith.addi %mul3A_171, %add3A_418 : i32
        %get3A_420 = arith.index_cast %add3A_419 : i32 to index
        %get3A_421 = arith.constant 16 : index
        %get3A_422 = tpu.vector_load %arg9[%get3A_420, %get3A_421] {strides = array<i32>} : memref<128x256xf32, #tpu.memory_space<vmem>>, vector<1x16xf32>,
        %get3A_423 = vector.shape_cast %get3A_422 : vector<1x16xf32> to vector<16xf32>
        %mul3A_424 = arith.mulf %get3A_423, %gather3A_169 : vector<16xf32>
        %add3A_425 = arith.addf %add3A_417, %mul3A_424 : vector<16xf32>
        %swap3A_426 = arith.index_cast %scan3A_99 : i32 to index
        %swap3A_427 = arith.constant 16 : index
        %swap3A_428 = tpu.vector_load %arg11[%swap3A_426, %swap3A_427] {strides = array<i32>} : memref<8x256xf32, #tpu.memory_space<vmem>>, vector<1x16xf32>,
        %swap3A_429 = vector.shape_cast %swap3A_428 : vector<1x16xf32> to vector<16xf32>
        %swap3A_430 = vector.shape_cast %add3A_425 : vector<16xf32> to vector<1x16xf32>
        tpu.vector_store %arg11[%swap3A_426, %swap3A_427], %swap3A_430 {strides = array<i32>} : memref<8x256xf32, #tpu.memory_space<vmem>>, vector<1x16xf32>,
        %get3A_431 = arith.index_cast %mul3A_171 : i32 to index
        %get3A_432 = arith.constant 32 : index
        %get3A_433 = tpu.vector_load %arg9[%get3A_431, %get3A_432] {strides = array<i32>} : memref<128x256xf32, #tpu.memory_space<vmem>>, vector<1x16xf32>,
        %get3A_434 = vector.shape_cast %get3A_433 : vector<1x16xf32> to vector<16xf32>
        %mul3A_435 = arith.mulf %get3A_434, %gather3A_109 : vector<16xf32>
        %add3A_436 = arith.constant 1 : i32
        %add3A_437 = arith.addi %mul3A_171, %add3A_436 : i32
        %get3A_438 = arith.index_cast %add3A_437 : i32 to index
        %get3A_439 = arith.constant 32 : index
        %get3A_440 = tpu.vector_load %arg9[%get3A_438, %get3A_439] {strides = array<i32>} : memref<128x256xf32, #tpu.memory_space<vmem>>, vector<1x16xf32>,
        %get3A_441 = vector.shape_cast %get3A_440 : vector<1x16xf32> to vector<16xf32>
        %mul3A_442 = arith.mulf %get3A_441, %gather3A_113 : vector<16xf32>
        %add3A_443 = arith.addf %mul3A_435, %mul3A_442 : vector<16xf32>
        %add3A_444 = arith.constant 2 : i32
        %add3A_445 = arith.addi %mul3A_171, %add3A_444 : i32
        %get3A_446 = arith.index_cast %add3A_445 : i32 to index
        %get3A_447 = arith.constant 32 : index
        %get3A_448 = tpu.vector_load %arg9[%get3A_446, %get3A_447] {strides = array<i32>} : memref<128x256xf32, #tpu.memory_space<vmem>>, vector<1x16xf32>,
        %get3A_449 = vector.shape_cast %get3A_448 : vector<1x16xf32> to vector<16xf32>
        %mul3A_450 = arith.mulf %get3A_449, %gather3A_117 : vector<16xf32>
        %add3A_451 = arith.addf %add3A_443, %mul3A_450 : vector<16xf32>
        %add3A_452 = arith.constant 3 : i32
        %add3A_453 = arith.addi %mul3A_171, %add3A_452 : i32
        %get3A_454 = arith.index_cast %add3A_453 : i32 to index
        %get3A_455 = arith.constant 32 : index
        %get3A_456 = tpu.vector_load %arg9[%get3A_454, %get3A_455] {strides = array<i32>} : memref<128x256xf32, #tpu.memory_space<vmem>>, vector<1x16xf32>,
        %get3A_457 = vector.shape_cast %get3A_456 : vector<1x16xf32> to vector<16xf32>
        %mul3A_458 = arith.mulf %get3A_457, %gather3A_121 : vector<16xf32>
        %add3A_459 = arith.addf %add3A_451, %mul3A_458 : vector<16xf32>
        %add3A_460 = arith.constant 4 : i32
        %add3A_461 = arith.addi %mul3A_171, %add3A_460 : i32
        %get3A_462 = arith.index_cast %add3A_461 : i32 to index
        %get3A_463 = arith.constant 32 : index
        %get3A_464 = tpu.vector_load %arg9[%get3A_462, %get3A_463] {strides = array<i32>} : memref<128x256xf32, #tpu.memory_space<vmem>>, vector<1x16xf32>,
        %get3A_465 = vector.shape_cast %get3A_464 : vector<1x16xf32> to vector<16xf32>
        %mul3A_466 = arith.mulf %get3A_465, %gather3A_125 : vector<16xf32>
        %add3A_467 = arith.addf %add3A_459, %mul3A_466 : vector<16xf32>
        %add3A_468 = arith.constant 5 : i32
        %add3A_469 = arith.addi %mul3A_171, %add3A_468 : i32
        %get3A_470 = arith.index_cast %add3A_469 : i32 to index
        %get3A_471 = arith.constant 32 : index
        %get3A_472 = tpu.vector_load %arg9[%get3A_470, %get3A_471] {strides = array<i32>} : memref<128x256xf32, #tpu.memory_space<vmem>>, vector<1x16xf32>,
        %get3A_473 = vector.shape_cast %get3A_472 : vector<1x16xf32> to vector<16xf32>
        %mul3A_474 = arith.mulf %get3A_473, %gather3A_129 : vector<16xf32>
        %add3A_475 = arith.addf %add3A_467, %mul3A_474 : vector<16xf32>
        %add3A_476 = arith.constant 6 : i32
        %add3A_477 = arith.addi %mul3A_171, %add3A_476 : i32
        %get3A_478 = arith.index_cast %add3A_477 : i32 to index
        %get3A_479 = arith.constant 32 : index
        %get3A_480 = tpu.vector_load %arg9[%get3A_478, %get3A_479] {strides = array<i32>} : memref<128x256xf32, #tpu.memory_space<vmem>>, vector<1x16xf32>,
        %get3A_481 = vector.shape_cast %get3A_480 : vector<1x16xf32> to vector<16xf32>
        %mul3A_482 = arith.mulf %get3A_481, %gather3A_133 : vector<16xf32>
        %add3A_483 = arith.addf %add3A_475, %mul3A_482 : vector<16xf32>
        %add3A_484 = arith.constant 7 : i32
        %add3A_485 = arith.addi %mul3A_171, %add3A_484 : i32
        %get3A_486 = arith.index_cast %add3A_485 : i32 to index
        %get3A_487 = arith.constant 32 : index
        %get3A_488 = tpu.vector_load %arg9[%get3A_486, %get3A_487] {strides = array<i32>} : memref<128x256xf32, #tpu.memory_space<vmem>>, vector<1x16xf32>,
        %get3A_489 = vector.shape_cast %get3A_488 : vector<1x16xf32> to vector<16xf32>
        %mul3A_490 = arith.mulf %get3A_489, %gather3A_137 : vector<16xf32>
        %add3A_491 = arith.addf %add3A_483, %mul3A_490 : vector<16xf32>
        %add3A_492 = arith.constant 8 : i32
        %add3A_493 = arith.addi %mul3A_171, %add3A_492 : i32
        %get3A_494 = arith.index_cast %add3A_493 : i32 to index
        %get3A_495 = arith.constant 32 : index
        %get3A_496 = tpu.vector_load %arg9[%get3A_494, %get3A_495] {strides = array<i32>} : memref<128x256xf32, #tpu.memory_space<vmem>>, vector<1x16xf32>,
        %get3A_497 = vector.shape_cast %get3A_496 : vector<1x16xf32> to vector<16xf32>
        %mul3A_498 = arith.mulf %get3A_497, %gather3A_141 : vector<16xf32>
        %add3A_499 = arith.addf %add3A_491, %mul3A_498 : vector<16xf32>
        %add3A_500 = arith.constant 9 : i32
        %add3A_501 = arith.addi %mul3A_171, %add3A_500 : i32
        %get3A_502 = arith.index_cast %add3A_501 : i32 to index
        %get3A_503 = arith.constant 32 : index
        %get3A_504 = tpu.vector_load %arg9[%get3A_502, %get3A_503] {strides = array<i32>} : memref<128x256xf32, #tpu.memory_space<vmem>>, vector<1x16xf32>,
        %get3A_505 = vector.shape_cast %get3A_504 : vector<1x16xf32> to vector<16xf32>
        %mul3A_506 = arith.mulf %get3A_505, %gather3A_145 : vector<16xf32>
        %add3A_507 = arith.addf %add3A_499, %mul3A_506 : vector<16xf32>
        %add3A_508 = arith.constant 10 : i32
        %add3A_509 = arith.addi %mul3A_171, %add3A_508 : i32
        %get3A_510 = arith.index_cast %add3A_509 : i32 to index
        %get3A_511 = arith.constant 32 : index
        %get3A_512 = tpu.vector_load %arg9[%get3A_510, %get3A_511] {strides = array<i32>} : memref<128x256xf32, #tpu.memory_space<vmem>>, vector<1x16xf32>,
        %get3A_513 = vector.shape_cast %get3A_512 : vector<1x16xf32> to vector<16xf32>
        %mul3A_514 = arith.mulf %get3A_513, %gather3A_149 : vector<16xf32>
        %add3A_515 = arith.addf %add3A_507, %mul3A_514 : vector<16xf32>
        %add3A_516 = arith.constant 11 : i32
        %add3A_517 = arith.addi %mul3A_171, %add3A_516 : i32
        %get3A_518 = arith.index_cast %add3A_517 : i32 to index
        %get3A_519 = arith.constant 32 : index
        %get3A_520 = tpu.vector_load %arg9[%get3A_518, %get3A_519] {strides = array<i32>} : memref<128x256xf32, #tpu.memory_space<vmem>>, vector<1x16xf32>,
        %get3A_521 = vector.shape_cast %get3A_520 : vector<1x16xf32> to vector<16xf32>
        %mul3A_522 = arith.mulf %get3A_521, %gather3A_153 : vector<16xf32>
        %add3A_523 = arith.addf %add3A_515, %mul3A_522 : vector<16xf32>
        %add3A_524 = arith.constant 12 : i32
        %add3A_525 = arith.addi %mul3A_171, %add3A_524 : i32
        %get3A_526 = arith.index_cast %add3A_525 : i32 to index
        %get3A_527 = arith.constant 32 : index
        %get3A_528 = tpu.vector_load %arg9[%get3A_526, %get3A_527] {strides = array<i32>} : memref<128x256xf32, #tpu.memory_space<vmem>>, vector<1x16xf32>,
        %get3A_529 = vector.shape_cast %get3A_528 : vector<1x16xf32> to vector<16xf32>
        %mul3A_530 = arith.mulf %get3A_529, %gather3A_157 : vector<16xf32>
        %add3A_531 = arith.addf %add3A_523, %mul3A_530 : vector<16xf32>
        %add3A_532 = arith.constant 13 : i32
        %add3A_533 = arith.addi %mul3A_171, %add3A_532 : i32
        %get3A_534 = arith.index_cast %add3A_533 : i32 to index
        %get3A_535 = arith.constant 32 : index
        %get3A_536 = tpu.vector_load %arg9[%get3A_534, %get3A_535] {strides = array<i32>} : memref<128x256xf32, #tpu.memory_space<vmem>>, vector<1x16xf32>,
        %get3A_537 = vector.shape_cast %get3A_536 : vector<1x16xf32> to vector<16xf32>
        %mul3A_538 = arith.mulf %get3A_537, %gather3A_161 : vector<16xf32>
        %add3A_539 = arith.addf %add3A_531, %mul3A_538 : vector<16xf32>
        %add3A_540 = arith.constant 14 : i32
        %add3A_541 = arith.addi %mul3A_171, %add3A_540 : i32
        %get3A_542 = arith.index_cast %add3A_541 : i32 to index
        %get3A_543 = arith.constant 32 : index
        %get3A_544 = tpu.vector_load %arg9[%get3A_542, %get3A_543] {strides = array<i32>} : memref<128x256xf32, #tpu.memory_space<vmem>>, vector<1x16xf32>,
        %get3A_545 = vector.shape_cast %get3A_544 : vector<1x16xf32> to vector<16xf32>
        %mul3A_546 = arith.mulf %get3A_545, %gather3A_165 : vector<16xf32>
        %add3A_547 = arith.addf %add3A_539, %mul3A_546 : vector<16xf32>
        %add3A_548 = arith.constant 15 : i32
        %add3A_549 = arith.addi %mul3A_171, %add3A_548 : i32
        %get3A_550 = arith.index_cast %add3A_549 : i32 to index
        %get3A_551 = arith.constant 32 : index
        %get3A_552 = tpu.vector_load %arg9[%get3A_550, %get3A_551] {strides = array<i32>} : memref<128x256xf32, #tpu.memory_space<vmem>>, vector<1x16xf32>,
        %get3A_553 = vector.shape_cast %get3A_552 : vector<1x16xf32> to vector<16xf32>
        %mul3A_554 = arith.mulf %get3A_553, %gather3A_169 : vector<16xf32>
        %add3A_555 = arith.addf %add3A_547, %mul3A_554 : vector<16xf32>
        %swap3A_556 = arith.index_cast %scan3A_99 : i32 to index
        %swap3A_557 = arith.constant 32 : index
        %swap3A_558 = tpu.vector_load %arg11[%swap3A_556, %swap3A_557] {strides = array<i32>} : memref<8x256xf32, #tpu.memory_space<vmem>>, vector<1x16xf32>,
        %swap3A_559 = vector.shape_cast %swap3A_558 : vector<1x16xf32> to vector<16xf32>
        %swap3A_560 = vector.shape_cast %add3A_555 : vector<16xf32> to vector<1x16xf32>
        tpu.vector_store %arg11[%swap3A_556, %swap3A_557], %swap3A_560 {strides = array<i32>} : memref<8x256xf32, #tpu.memory_space<vmem>>, vector<1x16xf32>,
        %get3A_561 = arith.index_cast %mul3A_171 : i32 to index
        %get3A_562 = arith.constant 48 : index
        %get3A_563 = tpu.vector_load %arg9[%get3A_561, %get3A_562] {strides = array<i32>} : memref<128x256xf32, #tpu.memory_space<vmem>>, vector<1x16xf32>,
        %get3A_564 = vector.shape_cast %get3A_563 : vector<1x16xf32> to vector<16xf32>
        %mul3A_565 = arith.mulf %get3A_564, %gather3A_109 : vector<16xf32>
        %add3A_566 = arith.constant 1 : i32
        %add3A_567 = arith.addi %mul3A_171, %add3A_566 : i32
        %get3A_568 = arith.index_cast %add3A_567 : i32 to index
        %get3A_569 = arith.constant 48 : index
        %get3A_570 = tpu.vector_load %arg9[%get3A_568, %get3A_569] {strides = array<i32>} : memref<128x256xf32, #tpu.memory_space<vmem>>, vector<1x16xf32>,
        %get3A_571 = vector.shape_cast %get3A_570 : vector<1x16xf32> to vector<16xf32>
        %mul3A_572 = arith.mulf %get3A_571, %gather3A_113 : vector<16xf32>
        %add3A_573 = arith.addf %mul3A_565, %mul3A_572 : vector<16xf32>
        %add3A_574 = arith.constant 2 : i32
        %add3A_575 = arith.addi %mul3A_171, %add3A_574 : i32
        %get3A_576 = arith.index_cast %add3A_575 : i32 to index
        %get3A_577 = arith.constant 48 : index
        %get3A_578 = tpu.vector_load %arg9[%get3A_576, %get3A_577] {strides = array<i32>} : memref<128x256xf32, #tpu.memory_space<vmem>>, vector<1x16xf32>,
        %get3A_579 = vector.shape_cast %get3A_578 : vector<1x16xf32> to vector<16xf32>
        %mul3A_580 = arith.mulf %get3A_579, %gather3A_117 : vector<16xf32>
        %add3A_581 = arith.addf %add3A_573, %mul3A_580 : vector<16xf32>
        %add3A_582 = arith.constant 3 : i32
        %add3A_583 = arith.addi %mul3A_171, %add3A_582 : i32
        %get3A_584 = arith.index_cast %add3A_583 : i32 to index
        %get3A_585 = arith.constant 48 : index
        %get3A_586 = tpu.vector_load %arg9[%get3A_584, %get3A_585] {strides = array<i32>} : memref<128x256xf32, #tpu.memory_space<vmem>>, vector<1x16xf32>,
        %get3A_587 = vector.shape_cast %get3A_586 : vector<1x16xf32> to vector<16xf32>
        %mul3A_588 = arith.mulf %get3A_587, %gather3A_121 : vector<16xf32>
        %add3A_589 = arith.addf %add3A_581, %mul3A_588 : vector<16xf32>
        %add3A_590 = arith.constant 4 : i32
        %add3A_591 = arith.addi %mul3A_171, %add3A_590 : i32
        %get3A_592 = arith.index_cast %add3A_591 : i32 to index
        %get3A_593 = arith.constant 48 : index
        %get3A_594 = tpu.vector_load %arg9[%get3A_592, %get3A_593] {strides = array<i32>} : memref<128x256xf32, #tpu.memory_space<vmem>>, vector<1x16xf32>,
        %get3A_595 = vector.shape_cast %get3A_594 : vector<1x16xf32> to vector<16xf32>
        %mul3A_596 = arith.mulf %get3A_595, %gather3A_125 : vector<16xf32>
        %add3A_597 = arith.addf %add3A_589, %mul3A_596 : vector<16xf32>
        %add3A_598 = arith.constant 5 : i32
        %add3A_599 = arith.addi %mul3A_171, %add3A_598 : i32
        %get3A_600 = arith.index_cast %add3A_599 : i32 to index
        %get3A_601 = arith.constant 48 : index
        %get3A_602 = tpu.vector_load %arg9[%get3A_600, %get3A_601] {strides = array<i32>} : memref<128x256xf32, #tpu.memory_space<vmem>>, vector<1x16xf32>,
        %get3A_603 = vector.shape_cast %get3A_602 : vector<1x16xf32> to vector<16xf32>
        %mul3A_604 = arith.mulf %get3A_603, %gather3A_129 : vector<16xf32>
        %add3A_605 = arith.addf %add3A_597, %mul3A_604 : vector<16xf32>
        %add3A_606 = arith.constant 6 : i32
        %add3A_607 = arith.addi %mul3A_171, %add3A_606 : i32
        %get3A_608 = arith.index_cast %add3A_607 : i32 to index
        %get3A_609 = arith.constant 48 : index
        %get3A_610 = tpu.vector_load %arg9[%get3A_608, %get3A_609] {strides = array<i32>} : memref<128x256xf32, #tpu.memory_space<vmem>>, vector<1x16xf32>,
        %get3A_611 = vector.shape_cast %get3A_610 : vector<1x16xf32> to vector<16xf32>
        %mul3A_612 = arith.mulf %get3A_611, %gather3A_133 : vector<16xf32>
        %add3A_613 = arith.addf %add3A_605, %mul3A_612 : vector<16xf32>
        %add3A_614 = arith.constant 7 : i32
        %add3A_615 = arith.addi %mul3A_171, %add3A_614 : i32
        %get3A_616 = arith.index_cast %add3A_615 : i32 to index
        %get3A_617 = arith.constant 48 : index
        %get3A_618 = tpu.vector_load %arg9[%get3A_616, %get3A_617] {strides = array<i32>} : memref<128x256xf32, #tpu.memory_space<vmem>>, vector<1x16xf32>,
        %get3A_619 = vector.shape_cast %get3A_618 : vector<1x16xf32> to vector<16xf32>
        %mul3A_620 = arith.mulf %get3A_619, %gather3A_137 : vector<16xf32>
        %add3A_621 = arith.addf %add3A_613, %mul3A_620 : vector<16xf32>
        %add3A_622 = arith.constant 8 : i32
        %add3A_623 = arith.addi %mul3A_171, %add3A_622 : i32
        %get3A_624 = arith.index_cast %add3A_623 : i32 to index
        %get3A_625 = arith.constant 48 : index
        %get3A_626 = tpu.vector_load %arg9[%get3A_624, %get3A_625] {strides = array<i32>} : memref<128x256xf32, #tpu.memory_space<vmem>>, vector<1x16xf32>,
        %get3A_627 = vector.shape_cast %get3A_626 : vector<1x16xf32> to vector<16xf32>
        %mul3A_628 = arith.mulf %get3A_627, %gather3A_141 : vector<16xf32>
        %add3A_629 = arith.addf %add3A_621, %mul3A_628 : vector<16xf32>
        %add3A_630 = arith.constant 9 : i32
        %add3A_631 = arith.addi %mul3A_171, %add3A_630 : i32
        %get3A_632 = arith.index_cast %add3A_631 : i32 to index
        %get3A_633 = arith.constant 48 : index
        %get3A_634 = tpu.vector_load %arg9[%get3A_632, %get3A_633] {strides = array<i32>} : memref<128x256xf32, #tpu.memory_space<vmem>>, vector<1x16xf32>,
        %get3A_635 = vector.shape_cast %get3A_634 : vector<1x16xf32> to vector<16xf32>
        %mul3A_636 = arith.mulf %get3A_635, %gather3A_145 : vector<16xf32>
        %add3A_637 = arith.addf %add3A_629, %mul3A_636 : vector<16xf32>
        %add3A_638 = arith.constant 10 : i32
        %add3A_639 = arith.addi %mul3A_171, %add3A_638 : i32
        %get3A_640 = arith.index_cast %add3A_639 : i32 to index
        %get3A_641 = arith.constant 48 : index
        %get3A_642 = tpu.vector_load %arg9[%get3A_640, %get3A_641] {strides = array<i32>} : memref<128x256xf32, #tpu.memory_space<vmem>>, vector<1x16xf32>,
        %get3A_643 = vector.shape_cast %get3A_642 : vector<1x16xf32> to vector<16xf32>
        %mul3A_644 = arith.mulf %get3A_643, %gather3A_149 : vector<16xf32>
        %add3A_645 = arith.addf %add3A_637, %mul3A_644 : vector<16xf32>
        %add3A_646 = arith.constant 11 : i32
        %add3A_647 = arith.addi %mul3A_171, %add3A_646 : i32
        %get3A_648 = arith.index_cast %add3A_647 : i32 to index
        %get3A_649 = arith.constant 48 : index
        %get3A_650 = tpu.vector_load %arg9[%get3A_648, %get3A_649] {strides = array<i32>} : memref<128x256xf32, #tpu.memory_space<vmem>>, vector<1x16xf32>,
        %get3A_651 = vector.shape_cast %get3A_650 : vector<1x16xf32> to vector<16xf32>
        %mul3A_652 = arith.mulf %get3A_651, %gather3A_153 : vector<16xf32>
        %add3A_653 = arith.addf %add3A_645, %mul3A_652 : vector<16xf32>
        %add3A_654 = arith.constant 12 : i32
        %add3A_655 = arith.addi %mul3A_171, %add3A_654 : i32
        %get3A_656 = arith.index_cast %add3A_655 : i32 to index
        %get3A_657 = arith.constant 48 : index
        %get3A_658 = tpu.vector_load %arg9[%get3A_656, %get3A_657] {strides = array<i32>} : memref<128x256xf32, #tpu.memory_space<vmem>>, vector<1x16xf32>,
        %get3A_659 = vector.shape_cast %get3A_658 : vector<1x16xf32> to vector<16xf32>
        %mul3A_660 = arith.mulf %get3A_659, %gather3A_157 : vector<16xf32>
        %add3A_661 = arith.addf %add3A_653, %mul3A_660 : vector<16xf32>
        %add3A_662 = arith.constant 13 : i32
        %add3A_663 = arith.addi %mul3A_171, %add3A_662 : i32
        %get3A_664 = arith.index_cast %add3A_663 : i32 to index
        %get3A_665 = arith.constant 48 : index
        %get3A_666 = tpu.vector_load %arg9[%get3A_664, %get3A_665] {strides = array<i32>} : memref<128x256xf32, #tpu.memory_space<vmem>>, vector<1x16xf32>,
        %get3A_667 = vector.shape_cast %get3A_666 : vector<1x16xf32> to vector<16xf32>
        %mul3A_668 = arith.mulf %get3A_667, %gather3A_161 : vector<16xf32>
        %add3A_669 = arith.addf %add3A_661, %mul3A_668 : vector<16xf32>
        %add3A_670 = arith.constant 14 : i32
        %add3A_671 = arith.addi %mul3A_171, %add3A_670 : i32
        %get3A_672 = arith.index_cast %add3A_671 : i32 to index
        %get3A_673 = arith.constant 48 : index
        %get3A_674 = tpu.vector_load %arg9[%get3A_672, %get3A_673] {strides = array<i32>} : memref<128x256xf32, #tpu.memory_space<vmem>>, vector<1x16xf32>,
        %get3A_675 = vector.shape_cast %get3A_674 : vector<1x16xf32> to vector<16xf32>
        %mul3A_676 = arith.mulf %get3A_675, %gather3A_165 : vector<16xf32>
        %add3A_677 = arith.addf %add3A_669, %mul3A_676 : vector<16xf32>
        %add3A_678 = arith.constant 15 : i32
        %add3A_679 = arith.addi %mul3A_171, %add3A_678 : i32
        %get3A_680 = arith.index_cast %add3A_679 : i32 to index
        %get3A_681 = arith.constant 48 : index
        %get3A_682 = tpu.vector_load %arg9[%get3A_680, %get3A_681] {strides = array<i32>} : memref<128x256xf32, #tpu.memory_space<vmem>>, vector<1x16xf32>,
        %get3A_683 = vector.shape_cast %get3A_682 : vector<1x16xf32> to vector<16xf32>
        %mul3A_684 = arith.mulf %get3A_683, %gather3A_169 : vector<16xf32>
        %add3A_685 = arith.addf %add3A_677, %mul3A_684 : vector<16xf32>
        %swap3A_686 = arith.index_cast %scan3A_99 : i32 to index
        %swap3A_687 = arith.constant 48 : index
        %swap3A_688 = tpu.vector_load %arg11[%swap3A_686, %swap3A_687] {strides = array<i32>} : memref<8x256xf32, #tpu.memory_space<vmem>>, vector<1x16xf32>,
        %swap3A_689 = vector.shape_cast %swap3A_688 : vector<1x16xf32> to vector<16xf32>
        %swap3A_690 = vector.shape_cast %add3A_685 : vector<16xf32> to vector<1x16xf32>
        tpu.vector_store %arg11[%swap3A_686, %swap3A_687], %swap3A_690 {strides = array<i32>} : memref<8x256xf32, #tpu.memory_space<vmem>>, vector<1x16xf32>,
        %get3A_691 = arith.index_cast %mul3A_171 : i32 to index
        %get3A_692 = arith.constant 64 : index
        %get3A_693 = tpu.vector_load %arg9[%get3A_691, %get3A_692] {strides = array<i32>} : memref<128x256xf32, #tpu.memory_space<vmem>>, vector<1x16xf32>,
        %get3A_694 = vector.shape_cast %get3A_693 : vector<1x16xf32> to vector<16xf32>
        %mul3A_695 = arith.mulf %get3A_694, %gather3A_109 : vector<16xf32>
        %add3A_696 = arith.constant 1 : i32
        %add3A_697 = arith.addi %mul3A_171, %add3A_696 : i32
        %get3A_698 = arith.index_cast %add3A_697 : i32 to index
        %get3A_699 = arith.constant 64 : index
        %get3A_700 = tpu.vector_load %arg9[%get3A_698, %get3A_699] {strides = array<i32>} : memref<128x256xf32, #tpu.memory_space<vmem>>, vector<1x16xf32>,
        %get3A_701 = vector.shape_cast %get3A_700 : vector<1x16xf32> to vector<16xf32>
        %mul3A_702 = arith.mulf %get3A_701, %gather3A_113 : vector<16xf32>
        %add3A_703 = arith.addf %mul3A_695, %mul3A_702 : vector<16xf32>
        %add3A_704 = arith.constant 2 : i32
        %add3A_705 = arith.addi %mul3A_171, %add3A_704 : i32
        %get3A_706 = arith.index_cast %add3A_705 : i32 to index
        %get3A_707 = arith.constant 64 : index
        %get3A_708 = tpu.vector_load %arg9[%get3A_706, %get3A_707] {strides = array<i32>} : memref<128x256xf32, #tpu.memory_space<vmem>>, vector<1x16xf32>,
        %get3A_709 = vector.shape_cast %get3A_708 : vector<1x16xf32> to vector<16xf32>
        %mul3A_710 = arith.mulf %get3A_709, %gather3A_117 : vector<16xf32>
        %add3A_711 = arith.addf %add3A_703, %mul3A_710 : vector<16xf32>
        %add3A_712 = arith.constant 3 : i32
        %add3A_713 = arith.addi %mul3A_171, %add3A_712 : i32
        %get3A_714 = arith.index_cast %add3A_713 : i32 to index
        %get3A_715 = arith.constant 64 : index
        %get3A_716 = tpu.vector_load %arg9[%get3A_714, %get3A_715] {strides = array<i32>} : memref<128x256xf32, #tpu.memory_space<vmem>>, vector<1x16xf32>,
        %get3A_717 = vector.shape_cast %get3A_716 : vector<1x16xf32> to vector<16xf32>
        %mul3A_718 = arith.mulf %get3A_717, %gather3A_121 : vector<16xf32>
        %add3A_719 = arith.addf %add3A_711, %mul3A_718 : vector<16xf32>
        %add3A_720 = arith.constant 4 : i32
        %add3A_721 = arith.addi %mul3A_171, %add3A_720 : i32
        %get3A_722 = arith.index_cast %add3A_721 : i32 to index
        %get3A_723 = arith.constant 64 : index
        %get3A_724 = tpu.vector_load %arg9[%get3A_722, %get3A_723] {strides = array<i32>} : memref<128x256xf32, #tpu.memory_space<vmem>>, vector<1x16xf32>,
        %get3A_725 = vector.shape_cast %get3A_724 : vector<1x16xf32> to vector<16xf32>
        %mul3A_726 = arith.mulf %get3A_725, %gather3A_125 : vector<16xf32>
        %add3A_727 = arith.addf %add3A_719, %mul3A_726 : vector<16xf32>
        %add3A_728 = arith.constant 5 : i32
        %add3A_729 = arith.addi %mul3A_171, %add3A_728 : i32
        %get3A_730 = arith.index_cast %add3A_729 : i32 to index
        %get3A_731 = arith.constant 64 : index
        %get3A_732 = tpu.vector_load %arg9[%get3A_730, %get3A_731] {strides = array<i32>} : memref<128x256xf32, #tpu.memory_space<vmem>>, vector<1x16xf32>,
        %get3A_733 = vector.shape_cast %get3A_732 : vector<1x16xf32> to vector<16xf32>
        %mul3A_734 = arith.mulf %get3A_733, %gather3A_129 : vector<16xf32>
        %add3A_735 = arith.addf %add3A_727, %mul3A_734 : vector<16xf32>
        %add3A_736 = arith.constant 6 : i32
        %add3A_737 = arith.addi %mul3A_171, %add3A_736 : i32
        %get3A_738 = arith.index_cast %add3A_737 : i32 to index
        %get3A_739 = arith.constant 64 : index
        %get3A_740 = tpu.vector_load %arg9[%get3A_738, %get3A_739] {strides = array<i32>} : memref<128x256xf32, #tpu.memory_space<vmem>>, vector<1x16xf32>,
        %get3A_741 = vector.shape_cast %get3A_740 : vector<1x16xf32> to vector<16xf32>
        %mul3A_742 = arith.mulf %get3A_741, %gather3A_133 : vector<16xf32>
        %add3A_743 = arith.addf %add3A_735, %mul3A_742 : vector<16xf32>
        %add3A_744 = arith.constant 7 : i32
        %add3A_745 = arith.addi %mul3A_171, %add3A_744 : i32
        %get3A_746 = arith.index_cast %add3A_745 : i32 to index
        %get3A_747 = arith.constant 64 : index
        %get3A_748 = tpu.vector_load %arg9[%get3A_746, %get3A_747] {strides = array<i32>} : memref<128x256xf32, #tpu.memory_space<vmem>>, vector<1x16xf32>,
        %get3A_749 = vector.shape_cast %get3A_748 : vector<1x16xf32> to vector<16xf32>
        %mul3A_750 = arith.mulf %get3A_749, %gather3A_137 : vector<16xf32>
        %add3A_751 = arith.addf %add3A_743, %mul3A_750 : vector<16xf32>
        %add3A_752 = arith.constant 8 : i32
        %add3A_753 = arith.addi %mul3A_171, %add3A_752 : i32
        %get3A_754 = arith.index_cast %add3A_753 : i32 to index
        %get3A_755 = arith.constant 64 : index
        %get3A_756 = tpu.vector_load %arg9[%get3A_754, %get3A_755] {strides = array<i32>} : memref<128x256xf32, #tpu.memory_space<vmem>>, vector<1x16xf32>,
        %get3A_757 = vector.shape_cast %get3A_756 : vector<1x16xf32> to vector<16xf32>
        %mul3A_758 = arith.mulf %get3A_757, %gather3A_141 : vector<16xf32>
        %add3A_759 = arith.addf %add3A_751, %mul3A_758 : vector<16xf32>
        %add3A_760 = arith.constant 9 : i32
        %add3A_761 = arith.addi %mul3A_171, %add3A_760 : i32
        %get3A_762 = arith.index_cast %add3A_761 : i32 to index
        %get3A_763 = arith.constant 64 : index
        %get3A_764 = tpu.vector_load %arg9[%get3A_762, %get3A_763] {strides = array<i32>} : memref<128x256xf32, #tpu.memory_space<vmem>>, vector<1x16xf32>,
        %get3A_765 = vector.shape_cast %get3A_764 : vector<1x16xf32> to vector<16xf32>
        %mul3A_766 = arith.mulf %get3A_765, %gather3A_145 : vector<16xf32>
        %add3A_767 = arith.addf %add3A_759, %mul3A_766 : vector<16xf32>
        %add3A_768 = arith.constant 10 : i32
        %add3A_769 = arith.addi %mul3A_171, %add3A_768 : i32
        %get3A_770 = arith.index_cast %add3A_769 : i32 to index
        %get3A_771 = arith.constant 64 : index
        %get3A_772 = tpu.vector_load %arg9[%get3A_770, %get3A_771] {strides = array<i32>} : memref<128x256xf32, #tpu.memory_space<vmem>>, vector<1x16xf32>,
        %get3A_773 = vector.shape_cast %get3A_772 : vector<1x16xf32> to vector<16xf32>
        %mul3A_774 = arith.mulf %get3A_773, %gather3A_149 : vector<16xf32>
        %add3A_775 = arith.addf %add3A_767, %mul3A_774 : vector<16xf32>
        %add3A_776 = arith.constant 11 : i32
        %add3A_777 = arith.addi %mul3A_171, %add3A_776 : i32
        %get3A_778 = arith.index_cast %add3A_777 : i32 to index
        %get3A_779 = arith.constant 64 : index
        %get3A_780 = tpu.vector_load %arg9[%get3A_778, %get3A_779] {strides = array<i32>} : memref<128x256xf32, #tpu.memory_space<vmem>>, vector<1x16xf32>,
        %get3A_781 = vector.shape_cast %get3A_780 : vector<1x16xf32> to vector<16xf32>
        %mul3A_782 = arith.mulf %get3A_781, %gather3A_153 : vector<16xf32>
        %add3A_783 = arith.addf %add3A_775, %mul3A_782 : vector<16xf32>
        %add3A_784 = arith.constant 12 : i32
        %add3A_785 = arith.addi %mul3A_171, %add3A_784 : i32
        %get3A_786 = arith.index_cast %add3A_785 : i32 to index
        %get3A_787 = arith.constant 64 : index
        %get3A_788 = tpu.vector_load %arg9[%get3A_786, %get3A_787] {strides = array<i32>} : memref<128x256xf32, #tpu.memory_space<vmem>>, vector<1x16xf32>,
        %get3A_789 = vector.shape_cast %get3A_788 : vector<1x16xf32> to vector<16xf32>
        %mul3A_790 = arith.mulf %get3A_789, %gather3A_157 : vector<16xf32>
        %add3A_791 = arith.addf %add3A_783, %mul3A_790 : vector<16xf32>
        %add3A_792 = arith.constant 13 : i32
        %add3A_793 = arith.addi %mul3A_171, %add3A_792 : i32
        %get3A_794 = arith.index_cast %add3A_793 : i32 to index
        %get3A_795 = arith.constant 64 : index
        %get3A_796 = tpu.vector_load %arg9[%get3A_794, %get3A_795] {strides = array<i32>} : memref<128x256xf32, #tpu.memory_space<vmem>>, vector<1x16xf32>,
        %get3A_797 = vector.shape_cast %get3A_796 : vector<1x16xf32> to vector<16xf32>
        %mul3A_798 = arith.mulf %get3A_797, %gather3A_161 : vector<16xf32>
        %add3A_799 = arith.addf %add3A_791, %mul3A_798 : vector<16xf32>
        %add3A_800 = arith.constant 14 : i32
        %add3A_801 = arith.addi %mul3A_171, %add3A_800 : i32
        %get3A_802 = arith.index_cast %add3A_801 : i32 to index
        %get3A_803 = arith.constant 64 : index
        %get3A_804 = tpu.vector_load %arg9[%get3A_802, %get3A_803] {strides = array<i32>} : memref<128x256xf32, #tpu.memory_space<vmem>>, vector<1x16xf32>,
        %get3A_805 = vector.shape_cast %get3A_804 : vector<1x16xf32> to vector<16xf32>
        %mul3A_806 = arith.mulf %get3A_805, %gather3A_165 : vector<16xf32>
        %add3A_807 = arith.addf %add3A_799, %mul3A_806 : vector<16xf32>
        %add3A_808 = arith.constant 15 : i32
        %add3A_809 = arith.addi %mul3A_171, %add3A_808 : i32
        %get3A_810 = arith.index_cast %add3A_809 : i32 to index
        %get3A_811 = arith.constant 64 : index
        %get3A_812 = tpu.vector_load %arg9[%get3A_810, %get3A_811] {strides = array<i32>} : memref<128x256xf32, #tpu.memory_space<vmem>>, vector<1x16xf32>,
        %get3A_813 = vector.shape_cast %get3A_812 : vector<1x16xf32> to vector<16xf32>
        %mul3A_814 = arith.mulf %get3A_813, %gather3A_169 : vector<16xf32>
        %add3A_815 = arith.addf %add3A_807, %mul3A_814 : vector<16xf32>
        %swap3A_816 = arith.index_cast %scan3A_99 : i32 to index
        %swap3A_817 = arith.constant 64 : index
        %swap3A_818 = tpu.vector_load %arg11[%swap3A_816, %swap3A_817] {strides = array<i32>} : memref<8x256xf32, #tpu.memory_space<vmem>>, vector<1x16xf32>,
        %swap3A_819 = vector.shape_cast %swap3A_818 : vector<1x16xf32> to vector<16xf32>
        %swap3A_820 = vector.shape_cast %add3A_815 : vector<16xf32> to vector<1x16xf32>
        tpu.vector_store %arg11[%swap3A_816, %swap3A_817], %swap3A_820 {strides = array<i32>} : memref<8x256xf32, #tpu.memory_space<vmem>>, vector<1x16xf32>,
        %get3A_821 = arith.index_cast %mul3A_171 : i32 to index
        %get3A_822 = arith.constant 80 : index
        %get3A_823 = tpu.vector_load %arg9[%get3A_821, %get3A_822] {strides = array<i32>} : memref<128x256xf32, #tpu.memory_space<vmem>>, vector<1x16xf32>,
        %get3A_824 = vector.shape_cast %get3A_823 : vector<1x16xf32> to vector<16xf32>
        %mul3A_825 = arith.mulf %get3A_824, %gather3A_109 : vector<16xf32>
        %add3A_826 = arith.constant 1 : i32
        %add3A_827 = arith.addi %mul3A_171, %add3A_826 : i32
        %get3A_828 = arith.index_cast %add3A_827 : i32 to index
        %get3A_829 = arith.constant 80 : index
        %get3A_830 = tpu.vector_load %arg9[%get3A_828, %get3A_829] {strides = array<i32>} : memref<128x256xf32, #tpu.memory_space<vmem>>, vector<1x16xf32>,
        %get3A_831 = vector.shape_cast %get3A_830 : vector<1x16xf32> to vector<16xf32>
        %mul3A_832 = arith.mulf %get3A_831, %gather3A_113 : vector<16xf32>
        %add3A_833 = arith.addf %mul3A_825, %mul3A_832 : vector<16xf32>
        %add3A_834 = arith.constant 2 : i32
        %add3A_835 = arith.addi %mul3A_171, %add3A_834 : i32
        %get3A_836 = arith.index_cast %add3A_835 : i32 to index
        %get3A_837 = arith.constant 80 : index
        %get3A_838 = tpu.vector_load %arg9[%get3A_836, %get3A_837] {strides = array<i32>} : memref<128x256xf32, #tpu.memory_space<vmem>>, vector<1x16xf32>,
        %get3A_839 = vector.shape_cast %get3A_838 : vector<1x16xf32> to vector<16xf32>
        %mul3A_840 = arith.mulf %get3A_839, %gather3A_117 : vector<16xf32>
        %add3A_841 = arith.addf %add3A_833, %mul3A_840 : vector<16xf32>
        %add3A_842 = arith.constant 3 : i32
        %add3A_843 = arith.addi %mul3A_171, %add3A_842 : i32
        %get3A_844 = arith.index_cast %add3A_843 : i32 to index
        %get3A_845 = arith.constant 80 : index
        %get3A_846 = tpu.vector_load %arg9[%get3A_844, %get3A_845] {strides = array<i32>} : memref<128x256xf32, #tpu.memory_space<vmem>>, vector<1x16xf32>,
        %get3A_847 = vector.shape_cast %get3A_846 : vector<1x16xf32> to vector<16xf32>
        %mul3A_848 = arith.mulf %get3A_847, %gather3A_121 : vector<16xf32>
        %add3A_849 = arith.addf %add3A_841, %mul3A_848 : vector<16xf32>
        %add3A_850 = arith.constant 4 : i32
        %add3A_851 = arith.addi %mul3A_171, %add3A_850 : i32
        %get3A_852 = arith.index_cast %add3A_851 : i32 to index
        %get3A_853 = arith.constant 80 : index
        %get3A_854 = tpu.vector_load %arg9[%get3A_852, %get3A_853] {strides = array<i32>} : memref<128x256xf32, #tpu.memory_space<vmem>>, vector<1x16xf32>,
        %get3A_855 = vector.shape_cast %get3A_854 : vector<1x16xf32> to vector<16xf32>
        %mul3A_856 = arith.mulf %get3A_855, %gather3A_125 : vector<16xf32>
        %add3A_857 = arith.addf %add3A_849, %mul3A_856 : vector<16xf32>
        %add3A_858 = arith.constant 5 : i32
        %add3A_859 = arith.addi %mul3A_171, %add3A_858 : i32
        %get3A_860 = arith.index_cast %add3A_859 : i32 to index
        %get3A_861 = arith.constant 80 : index
        %get3A_862 = tpu.vector_load %arg9[%get3A_860, %get3A_861] {strides = array<i32>} : memref<128x256xf32, #tpu.memory_space<vmem>>, vector<1x16xf32>,
        %get3A_863 = vector.shape_cast %get3A_862 : vector<1x16xf32> to vector<16xf32>
        %mul3A_864 = arith.mulf %get3A_863, %gather3A_129 : vector<16xf32>
        %add3A_865 = arith.addf %add3A_857, %mul3A_864 : vector<16xf32>
        %add3A_866 = arith.constant 6 : i32
        %add3A_867 = arith.addi %mul3A_171, %add3A_866 : i32
        %get3A_868 = arith.index_cast %add3A_867 : i32 to index
        %get3A_869 = arith.constant 80 : index
        %get3A_870 = tpu.vector_load %arg9[%get3A_868, %get3A_869] {strides = array<i32>} : memref<128x256xf32, #tpu.memory_space<vmem>>, vector<1x16xf32>,
        %get3A_871 = vector.shape_cast %get3A_870 : vector<1x16xf32> to vector<16xf32>
        %mul3A_872 = arith.mulf %get3A_871, %gather3A_133 : vector<16xf32>
        %add3A_873 = arith.addf %add3A_865, %mul3A_872 : vector<16xf32>
        %add3A_874 = arith.constant 7 : i32
        %add3A_875 = arith.addi %mul3A_171, %add3A_874 : i32
        %get3A_876 = arith.index_cast %add3A_875 : i32 to index
        %get3A_877 = arith.constant 80 : index
        %get3A_878 = tpu.vector_load %arg9[%get3A_876, %get3A_877] {strides = array<i32>} : memref<128x256xf32, #tpu.memory_space<vmem>>, vector<1x16xf32>,
        %get3A_879 = vector.shape_cast %get3A_878 : vector<1x16xf32> to vector<16xf32>
        %mul3A_880 = arith.mulf %get3A_879, %gather3A_137 : vector<16xf32>
        %add3A_881 = arith.addf %add3A_873, %mul3A_880 : vector<16xf32>
        %add3A_882 = arith.constant 8 : i32
        %add3A_883 = arith.addi %mul3A_171, %add3A_882 : i32
        %get3A_884 = arith.index_cast %add3A_883 : i32 to index
        %get3A_885 = arith.constant 80 : index
        %get3A_886 = tpu.vector_load %arg9[%get3A_884, %get3A_885] {strides = array<i32>} : memref<128x256xf32, #tpu.memory_space<vmem>>, vector<1x16xf32>,
        %get3A_887 = vector.shape_cast %get3A_886 : vector<1x16xf32> to vector<16xf32>
        %mul3A_888 = arith.mulf %get3A_887, %gather3A_141 : vector<16xf32>
        %add3A_889 = arith.addf %add3A_881, %mul3A_888 : vector<16xf32>
        %add3A_890 = arith.constant 9 : i32
        %add3A_891 = arith.addi %mul3A_171, %add3A_890 : i32
        %get3A_892 = arith.index_cast %add3A_891 : i32 to index
        %get3A_893 = arith.constant 80 : index
        %get3A_894 = tpu.vector_load %arg9[%get3A_892, %get3A_893] {strides = array<i32>} : memref<128x256xf32, #tpu.memory_space<vmem>>, vector<1x16xf32>,
        %get3A_895 = vector.shape_cast %get3A_894 : vector<1x16xf32> to vector<16xf32>
        %mul3A_896 = arith.mulf %get3A_895, %gather3A_145 : vector<16xf32>
        %add3A_897 = arith.addf %add3A_889, %mul3A_896 : vector<16xf32>
        %add3A_898 = arith.constant 10 : i32
        %add3A_899 = arith.addi %mul3A_171, %add3A_898 : i32
        %get3A_900 = arith.index_cast %add3A_899 : i32 to index
        %get3A_901 = arith.constant 80 : index
        %get3A_902 = tpu.vector_load %arg9[%get3A_900, %get3A_901] {strides = array<i32>} : memref<128x256xf32, #tpu.memory_space<vmem>>, vector<1x16xf32>,
        %get3A_903 = vector.shape_cast %get3A_902 : vector<1x16xf32> to vector<16xf32>
        %mul3A_904 = arith.mulf %get3A_903, %gather3A_149 : vector<16xf32>
        %add3A_905 = arith.addf %add3A_897, %mul3A_904 : vector<16xf32>
        %add3A_906 = arith.constant 11 : i32
        %add3A_907 = arith.addi %mul3A_171, %add3A_906 : i32
        %get3A_908 = arith.index_cast %add3A_907 : i32 to index
        %get3A_909 = arith.constant 80 : index
        %get3A_910 = tpu.vector_load %arg9[%get3A_908, %get3A_909] {strides = array<i32>} : memref<128x256xf32, #tpu.memory_space<vmem>>, vector<1x16xf32>,
        %get3A_911 = vector.shape_cast %get3A_910 : vector<1x16xf32> to vector<16xf32>
        %mul3A_912 = arith.mulf %get3A_911, %gather3A_153 : vector<16xf32>
        %add3A_913 = arith.addf %add3A_905, %mul3A_912 : vector<16xf32>
        %add3A_914 = arith.constant 12 : i32
        %add3A_915 = arith.addi %mul3A_171, %add3A_914 : i32
        %get3A_916 = arith.index_cast %add3A_915 : i32 to index
        %get3A_917 = arith.constant 80 : index
        %get3A_918 = tpu.vector_load %arg9[%get3A_916, %get3A_917] {strides = array<i32>} : memref<128x256xf32, #tpu.memory_space<vmem>>, vector<1x16xf32>,
        %get3A_919 = vector.shape_cast %get3A_918 : vector<1x16xf32> to vector<16xf32>
        %mul3A_920 = arith.mulf %get3A_919, %gather3A_157 : vector<16xf32>
        %add3A_921 = arith.addf %add3A_913, %mul3A_920 : vector<16xf32>
        %add3A_922 = arith.constant 13 : i32
        %add3A_923 = arith.addi %mul3A_171, %add3A_922 : i32
        %get3A_924 = arith.index_cast %add3A_923 : i32 to index
        %get3A_925 = arith.constant 80 : index
        %get3A_926 = tpu.vector_load %arg9[%get3A_924, %get3A_925] {strides = array<i32>} : memref<128x256xf32, #tpu.memory_space<vmem>>, vector<1x16xf32>,
        %get3A_927 = vector.shape_cast %get3A_926 : vector<1x16xf32> to vector<16xf32>
        %mul3A_928 = arith.mulf %get3A_927, %gather3A_161 : vector<16xf32>
        %add3A_929 = arith.addf %add3A_921, %mul3A_928 : vector<16xf32>
        %add3A_930 = arith.constant 14 : i32
        %add3A_931 = arith.addi %mul3A_171, %add3A_930 : i32
        %get3A_932 = arith.index_cast %add3A_931 : i32 to index
        %get3A_933 = arith.constant 80 : index
        %get3A_934 = tpu.vector_load %arg9[%get3A_932, %get3A_933] {strides = array<i32>} : memref<128x256xf32, #tpu.memory_space<vmem>>, vector<1x16xf32>,
        %get3A_935 = vector.shape_cast %get3A_934 : vector<1x16xf32> to vector<16xf32>
        %mul3A_936 = arith.mulf %get3A_935, %gather3A_165 : vector<16xf32>
        %add3A_937 = arith.addf %add3A_929, %mul3A_936 : vector<16xf32>
        %add3A_938 = arith.constant 15 : i32
        %add3A_939 = arith.addi %mul3A_171, %add3A_938 : i32
        %get3A_940 = arith.index_cast %add3A_939 : i32 to index
        %get3A_941 = arith.constant 80 : index
        %get3A_942 = tpu.vector_load %arg9[%get3A_940, %get3A_941] {strides = array<i32>} : memref<128x256xf32, #tpu.memory_space<vmem>>, vector<1x16xf32>,
        %get3A_943 = vector.shape_cast %get3A_942 : vector<1x16xf32> to vector<16xf32>
        %mul3A_944 = arith.mulf %get3A_943, %gather3A_169 : vector<16xf32>
        %add3A_945 = arith.addf %add3A_937, %mul3A_944 : vector<16xf32>
        %swap3A_946 = arith.index_cast %scan3A_99 : i32 to index
        %swap3A_947 = arith.constant 80 : index
        %swap3A_948 = tpu.vector_load %arg11[%swap3A_946, %swap3A_947] {strides = array<i32>} : memref<8x256xf32, #tpu.memory_space<vmem>>, vector<1x16xf32>,
        %swap3A_949 = vector.shape_cast %swap3A_948 : vector<1x16xf32> to vector<16xf32>
        %swap3A_950 = vector.shape_cast %add3A_945 : vector<16xf32> to vector<1x16xf32>
        tpu.vector_store %arg11[%swap3A_946, %swap3A_947], %swap3A_950 {strides = array<i32>} : memref<8x256xf32, #tpu.memory_space<vmem>>, vector<1x16xf32>,
        %get3A_951 = arith.index_cast %mul3A_171 : i32 to index
        %get3A_952 = arith.constant 96 : index
        %get3A_953 = tpu.vector_load %arg9[%get3A_951, %get3A_952] {strides = array<i32>} : memref<128x256xf32, #tpu.memory_space<vmem>>, vector<1x16xf32>,
        %get3A_954 = vector.shape_cast %get3A_953 : vector<1x16xf32> to vector<16xf32>
        %mul3A_955 = arith.mulf %get3A_954, %gather3A_109 : vector<16xf32>
        %add3A_956 = arith.constant 1 : i32
        %add3A_957 = arith.addi %mul3A_171, %add3A_956 : i32
        %get3A_958 = arith.index_cast %add3A_957 : i32 to index
        %get3A_959 = arith.constant 96 : index
        %get3A_960 = tpu.vector_load %arg9[%get3A_958, %get3A_959] {strides = array<i32>} : memref<128x256xf32, #tpu.memory_space<vmem>>, vector<1x16xf32>,
        %get3A_961 = vector.shape_cast %get3A_960 : vector<1x16xf32> to vector<16xf32>
        %mul3A_962 = arith.mulf %get3A_961, %gather3A_113 : vector<16xf32>
        %add3A_963 = arith.addf %mul3A_955, %mul3A_962 : vector<16xf32>
        %add3A_964 = arith.constant 2 : i32
        %add3A_965 = arith.addi %mul3A_171, %add3A_964 : i32
        %get3A_966 = arith.index_cast %add3A_965 : i32 to index
        %get3A_967 = arith.constant 96 : index
        %get3A_968 = tpu.vector_load %arg9[%get3A_966, %get3A_967] {strides = array<i32>} : memref<128x256xf32, #tpu.memory_space<vmem>>, vector<1x16xf32>,
        %get3A_969 = vector.shape_cast %get3A_968 : vector<1x16xf32> to vector<16xf32>
        %mul3A_970 = arith.mulf %get3A_969, %gather3A_117 : vector<16xf32>
        %add3A_971 = arith.addf %add3A_963, %mul3A_970 : vector<16xf32>
        %add3A_972 = arith.constant 3 : i32
        %add3A_973 = arith.addi %mul3A_171, %add3A_972 : i32
        %get3A_974 = arith.index_cast %add3A_973 : i32 to index
        %get3A_975 = arith.constant 96 : index
        %get3A_976 = tpu.vector_load %arg9[%get3A_974, %get3A_975] {strides = array<i32>} : memref<128x256xf32, #tpu.memory_space<vmem>>, vector<1x16xf32>,
        %get3A_977 = vector.shape_cast %get3A_976 : vector<1x16xf32> to vector<16xf32>
        %mul3A_978 = arith.mulf %get3A_977, %gather3A_121 : vector<16xf32>
        %add3A_979 = arith.addf %add3A_971, %mul3A_978 : vector<16xf32>
        %add3A_980 = arith.constant 4 : i32
        %add3A_981 = arith.addi %mul3A_171, %add3A_980 : i32
        %get3A_982 = arith.index_cast %add3A_981 : i32 to index
        %get3A_983 = arith.constant 96 : index
        %get3A_984 = tpu.vector_load %arg9[%get3A_982, %get3A_983] {strides = array<i32>} : memref<128x256xf32, #tpu.memory_space<vmem>>, vector<1x16xf32>,
        %get3A_985 = vector.shape_cast %get3A_984 : vector<1x16xf32> to vector<16xf32>
        %mul3A_986 = arith.mulf %get3A_985, %gather3A_125 : vector<16xf32>
        %add3A_987 = arith.addf %add3A_979, %mul3A_986 : vector<16xf32>
        %add3A_988 = arith.constant 5 : i32
        %add3A_989 = arith.addi %mul3A_171, %add3A_988 : i32
        %get3A_990 = arith.index_cast %add3A_989 : i32 to index
        %get3A_991 = arith.constant 96 : index
        %get3A_992 = tpu.vector_load %arg9[%get3A_990, %get3A_991] {strides = array<i32>} : memref<128x256xf32, #tpu.memory_space<vmem>>, vector<1x16xf32>,
        %get3A_993 = vector.shape_cast %get3A_992 : vector<1x16xf32> to vector<16xf32>
        %mul3A_994 = arith.mulf %get3A_993, %gather3A_129 : vector<16xf32>
        %add3A_995 = arith.addf %add3A_987, %mul3A_994 : vector<16xf32>
        %add3A_996 = arith.constant 6 : i32
        %add3A_997 = arith.addi %mul3A_171, %add3A_996 : i32
        %get3A_998 = arith.index_cast %add3A_997 : i32 to index
        %get3A_999 = arith.constant 96 : index
        %get3A_1000 = tpu.vector_load %arg9[%get3A_998, %get3A_999] {strides = array<i32>} : memref<128x256xf32, #tpu.memory_space<vmem>>, vector<1x16xf32>,
        %get3A_1001 = vector.shape_cast %get3A_1000 : vector<1x16xf32> to vector<16xf32>
        %mul3A_1002 = arith.mulf %get3A_1001, %gather3A_133 : vector<16xf32>
        %add3A_1003 = arith.addf %add3A_995, %mul3A_1002 : vector<16xf32>
        %add3A_1004 = arith.constant 7 : i32
        %add3A_1005 = arith.addi %mul3A_171, %add3A_1004 : i32
        %get3A_1006 = arith.index_cast %add3A_1005 : i32 to index
        %get3A_1007 = arith.constant 96 : index
        %get3A_1008 = tpu.vector_load %arg9[%get3A_1006, %get3A_1007] {strides = array<i32>} : memref<128x256xf32, #tpu.memory_space<vmem>>, vector<1x16xf32>,
        %get3A_1009 = vector.shape_cast %get3A_1008 : vector<1x16xf32> to vector<16xf32>
        %mul3A_1010 = arith.mulf %get3A_1009, %gather3A_137 : vector<16xf32>
        %add3A_1011 = arith.addf %add3A_1003, %mul3A_1010 : vector<16xf32>
        %add3A_1012 = arith.constant 8 : i32
        %add3A_1013 = arith.addi %mul3A_171, %add3A_1012 : i32
        %get3A_1014 = arith.index_cast %add3A_1013 : i32 to index
        %get3A_1015 = arith.constant 96 : index
        %get3A_1016 = tpu.vector_load %arg9[%get3A_1014, %get3A_1015] {strides = array<i32>} : memref<128x256xf32, #tpu.memory_space<vmem>>, vector<1x16xf32>,
        %get3A_1017 = vector.shape_cast %get3A_1016 : vector<1x16xf32> to vector<16xf32>
        %mul3A_1018 = arith.mulf %get3A_1017, %gather3A_141 : vector<16xf32>
        %add3A_1019 = arith.addf %add3A_1011, %mul3A_1018 : vector<16xf32>
        %add3A_1020 = arith.constant 9 : i32
        %add3A_1021 = arith.addi %mul3A_171, %add3A_1020 : i32
        %get3A_1022 = arith.index_cast %add3A_1021 : i32 to index
        %get3A_1023 = arith.constant 96 : index
        %get3A_1024 = tpu.vector_load %arg9[%get3A_1022, %get3A_1023] {strides = array<i32>} : memref<128x256xf32, #tpu.memory_space<vmem>>, vector<1x16xf32>,
        %get3A_1025 = vector.shape_cast %get3A_1024 : vector<1x16xf32> to vector<16xf32>
        %mul3A_1026 = arith.mulf %get3A_1025, %gather3A_145 : vector<16xf32>
        %add3A_1027 = arith.addf %add3A_1019, %mul3A_1026 : vector<16xf32>
        %add3A_1028 = arith.constant 10 : i32
        %add3A_1029 = arith.addi %mul3A_171, %add3A_1028 : i32
        %get3A_1030 = arith.index_cast %add3A_1029 : i32 to index
        %get3A_1031 = arith.constant 96 : index
        %get3A_1032 = tpu.vector_load %arg9[%get3A_1030, %get3A_1031] {strides = array<i32>} : memref<128x256xf32, #tpu.memory_space<vmem>>, vector<1x16xf32>,
        %get3A_1033 = vector.shape_cast %get3A_1032 : vector<1x16xf32> to vector<16xf32>
        %mul3A_1034 = arith.mulf %get3A_1033, %gather3A_149 : vector<16xf32>
        %add3A_1035 = arith.addf %add3A_1027, %mul3A_1034 : vector<16xf32>
        %add3A_1036 = arith.constant 11 : i32
        %add3A_1037 = arith.addi %mul3A_171, %add3A_1036 : i32
        %get3A_1038 = arith.index_cast %add3A_1037 : i32 to index
        %get3A_1039 = arith.constant 96 : index
        %get3A_1040 = tpu.vector_load %arg9[%get3A_1038, %get3A_1039] {strides = array<i32>} : memref<128x256xf32, #tpu.memory_space<vmem>>, vector<1x16xf32>,
        %get3A_1041 = vector.shape_cast %get3A_1040 : vector<1x16xf32> to vector<16xf32>
        %mul3A_1042 = arith.mulf %get3A_1041, %gather3A_153 : vector<16xf32>
        %add3A_1043 = arith.addf %add3A_1035, %mul3A_1042 : vector<16xf32>
        %add3A_1044 = arith.constant 12 : i32
        %add3A_1045 = arith.addi %mul3A_171, %add3A_1044 : i32
        %get3A_1046 = arith.index_cast %add3A_1045 : i32 to index
        %get3A_1047 = arith.constant 96 : index
        %get3A_1048 = tpu.vector_load %arg9[%get3A_1046, %get3A_1047] {strides = array<i32>} : memref<128x256xf32, #tpu.memory_space<vmem>>, vector<1x16xf32>,
        %get3A_1049 = vector.shape_cast %get3A_1048 : vector<1x16xf32> to vector<16xf32>
        %mul3A_1050 = arith.mulf %get3A_1049, %gather3A_157 : vector<16xf32>
        %add3A_1051 = arith.addf %add3A_1043, %mul3A_1050 : vector<16xf32>
        %add3A_1052 = arith.constant 13 : i32
        %add3A_1053 = arith.addi %mul3A_171, %add3A_1052 : i32
        %get3A_1054 = arith.index_cast %add3A_1053 : i32 to index
        %get3A_1055 = arith.constant 96 : index
        %get3A_1056 = tpu.vector_load %arg9[%get3A_1054, %get3A_1055] {strides = array<i32>} : memref<128x256xf32, #tpu.memory_space<vmem>>, vector<1x16xf32>,
        %get3A_1057 = vector.shape_cast %get3A_1056 : vector<1x16xf32> to vector<16xf32>
        %mul3A_1058 = arith.mulf %get3A_1057, %gather3A_161 : vector<16xf32>
        %add3A_1059 = arith.addf %add3A_1051, %mul3A_1058 : vector<16xf32>
        %add3A_1060 = arith.constant 14 : i32
        %add3A_1061 = arith.addi %mul3A_171, %add3A_1060 : i32
        %get3A_1062 = arith.index_cast %add3A_1061 : i32 to index
        %get3A_1063 = arith.constant 96 : index
        %get3A_1064 = tpu.vector_load %arg9[%get3A_1062, %get3A_1063] {strides = array<i32>} : memref<128x256xf32, #tpu.memory_space<vmem>>, vector<1x16xf32>,
        %get3A_1065 = vector.shape_cast %get3A_1064 : vector<1x16xf32> to vector<16xf32>
        %mul3A_1066 = arith.mulf %get3A_1065, %gather3A_165 : vector<16xf32>
        %add3A_1067 = arith.addf %add3A_1059, %mul3A_1066 : vector<16xf32>
        %add3A_1068 = arith.constant 15 : i32
        %add3A_1069 = arith.addi %mul3A_171, %add3A_1068 : i32
        %get3A_1070 = arith.index_cast %add3A_1069 : i32 to index
        %get3A_1071 = arith.constant 96 : index
        %get3A_1072 = tpu.vector_load %arg9[%get3A_1070, %get3A_1071] {strides = array<i32>} : memref<128x256xf32, #tpu.memory_space<vmem>>, vector<1x16xf32>,
        %get3A_1073 = vector.shape_cast %get3A_1072 : vector<1x16xf32> to vector<16xf32>
        %mul3A_1074 = arith.mulf %get3A_1073, %gather3A_169 : vector<16xf32>
        %add3A_1075 = arith.addf %add3A_1067, %mul3A_1074 : vector<16xf32>
        %swap3A_1076 = arith.index_cast %scan3A_99 : i32 to index
        %swap3A_1077 = arith.constant 96 : index
        %swap3A_1078 = tpu.vector_load %arg11[%swap3A_1076, %swap3A_1077] {strides = array<i32>} : memref<8x256xf32, #tpu.memory_space<vmem>>, vector<1x16xf32>,
        %swap3A_1079 = vector.shape_cast %swap3A_1078 : vector<1x16xf32> to vector<16xf32>
        %swap3A_1080 = vector.shape_cast %add3A_1075 : vector<16xf32> to vector<1x16xf32>
        tpu.vector_store %arg11[%swap3A_1076, %swap3A_1077], %swap3A_1080 {strides = array<i32>} : memref<8x256xf32, #tpu.memory_space<vmem>>, vector<1x16xf32>,
        %get3A_1081 = arith.index_cast %mul3A_171 : i32 to index
        %get3A_1082 = arith.constant 112 : index
        %get3A_1083 = tpu.vector_load %arg9[%get3A_1081, %get3A_1082] {strides = array<i32>} : memref<128x256xf32, #tpu.memory_space<vmem>>, vector<1x16xf32>,
        %get3A_1084 = vector.shape_cast %get3A_1083 : vector<1x16xf32> to vector<16xf32>
        %mul3A_1085 = arith.mulf %get3A_1084, %gather3A_109 : vector<16xf32>
        %add3A_1086 = arith.constant 1 : i32
        %add3A_1087 = arith.addi %mul3A_171, %add3A_1086 : i32
        %get3A_1088 = arith.index_cast %add3A_1087 : i32 to index
        %get3A_1089 = arith.constant 112 : index
        %get3A_1090 = tpu.vector_load %arg9[%get3A_1088, %get3A_1089] {strides = array<i32>} : memref<128x256xf32, #tpu.memory_space<vmem>>, vector<1x16xf32>,
        %get3A_1091 = vector.shape_cast %get3A_1090 : vector<1x16xf32> to vector<16xf32>
        %mul3A_1092 = arith.mulf %get3A_1091, %gather3A_113 : vector<16xf32>
        %add3A_1093 = arith.addf %mul3A_1085, %mul3A_1092 : vector<16xf32>
        %add3A_1094 = arith.constant 2 : i32
        %add3A_1095 = arith.addi %mul3A_171, %add3A_1094 : i32
        %get3A_1096 = arith.index_cast %add3A_1095 : i32 to index
        %get3A_1097 = arith.constant 112 : index
        %get3A_1098 = tpu.vector_load %arg9[%get3A_1096, %get3A_1097] {strides = array<i32>} : memref<128x256xf32, #tpu.memory_space<vmem>>, vector<1x16xf32>,
        %get3A_1099 = vector.shape_cast %get3A_1098 : vector<1x16xf32> to vector<16xf32>
        %mul3A_1100 = arith.mulf %get3A_1099, %gather3A_117 : vector<16xf32>
        %add3A_1101 = arith.addf %add3A_1093, %mul3A_1100 : vector<16xf32>
        %add3A_1102 = arith.constant 3 : i32
        %add3A_1103 = arith.addi %mul3A_171, %add3A_1102 : i32
        %get3A_1104 = arith.index_cast %add3A_1103 : i32 to index
        %get3A_1105 = arith.constant 112 : index
        %get3A_1106 = tpu.vector_load %arg9[%get3A_1104, %get3A_1105] {strides = array<i32>} : memref<128x256xf32, #tpu.memory_space<vmem>>, vector<1x16xf32>,
        %get3A_1107 = vector.shape_cast %get3A_1106 : vector<1x16xf32> to vector<16xf32>
        %mul3A_1108 = arith.mulf %get3A_1107, %gather3A_121 : vector<16xf32>
        %add3A_1109 = arith.addf %add3A_1101, %mul3A_1108 : vector<16xf32>
        %add3A_1110 = arith.constant 4 : i32
        %add3A_1111 = arith.addi %mul3A_171, %add3A_1110 : i32
        %get3A_1112 = arith.index_cast %add3A_1111 : i32 to index
        %get3A_1113 = arith.constant 112 : index
        %get3A_1114 = tpu.vector_load %arg9[%get3A_1112, %get3A_1113] {strides = array<i32>} : memref<128x256xf32, #tpu.memory_space<vmem>>, vector<1x16xf32>,
        %get3A_1115 = vector.shape_cast %get3A_1114 : vector<1x16xf32> to vector<16xf32>
        %mul3A_1116 = arith.mulf %get3A_1115, %gather3A_125 : vector<16xf32>
        %add3A_1117 = arith.addf %add3A_1109, %mul3A_1116 : vector<16xf32>
        %add3A_1118 = arith.constant 5 : i32
        %add3A_1119 = arith.addi %mul3A_171, %add3A_1118 : i32
        %get3A_1120 = arith.index_cast %add3A_1119 : i32 to index
        %get3A_1121 = arith.constant 112 : index
        %get3A_1122 = tpu.vector_load %arg9[%get3A_1120, %get3A_1121] {strides = array<i32>} : memref<128x256xf32, #tpu.memory_space<vmem>>, vector<1x16xf32>,
        %get3A_1123 = vector.shape_cast %get3A_1122 : vector<1x16xf32> to vector<16xf32>
        %mul3A_1124 = arith.mulf %get3A_1123, %gather3A_129 : vector<16xf32>
        %add3A_1125 = arith.addf %add3A_1117, %mul3A_1124 : vector<16xf32>
        %add3A_1126 = arith.constant 6 : i32
        %add3A_1127 = arith.addi %mul3A_171, %add3A_1126 : i32
        %get3A_1128 = arith.index_cast %add3A_1127 : i32 to index
        %get3A_1129 = arith.constant 112 : index
        %get3A_1130 = tpu.vector_load %arg9[%get3A_1128, %get3A_1129] {strides = array<i32>} : memref<128x256xf32, #tpu.memory_space<vmem>>, vector<1x16xf32>,
        %get3A_1131 = vector.shape_cast %get3A_1130 : vector<1x16xf32> to vector<16xf32>
        %mul3A_1132 = arith.mulf %get3A_1131, %gather3A_133 : vector<16xf32>
        %add3A_1133 = arith.addf %add3A_1125, %mul3A_1132 : vector<16xf32>
        %add3A_1134 = arith.constant 7 : i32
        %add3A_1135 = arith.addi %mul3A_171, %add3A_1134 : i32
        %get3A_1136 = arith.index_cast %add3A_1135 : i32 to index
        %get3A_1137 = arith.constant 112 : index
        %get3A_1138 = tpu.vector_load %arg9[%get3A_1136, %get3A_1137] {strides = array<i32>} : memref<128x256xf32, #tpu.memory_space<vmem>>, vector<1x16xf32>,
        %get3A_1139 = vector.shape_cast %get3A_1138 : vector<1x16xf32> to vector<16xf32>
        %mul3A_1140 = arith.mulf %get3A_1139, %gather3A_137 : vector<16xf32>
        %add3A_1141 = arith.addf %add3A_1133, %mul3A_1140 : vector<16xf32>
        %add3A_1142 = arith.constant 8 : i32
        %add3A_1143 = arith.addi %mul3A_171, %add3A_1142 : i32
        %get3A_1144 = arith.index_cast %add3A_1143 : i32 to index
        %get3A_1145 = arith.constant 112 : index
        %get3A_1146 = tpu.vector_load %arg9[%get3A_1144, %get3A_1145] {strides = array<i32>} : memref<128x256xf32, #tpu.memory_space<vmem>>, vector<1x16xf32>,
        %get3A_1147 = vector.shape_cast %get3A_1146 : vector<1x16xf32> to vector<16xf32>
        %mul3A_1148 = arith.mulf %get3A_1147, %gather3A_141 : vector<16xf32>
        %add3A_1149 = arith.addf %add3A_1141, %mul3A_1148 : vector<16xf32>
        %add3A_1150 = arith.constant 9 : i32
        %add3A_1151 = arith.addi %mul3A_171, %add3A_1150 : i32
        %get3A_1152 = arith.index_cast %add3A_1151 : i32 to index
        %get3A_1153 = arith.constant 112 : index
        %get3A_1154 = tpu.vector_load %arg9[%get3A_1152, %get3A_1153] {strides = array<i32>} : memref<128x256xf32, #tpu.memory_space<vmem>>, vector<1x16xf32>,
        %get3A_1155 = vector.shape_cast %get3A_1154 : vector<1x16xf32> to vector<16xf32>
        %mul3A_1156 = arith.mulf %get3A_1155, %gather3A_145 : vector<16xf32>
        %add3A_1157 = arith.addf %add3A_1149, %mul3A_1156 : vector<16xf32>
        %add3A_1158 = arith.constant 10 : i32
        %add3A_1159 = arith.addi %mul3A_171, %add3A_1158 : i32
        %get3A_1160 = arith.index_cast %add3A_1159 : i32 to index
        %get3A_1161 = arith.constant 112 : index
        %get3A_1162 = tpu.vector_load %arg9[%get3A_1160, %get3A_1161] {strides = array<i32>} : memref<128x256xf32, #tpu.memory_space<vmem>>, vector<1x16xf32>,
        %get3A_1163 = vector.shape_cast %get3A_1162 : vector<1x16xf32> to vector<16xf32>
        %mul3A_1164 = arith.mulf %get3A_1163, %gather3A_149 : vector<16xf32>
        %add3A_1165 = arith.addf %add3A_1157, %mul3A_1164 : vector<16xf32>
        %add3A_1166 = arith.constant 11 : i32
        %add3A_1167 = arith.addi %mul3A_171, %add3A_1166 : i32
        %get3A_1168 = arith.index_cast %add3A_1167 : i32 to index
        %get3A_1169 = arith.constant 112 : index
        %get3A_1170 = tpu.vector_load %arg9[%get3A_1168, %get3A_1169] {strides = array<i32>} : memref<128x256xf32, #tpu.memory_space<vmem>>, vector<1x16xf32>,
        %get3A_1171 = vector.shape_cast %get3A_1170 : vector<1x16xf32> to vector<16xf32>
        %mul3A_1172 = arith.mulf %get3A_1171, %gather3A_153 : vector<16xf32>
        %add3A_1173 = arith.addf %add3A_1165, %mul3A_1172 : vector<16xf32>
        %add3A_1174 = arith.constant 12 : i32
        %add3A_1175 = arith.addi %mul3A_171, %add3A_1174 : i32
        %get3A_1176 = arith.index_cast %add3A_1175 : i32 to index
        %get3A_1177 = arith.constant 112 : index
        %get3A_1178 = tpu.vector_load %arg9[%get3A_1176, %get3A_1177] {strides = array<i32>} : memref<128x256xf32, #tpu.memory_space<vmem>>, vector<1x16xf32>,
        %get3A_1179 = vector.shape_cast %get3A_1178 : vector<1x16xf32> to vector<16xf32>
        %mul3A_1180 = arith.mulf %get3A_1179, %gather3A_157 : vector<16xf32>
        %add3A_1181 = arith.addf %add3A_1173, %mul3A_1180 : vector<16xf32>
        %add3A_1182 = arith.constant 13 : i32
        %add3A_1183 = arith.addi %mul3A_171, %add3A_1182 : i32
        %get3A_1184 = arith.index_cast %add3A_1183 : i32 to index
        %get3A_1185 = arith.constant 112 : index
        %get3A_1186 = tpu.vector_load %arg9[%get3A_1184, %get3A_1185] {strides = array<i32>} : memref<128x256xf32, #tpu.memory_space<vmem>>, vector<1x16xf32>,
        %get3A_1187 = vector.shape_cast %get3A_1186 : vector<1x16xf32> to vector<16xf32>
        %mul3A_1188 = arith.mulf %get3A_1187, %gather3A_161 : vector<16xf32>
        %add3A_1189 = arith.addf %add3A_1181, %mul3A_1188 : vector<16xf32>
        %add3A_1190 = arith.constant 14 : i32
        %add3A_1191 = arith.addi %mul3A_171, %add3A_1190 : i32
        %get3A_1192 = arith.index_cast %add3A_1191 : i32 to index
        %get3A_1193 = arith.constant 112 : index
        %get3A_1194 = tpu.vector_load %arg9[%get3A_1192, %get3A_1193] {strides = array<i32>} : memref<128x256xf32, #tpu.memory_space<vmem>>, vector<1x16xf32>,
        %get3A_1195 = vector.shape_cast %get3A_1194 : vector<1x16xf32> to vector<16xf32>
        %mul3A_1196 = arith.mulf %get3A_1195, %gather3A_165 : vector<16xf32>
        %add3A_1197 = arith.addf %add3A_1189, %mul3A_1196 : vector<16xf32>
        %add3A_1198 = arith.constant 15 : i32
        %add3A_1199 = arith.addi %mul3A_171, %add3A_1198 : i32
        %get3A_1200 = arith.index_cast %add3A_1199 : i32 to index
        %get3A_1201 = arith.constant 112 : index
        %get3A_1202 = tpu.vector_load %arg9[%get3A_1200, %get3A_1201] {strides = array<i32>} : memref<128x256xf32, #tpu.memory_space<vmem>>, vector<1x16xf32>,
        %get3A_1203 = vector.shape_cast %get3A_1202 : vector<1x16xf32> to vector<16xf32>
        %mul3A_1204 = arith.mulf %get3A_1203, %gather3A_169 : vector<16xf32>
        %add3A_1205 = arith.addf %add3A_1197, %mul3A_1204 : vector<16xf32>
        %swap3A_1206 = arith.index_cast %scan3A_99 : i32 to index
        %swap3A_1207 = arith.constant 112 : index
        %swap3A_1208 = tpu.vector_load %arg11[%swap3A_1206, %swap3A_1207] {strides = array<i32>} : memref<8x256xf32, #tpu.memory_space<vmem>>, vector<1x16xf32>,
        %swap3A_1209 = vector.shape_cast %swap3A_1208 : vector<1x16xf32> to vector<16xf32>
        %swap3A_1210 = vector.shape_cast %add3A_1205 : vector<16xf32> to vector<1x16xf32>
        tpu.vector_store %arg11[%swap3A_1206, %swap3A_1207], %swap3A_1210 {strides = array<i32>} : memref<8x256xf32, #tpu.memory_space<vmem>>, vector<1x16xf32>,
        %get3A_1211 = arith.index_cast %mul3A_171 : i32 to index
        %get3A_1212 = arith.constant 128 : index
        %get3A_1213 = tpu.vector_load %arg9[%get3A_1211, %get3A_1212] {strides = array<i32>} : memref<128x256xf32, #tpu.memory_space<vmem>>, vector<1x16xf32>,
        %get3A_1214 = vector.shape_cast %get3A_1213 : vector<1x16xf32> to vector<16xf32>
        %mul3A_1215 = arith.mulf %get3A_1214, %gather3A_109 : vector<16xf32>
        %add3A_1216 = arith.constant 1 : i32
        %add3A_1217 = arith.addi %mul3A_171, %add3A_1216 : i32
        %get3A_1218 = arith.index_cast %add3A_1217 : i32 to index
        %get3A_1219 = arith.constant 128 : index
        %get3A_1220 = tpu.vector_load %arg9[%get3A_1218, %get3A_1219] {strides = array<i32>} : memref<128x256xf32, #tpu.memory_space<vmem>>, vector<1x16xf32>,
        %get3A_1221 = vector.shape_cast %get3A_1220 : vector<1x16xf32> to vector<16xf32>
        %mul3A_1222 = arith.mulf %get3A_1221, %gather3A_113 : vector<16xf32>
        %add3A_1223 = arith.addf %mul3A_1215, %mul3A_1222 : vector<16xf32>
        %add3A_1224 = arith.constant 2 : i32
        %add3A_1225 = arith.addi %mul3A_171, %add3A_1224 : i32
        %get3A_1226 = arith.index_cast %add3A_1225 : i32 to index
        %get3A_1227 = arith.constant 128 : index
        %get3A_1228 = tpu.vector_load %arg9[%get3A_1226, %get3A_1227] {strides = array<i32>} : memref<128x256xf32, #tpu.memory_space<vmem>>, vector<1x16xf32>,
        %get3A_1229 = vector.shape_cast %get3A_1228 : vector<1x16xf32> to vector<16xf32>
        %mul3A_1230 = arith.mulf %get3A_1229, %gather3A_117 : vector<16xf32>
        %add3A_1231 = arith.addf %add3A_1223, %mul3A_1230 : vector<16xf32>
        %add3A_1232 = arith.constant 3 : i32
        %add3A_1233 = arith.addi %mul3A_171, %add3A_1232 : i32
        %get3A_1234 = arith.index_cast %add3A_1233 : i32 to index
        %get3A_1235 = arith.constant 128 : index
        %get3A_1236 = tpu.vector_load %arg9[%get3A_1234, %get3A_1235] {strides = array<i32>} : memref<128x256xf32, #tpu.memory_space<vmem>>, vector<1x16xf32>,
        %get3A_1237 = vector.shape_cast %get3A_1236 : vector<1x16xf32> to vector<16xf32>
        %mul3A_1238 = arith.mulf %get3A_1237, %gather3A_121 : vector<16xf32>
        %add3A_1239 = arith.addf %add3A_1231, %mul3A_1238 : vector<16xf32>
        %add3A_1240 = arith.constant 4 : i32
        %add3A_1241 = arith.addi %mul3A_171, %add3A_1240 : i32
        %get3A_1242 = arith.index_cast %add3A_1241 : i32 to index
        %get3A_1243 = arith.constant 128 : index
        %get3A_1244 = tpu.vector_load %arg9[%get3A_1242, %get3A_1243] {strides = array<i32>} : memref<128x256xf32, #tpu.memory_space<vmem>>, vector<1x16xf32>,
        %get3A_1245 = vector.shape_cast %get3A_1244 : vector<1x16xf32> to vector<16xf32>
        %mul3A_1246 = arith.mulf %get3A_1245, %gather3A_125 : vector<16xf32>
        %add3A_1247 = arith.addf %add3A_1239, %mul3A_1246 : vector<16xf32>
        %add3A_1248 = arith.constant 5 : i32
        %add3A_1249 = arith.addi %mul3A_171, %add3A_1248 : i32
        %get3A_1250 = arith.index_cast %add3A_1249 : i32 to index
        %get3A_1251 = arith.constant 128 : index
        %get3A_1252 = tpu.vector_load %arg9[%get3A_1250, %get3A_1251] {strides = array<i32>} : memref<128x256xf32, #tpu.memory_space<vmem>>, vector<1x16xf32>,
        %get3A_1253 = vector.shape_cast %get3A_1252 : vector<1x16xf32> to vector<16xf32>
        %mul3A_1254 = arith.mulf %get3A_1253, %gather3A_129 : vector<16xf32>
        %add3A_1255 = arith.addf %add3A_1247, %mul3A_1254 : vector<16xf32>
        %add3A_1256 = arith.constant 6 : i32
        %add3A_1257 = arith.addi %mul3A_171, %add3A_1256 : i32
        %get3A_1258 = arith.index_cast %add3A_1257 : i32 to index
        %get3A_1259 = arith.constant 128 : index
        %get3A_1260 = tpu.vector_load %arg9[%get3A_1258, %get3A_1259] {strides = array<i32>} : memref<128x256xf32, #tpu.memory_space<vmem>>, vector<1x16xf32>,
        %get3A_1261 = vector.shape_cast %get3A_1260 : vector<1x16xf32> to vector<16xf32>
        %mul3A_1262 = arith.mulf %get3A_1261, %gather3A_133 : vector<16xf32>
        %add3A_1263 = arith.addf %add3A_1255, %mul3A_1262 : vector<16xf32>
        %add3A_1264 = arith.constant 7 : i32
        %add3A_1265 = arith.addi %mul3A_171, %add3A_1264 : i32
        %get3A_1266 = arith.index_cast %add3A_1265 : i32 to index
        %get3A_1267 = arith.constant 128 : index
        %get3A_1268 = tpu.vector_load %arg9[%get3A_1266, %get3A_1267] {strides = array<i32>} : memref<128x256xf32, #tpu.memory_space<vmem>>, vector<1x16xf32>,
        %get3A_1269 = vector.shape_cast %get3A_1268 : vector<1x16xf32> to vector<16xf32>
        %mul3A_1270 = arith.mulf %get3A_1269, %gather3A_137 : vector<16xf32>
        %add3A_1271 = arith.addf %add3A_1263, %mul3A_1270 : vector<16xf32>
        %add3A_1272 = arith.constant 8 : i32
        %add3A_1273 = arith.addi %mul3A_171, %add3A_1272 : i32
        %get3A_1274 = arith.index_cast %add3A_1273 : i32 to index
        %get3A_1275 = arith.constant 128 : index
        %get3A_1276 = tpu.vector_load %arg9[%get3A_1274, %get3A_1275] {strides = array<i32>} : memref<128x256xf32, #tpu.memory_space<vmem>>, vector<1x16xf32>,
        %get3A_1277 = vector.shape_cast %get3A_1276 : vector<1x16xf32> to vector<16xf32>
        %mul3A_1278 = arith.mulf %get3A_1277, %gather3A_141 : vector<16xf32>
        %add3A_1279 = arith.addf %add3A_1271, %mul3A_1278 : vector<16xf32>
        %add3A_1280 = arith.constant 9 : i32
        %add3A_1281 = arith.addi %mul3A_171, %add3A_1280 : i32
        %get3A_1282 = arith.index_cast %add3A_1281 : i32 to index
        %get3A_1283 = arith.constant 128 : index
        %get3A_1284 = tpu.vector_load %arg9[%get3A_1282, %get3A_1283] {strides = array<i32>} : memref<128x256xf32, #tpu.memory_space<vmem>>, vector<1x16xf32>,
        %get3A_1285 = vector.shape_cast %get3A_1284 : vector<1x16xf32> to vector<16xf32>
        %mul3A_1286 = arith.mulf %get3A_1285, %gather3A_145 : vector<16xf32>
        %add3A_1287 = arith.addf %add3A_1279, %mul3A_1286 : vector<16xf32>
        %add3A_1288 = arith.constant 10 : i32
        %add3A_1289 = arith.addi %mul3A_171, %add3A_1288 : i32
        %get3A_1290 = arith.index_cast %add3A_1289 : i32 to index
        %get3A_1291 = arith.constant 128 : index
        %get3A_1292 = tpu.vector_load %arg9[%get3A_1290, %get3A_1291] {strides = array<i32>} : memref<128x256xf32, #tpu.memory_space<vmem>>, vector<1x16xf32>,
        %get3A_1293 = vector.shape_cast %get3A_1292 : vector<1x16xf32> to vector<16xf32>
        %mul3A_1294 = arith.mulf %get3A_1293, %gather3A_149 : vector<16xf32>
        %add3A_1295 = arith.addf %add3A_1287, %mul3A_1294 : vector<16xf32>
        %add3A_1296 = arith.constant 11 : i32
        %add3A_1297 = arith.addi %mul3A_171, %add3A_1296 : i32
        %get3A_1298 = arith.index_cast %add3A_1297 : i32 to index
        %get3A_1299 = arith.constant 128 : index
        %get3A_1300 = tpu.vector_load %arg9[%get3A_1298, %get3A_1299] {strides = array<i32>} : memref<128x256xf32, #tpu.memory_space<vmem>>, vector<1x16xf32>,
        %get3A_1301 = vector.shape_cast %get3A_1300 : vector<1x16xf32> to vector<16xf32>
        %mul3A_1302 = arith.mulf %get3A_1301, %gather3A_153 : vector<16xf32>
        %add3A_1303 = arith.addf %add3A_1295, %mul3A_1302 : vector<16xf32>
        %add3A_1304 = arith.constant 12 : i32
        %add3A_1305 = arith.addi %mul3A_171, %add3A_1304 : i32
        %get3A_1306 = arith.index_cast %add3A_1305 : i32 to index
        %get3A_1307 = arith.constant 128 : index
        %get3A_1308 = tpu.vector_load %arg9[%get3A_1306, %get3A_1307] {strides = array<i32>} : memref<128x256xf32, #tpu.memory_space<vmem>>, vector<1x16xf32>,
        %get3A_1309 = vector.shape_cast %get3A_1308 : vector<1x16xf32> to vector<16xf32>
        %mul3A_1310 = arith.mulf %get3A_1309, %gather3A_157 : vector<16xf32>
        %add3A_1311 = arith.addf %add3A_1303, %mul3A_1310 : vector<16xf32>
        %add3A_1312 = arith.constant 13 : i32
        %add3A_1313 = arith.addi %mul3A_171, %add3A_1312 : i32
        %get3A_1314 = arith.index_cast %add3A_1313 : i32 to index
        %get3A_1315 = arith.constant 128 : index
        %get3A_1316 = tpu.vector_load %arg9[%get3A_1314, %get3A_1315] {strides = array<i32>} : memref<128x256xf32, #tpu.memory_space<vmem>>, vector<1x16xf32>,
        %get3A_1317 = vector.shape_cast %get3A_1316 : vector<1x16xf32> to vector<16xf32>
        %mul3A_1318 = arith.mulf %get3A_1317, %gather3A_161 : vector<16xf32>
        %add3A_1319 = arith.addf %add3A_1311, %mul3A_1318 : vector<16xf32>
        %add3A_1320 = arith.constant 14 : i32
        %add3A_1321 = arith.addi %mul3A_171, %add3A_1320 : i32
        %get3A_1322 = arith.index_cast %add3A_1321 : i32 to index
        %get3A_1323 = arith.constant 128 : index
        %get3A_1324 = tpu.vector_load %arg9[%get3A_1322, %get3A_1323] {strides = array<i32>} : memref<128x256xf32, #tpu.memory_space<vmem>>, vector<1x16xf32>,
        %get3A_1325 = vector.shape_cast %get3A_1324 : vector<1x16xf32> to vector<16xf32>
        %mul3A_1326 = arith.mulf %get3A_1325, %gather3A_165 : vector<16xf32>
        %add3A_1327 = arith.addf %add3A_1319, %mul3A_1326 : vector<16xf32>
        %add3A_1328 = arith.constant 15 : i32
        %add3A_1329 = arith.addi %mul3A_171, %add3A_1328 : i32
        %get3A_1330 = arith.index_cast %add3A_1329 : i32 to index
        %get3A_1331 = arith.constant 128 : index
        %get3A_1332 = tpu.vector_load %arg9[%get3A_1330, %get3A_1331] {strides = array<i32>} : memref<128x256xf32, #tpu.memory_space<vmem>>, vector<1x16xf32>,
        %get3A_1333 = vector.shape_cast %get3A_1332 : vector<1x16xf32> to vector<16xf32>
        %mul3A_1334 = arith.mulf %get3A_1333, %gather3A_169 : vector<16xf32>
        %add3A_1335 = arith.addf %add3A_1327, %mul3A_1334 : vector<16xf32>
        %swap3A_1336 = arith.index_cast %scan3A_99 : i32 to index
        %swap3A_1337 = arith.constant 128 : index
        %swap3A_1338 = tpu.vector_load %arg11[%swap3A_1336, %swap3A_1337] {strides = array<i32>} : memref<8x256xf32, #tpu.memory_space<vmem>>, vector<1x16xf32>,
        %swap3A_1339 = vector.shape_cast %swap3A_1338 : vector<1x16xf32> to vector<16xf32>
        %swap3A_1340 = vector.shape_cast %add3A_1335 : vector<16xf32> to vector<1x16xf32>
        tpu.vector_store %arg11[%swap3A_1336, %swap3A_1337], %swap3A_1340 {strides = array<i32>} : memref<8x256xf32, #tpu.memory_space<vmem>>, vector<1x16xf32>,
        %get3A_1341 = arith.index_cast %mul3A_171 : i32 to index
        %get3A_1342 = arith.constant 144 : index
        %get3A_1343 = tpu.vector_load %arg9[%get3A_1341, %get3A_1342] {strides = array<i32>} : memref<128x256xf32, #tpu.memory_space<vmem>>, vector<1x16xf32>,
        %get3A_1344 = vector.shape_cast %get3A_1343 : vector<1x16xf32> to vector<16xf32>
        %mul3A_1345 = arith.mulf %get3A_1344, %gather3A_109 : vector<16xf32>
        %add3A_1346 = arith.constant 1 : i32
        %add3A_1347 = arith.addi %mul3A_171, %add3A_1346 : i32
        %get3A_1348 = arith.index_cast %add3A_1347 : i32 to index
        %get3A_1349 = arith.constant 144 : index
        %get3A_1350 = tpu.vector_load %arg9[%get3A_1348, %get3A_1349] {strides = array<i32>} : memref<128x256xf32, #tpu.memory_space<vmem>>, vector<1x16xf32>,
        %get3A_1351 = vector.shape_cast %get3A_1350 : vector<1x16xf32> to vector<16xf32>
        %mul3A_1352 = arith.mulf %get3A_1351, %gather3A_113 : vector<16xf32>
        %add3A_1353 = arith.addf %mul3A_1345, %mul3A_1352 : vector<16xf32>
        %add3A_1354 = arith.constant 2 : i32
        %add3A_1355 = arith.addi %mul3A_171, %add3A_1354 : i32
        %get3A_1356 = arith.index_cast %add3A_1355 : i32 to index
        %get3A_1357 = arith.constant 144 : index
        %get3A_1358 = tpu.vector_load %arg9[%get3A_1356, %get3A_1357] {strides = array<i32>} : memref<128x256xf32, #tpu.memory_space<vmem>>, vector<1x16xf32>,
        %get3A_1359 = vector.shape_cast %get3A_1358 : vector<1x16xf32> to vector<16xf32>
        %mul3A_1360 = arith.mulf %get3A_1359, %gather3A_117 : vector<16xf32>
        %add3A_1361 = arith.addf %add3A_1353, %mul3A_1360 : vector<16xf32>
        %add3A_1362 = arith.constant 3 : i32
        %add3A_1363 = arith.addi %mul3A_171, %add3A_1362 : i32
        %get3A_1364 = arith.index_cast %add3A_1363 : i32 to index
        %get3A_1365 = arith.constant 144 : index
        %get3A_1366 = tpu.vector_load %arg9[%get3A_1364, %get3A_1365] {strides = array<i32>} : memref<128x256xf32, #tpu.memory_space<vmem>>, vector<1x16xf32>,
        %get3A_1367 = vector.shape_cast %get3A_1366 : vector<1x16xf32> to vector<16xf32>
        %mul3A_1368 = arith.mulf %get3A_1367, %gather3A_121 : vector<16xf32>
        %add3A_1369 = arith.addf %add3A_1361, %mul3A_1368 : vector<16xf32>
        %add3A_1370 = arith.constant 4 : i32
        %add3A_1371 = arith.addi %mul3A_171, %add3A_1370 : i32
        %get3A_1372 = arith.index_cast %add3A_1371 : i32 to index
        %get3A_1373 = arith.constant 144 : index
        %get3A_1374 = tpu.vector_load %arg9[%get3A_1372, %get3A_1373] {strides = array<i32>} : memref<128x256xf32, #tpu.memory_space<vmem>>, vector<1x16xf32>,
        %get3A_1375 = vector.shape_cast %get3A_1374 : vector<1x16xf32> to vector<16xf32>
        %mul3A_1376 = arith.mulf %get3A_1375, %gather3A_125 : vector<16xf32>
        %add3A_1377 = arith.addf %add3A_1369, %mul3A_1376 : vector<16xf32>
        %add3A_1378 = arith.constant 5 : i32
        %add3A_1379 = arith.addi %mul3A_171, %add3A_1378 : i32
        %get3A_1380 = arith.index_cast %add3A_1379 : i32 to index
        %get3A_1381 = arith.constant 144 : index
        %get3A_1382 = tpu.vector_load %arg9[%get3A_1380, %get3A_1381] {strides = array<i32>} : memref<128x256xf32, #tpu.memory_space<vmem>>, vector<1x16xf32>,
        %get3A_1383 = vector.shape_cast %get3A_1382 : vector<1x16xf32> to vector<16xf32>
        %mul3A_1384 = arith.mulf %get3A_1383, %gather3A_129 : vector<16xf32>
        %add3A_1385 = arith.addf %add3A_1377, %mul3A_1384 : vector<16xf32>
        %add3A_1386 = arith.constant 6 : i32
        %add3A_1387 = arith.addi %mul3A_171, %add3A_1386 : i32
        %get3A_1388 = arith.index_cast %add3A_1387 : i32 to index
        %get3A_1389 = arith.constant 144 : index
        %get3A_1390 = tpu.vector_load %arg9[%get3A_1388, %get3A_1389] {strides = array<i32>} : memref<128x256xf32, #tpu.memory_space<vmem>>, vector<1x16xf32>,
        %get3A_1391 = vector.shape_cast %get3A_1390 : vector<1x16xf32> to vector<16xf32>
        %mul3A_1392 = arith.mulf %get3A_1391, %gather3A_133 : vector<16xf32>
        %add3A_1393 = arith.addf %add3A_1385, %mul3A_1392 : vector<16xf32>
        %add3A_1394 = arith.constant 7 : i32
        %add3A_1395 = arith.addi %mul3A_171, %add3A_1394 : i32
        %get3A_1396 = arith.index_cast %add3A_1395 : i32 to index
        %get3A_1397 = arith.constant 144 : index
        %get3A_1398 = tpu.vector_load %arg9[%get3A_1396, %get3A_1397] {strides = array<i32>} : memref<128x256xf32, #tpu.memory_space<vmem>>, vector<1x16xf32>,
        %get3A_1399 = vector.shape_cast %get3A_1398 : vector<1x16xf32> to vector<16xf32>
        %mul3A_1400 = arith.mulf %get3A_1399, %gather3A_137 : vector<16xf32>
        %add3A_1401 = arith.addf %add3A_1393, %mul3A_1400 : vector<16xf32>
        %add3A_1402 = arith.constant 8 : i32
        %add3A_1403 = arith.addi %mul3A_171, %add3A_1402 : i32
        %get3A_1404 = arith.index_cast %add3A_1403 : i32 to index
        %get3A_1405 = arith.constant 144 : index
        %get3A_1406 = tpu.vector_load %arg9[%get3A_1404, %get3A_1405] {strides = array<i32>} : memref<128x256xf32, #tpu.memory_space<vmem>>, vector<1x16xf32>,
        %get3A_1407 = vector.shape_cast %get3A_1406 : vector<1x16xf32> to vector<16xf32>
        %mul3A_1408 = arith.mulf %get3A_1407, %gather3A_141 : vector<16xf32>
        %add3A_1409 = arith.addf %add3A_1401, %mul3A_1408 : vector<16xf32>
        %add3A_1410 = arith.constant 9 : i32
        %add3A_1411 = arith.addi %mul3A_171, %add3A_1410 : i32
        %get3A_1412 = arith.index_cast %add3A_1411 : i32 to index
        %get3A_1413 = arith.constant 144 : index
        %get3A_1414 = tpu.vector_load %arg9[%get3A_1412, %get3A_1413] {strides = array<i32>} : memref<128x256xf32, #tpu.memory_space<vmem>>, vector<1x16xf32>,
        %get3A_1415 = vector.shape_cast %get3A_1414 : vector<1x16xf32> to vector<16xf32>
        %mul3A_1416 = arith.mulf %get3A_1415, %gather3A_145 : vector<16xf32>
        %add3A_1417 = arith.addf %add3A_1409, %mul3A_1416 : vector<16xf32>
        %add3A_1418 = arith.constant 10 : i32
        %add3A_1419 = arith.addi %mul3A_171, %add3A_1418 : i32
        %get3A_1420 = arith.index_cast %add3A_1419 : i32 to index
        %get3A_1421 = arith.constant 144 : index
        %get3A_1422 = tpu.vector_load %arg9[%get3A_1420, %get3A_1421] {strides = array<i32>} : memref<128x256xf32, #tpu.memory_space<vmem>>, vector<1x16xf32>,
        %get3A_1423 = vector.shape_cast %get3A_1422 : vector<1x16xf32> to vector<16xf32>
        %mul3A_1424 = arith.mulf %get3A_1423, %gather3A_149 : vector<16xf32>
        %add3A_1425 = arith.addf %add3A_1417, %mul3A_1424 : vector<16xf32>
        %add3A_1426 = arith.constant 11 : i32
        %add3A_1427 = arith.addi %mul3A_171, %add3A_1426 : i32
        %get3A_1428 = arith.index_cast %add3A_1427 : i32 to index
        %get3A_1429 = arith.constant 144 : index
        %get3A_1430 = tpu.vector_load %arg9[%get3A_1428, %get3A_1429] {strides = array<i32>} : memref<128x256xf32, #tpu.memory_space<vmem>>, vector<1x16xf32>,
        %get3A_1431 = vector.shape_cast %get3A_1430 : vector<1x16xf32> to vector<16xf32>
        %mul3A_1432 = arith.mulf %get3A_1431, %gather3A_153 : vector<16xf32>
        %add3A_1433 = arith.addf %add3A_1425, %mul3A_1432 : vector<16xf32>
        %add3A_1434 = arith.constant 12 : i32
        %add3A_1435 = arith.addi %mul3A_171, %add3A_1434 : i32
        %get3A_1436 = arith.index_cast %add3A_1435 : i32 to index
        %get3A_1437 = arith.constant 144 : index
        %get3A_1438 = tpu.vector_load %arg9[%get3A_1436, %get3A_1437] {strides = array<i32>} : memref<128x256xf32, #tpu.memory_space<vmem>>, vector<1x16xf32>,
        %get3A_1439 = vector.shape_cast %get3A_1438 : vector<1x16xf32> to vector<16xf32>
        %mul3A_1440 = arith.mulf %get3A_1439, %gather3A_157 : vector<16xf32>
        %add3A_1441 = arith.addf %add3A_1433, %mul3A_1440 : vector<16xf32>
        %add3A_1442 = arith.constant 13 : i32
        %add3A_1443 = arith.addi %mul3A_171, %add3A_1442 : i32
        %get3A_1444 = arith.index_cast %add3A_1443 : i32 to index
        %get3A_1445 = arith.constant 144 : index
        %get3A_1446 = tpu.vector_load %arg9[%get3A_1444, %get3A_1445] {strides = array<i32>} : memref<128x256xf32, #tpu.memory_space<vmem>>, vector<1x16xf32>,
        %get3A_1447 = vector.shape_cast %get3A_1446 : vector<1x16xf32> to vector<16xf32>
        %mul3A_1448 = arith.mulf %get3A_1447, %gather3A_161 : vector<16xf32>
        %add3A_1449 = arith.addf %add3A_1441, %mul3A_1448 : vector<16xf32>
        %add3A_1450 = arith.constant 14 : i32
        %add3A_1451 = arith.addi %mul3A_171, %add3A_1450 : i32
        %get3A_1452 = arith.index_cast %add3A_1451 : i32 to index
        %get3A_1453 = arith.constant 144 : index
        %get3A_1454 = tpu.vector_load %arg9[%get3A_1452, %get3A_1453] {strides = array<i32>} : memref<128x256xf32, #tpu.memory_space<vmem>>, vector<1x16xf32>,
        %get3A_1455 = vector.shape_cast %get3A_1454 : vector<1x16xf32> to vector<16xf32>
        %mul3A_1456 = arith.mulf %get3A_1455, %gather3A_165 : vector<16xf32>
        %add3A_1457 = arith.addf %add3A_1449, %mul3A_1456 : vector<16xf32>
        %add3A_1458 = arith.constant 15 : i32
        %add3A_1459 = arith.addi %mul3A_171, %add3A_1458 : i32
        %get3A_1460 = arith.index_cast %add3A_1459 : i32 to index
        %get3A_1461 = arith.constant 144 : index
        %get3A_1462 = tpu.vector_load %arg9[%get3A_1460, %get3A_1461] {strides = array<i32>} : memref<128x256xf32, #tpu.memory_space<vmem>>, vector<1x16xf32>,
        %get3A_1463 = vector.shape_cast %get3A_1462 : vector<1x16xf32> to vector<16xf32>
        %mul3A_1464 = arith.mulf %get3A_1463, %gather3A_169 : vector<16xf32>
        %add3A_1465 = arith.addf %add3A_1457, %mul3A_1464 : vector<16xf32>
        %swap3A_1466 = arith.index_cast %scan3A_99 : i32 to index
        %swap3A_1467 = arith.constant 144 : index
        %swap3A_1468 = tpu.vector_load %arg11[%swap3A_1466, %swap3A_1467] {strides = array<i32>} : memref<8x256xf32, #tpu.memory_space<vmem>>, vector<1x16xf32>,
        %swap3A_1469 = vector.shape_cast %swap3A_1468 : vector<1x16xf32> to vector<16xf32>
        %swap3A_1470 = vector.shape_cast %add3A_1465 : vector<16xf32> to vector<1x16xf32>
        tpu.vector_store %arg11[%swap3A_1466, %swap3A_1467], %swap3A_1470 {strides = array<i32>} : memref<8x256xf32, #tpu.memory_space<vmem>>, vector<1x16xf32>,
        %get3A_1471 = arith.index_cast %mul3A_171 : i32 to index
        %get3A_1472 = arith.constant 160 : index
        %get3A_1473 = tpu.vector_load %arg9[%get3A_1471, %get3A_1472] {strides = array<i32>} : memref<128x256xf32, #tpu.memory_space<vmem>>, vector<1x16xf32>,
        %get3A_1474 = vector.shape_cast %get3A_1473 : vector<1x16xf32> to vector<16xf32>
        %mul3A_1475 = arith.mulf %get3A_1474, %gather3A_109 : vector<16xf32>
        %add3A_1476 = arith.constant 1 : i32
        %add3A_1477 = arith.addi %mul3A_171, %add3A_1476 : i32
        %get3A_1478 = arith.index_cast %add3A_1477 : i32 to index
        %get3A_1479 = arith.constant 160 : index
        %get3A_1480 = tpu.vector_load %arg9[%get3A_1478, %get3A_1479] {strides = array<i32>} : memref<128x256xf32, #tpu.memory_space<vmem>>, vector<1x16xf32>,
        %get3A_1481 = vector.shape_cast %get3A_1480 : vector<1x16xf32> to vector<16xf32>
        %mul3A_1482 = arith.mulf %get3A_1481, %gather3A_113 : vector<16xf32>
        %add3A_1483 = arith.addf %mul3A_1475, %mul3A_1482 : vector<16xf32>
        %add3A_1484 = arith.constant 2 : i32
        %add3A_1485 = arith.addi %mul3A_171, %add3A_1484 : i32
        %get3A_1486 = arith.index_cast %add3A_1485 : i32 to index
        %get3A_1487 = arith.constant 160 : index
        %get3A_1488 = tpu.vector_load %arg9[%get3A_1486, %get3A_1487] {strides = array<i32>} : memref<128x256xf32, #tpu.memory_space<vmem>>, vector<1x16xf32>,
        %get3A_1489 = vector.shape_cast %get3A_1488 : vector<1x16xf32> to vector<16xf32>
        %mul3A_1490 = arith.mulf %get3A_1489, %gather3A_117 : vector<16xf32>
        %add3A_1491 = arith.addf %add3A_1483, %mul3A_1490 : vector<16xf32>
        %add3A_1492 = arith.constant 3 : i32
        %add3A_1493 = arith.addi %mul3A_171, %add3A_1492 : i32
        %get3A_1494 = arith.index_cast %add3A_1493 : i32 to index
        %get3A_1495 = arith.constant 160 : index
        %get3A_1496 = tpu.vector_load %arg9[%get3A_1494, %get3A_1495] {strides = array<i32>} : memref<128x256xf32, #tpu.memory_space<vmem>>, vector<1x16xf32>,
        %get3A_1497 = vector.shape_cast %get3A_1496 : vector<1x16xf32> to vector<16xf32>
        %mul3A_1498 = arith.mulf %get3A_1497, %gather3A_121 : vector<16xf32>
        %add3A_1499 = arith.addf %add3A_1491, %mul3A_1498 : vector<16xf32>
        %add3A_1500 = arith.constant 4 : i32
        %add3A_1501 = arith.addi %mul3A_171, %add3A_1500 : i32
        %get3A_1502 = arith.index_cast %add3A_1501 : i32 to index
        %get3A_1503 = arith.constant 160 : index
        %get3A_1504 = tpu.vector_load %arg9[%get3A_1502, %get3A_1503] {strides = array<i32>} : memref<128x256xf32, #tpu.memory_space<vmem>>, vector<1x16xf32>,
        %get3A_1505 = vector.shape_cast %get3A_1504 : vector<1x16xf32> to vector<16xf32>
        %mul3A_1506 = arith.mulf %get3A_1505, %gather3A_125 : vector<16xf32>
        %add3A_1507 = arith.addf %add3A_1499, %mul3A_1506 : vector<16xf32>
        %add3A_1508 = arith.constant 5 : i32
        %add3A_1509 = arith.addi %mul3A_171, %add3A_1508 : i32
        %get3A_1510 = arith.index_cast %add3A_1509 : i32 to index
        %get3A_1511 = arith.constant 160 : index
        %get3A_1512 = tpu.vector_load %arg9[%get3A_1510, %get3A_1511] {strides = array<i32>} : memref<128x256xf32, #tpu.memory_space<vmem>>, vector<1x16xf32>,
        %get3A_1513 = vector.shape_cast %get3A_1512 : vector<1x16xf32> to vector<16xf32>
        %mul3A_1514 = arith.mulf %get3A_1513, %gather3A_129 : vector<16xf32>
        %add3A_1515 = arith.addf %add3A_1507, %mul3A_1514 : vector<16xf32>
        %add3A_1516 = arith.constant 6 : i32
        %add3A_1517 = arith.addi %mul3A_171, %add3A_1516 : i32
        %get3A_1518 = arith.index_cast %add3A_1517 : i32 to index
        %get3A_1519 = arith.constant 160 : index
        %get3A_1520 = tpu.vector_load %arg9[%get3A_1518, %get3A_1519] {strides = array<i32>} : memref<128x256xf32, #tpu.memory_space<vmem>>, vector<1x16xf32>,
        %get3A_1521 = vector.shape_cast %get3A_1520 : vector<1x16xf32> to vector<16xf32>
        %mul3A_1522 = arith.mulf %get3A_1521, %gather3A_133 : vector<16xf32>
        %add3A_1523 = arith.addf %add3A_1515, %mul3A_1522 : vector<16xf32>
        %add3A_1524 = arith.constant 7 : i32
        %add3A_1525 = arith.addi %mul3A_171, %add3A_1524 : i32
        %get3A_1526 = arith.index_cast %add3A_1525 : i32 to index
        %get3A_1527 = arith.constant 160 : index
        %get3A_1528 = tpu.vector_load %arg9[%get3A_1526, %get3A_1527] {strides = array<i32>} : memref<128x256xf32, #tpu.memory_space<vmem>>, vector<1x16xf32>,
        %get3A_1529 = vector.shape_cast %get3A_1528 : vector<1x16xf32> to vector<16xf32>
        %mul3A_1530 = arith.mulf %get3A_1529, %gather3A_137 : vector<16xf32>
        %add3A_1531 = arith.addf %add3A_1523, %mul3A_1530 : vector<16xf32>
        %add3A_1532 = arith.constant 8 : i32
        %add3A_1533 = arith.addi %mul3A_171, %add3A_1532 : i32
        %get3A_1534 = arith.index_cast %add3A_1533 : i32 to index
        %get3A_1535 = arith.constant 160 : index
        %get3A_1536 = tpu.vector_load %arg9[%get3A_1534, %get3A_1535] {strides = array<i32>} : memref<128x256xf32, #tpu.memory_space<vmem>>, vector<1x16xf32>,
        %get3A_1537 = vector.shape_cast %get3A_1536 : vector<1x16xf32> to vector<16xf32>
        %mul3A_1538 = arith.mulf %get3A_1537, %gather3A_141 : vector<16xf32>
        %add3A_1539 = arith.addf %add3A_1531, %mul3A_1538 : vector<16xf32>
        %add3A_1540 = arith.constant 9 : i32
        %add3A_1541 = arith.addi %mul3A_171, %add3A_1540 : i32
        %get3A_1542 = arith.index_cast %add3A_1541 : i32 to index
        %get3A_1543 = arith.constant 160 : index
        %get3A_1544 = tpu.vector_load %arg9[%get3A_1542, %get3A_1543] {strides = array<i32>} : memref<128x256xf32, #tpu.memory_space<vmem>>, vector<1x16xf32>,
        %get3A_1545 = vector.shape_cast %get3A_1544 : vector<1x16xf32> to vector<16xf32>
        %mul3A_1546 = arith.mulf %get3A_1545, %gather3A_145 : vector<16xf32>
        %add3A_1547 = arith.addf %add3A_1539, %mul3A_1546 : vector<16xf32>
        %add3A_1548 = arith.constant 10 : i32
        %add3A_1549 = arith.addi %mul3A_171, %add3A_1548 : i32
        %get3A_1550 = arith.index_cast %add3A_1549 : i32 to index
        %get3A_1551 = arith.constant 160 : index
        %get3A_1552 = tpu.vector_load %arg9[%get3A_1550, %get3A_1551] {strides = array<i32>} : memref<128x256xf32, #tpu.memory_space<vmem>>, vector<1x16xf32>,
        %get3A_1553 = vector.shape_cast %get3A_1552 : vector<1x16xf32> to vector<16xf32>
        %mul3A_1554 = arith.mulf %get3A_1553, %gather3A_149 : vector<16xf32>
        %add3A_1555 = arith.addf %add3A_1547, %mul3A_1554 : vector<16xf32>
        %add3A_1556 = arith.constant 11 : i32
        %add3A_1557 = arith.addi %mul3A_171, %add3A_1556 : i32
        %get3A_1558 = arith.index_cast %add3A_1557 : i32 to index
        %get3A_1559 = arith.constant 160 : index
        %get3A_1560 = tpu.vector_load %arg9[%get3A_1558, %get3A_1559] {strides = array<i32>} : memref<128x256xf32, #tpu.memory_space<vmem>>, vector<1x16xf32>,
        %get3A_1561 = vector.shape_cast %get3A_1560 : vector<1x16xf32> to vector<16xf32>
        %mul3A_1562 = arith.mulf %get3A_1561, %gather3A_153 : vector<16xf32>
        %add3A_1563 = arith.addf %add3A_1555, %mul3A_1562 : vector<16xf32>
        %add3A_1564 = arith.constant 12 : i32
        %add3A_1565 = arith.addi %mul3A_171, %add3A_1564 : i32
        %get3A_1566 = arith.index_cast %add3A_1565 : i32 to index
        %get3A_1567 = arith.constant 160 : index
        %get3A_1568 = tpu.vector_load %arg9[%get3A_1566, %get3A_1567] {strides = array<i32>} : memref<128x256xf32, #tpu.memory_space<vmem>>, vector<1x16xf32>,
        %get3A_1569 = vector.shape_cast %get3A_1568 : vector<1x16xf32> to vector<16xf32>
        %mul3A_1570 = arith.mulf %get3A_1569, %gather3A_157 : vector<16xf32>
        %add3A_1571 = arith.addf %add3A_1563, %mul3A_1570 : vector<16xf32>
        %add3A_1572 = arith.constant 13 : i32
        %add3A_1573 = arith.addi %mul3A_171, %add3A_1572 : i32
        %get3A_1574 = arith.index_cast %add3A_1573 : i32 to index
        %get3A_1575 = arith.constant 160 : index
        %get3A_1576 = tpu.vector_load %arg9[%get3A_1574, %get3A_1575] {strides = array<i32>} : memref<128x256xf32, #tpu.memory_space<vmem>>, vector<1x16xf32>,
        %get3A_1577 = vector.shape_cast %get3A_1576 : vector<1x16xf32> to vector<16xf32>
        %mul3A_1578 = arith.mulf %get3A_1577, %gather3A_161 : vector<16xf32>
        %add3A_1579 = arith.addf %add3A_1571, %mul3A_1578 : vector<16xf32>
        %add3A_1580 = arith.constant 14 : i32
        %add3A_1581 = arith.addi %mul3A_171, %add3A_1580 : i32
        %get3A_1582 = arith.index_cast %add3A_1581 : i32 to index
        %get3A_1583 = arith.constant 160 : index
        %get3A_1584 = tpu.vector_load %arg9[%get3A_1582, %get3A_1583] {strides = array<i32>} : memref<128x256xf32, #tpu.memory_space<vmem>>, vector<1x16xf32>,
        %get3A_1585 = vector.shape_cast %get3A_1584 : vector<1x16xf32> to vector<16xf32>
        %mul3A_1586 = arith.mulf %get3A_1585, %gather3A_165 : vector<16xf32>
        %add3A_1587 = arith.addf %add3A_1579, %mul3A_1586 : vector<16xf32>
        %add3A_1588 = arith.constant 15 : i32
        %add3A_1589 = arith.addi %mul3A_171, %add3A_1588 : i32
        %get3A_1590 = arith.index_cast %add3A_1589 : i32 to index
        %get3A_1591 = arith.constant 160 : index
        %get3A_1592 = tpu.vector_load %arg9[%get3A_1590, %get3A_1591] {strides = array<i32>} : memref<128x256xf32, #tpu.memory_space<vmem>>, vector<1x16xf32>,
        %get3A_1593 = vector.shape_cast %get3A_1592 : vector<1x16xf32> to vector<16xf32>
        %mul3A_1594 = arith.mulf %get3A_1593, %gather3A_169 : vector<16xf32>
        %add3A_1595 = arith.addf %add3A_1587, %mul3A_1594 : vector<16xf32>
        %swap3A_1596 = arith.index_cast %scan3A_99 : i32 to index
        %swap3A_1597 = arith.constant 160 : index
        %swap3A_1598 = tpu.vector_load %arg11[%swap3A_1596, %swap3A_1597] {strides = array<i32>} : memref<8x256xf32, #tpu.memory_space<vmem>>, vector<1x16xf32>,
        %swap3A_1599 = vector.shape_cast %swap3A_1598 : vector<1x16xf32> to vector<16xf32>
        %swap3A_1600 = vector.shape_cast %add3A_1595 : vector<16xf32> to vector<1x16xf32>
        tpu.vector_store %arg11[%swap3A_1596, %swap3A_1597], %swap3A_1600 {strides = array<i32>} : memref<8x256xf32, #tpu.memory_space<vmem>>, vector<1x16xf32>,
        %get3A_1601 = arith.index_cast %mul3A_171 : i32 to index
        %get3A_1602 = arith.constant 176 : index
        %get3A_1603 = tpu.vector_load %arg9[%get3A_1601, %get3A_1602] {strides = array<i32>} : memref<128x256xf32, #tpu.memory_space<vmem>>, vector<1x16xf32>,
        %get3A_1604 = vector.shape_cast %get3A_1603 : vector<1x16xf32> to vector<16xf32>
        %mul3A_1605 = arith.mulf %get3A_1604, %gather3A_109 : vector<16xf32>
        %add3A_1606 = arith.constant 1 : i32
        %add3A_1607 = arith.addi %mul3A_171, %add3A_1606 : i32
        %get3A_1608 = arith.index_cast %add3A_1607 : i32 to index
        %get3A_1609 = arith.constant 176 : index
        %get3A_1610 = tpu.vector_load %arg9[%get3A_1608, %get3A_1609] {strides = array<i32>} : memref<128x256xf32, #tpu.memory_space<vmem>>, vector<1x16xf32>,
        %get3A_1611 = vector.shape_cast %get3A_1610 : vector<1x16xf32> to vector<16xf32>
        %mul3A_1612 = arith.mulf %get3A_1611, %gather3A_113 : vector<16xf32>
        %add3A_1613 = arith.addf %mul3A_1605, %mul3A_1612 : vector<16xf32>
        %add3A_1614 = arith.constant 2 : i32
        %add3A_1615 = arith.addi %mul3A_171, %add3A_1614 : i32
        %get3A_1616 = arith.index_cast %add3A_1615 : i32 to index
        %get3A_1617 = arith.constant 176 : index
        %get3A_1618 = tpu.vector_load %arg9[%get3A_1616, %get3A_1617] {strides = array<i32>} : memref<128x256xf32, #tpu.memory_space<vmem>>, vector<1x16xf32>,
        %get3A_1619 = vector.shape_cast %get3A_1618 : vector<1x16xf32> to vector<16xf32>
        %mul3A_1620 = arith.mulf %get3A_1619, %gather3A_117 : vector<16xf32>
        %add3A_1621 = arith.addf %add3A_1613, %mul3A_1620 : vector<16xf32>
        %add3A_1622 = arith.constant 3 : i32
        %add3A_1623 = arith.addi %mul3A_171, %add3A_1622 : i32
        %get3A_1624 = arith.index_cast %add3A_1623 : i32 to index
        %get3A_1625 = arith.constant 176 : index
        %get3A_1626 = tpu.vector_load %arg9[%get3A_1624, %get3A_1625] {strides = array<i32>} : memref<128x256xf32, #tpu.memory_space<vmem>>, vector<1x16xf32>,
        %get3A_1627 = vector.shape_cast %get3A_1626 : vector<1x16xf32> to vector<16xf32>
        %mul3A_1628 = arith.mulf %get3A_1627, %gather3A_121 : vector<16xf32>
        %add3A_1629 = arith.addf %add3A_1621, %mul3A_1628 : vector<16xf32>
        %add3A_1630 = arith.constant 4 : i32
        %add3A_1631 = arith.addi %mul3A_171, %add3A_1630 : i32
        %get3A_1632 = arith.index_cast %add3A_1631 : i32 to index
        %get3A_1633 = arith.constant 176 : index
        %get3A_1634 = tpu.vector_load %arg9[%get3A_1632, %get3A_1633] {strides = array<i32>} : memref<128x256xf32, #tpu.memory_space<vmem>>, vector<1x16xf32>,
        %get3A_1635 = vector.shape_cast %get3A_1634 : vector<1x16xf32> to vector<16xf32>
        %mul3A_1636 = arith.mulf %get3A_1635, %gather3A_125 : vector<16xf32>
        %add3A_1637 = arith.addf %add3A_1629, %mul3A_1636 : vector<16xf32>
        %add3A_1638 = arith.constant 5 : i32
        %add3A_1639 = arith.addi %mul3A_171, %add3A_1638 : i32
        %get3A_1640 = arith.index_cast %add3A_1639 : i32 to index
        %get3A_1641 = arith.constant 176 : index
        %get3A_1642 = tpu.vector_load %arg9[%get3A_1640, %get3A_1641] {strides = array<i32>} : memref<128x256xf32, #tpu.memory_space<vmem>>, vector<1x16xf32>,
        %get3A_1643 = vector.shape_cast %get3A_1642 : vector<1x16xf32> to vector<16xf32>
        %mul3A_1644 = arith.mulf %get3A_1643, %gather3A_129 : vector<16xf32>
        %add3A_1645 = arith.addf %add3A_1637, %mul3A_1644 : vector<16xf32>
        %add3A_1646 = arith.constant 6 : i32
        %add3A_1647 = arith.addi %mul3A_171, %add3A_1646 : i32
        %get3A_1648 = arith.index_cast %add3A_1647 : i32 to index
        %get3A_1649 = arith.constant 176 : index
        %get3A_1650 = tpu.vector_load %arg9[%get3A_1648, %get3A_1649] {strides = array<i32>} : memref<128x256xf32, #tpu.memory_space<vmem>>, vector<1x16xf32>,
        %get3A_1651 = vector.shape_cast %get3A_1650 : vector<1x16xf32> to vector<16xf32>
        %mul3A_1652 = arith.mulf %get3A_1651, %gather3A_133 : vector<16xf32>
        %add3A_1653 = arith.addf %add3A_1645, %mul3A_1652 : vector<16xf32>
        %add3A_1654 = arith.constant 7 : i32
        %add3A_1655 = arith.addi %mul3A_171, %add3A_1654 : i32
        %get3A_1656 = arith.index_cast %add3A_1655 : i32 to index
        %get3A_1657 = arith.constant 176 : index
        %get3A_1658 = tpu.vector_load %arg9[%get3A_1656, %get3A_1657] {strides = array<i32>} : memref<128x256xf32, #tpu.memory_space<vmem>>, vector<1x16xf32>,
        %get3A_1659 = vector.shape_cast %get3A_1658 : vector<1x16xf32> to vector<16xf32>
        %mul3A_1660 = arith.mulf %get3A_1659, %gather3A_137 : vector<16xf32>
        %add3A_1661 = arith.addf %add3A_1653, %mul3A_1660 : vector<16xf32>
        %add3A_1662 = arith.constant 8 : i32
        %add3A_1663 = arith.addi %mul3A_171, %add3A_1662 : i32
        %get3A_1664 = arith.index_cast %add3A_1663 : i32 to index
        %get3A_1665 = arith.constant 176 : index
        %get3A_1666 = tpu.vector_load %arg9[%get3A_1664, %get3A_1665] {strides = array<i32>} : memref<128x256xf32, #tpu.memory_space<vmem>>, vector<1x16xf32>,
        %get3A_1667 = vector.shape_cast %get3A_1666 : vector<1x16xf32> to vector<16xf32>
        %mul3A_1668 = arith.mulf %get3A_1667, %gather3A_141 : vector<16xf32>
        %add3A_1669 = arith.addf %add3A_1661, %mul3A_1668 : vector<16xf32>
        %add3A_1670 = arith.constant 9 : i32
        %add3A_1671 = arith.addi %mul3A_171, %add3A_1670 : i32
        %get3A_1672 = arith.index_cast %add3A_1671 : i32 to index
        %get3A_1673 = arith.constant 176 : index
        %get3A_1674 = tpu.vector_load %arg9[%get3A_1672, %get3A_1673] {strides = array<i32>} : memref<128x256xf32, #tpu.memory_space<vmem>>, vector<1x16xf32>,
        %get3A_1675 = vector.shape_cast %get3A_1674 : vector<1x16xf32> to vector<16xf32>
        %mul3A_1676 = arith.mulf %get3A_1675, %gather3A_145 : vector<16xf32>
        %add3A_1677 = arith.addf %add3A_1669, %mul3A_1676 : vector<16xf32>
        %add3A_1678 = arith.constant 10 : i32
        %add3A_1679 = arith.addi %mul3A_171, %add3A_1678 : i32
        %get3A_1680 = arith.index_cast %add3A_1679 : i32 to index
        %get3A_1681 = arith.constant 176 : index
        %get3A_1682 = tpu.vector_load %arg9[%get3A_1680, %get3A_1681] {strides = array<i32>} : memref<128x256xf32, #tpu.memory_space<vmem>>, vector<1x16xf32>,
        %get3A_1683 = vector.shape_cast %get3A_1682 : vector<1x16xf32> to vector<16xf32>
        %mul3A_1684 = arith.mulf %get3A_1683, %gather3A_149 : vector<16xf32>
        %add3A_1685 = arith.addf %add3A_1677, %mul3A_1684 : vector<16xf32>
        %add3A_1686 = arith.constant 11 : i32
        %add3A_1687 = arith.addi %mul3A_171, %add3A_1686 : i32
        %get3A_1688 = arith.index_cast %add3A_1687 : i32 to index
        %get3A_1689 = arith.constant 176 : index
        %get3A_1690 = tpu.vector_load %arg9[%get3A_1688, %get3A_1689] {strides = array<i32>} : memref<128x256xf32, #tpu.memory_space<vmem>>, vector<1x16xf32>,
        %get3A_1691 = vector.shape_cast %get3A_1690 : vector<1x16xf32> to vector<16xf32>
        %mul3A_1692 = arith.mulf %get3A_1691, %gather3A_153 : vector<16xf32>
        %add3A_1693 = arith.addf %add3A_1685, %mul3A_1692 : vector<16xf32>
        %add3A_1694 = arith.constant 12 : i32
        %add3A_1695 = arith.addi %mul3A_171, %add3A_1694 : i32
        %get3A_1696 = arith.index_cast %add3A_1695 : i32 to index
        %get3A_1697 = arith.constant 176 : index
        %get3A_1698 = tpu.vector_load %arg9[%get3A_1696, %get3A_1697] {strides = array<i32>} : memref<128x256xf32, #tpu.memory_space<vmem>>, vector<1x16xf32>,
        %get3A_1699 = vector.shape_cast %get3A_1698 : vector<1x16xf32> to vector<16xf32>
        %mul3A_1700 = arith.mulf %get3A_1699, %gather3A_157 : vector<16xf32>
        %add3A_1701 = arith.addf %add3A_1693, %mul3A_1700 : vector<16xf32>
        %add3A_1702 = arith.constant 13 : i32
        %add3A_1703 = arith.addi %mul3A_171, %add3A_1702 : i32
        %get3A_1704 = arith.index_cast %add3A_1703 : i32 to index
        %get3A_1705 = arith.constant 176 : index
        %get3A_1706 = tpu.vector_load %arg9[%get3A_1704, %get3A_1705] {strides = array<i32>} : memref<128x256xf32, #tpu.memory_space<vmem>>, vector<1x16xf32>,
        %get3A_1707 = vector.shape_cast %get3A_1706 : vector<1x16xf32> to vector<16xf32>
        %mul3A_1708 = arith.mulf %get3A_1707, %gather3A_161 : vector<16xf32>
        %add3A_1709 = arith.addf %add3A_1701, %mul3A_1708 : vector<16xf32>
        %add3A_1710 = arith.constant 14 : i32
        %add3A_1711 = arith.addi %mul3A_171, %add3A_1710 : i32
        %get3A_1712 = arith.index_cast %add3A_1711 : i32 to index
        %get3A_1713 = arith.constant 176 : index
        %get3A_1714 = tpu.vector_load %arg9[%get3A_1712, %get3A_1713] {strides = array<i32>} : memref<128x256xf32, #tpu.memory_space<vmem>>, vector<1x16xf32>,
        %get3A_1715 = vector.shape_cast %get3A_1714 : vector<1x16xf32> to vector<16xf32>
        %mul3A_1716 = arith.mulf %get3A_1715, %gather3A_165 : vector<16xf32>
        %add3A_1717 = arith.addf %add3A_1709, %mul3A_1716 : vector<16xf32>
        %add3A_1718 = arith.constant 15 : i32
        %add3A_1719 = arith.addi %mul3A_171, %add3A_1718 : i32
        %get3A_1720 = arith.index_cast %add3A_1719 : i32 to index
        %get3A_1721 = arith.constant 176 : index
        %get3A_1722 = tpu.vector_load %arg9[%get3A_1720, %get3A_1721] {strides = array<i32>} : memref<128x256xf32, #tpu.memory_space<vmem>>, vector<1x16xf32>,
        %get3A_1723 = vector.shape_cast %get3A_1722 : vector<1x16xf32> to vector<16xf32>
        %mul3A_1724 = arith.mulf %get3A_1723, %gather3A_169 : vector<16xf32>
        %add3A_1725 = arith.addf %add3A_1717, %mul3A_1724 : vector<16xf32>
        %swap3A_1726 = arith.index_cast %scan3A_99 : i32 to index
        %swap3A_1727 = arith.constant 176 : index
        %swap3A_1728 = tpu.vector_load %arg11[%swap3A_1726, %swap3A_1727] {strides = array<i32>} : memref<8x256xf32, #tpu.memory_space<vmem>>, vector<1x16xf32>,
        %swap3A_1729 = vector.shape_cast %swap3A_1728 : vector<1x16xf32> to vector<16xf32>
        %swap3A_1730 = vector.shape_cast %add3A_1725 : vector<16xf32> to vector<1x16xf32>
        tpu.vector_store %arg11[%swap3A_1726, %swap3A_1727], %swap3A_1730 {strides = array<i32>} : memref<8x256xf32, #tpu.memory_space<vmem>>, vector<1x16xf32>,
        %get3A_1731 = arith.index_cast %mul3A_171 : i32 to index
        %get3A_1732 = arith.constant 192 : index
        %get3A_1733 = tpu.vector_load %arg9[%get3A_1731, %get3A_1732] {strides = array<i32>} : memref<128x256xf32, #tpu.memory_space<vmem>>, vector<1x16xf32>,
        %get3A_1734 = vector.shape_cast %get3A_1733 : vector<1x16xf32> to vector<16xf32>
        %mul3A_1735 = arith.mulf %get3A_1734, %gather3A_109 : vector<16xf32>
        %add3A_1736 = arith.constant 1 : i32
        %add3A_1737 = arith.addi %mul3A_171, %add3A_1736 : i32
        %get3A_1738 = arith.index_cast %add3A_1737 : i32 to index
        %get3A_1739 = arith.constant 192 : index
        %get3A_1740 = tpu.vector_load %arg9[%get3A_1738, %get3A_1739] {strides = array<i32>} : memref<128x256xf32, #tpu.memory_space<vmem>>, vector<1x16xf32>,
        %get3A_1741 = vector.shape_cast %get3A_1740 : vector<1x16xf32> to vector<16xf32>
        %mul3A_1742 = arith.mulf %get3A_1741, %gather3A_113 : vector<16xf32>
        %add3A_1743 = arith.addf %mul3A_1735, %mul3A_1742 : vector<16xf32>
        %add3A_1744 = arith.constant 2 : i32
        %add3A_1745 = arith.addi %mul3A_171, %add3A_1744 : i32
        %get3A_1746 = arith.index_cast %add3A_1745 : i32 to index
        %get3A_1747 = arith.constant 192 : index
        %get3A_1748 = tpu.vector_load %arg9[%get3A_1746, %get3A_1747] {strides = array<i32>} : memref<128x256xf32, #tpu.memory_space<vmem>>, vector<1x16xf32>,
        %get3A_1749 = vector.shape_cast %get3A_1748 : vector<1x16xf32> to vector<16xf32>
        %mul3A_1750 = arith.mulf %get3A_1749, %gather3A_117 : vector<16xf32>
        %add3A_1751 = arith.addf %add3A_1743, %mul3A_1750 : vector<16xf32>
        %add3A_1752 = arith.constant 3 : i32
        %add3A_1753 = arith.addi %mul3A_171, %add3A_1752 : i32
        %get3A_1754 = arith.index_cast %add3A_1753 : i32 to index
        %get3A_1755 = arith.constant 192 : index
        %get3A_1756 = tpu.vector_load %arg9[%get3A_1754, %get3A_1755] {strides = array<i32>} : memref<128x256xf32, #tpu.memory_space<vmem>>, vector<1x16xf32>,
        %get3A_1757 = vector.shape_cast %get3A_1756 : vector<1x16xf32> to vector<16xf32>
        %mul3A_1758 = arith.mulf %get3A_1757, %gather3A_121 : vector<16xf32>
        %add3A_1759 = arith.addf %add3A_1751, %mul3A_1758 : vector<16xf32>
        %add3A_1760 = arith.constant 4 : i32
        %add3A_1761 = arith.addi %mul3A_171, %add3A_1760 : i32
        %get3A_1762 = arith.index_cast %add3A_1761 : i32 to index
        %get3A_1763 = arith.constant 192 : index
        %get3A_1764 = tpu.vector_load %arg9[%get3A_1762, %get3A_1763] {strides = array<i32>} : memref<128x256xf32, #tpu.memory_space<vmem>>, vector<1x16xf32>,
        %get3A_1765 = vector.shape_cast %get3A_1764 : vector<1x16xf32> to vector<16xf32>
        %mul3A_1766 = arith.mulf %get3A_1765, %gather3A_125 : vector<16xf32>
        %add3A_1767 = arith.addf %add3A_1759, %mul3A_1766 : vector<16xf32>
        %add3A_1768 = arith.constant 5 : i32
        %add3A_1769 = arith.addi %mul3A_171, %add3A_1768 : i32
        %get3A_1770 = arith.index_cast %add3A_1769 : i32 to index
        %get3A_1771 = arith.constant 192 : index
        %get3A_1772 = tpu.vector_load %arg9[%get3A_1770, %get3A_1771] {strides = array<i32>} : memref<128x256xf32, #tpu.memory_space<vmem>>, vector<1x16xf32>,
        %get3A_1773 = vector.shape_cast %get3A_1772 : vector<1x16xf32> to vector<16xf32>
        %mul3A_1774 = arith.mulf %get3A_1773, %gather3A_129 : vector<16xf32>
        %add3A_1775 = arith.addf %add3A_1767, %mul3A_1774 : vector<16xf32>
        %add3A_1776 = arith.constant 6 : i32
        %add3A_1777 = arith.addi %mul3A_171, %add3A_1776 : i32
        %get3A_1778 = arith.index_cast %add3A_1777 : i32 to index
        %get3A_1779 = arith.constant 192 : index
        %get3A_1780 = tpu.vector_load %arg9[%get3A_1778, %get3A_1779] {strides = array<i32>} : memref<128x256xf32, #tpu.memory_space<vmem>>, vector<1x16xf32>,
        %get3A_1781 = vector.shape_cast %get3A_1780 : vector<1x16xf32> to vector<16xf32>
        %mul3A_1782 = arith.mulf %get3A_1781, %gather3A_133 : vector<16xf32>
        %add3A_1783 = arith.addf %add3A_1775, %mul3A_1782 : vector<16xf32>
        %add3A_1784 = arith.constant 7 : i32
        %add3A_1785 = arith.addi %mul3A_171, %add3A_1784 : i32
        %get3A_1786 = arith.index_cast %add3A_1785 : i32 to index
        %get3A_1787 = arith.constant 192 : index
        %get3A_1788 = tpu.vector_load %arg9[%get3A_1786, %get3A_1787] {strides = array<i32>} : memref<128x256xf32, #tpu.memory_space<vmem>>, vector<1x16xf32>,
        %get3A_1789 = vector.shape_cast %get3A_1788 : vector<1x16xf32> to vector<16xf32>
        %mul3A_1790 = arith.mulf %get3A_1789, %gather3A_137 : vector<16xf32>
        %add3A_1791 = arith.addf %add3A_1783, %mul3A_1790 : vector<16xf32>
        %add3A_1792 = arith.constant 8 : i32
        %add3A_1793 = arith.addi %mul3A_171, %add3A_1792 : i32
        %get3A_1794 = arith.index_cast %add3A_1793 : i32 to index
        %get3A_1795 = arith.constant 192 : index
        %get3A_1796 = tpu.vector_load %arg9[%get3A_1794, %get3A_1795] {strides = array<i32>} : memref<128x256xf32, #tpu.memory_space<vmem>>, vector<1x16xf32>,
        %get3A_1797 = vector.shape_cast %get3A_1796 : vector<1x16xf32> to vector<16xf32>
        %mul3A_1798 = arith.mulf %get3A_1797, %gather3A_141 : vector<16xf32>
        %add3A_1799 = arith.addf %add3A_1791, %mul3A_1798 : vector<16xf32>
        %add3A_1800 = arith.constant 9 : i32
        %add3A_1801 = arith.addi %mul3A_171, %add3A_1800 : i32
        %get3A_1802 = arith.index_cast %add3A_1801 : i32 to index
        %get3A_1803 = arith.constant 192 : index
        %get3A_1804 = tpu.vector_load %arg9[%get3A_1802, %get3A_1803] {strides = array<i32>} : memref<128x256xf32, #tpu.memory_space<vmem>>, vector<1x16xf32>,
        %get3A_1805 = vector.shape_cast %get3A_1804 : vector<1x16xf32> to vector<16xf32>
        %mul3A_1806 = arith.mulf %get3A_1805, %gather3A_145 : vector<16xf32>
        %add3A_1807 = arith.addf %add3A_1799, %mul3A_1806 : vector<16xf32>
        %add3A_1808 = arith.constant 10 : i32
        %add3A_1809 = arith.addi %mul3A_171, %add3A_1808 : i32
        %get3A_1810 = arith.index_cast %add3A_1809 : i32 to index
        %get3A_1811 = arith.constant 192 : index
        %get3A_1812 = tpu.vector_load %arg9[%get3A_1810, %get3A_1811] {strides = array<i32>} : memref<128x256xf32, #tpu.memory_space<vmem>>, vector<1x16xf32>,
        %get3A_1813 = vector.shape_cast %get3A_1812 : vector<1x16xf32> to vector<16xf32>
        %mul3A_1814 = arith.mulf %get3A_1813, %gather3A_149 : vector<16xf32>
        %add3A_1815 = arith.addf %add3A_1807, %mul3A_1814 : vector<16xf32>
        %add3A_1816 = arith.constant 11 : i32
        %add3A_1817 = arith.addi %mul3A_171, %add3A_1816 : i32
        %get3A_1818 = arith.index_cast %add3A_1817 : i32 to index
        %get3A_1819 = arith.constant 192 : index
        %get3A_1820 = tpu.vector_load %arg9[%get3A_1818, %get3A_1819] {strides = array<i32>} : memref<128x256xf32, #tpu.memory_space<vmem>>, vector<1x16xf32>,
        %get3A_1821 = vector.shape_cast %get3A_1820 : vector<1x16xf32> to vector<16xf32>
        %mul3A_1822 = arith.mulf %get3A_1821, %gather3A_153 : vector<16xf32>
        %add3A_1823 = arith.addf %add3A_1815, %mul3A_1822 : vector<16xf32>
        %add3A_1824 = arith.constant 12 : i32
        %add3A_1825 = arith.addi %mul3A_171, %add3A_1824 : i32
        %get3A_1826 = arith.index_cast %add3A_1825 : i32 to index
        %get3A_1827 = arith.constant 192 : index
        %get3A_1828 = tpu.vector_load %arg9[%get3A_1826, %get3A_1827] {strides = array<i32>} : memref<128x256xf32, #tpu.memory_space<vmem>>, vector<1x16xf32>,
        %get3A_1829 = vector.shape_cast %get3A_1828 : vector<1x16xf32> to vector<16xf32>
        %mul3A_1830 = arith.mulf %get3A_1829, %gather3A_157 : vector<16xf32>
        %add3A_1831 = arith.addf %add3A_1823, %mul3A_1830 : vector<16xf32>
        %add3A_1832 = arith.constant 13 : i32
        %add3A_1833 = arith.addi %mul3A_171, %add3A_1832 : i32
        %get3A_1834 = arith.index_cast %add3A_1833 : i32 to index
        %get3A_1835 = arith.constant 192 : index
        %get3A_1836 = tpu.vector_load %arg9[%get3A_1834, %get3A_1835] {strides = array<i32>} : memref<128x256xf32, #tpu.memory_space<vmem>>, vector<1x16xf32>,
        %get3A_1837 = vector.shape_cast %get3A_1836 : vector<1x16xf32> to vector<16xf32>
        %mul3A_1838 = arith.mulf %get3A_1837, %gather3A_161 : vector<16xf32>
        %add3A_1839 = arith.addf %add3A_1831, %mul3A_1838 : vector<16xf32>
        %add3A_1840 = arith.constant 14 : i32
        %add3A_1841 = arith.addi %mul3A_171, %add3A_1840 : i32
        %get3A_1842 = arith.index_cast %add3A_1841 : i32 to index
        %get3A_1843 = arith.constant 192 : index
        %get3A_1844 = tpu.vector_load %arg9[%get3A_1842, %get3A_1843] {strides = array<i32>} : memref<128x256xf32, #tpu.memory_space<vmem>>, vector<1x16xf32>,
        %get3A_1845 = vector.shape_cast %get3A_1844 : vector<1x16xf32> to vector<16xf32>
        %mul3A_1846 = arith.mulf %get3A_1845, %gather3A_165 : vector<16xf32>
        %add3A_1847 = arith.addf %add3A_1839, %mul3A_1846 : vector<16xf32>
        %add3A_1848 = arith.constant 15 : i32
        %add3A_1849 = arith.addi %mul3A_171, %add3A_1848 : i32
        %get3A_1850 = arith.index_cast %add3A_1849 : i32 to index
        %get3A_1851 = arith.constant 192 : index
        %get3A_1852 = tpu.vector_load %arg9[%get3A_1850, %get3A_1851] {strides = array<i32>} : memref<128x256xf32, #tpu.memory_space<vmem>>, vector<1x16xf32>,
        %get3A_1853 = vector.shape_cast %get3A_1852 : vector<1x16xf32> to vector<16xf32>
        %mul3A_1854 = arith.mulf %get3A_1853, %gather3A_169 : vector<16xf32>
        %add3A_1855 = arith.addf %add3A_1847, %mul3A_1854 : vector<16xf32>
        %swap3A_1856 = arith.index_cast %scan3A_99 : i32 to index
        %swap3A_1857 = arith.constant 192 : index
        %swap3A_1858 = tpu.vector_load %arg11[%swap3A_1856, %swap3A_1857] {strides = array<i32>} : memref<8x256xf32, #tpu.memory_space<vmem>>, vector<1x16xf32>,
        %swap3A_1859 = vector.shape_cast %swap3A_1858 : vector<1x16xf32> to vector<16xf32>
        %swap3A_1860 = vector.shape_cast %add3A_1855 : vector<16xf32> to vector<1x16xf32>
        tpu.vector_store %arg11[%swap3A_1856, %swap3A_1857], %swap3A_1860 {strides = array<i32>} : memref<8x256xf32, #tpu.memory_space<vmem>>, vector<1x16xf32>,
        %get3A_1861 = arith.index_cast %mul3A_171 : i32 to index
        %get3A_1862 = arith.constant 208 : index
        %get3A_1863 = tpu.vector_load %arg9[%get3A_1861, %get3A_1862] {strides = array<i32>} : memref<128x256xf32, #tpu.memory_space<vmem>>, vector<1x16xf32>,
        %get3A_1864 = vector.shape_cast %get3A_1863 : vector<1x16xf32> to vector<16xf32>
        %mul3A_1865 = arith.mulf %get3A_1864, %gather3A_109 : vector<16xf32>
        %add3A_1866 = arith.constant 1 : i32
        %add3A_1867 = arith.addi %mul3A_171, %add3A_1866 : i32
        %get3A_1868 = arith.index_cast %add3A_1867 : i32 to index
        %get3A_1869 = arith.constant 208 : index
        %get3A_1870 = tpu.vector_load %arg9[%get3A_1868, %get3A_1869] {strides = array<i32>} : memref<128x256xf32, #tpu.memory_space<vmem>>, vector<1x16xf32>,
        %get3A_1871 = vector.shape_cast %get3A_1870 : vector<1x16xf32> to vector<16xf32>
        %mul3A_1872 = arith.mulf %get3A_1871, %gather3A_113 : vector<16xf32>
        %add3A_1873 = arith.addf %mul3A_1865, %mul3A_1872 : vector<16xf32>
        %add3A_1874 = arith.constant 2 : i32
        %add3A_1875 = arith.addi %mul3A_171, %add3A_1874 : i32
        %get3A_1876 = arith.index_cast %add3A_1875 : i32 to index
        %get3A_1877 = arith.constant 208 : index
        %get3A_1878 = tpu.vector_load %arg9[%get3A_1876, %get3A_1877] {strides = array<i32>} : memref<128x256xf32, #tpu.memory_space<vmem>>, vector<1x16xf32>,
        %get3A_1879 = vector.shape_cast %get3A_1878 : vector<1x16xf32> to vector<16xf32>
        %mul3A_1880 = arith.mulf %get3A_1879, %gather3A_117 : vector<16xf32>
        %add3A_1881 = arith.addf %add3A_1873, %mul3A_1880 : vector<16xf32>
        %add3A_1882 = arith.constant 3 : i32
        %add3A_1883 = arith.addi %mul3A_171, %add3A_1882 : i32
        %get3A_1884 = arith.index_cast %add3A_1883 : i32 to index
        %get3A_1885 = arith.constant 208 : index
        %get3A_1886 = tpu.vector_load %arg9[%get3A_1884, %get3A_1885] {strides = array<i32>} : memref<128x256xf32, #tpu.memory_space<vmem>>, vector<1x16xf32>,
        %get3A_1887 = vector.shape_cast %get3A_1886 : vector<1x16xf32> to vector<16xf32>
        %mul3A_1888 = arith.mulf %get3A_1887, %gather3A_121 : vector<16xf32>
        %add3A_1889 = arith.addf %add3A_1881, %mul3A_1888 : vector<16xf32>
        %add3A_1890 = arith.constant 4 : i32
        %add3A_1891 = arith.addi %mul3A_171, %add3A_1890 : i32
        %get3A_1892 = arith.index_cast %add3A_1891 : i32 to index
        %get3A_1893 = arith.constant 208 : index
        %get3A_1894 = tpu.vector_load %arg9[%get3A_1892, %get3A_1893] {strides = array<i32>} : memref<128x256xf32, #tpu.memory_space<vmem>>, vector<1x16xf32>,
        %get3A_1895 = vector.shape_cast %get3A_1894 : vector<1x16xf32> to vector<16xf32>
        %mul3A_1896 = arith.mulf %get3A_1895, %gather3A_125 : vector<16xf32>
        %add3A_1897 = arith.addf %add3A_1889, %mul3A_1896 : vector<16xf32>
        %add3A_1898 = arith.constant 5 : i32
        %add3A_1899 = arith.addi %mul3A_171, %add3A_1898 : i32
        %get3A_1900 = arith.index_cast %add3A_1899 : i32 to index
        %get3A_1901 = arith.constant 208 : index
        %get3A_1902 = tpu.vector_load %arg9[%get3A_1900, %get3A_1901] {strides = array<i32>} : memref<128x256xf32, #tpu.memory_space<vmem>>, vector<1x16xf32>,
        %get3A_1903 = vector.shape_cast %get3A_1902 : vector<1x16xf32> to vector<16xf32>
        %mul3A_1904 = arith.mulf %get3A_1903, %gather3A_129 : vector<16xf32>
        %add3A_1905 = arith.addf %add3A_1897, %mul3A_1904 : vector<16xf32>
        %add3A_1906 = arith.constant 6 : i32
        %add3A_1907 = arith.addi %mul3A_171, %add3A_1906 : i32
        %get3A_1908 = arith.index_cast %add3A_1907 : i32 to index
        %get3A_1909 = arith.constant 208 : index
        %get3A_1910 = tpu.vector_load %arg9[%get3A_1908, %get3A_1909] {strides = array<i32>} : memref<128x256xf32, #tpu.memory_space<vmem>>, vector<1x16xf32>,
        %get3A_1911 = vector.shape_cast %get3A_1910 : vector<1x16xf32> to vector<16xf32>
        %mul3A_1912 = arith.mulf %get3A_1911, %gather3A_133 : vector<16xf32>
        %add3A_1913 = arith.addf %add3A_1905, %mul3A_1912 : vector<16xf32>
        %add3A_1914 = arith.constant 7 : i32
        %add3A_1915 = arith.addi %mul3A_171, %add3A_1914 : i32
        %get3A_1916 = arith.index_cast %add3A_1915 : i32 to index
        %get3A_1917 = arith.constant 208 : index
        %get3A_1918 = tpu.vector_load %arg9[%get3A_1916, %get3A_1917] {strides = array<i32>} : memref<128x256xf32, #tpu.memory_space<vmem>>, vector<1x16xf32>,
        %get3A_1919 = vector.shape_cast %get3A_1918 : vector<1x16xf32> to vector<16xf32>
        %mul3A_1920 = arith.mulf %get3A_1919, %gather3A_137 : vector<16xf32>
        %add3A_1921 = arith.addf %add3A_1913, %mul3A_1920 : vector<16xf32>
        %add3A_1922 = arith.constant 8 : i32
        %add3A_1923 = arith.addi %mul3A_171, %add3A_1922 : i32
        %get3A_1924 = arith.index_cast %add3A_1923 : i32 to index
        %get3A_1925 = arith.constant 208 : index
        %get3A_1926 = tpu.vector_load %arg9[%get3A_1924, %get3A_1925] {strides = array<i32>} : memref<128x256xf32, #tpu.memory_space<vmem>>, vector<1x16xf32>,
        %get3A_1927 = vector.shape_cast %get3A_1926 : vector<1x16xf32> to vector<16xf32>
        %mul3A_1928 = arith.mulf %get3A_1927, %gather3A_141 : vector<16xf32>
        %add3A_1929 = arith.addf %add3A_1921, %mul3A_1928 : vector<16xf32>
        %add3A_1930 = arith.constant 9 : i32
        %add3A_1931 = arith.addi %mul3A_171, %add3A_1930 : i32
        %get3A_1932 = arith.index_cast %add3A_1931 : i32 to index
        %get3A_1933 = arith.constant 208 : index
        %get3A_1934 = tpu.vector_load %arg9[%get3A_1932, %get3A_1933] {strides = array<i32>} : memref<128x256xf32, #tpu.memory_space<vmem>>, vector<1x16xf32>,
        %get3A_1935 = vector.shape_cast %get3A_1934 : vector<1x16xf32> to vector<16xf32>
        %mul3A_1936 = arith.mulf %get3A_1935, %gather3A_145 : vector<16xf32>
        %add3A_1937 = arith.addf %add3A_1929, %mul3A_1936 : vector<16xf32>
        %add3A_1938 = arith.constant 10 : i32
        %add3A_1939 = arith.addi %mul3A_171, %add3A_1938 : i32
        %get3A_1940 = arith.index_cast %add3A_1939 : i32 to index
        %get3A_1941 = arith.constant 208 : index
        %get3A_1942 = tpu.vector_load %arg9[%get3A_1940, %get3A_1941] {strides = array<i32>} : memref<128x256xf32, #tpu.memory_space<vmem>>, vector<1x16xf32>,
        %get3A_1943 = vector.shape_cast %get3A_1942 : vector<1x16xf32> to vector<16xf32>
        %mul3A_1944 = arith.mulf %get3A_1943, %gather3A_149 : vector<16xf32>
        %add3A_1945 = arith.addf %add3A_1937, %mul3A_1944 : vector<16xf32>
        %add3A_1946 = arith.constant 11 : i32
        %add3A_1947 = arith.addi %mul3A_171, %add3A_1946 : i32
        %get3A_1948 = arith.index_cast %add3A_1947 : i32 to index
        %get3A_1949 = arith.constant 208 : index
        %get3A_1950 = tpu.vector_load %arg9[%get3A_1948, %get3A_1949] {strides = array<i32>} : memref<128x256xf32, #tpu.memory_space<vmem>>, vector<1x16xf32>,
        %get3A_1951 = vector.shape_cast %get3A_1950 : vector<1x16xf32> to vector<16xf32>
        %mul3A_1952 = arith.mulf %get3A_1951, %gather3A_153 : vector<16xf32>
        %add3A_1953 = arith.addf %add3A_1945, %mul3A_1952 : vector<16xf32>
        %add3A_1954 = arith.constant 12 : i32
        %add3A_1955 = arith.addi %mul3A_171, %add3A_1954 : i32
        %get3A_1956 = arith.index_cast %add3A_1955 : i32 to index
        %get3A_1957 = arith.constant 208 : index
        %get3A_1958 = tpu.vector_load %arg9[%get3A_1956, %get3A_1957] {strides = array<i32>} : memref<128x256xf32, #tpu.memory_space<vmem>>, vector<1x16xf32>,
        %get3A_1959 = vector.shape_cast %get3A_1958 : vector<1x16xf32> to vector<16xf32>
        %mul3A_1960 = arith.mulf %get3A_1959, %gather3A_157 : vector<16xf32>
        %add3A_1961 = arith.addf %add3A_1953, %mul3A_1960 : vector<16xf32>
        %add3A_1962 = arith.constant 13 : i32
        %add3A_1963 = arith.addi %mul3A_171, %add3A_1962 : i32
        %get3A_1964 = arith.index_cast %add3A_1963 : i32 to index
        %get3A_1965 = arith.constant 208 : index
        %get3A_1966 = tpu.vector_load %arg9[%get3A_1964, %get3A_1965] {strides = array<i32>} : memref<128x256xf32, #tpu.memory_space<vmem>>, vector<1x16xf32>,
        %get3A_1967 = vector.shape_cast %get3A_1966 : vector<1x16xf32> to vector<16xf32>
        %mul3A_1968 = arith.mulf %get3A_1967, %gather3A_161 : vector<16xf32>
        %add3A_1969 = arith.addf %add3A_1961, %mul3A_1968 : vector<16xf32>
        %add3A_1970 = arith.constant 14 : i32
        %add3A_1971 = arith.addi %mul3A_171, %add3A_1970 : i32
        %get3A_1972 = arith.index_cast %add3A_1971 : i32 to index
        %get3A_1973 = arith.constant 208 : index
        %get3A_1974 = tpu.vector_load %arg9[%get3A_1972, %get3A_1973] {strides = array<i32>} : memref<128x256xf32, #tpu.memory_space<vmem>>, vector<1x16xf32>,
        %get3A_1975 = vector.shape_cast %get3A_1974 : vector<1x16xf32> to vector<16xf32>
        %mul3A_1976 = arith.mulf %get3A_1975, %gather3A_165 : vector<16xf32>
        %add3A_1977 = arith.addf %add3A_1969, %mul3A_1976 : vector<16xf32>
        %add3A_1978 = arith.constant 15 : i32
        %add3A_1979 = arith.addi %mul3A_171, %add3A_1978 : i32
        %get3A_1980 = arith.index_cast %add3A_1979 : i32 to index
        %get3A_1981 = arith.constant 208 : index
        %get3A_1982 = tpu.vector_load %arg9[%get3A_1980, %get3A_1981] {strides = array<i32>} : memref<128x256xf32, #tpu.memory_space<vmem>>, vector<1x16xf32>,
        %get3A_1983 = vector.shape_cast %get3A_1982 : vector<1x16xf32> to vector<16xf32>
        %mul3A_1984 = arith.mulf %get3A_1983, %gather3A_169 : vector<16xf32>
        %add3A_1985 = arith.addf %add3A_1977, %mul3A_1984 : vector<16xf32>
        %swap3A_1986 = arith.index_cast %scan3A_99 : i32 to index
        %swap3A_1987 = arith.constant 208 : index
        %swap3A_1988 = tpu.vector_load %arg11[%swap3A_1986, %swap3A_1987] {strides = array<i32>} : memref<8x256xf32, #tpu.memory_space<vmem>>, vector<1x16xf32>,
        %swap3A_1989 = vector.shape_cast %swap3A_1988 : vector<1x16xf32> to vector<16xf32>
        %swap3A_1990 = vector.shape_cast %add3A_1985 : vector<16xf32> to vector<1x16xf32>
        tpu.vector_store %arg11[%swap3A_1986, %swap3A_1987], %swap3A_1990 {strides = array<i32>} : memref<8x256xf32, #tpu.memory_space<vmem>>, vector<1x16xf32>,
        %get3A_1991 = arith.index_cast %mul3A_171 : i32 to index
        %get3A_1992 = arith.constant 224 : index
        %get3A_1993 = tpu.vector_load %arg9[%get3A_1991, %get3A_1992] {strides = array<i32>} : memref<128x256xf32, #tpu.memory_space<vmem>>, vector<1x16xf32>,
        %get3A_1994 = vector.shape_cast %get3A_1993 : vector<1x16xf32> to vector<16xf32>
        %mul3A_1995 = arith.mulf %get3A_1994, %gather3A_109 : vector<16xf32>
        %add3A_1996 = arith.constant 1 : i32
        %add3A_1997 = arith.addi %mul3A_171, %add3A_1996 : i32
        %get3A_1998 = arith.index_cast %add3A_1997 : i32 to index
        %get3A_1999 = arith.constant 224 : index
        %get3A_2000 = tpu.vector_load %arg9[%get3A_1998, %get3A_1999] {strides = array<i32>} : memref<128x256xf32, #tpu.memory_space<vmem>>, vector<1x16xf32>,
        %get3A_2001 = vector.shape_cast %get3A_2000 : vector<1x16xf32> to vector<16xf32>
        %mul3A_2002 = arith.mulf %get3A_2001, %gather3A_113 : vector<16xf32>
        %add3A_2003 = arith.addf %mul3A_1995, %mul3A_2002 : vector<16xf32>
        %add3A_2004 = arith.constant 2 : i32
        %add3A_2005 = arith.addi %mul3A_171, %add3A_2004 : i32
        %get3A_2006 = arith.index_cast %add3A_2005 : i32 to index
        %get3A_2007 = arith.constant 224 : index
        %get3A_2008 = tpu.vector_load %arg9[%get3A_2006, %get3A_2007] {strides = array<i32>} : memref<128x256xf32, #tpu.memory_space<vmem>>, vector<1x16xf32>,
        %get3A_2009 = vector.shape_cast %get3A_2008 : vector<1x16xf32> to vector<16xf32>
        %mul3A_2010 = arith.mulf %get3A_2009, %gather3A_117 : vector<16xf32>
        %add3A_2011 = arith.addf %add3A_2003, %mul3A_2010 : vector<16xf32>
        %add3A_2012 = arith.constant 3 : i32
        %add3A_2013 = arith.addi %mul3A_171, %add3A_2012 : i32
        %get3A_2014 = arith.index_cast %add3A_2013 : i32 to index
        %get3A_2015 = arith.constant 224 : index
        %get3A_2016 = tpu.vector_load %arg9[%get3A_2014, %get3A_2015] {strides = array<i32>} : memref<128x256xf32, #tpu.memory_space<vmem>>, vector<1x16xf32>,
        %get3A_2017 = vector.shape_cast %get3A_2016 : vector<1x16xf32> to vector<16xf32>
        %mul3A_2018 = arith.mulf %get3A_2017, %gather3A_121 : vector<16xf32>
        %add3A_2019 = arith.addf %add3A_2011, %mul3A_2018 : vector<16xf32>
        %add3A_2020 = arith.constant 4 : i32
        %add3A_2021 = arith.addi %mul3A_171, %add3A_2020 : i32
        %get3A_2022 = arith.index_cast %add3A_2021 : i32 to index
        %get3A_2023 = arith.constant 224 : index
        %get3A_2024 = tpu.vector_load %arg9[%get3A_2022, %get3A_2023] {strides = array<i32>} : memref<128x256xf32, #tpu.memory_space<vmem>>, vector<1x16xf32>,
        %get3A_2025 = vector.shape_cast %get3A_2024 : vector<1x16xf32> to vector<16xf32>
        %mul3A_2026 = arith.mulf %get3A_2025, %gather3A_125 : vector<16xf32>
        %add3A_2027 = arith.addf %add3A_2019, %mul3A_2026 : vector<16xf32>
        %add3A_2028 = arith.constant 5 : i32
        %add3A_2029 = arith.addi %mul3A_171, %add3A_2028 : i32
        %get3A_2030 = arith.index_cast %add3A_2029 : i32 to index
        %get3A_2031 = arith.constant 224 : index
        %get3A_2032 = tpu.vector_load %arg9[%get3A_2030, %get3A_2031] {strides = array<i32>} : memref<128x256xf32, #tpu.memory_space<vmem>>, vector<1x16xf32>,
        %get3A_2033 = vector.shape_cast %get3A_2032 : vector<1x16xf32> to vector<16xf32>
        %mul3A_2034 = arith.mulf %get3A_2033, %gather3A_129 : vector<16xf32>
        %add3A_2035 = arith.addf %add3A_2027, %mul3A_2034 : vector<16xf32>
        %add3A_2036 = arith.constant 6 : i32
        %add3A_2037 = arith.addi %mul3A_171, %add3A_2036 : i32
        %get3A_2038 = arith.index_cast %add3A_2037 : i32 to index
        %get3A_2039 = arith.constant 224 : index
        %get3A_2040 = tpu.vector_load %arg9[%get3A_2038, %get3A_2039] {strides = array<i32>} : memref<128x256xf32, #tpu.memory_space<vmem>>, vector<1x16xf32>,
        %get3A_2041 = vector.shape_cast %get3A_2040 : vector<1x16xf32> to vector<16xf32>
        %mul3A_2042 = arith.mulf %get3A_2041, %gather3A_133 : vector<16xf32>
        %add3A_2043 = arith.addf %add3A_2035, %mul3A_2042 : vector<16xf32>
        %add3A_2044 = arith.constant 7 : i32
        %add3A_2045 = arith.addi %mul3A_171, %add3A_2044 : i32
        %get3A_2046 = arith.index_cast %add3A_2045 : i32 to index
        %get3A_2047 = arith.constant 224 : index
        %get3A_2048 = tpu.vector_load %arg9[%get3A_2046, %get3A_2047] {strides = array<i32>} : memref<128x256xf32, #tpu.memory_space<vmem>>, vector<1x16xf32>,
        %get3A_2049 = vector.shape_cast %get3A_2048 : vector<1x16xf32> to vector<16xf32>
        %mul3A_2050 = arith.mulf %get3A_2049, %gather3A_137 : vector<16xf32>
        %add3A_2051 = arith.addf %add3A_2043, %mul3A_2050 : vector<16xf32>
        %add3A_2052 = arith.constant 8 : i32
        %add3A_2053 = arith.addi %mul3A_171, %add3A_2052 : i32
        %get3A_2054 = arith.index_cast %add3A_2053 : i32 to index
        %get3A_2055 = arith.constant 224 : index
        %get3A_2056 = tpu.vector_load %arg9[%get3A_2054, %get3A_2055] {strides = array<i32>} : memref<128x256xf32, #tpu.memory_space<vmem>>, vector<1x16xf32>,
        %get3A_2057 = vector.shape_cast %get3A_2056 : vector<1x16xf32> to vector<16xf32>
        %mul3A_2058 = arith.mulf %get3A_2057, %gather3A_141 : vector<16xf32>
        %add3A_2059 = arith.addf %add3A_2051, %mul3A_2058 : vector<16xf32>
        %add3A_2060 = arith.constant 9 : i32
        %add3A_2061 = arith.addi %mul3A_171, %add3A_2060 : i32
        %get3A_2062 = arith.index_cast %add3A_2061 : i32 to index
        %get3A_2063 = arith.constant 224 : index
        %get3A_2064 = tpu.vector_load %arg9[%get3A_2062, %get3A_2063] {strides = array<i32>} : memref<128x256xf32, #tpu.memory_space<vmem>>, vector<1x16xf32>,
        %get3A_2065 = vector.shape_cast %get3A_2064 : vector<1x16xf32> to vector<16xf32>
        %mul3A_2066 = arith.mulf %get3A_2065, %gather3A_145 : vector<16xf32>
        %add3A_2067 = arith.addf %add3A_2059, %mul3A_2066 : vector<16xf32>
        %add3A_2068 = arith.constant 10 : i32
        %add3A_2069 = arith.addi %mul3A_171, %add3A_2068 : i32
        %get3A_2070 = arith.index_cast %add3A_2069 : i32 to index
        %get3A_2071 = arith.constant 224 : index
        %get3A_2072 = tpu.vector_load %arg9[%get3A_2070, %get3A_2071] {strides = array<i32>} : memref<128x256xf32, #tpu.memory_space<vmem>>, vector<1x16xf32>,
        %get3A_2073 = vector.shape_cast %get3A_2072 : vector<1x16xf32> to vector<16xf32>
        %mul3A_2074 = arith.mulf %get3A_2073, %gather3A_149 : vector<16xf32>
        %add3A_2075 = arith.addf %add3A_2067, %mul3A_2074 : vector<16xf32>
        %add3A_2076 = arith.constant 11 : i32
        %add3A_2077 = arith.addi %mul3A_171, %add3A_2076 : i32
        %get3A_2078 = arith.index_cast %add3A_2077 : i32 to index
        %get3A_2079 = arith.constant 224 : index
        %get3A_2080 = tpu.vector_load %arg9[%get3A_2078, %get3A_2079] {strides = array<i32>} : memref<128x256xf32, #tpu.memory_space<vmem>>, vector<1x16xf32>,
        %get3A_2081 = vector.shape_cast %get3A_2080 : vector<1x16xf32> to vector<16xf32>
        %mul3A_2082 = arith.mulf %get3A_2081, %gather3A_153 : vector<16xf32>
        %add3A_2083 = arith.addf %add3A_2075, %mul3A_2082 : vector<16xf32>
        %add3A_2084 = arith.constant 12 : i32
        %add3A_2085 = arith.addi %mul3A_171, %add3A_2084 : i32
        %get3A_2086 = arith.index_cast %add3A_2085 : i32 to index
        %get3A_2087 = arith.constant 224 : index
        %get3A_2088 = tpu.vector_load %arg9[%get3A_2086, %get3A_2087] {strides = array<i32>} : memref<128x256xf32, #tpu.memory_space<vmem>>, vector<1x16xf32>,
        %get3A_2089 = vector.shape_cast %get3A_2088 : vector<1x16xf32> to vector<16xf32>
        %mul3A_2090 = arith.mulf %get3A_2089, %gather3A_157 : vector<16xf32>
        %add3A_2091 = arith.addf %add3A_2083, %mul3A_2090 : vector<16xf32>
        %add3A_2092 = arith.constant 13 : i32
        %add3A_2093 = arith.addi %mul3A_171, %add3A_2092 : i32
        %get3A_2094 = arith.index_cast %add3A_2093 : i32 to index
        %get3A_2095 = arith.constant 224 : index
        %get3A_2096 = tpu.vector_load %arg9[%get3A_2094, %get3A_2095] {strides = array<i32>} : memref<128x256xf32, #tpu.memory_space<vmem>>, vector<1x16xf32>,
        %get3A_2097 = vector.shape_cast %get3A_2096 : vector<1x16xf32> to vector<16xf32>
        %mul3A_2098 = arith.mulf %get3A_2097, %gather3A_161 : vector<16xf32>
        %add3A_2099 = arith.addf %add3A_2091, %mul3A_2098 : vector<16xf32>
        %add3A_2100 = arith.constant 14 : i32
        %add3A_2101 = arith.addi %mul3A_171, %add3A_2100 : i32
        %get3A_2102 = arith.index_cast %add3A_2101 : i32 to index
        %get3A_2103 = arith.constant 224 : index
        %get3A_2104 = tpu.vector_load %arg9[%get3A_2102, %get3A_2103] {strides = array<i32>} : memref<128x256xf32, #tpu.memory_space<vmem>>, vector<1x16xf32>,
        %get3A_2105 = vector.shape_cast %get3A_2104 : vector<1x16xf32> to vector<16xf32>
        %mul3A_2106 = arith.mulf %get3A_2105, %gather3A_165 : vector<16xf32>
        %add3A_2107 = arith.addf %add3A_2099, %mul3A_2106 : vector<16xf32>
        %add3A_2108 = arith.constant 15 : i32
        %add3A_2109 = arith.addi %mul3A_171, %add3A_2108 : i32
        %get3A_2110 = arith.index_cast %add3A_2109 : i32 to index
        %get3A_2111 = arith.constant 224 : index
        %get3A_2112 = tpu.vector_load %arg9[%get3A_2110, %get3A_2111] {strides = array<i32>} : memref<128x256xf32, #tpu.memory_space<vmem>>, vector<1x16xf32>,
        %get3A_2113 = vector.shape_cast %get3A_2112 : vector<1x16xf32> to vector<16xf32>
        %mul3A_2114 = arith.mulf %get3A_2113, %gather3A_169 : vector<16xf32>
        %add3A_2115 = arith.addf %add3A_2107, %mul3A_2114 : vector<16xf32>
        %swap3A_2116 = arith.index_cast %scan3A_99 : i32 to index
        %swap3A_2117 = arith.constant 224 : index
        %swap3A_2118 = tpu.vector_load %arg11[%swap3A_2116, %swap3A_2117] {strides = array<i32>} : memref<8x256xf32, #tpu.memory_space<vmem>>, vector<1x16xf32>,
        %swap3A_2119 = vector.shape_cast %swap3A_2118 : vector<1x16xf32> to vector<16xf32>
        %swap3A_2120 = vector.shape_cast %add3A_2115 : vector<16xf32> to vector<1x16xf32>
        tpu.vector_store %arg11[%swap3A_2116, %swap3A_2117], %swap3A_2120 {strides = array<i32>} : memref<8x256xf32, #tpu.memory_space<vmem>>, vector<1x16xf32>,
        %get3A_2121 = arith.index_cast %mul3A_171 : i32 to index
        %get3A_2122 = arith.constant 240 : index
        %get3A_2123 = tpu.vector_load %arg9[%get3A_2121, %get3A_2122] {strides = array<i32>} : memref<128x256xf32, #tpu.memory_space<vmem>>, vector<1x16xf32>,
        %get3A_2124 = vector.shape_cast %get3A_2123 : vector<1x16xf32> to vector<16xf32>
        %mul3A_2125 = arith.mulf %get3A_2124, %gather3A_109 : vector<16xf32>
        %add3A_2126 = arith.constant 1 : i32
        %add3A_2127 = arith.addi %mul3A_171, %add3A_2126 : i32
        %get3A_2128 = arith.index_cast %add3A_2127 : i32 to index
        %get3A_2129 = arith.constant 240 : index
        %get3A_2130 = tpu.vector_load %arg9[%get3A_2128, %get3A_2129] {strides = array<i32>} : memref<128x256xf32, #tpu.memory_space<vmem>>, vector<1x16xf32>,
        %get3A_2131 = vector.shape_cast %get3A_2130 : vector<1x16xf32> to vector<16xf32>
        %mul3A_2132 = arith.mulf %get3A_2131, %gather3A_113 : vector<16xf32>
        %add3A_2133 = arith.addf %mul3A_2125, %mul3A_2132 : vector<16xf32>
        %add3A_2134 = arith.constant 2 : i32
        %add3A_2135 = arith.addi %mul3A_171, %add3A_2134 : i32
        %get3A_2136 = arith.index_cast %add3A_2135 : i32 to index
        %get3A_2137 = arith.constant 240 : index
        %get3A_2138 = tpu.vector_load %arg9[%get3A_2136, %get3A_2137] {strides = array<i32>} : memref<128x256xf32, #tpu.memory_space<vmem>>, vector<1x16xf32>,
        %get3A_2139 = vector.shape_cast %get3A_2138 : vector<1x16xf32> to vector<16xf32>
        %mul3A_2140 = arith.mulf %get3A_2139, %gather3A_117 : vector<16xf32>
        %add3A_2141 = arith.addf %add3A_2133, %mul3A_2140 : vector<16xf32>
        %add3A_2142 = arith.constant 3 : i32
        %add3A_2143 = arith.addi %mul3A_171, %add3A_2142 : i32
        %get3A_2144 = arith.index_cast %add3A_2143 : i32 to index
        %get3A_2145 = arith.constant 240 : index
        %get3A_2146 = tpu.vector_load %arg9[%get3A_2144, %get3A_2145] {strides = array<i32>} : memref<128x256xf32, #tpu.memory_space<vmem>>, vector<1x16xf32>,
        %get3A_2147 = vector.shape_cast %get3A_2146 : vector<1x16xf32> to vector<16xf32>
        %mul3A_2148 = arith.mulf %get3A_2147, %gather3A_121 : vector<16xf32>
        %add3A_2149 = arith.addf %add3A_2141, %mul3A_2148 : vector<16xf32>
        %add3A_2150 = arith.constant 4 : i32
        %add3A_2151 = arith.addi %mul3A_171, %add3A_2150 : i32
        %get3A_2152 = arith.index_cast %add3A_2151 : i32 to index
        %get3A_2153 = arith.constant 240 : index
        %get3A_2154 = tpu.vector_load %arg9[%get3A_2152, %get3A_2153] {strides = array<i32>} : memref<128x256xf32, #tpu.memory_space<vmem>>, vector<1x16xf32>,
        %get3A_2155 = vector.shape_cast %get3A_2154 : vector<1x16xf32> to vector<16xf32>
        %mul3A_2156 = arith.mulf %get3A_2155, %gather3A_125 : vector<16xf32>
        %add3A_2157 = arith.addf %add3A_2149, %mul3A_2156 : vector<16xf32>
        %add3A_2158 = arith.constant 5 : i32
        %add3A_2159 = arith.addi %mul3A_171, %add3A_2158 : i32
        %get3A_2160 = arith.index_cast %add3A_2159 : i32 to index
        %get3A_2161 = arith.constant 240 : index
        %get3A_2162 = tpu.vector_load %arg9[%get3A_2160, %get3A_2161] {strides = array<i32>} : memref<128x256xf32, #tpu.memory_space<vmem>>, vector<1x16xf32>,
        %get3A_2163 = vector.shape_cast %get3A_2162 : vector<1x16xf32> to vector<16xf32>
        %mul3A_2164 = arith.mulf %get3A_2163, %gather3A_129 : vector<16xf32>
        %add3A_2165 = arith.addf %add3A_2157, %mul3A_2164 : vector<16xf32>
        %add3A_2166 = arith.constant 6 : i32
        %add3A_2167 = arith.addi %mul3A_171, %add3A_2166 : i32
        %get3A_2168 = arith.index_cast %add3A_2167 : i32 to index
        %get3A_2169 = arith.constant 240 : index
        %get3A_2170 = tpu.vector_load %arg9[%get3A_2168, %get3A_2169] {strides = array<i32>} : memref<128x256xf32, #tpu.memory_space<vmem>>, vector<1x16xf32>,
        %get3A_2171 = vector.shape_cast %get3A_2170 : vector<1x16xf32> to vector<16xf32>
        %mul3A_2172 = arith.mulf %get3A_2171, %gather3A_133 : vector<16xf32>
        %add3A_2173 = arith.addf %add3A_2165, %mul3A_2172 : vector<16xf32>
        %add3A_2174 = arith.constant 7 : i32
        %add3A_2175 = arith.addi %mul3A_171, %add3A_2174 : i32
        %get3A_2176 = arith.index_cast %add3A_2175 : i32 to index
        %get3A_2177 = arith.constant 240 : index
        %get3A_2178 = tpu.vector_load %arg9[%get3A_2176, %get3A_2177] {strides = array<i32>} : memref<128x256xf32, #tpu.memory_space<vmem>>, vector<1x16xf32>,
        %get3A_2179 = vector.shape_cast %get3A_2178 : vector<1x16xf32> to vector<16xf32>
        %mul3A_2180 = arith.mulf %get3A_2179, %gather3A_137 : vector<16xf32>
        %add3A_2181 = arith.addf %add3A_2173, %mul3A_2180 : vector<16xf32>
        %add3A_2182 = arith.constant 8 : i32
        %add3A_2183 = arith.addi %mul3A_171, %add3A_2182 : i32
        %get3A_2184 = arith.index_cast %add3A_2183 : i32 to index
        %get3A_2185 = arith.constant 240 : index
        %get3A_2186 = tpu.vector_load %arg9[%get3A_2184, %get3A_2185] {strides = array<i32>} : memref<128x256xf32, #tpu.memory_space<vmem>>, vector<1x16xf32>,
        %get3A_2187 = vector.shape_cast %get3A_2186 : vector<1x16xf32> to vector<16xf32>
        %mul3A_2188 = arith.mulf %get3A_2187, %gather3A_141 : vector<16xf32>
        %add3A_2189 = arith.addf %add3A_2181, %mul3A_2188 : vector<16xf32>
        %add3A_2190 = arith.constant 9 : i32
        %add3A_2191 = arith.addi %mul3A_171, %add3A_2190 : i32
        %get3A_2192 = arith.index_cast %add3A_2191 : i32 to index
        %get3A_2193 = arith.constant 240 : index
        %get3A_2194 = tpu.vector_load %arg9[%get3A_2192, %get3A_2193] {strides = array<i32>} : memref<128x256xf32, #tpu.memory_space<vmem>>, vector<1x16xf32>,
        %get3A_2195 = vector.shape_cast %get3A_2194 : vector<1x16xf32> to vector<16xf32>
        %mul3A_2196 = arith.mulf %get3A_2195, %gather3A_145 : vector<16xf32>
        %add3A_2197 = arith.addf %add3A_2189, %mul3A_2196 : vector<16xf32>
        %add3A_2198 = arith.constant 10 : i32
        %add3A_2199 = arith.addi %mul3A_171, %add3A_2198 : i32
        %get3A_2200 = arith.index_cast %add3A_2199 : i32 to index
        %get3A_2201 = arith.constant 240 : index
        %get3A_2202 = tpu.vector_load %arg9[%get3A_2200, %get3A_2201] {strides = array<i32>} : memref<128x256xf32, #tpu.memory_space<vmem>>, vector<1x16xf32>,
        %get3A_2203 = vector.shape_cast %get3A_2202 : vector<1x16xf32> to vector<16xf32>
        %mul3A_2204 = arith.mulf %get3A_2203, %gather3A_149 : vector<16xf32>
        %add3A_2205 = arith.addf %add3A_2197, %mul3A_2204 : vector<16xf32>
        %add3A_2206 = arith.constant 11 : i32
        %add3A_2207 = arith.addi %mul3A_171, %add3A_2206 : i32
        %get3A_2208 = arith.index_cast %add3A_2207 : i32 to index
        %get3A_2209 = arith.constant 240 : index
        %get3A_2210 = tpu.vector_load %arg9[%get3A_2208, %get3A_2209] {strides = array<i32>} : memref<128x256xf32, #tpu.memory_space<vmem>>, vector<1x16xf32>,
        %get3A_2211 = vector.shape_cast %get3A_2210 : vector<1x16xf32> to vector<16xf32>
        %mul3A_2212 = arith.mulf %get3A_2211, %gather3A_153 : vector<16xf32>
        %add3A_2213 = arith.addf %add3A_2205, %mul3A_2212 : vector<16xf32>
        %add3A_2214 = arith.constant 12 : i32
        %add3A_2215 = arith.addi %mul3A_171, %add3A_2214 : i32
        %get3A_2216 = arith.index_cast %add3A_2215 : i32 to index
        %get3A_2217 = arith.constant 240 : index
        %get3A_2218 = tpu.vector_load %arg9[%get3A_2216, %get3A_2217] {strides = array<i32>} : memref<128x256xf32, #tpu.memory_space<vmem>>, vector<1x16xf32>,
        %get3A_2219 = vector.shape_cast %get3A_2218 : vector<1x16xf32> to vector<16xf32>
        %mul3A_2220 = arith.mulf %get3A_2219, %gather3A_157 : vector<16xf32>
        %add3A_2221 = arith.addf %add3A_2213, %mul3A_2220 : vector<16xf32>
        %add3A_2222 = arith.constant 13 : i32
        %add3A_2223 = arith.addi %mul3A_171, %add3A_2222 : i32
        %get3A_2224 = arith.index_cast %add3A_2223 : i32 to index
        %get3A_2225 = arith.constant 240 : index
        %get3A_2226 = tpu.vector_load %arg9[%get3A_2224, %get3A_2225] {strides = array<i32>} : memref<128x256xf32, #tpu.memory_space<vmem>>, vector<1x16xf32>,
        %get3A_2227 = vector.shape_cast %get3A_2226 : vector<1x16xf32> to vector<16xf32>
        %mul3A_2228 = arith.mulf %get3A_2227, %gather3A_161 : vector<16xf32>
        %add3A_2229 = arith.addf %add3A_2221, %mul3A_2228 : vector<16xf32>
        %add3A_2230 = arith.constant 14 : i32
        %add3A_2231 = arith.addi %mul3A_171, %add3A_2230 : i32
        %get3A_2232 = arith.index_cast %add3A_2231 : i32 to index
        %get3A_2233 = arith.constant 240 : index
        %get3A_2234 = tpu.vector_load %arg9[%get3A_2232, %get3A_2233] {strides = array<i32>} : memref<128x256xf32, #tpu.memory_space<vmem>>, vector<1x16xf32>,
        %get3A_2235 = vector.shape_cast %get3A_2234 : vector<1x16xf32> to vector<16xf32>
        %mul3A_2236 = arith.mulf %get3A_2235, %gather3A_165 : vector<16xf32>
        %add3A_2237 = arith.addf %add3A_2229, %mul3A_2236 : vector<16xf32>
        %add3A_2238 = arith.constant 15 : i32
        %add3A_2239 = arith.addi %mul3A_171, %add3A_2238 : i32
        %get3A_2240 = arith.index_cast %add3A_2239 : i32 to index
        %get3A_2241 = arith.constant 240 : index
        %get3A_2242 = tpu.vector_load %arg9[%get3A_2240, %get3A_2241] {strides = array<i32>} : memref<128x256xf32, #tpu.memory_space<vmem>>, vector<1x16xf32>,
        %get3A_2243 = vector.shape_cast %get3A_2242 : vector<1x16xf32> to vector<16xf32>
        %mul3A_2244 = arith.mulf %get3A_2243, %gather3A_169 : vector<16xf32>
        %add3A_2245 = arith.addf %add3A_2237, %mul3A_2244 : vector<16xf32>
        %swap3A_2246 = arith.index_cast %scan3A_99 : i32 to index
        %swap3A_2247 = arith.constant 240 : index
        %swap3A_2248 = tpu.vector_load %arg11[%swap3A_2246, %swap3A_2247] {strides = array<i32>} : memref<8x256xf32, #tpu.memory_space<vmem>>, vector<1x16xf32>,
        %swap3A_2249 = vector.shape_cast %swap3A_2248 : vector<1x16xf32> to vector<16xf32>
        %swap3A_2250 = vector.shape_cast %add3A_2245 : vector<16xf32> to vector<1x16xf32>
        tpu.vector_store %arg11[%swap3A_2246, %swap3A_2247], %swap3A_2250 {strides = array<i32>} : memref<8x256xf32, #tpu.memory_space<vmem>>, vector<1x16xf32>,
        %scan3A_2251 = arith.constant 0 : i32
        scf.yield %scan3A_2251 : i32
      }
      %scan3A_90 = arith.constant 8 : i32
      %add3A_91 = arith.addi %mul3A_2, %add3A_65 : i32
      %mul3A_92 = arith.constant 8 : i32
      %mul3A_93 = arith.muli %add3A_91, %mul3A_92 : i32
      %dma_start3A_94 = arith.constant 0 : i32
      %dma_start3A_95 = tpu.memref_slice %arg5[%mul3A_93, %dma_start3A_94] : memref<49152x256xf32, #tpu.memory_space<hbm>> -> memref<8x256xf32, #tpu.memory_space<hbm>>
      %dma_start3A_96 = arith.constant 0 : i32
      %dma_start3A_97 = tpu.memref_slice %arg5[%mul3A_93, %dma_start3A_96] : memref<49152x256xf32, #tpu.memory_space<hbm>> -> memref<8x256xf32, #tpu.memory_space<hbm>>
      tpu.enqueue_dma source(%arg11 : memref<8x256xf32, #tpu.memory_space<vmem>>) target(%dma_start3A_97 : memref<8x256xf32, #tpu.memory_space<hbm>>) target_semaphore(%arg15 : memref<!tpu.dma_semaphore, #tpu.memory_space<semaphore_mem>>)
      %scan3A_98 = arith.constant 0 : i32
      scf.yield %scan3A_98 : i32
    }
    %scan3A_18 = arith.constant 96 : i32
    %dma_wait3A = arith.constant 0 : i32
    %dma_wait3A_19 = arith.constant 0 : i32
    %dma_wait3A_20 = tpu.memref_slice %arg5[%dma_wait3A, %dma_wait3A_19] : memref<49152x256xf32, #tpu.memory_space<hbm>> -> memref<8x256xf32, #tpu.memory_space<hbm>>
    %dma_wait3A_21 = arith.constant 0 : i32
    %dma_wait3A_22 = arith.constant 0 : i32
    %dma_wait3A_23 = tpu.memref_slice %arg5[%dma_wait3A_21, %dma_wait3A_22] : memref<49152x256xf32, #tpu.memory_space<hbm>> -> memref<8x256xf32, #tpu.memory_space<hbm>>
    tpu.wait_dma2 semaphore(%arg14 : memref<!tpu.dma_semaphore, #tpu.memory_space<semaphore_mem>>) src(%arg10 : memref<8x256xf32, #tpu.memory_space<vmem>>) dst(%dma_wait3A_23 : memref<8x256xf32, #tpu.memory_space<hbm>>)
    %dma_wait3A_24 = arith.constant 0 : i32
    %dma_wait3A_25 = arith.constant 0 : i32
    %dma_wait3A_26 = tpu.memref_slice %arg5[%dma_wait3A_24, %dma_wait3A_25] : memref<49152x256xf32, #tpu.memory_space<hbm>> -> memref<8x256xf32, #tpu.memory_space<hbm>>
    %dma_wait3A_27 = arith.constant 0 : i32
    %dma_wait3A_28 = arith.constant 0 : i32
    %dma_wait3A_29 = tpu.memref_slice %arg5[%dma_wait3A_27, %dma_wait3A_28] : memref<49152x256xf32, #tpu.memory_space<hbm>> -> memref<8x256xf32, #tpu.memory_space<hbm>>
    tpu.wait_dma2 semaphore(%arg15 : memref<!tpu.dma_semaphore, #tpu.memory_space<semaphore_mem>>) src(%arg11 : memref<8x256xf32, #tpu.memory_space<vmem>>) dst(%dma_wait3A_29 : memref<8x256xf32, #tpu.memory_space<hbm>>)
    return
  }
}

module attributes {stable_mosaic.version = 14 : i64} {
  func.func @body(%arg0: i32, %arg1: i32, %arg2: memref<1x256x1024xf32, #tpu.memory_space<vmem>>, %arg3: memref<1x256x1024xf32, #tpu.memory_space<vmem>>, %arg4: memref<1x256x1024xf32, #tpu.memory_space<vmem>>, %arg5: memref<1x256x1024xf32, #tpu.memory_space<vmem>>, %arg6: memref<1024x256xf32, #tpu.memory_space<vmem>>) attributes {dimension_semantics = [#tpu.dimension_semantics<arbitrary>, #tpu.dimension_semantics<arbitrary>], iteration_bounds = array<i64: 2, 85>, scalar_prefetch = 0 : i64, scratch_operands = 0 : i64, tpu.core_type = #tpu.core_type<tc>, window_params = [{transform_indices = @transform_0, window_bounds = array<i64: 1, 256, 1024>}, {transform_indices = @transform_1, window_bounds = array<i64: 1, 256, 1024>}, {transform_indices = @transform_2, window_bounds = array<i64: 1, 256, 1024>}, {transform_indices = @transform_3, window_bounds = array<i64: 1, 256, 1024>}, {transform_indices = @transform_4, window_bounds = array<i64: 1024, 256>}]} {
    %ge3A = arith.constant 0 : i32
    %ge3A_0 = arith.cmpi sge, %arg1, %ge3A : i32
    %lt3A = arith.constant 64 : i32
    %lt3A_1 = arith.cmpi slt, %arg1, %lt3A : i32
    %and3A = arith.andi %ge3A_0, %lt3A_1 : i1
    %convert_element_type3A = arith.extui %and3A : i1 to i32
    %cond3A = arith.constant 0 : i32
    %cond3A_2 = arith.cmpi ne, %convert_element_type3A, %cond3A : i32
    scf.if %cond3A_2 {
      %get3A = arith.constant 0 : index
      %get3A_27 = arith.constant 0 : index
      %get3A_28 = arith.constant 0 : index
      %get3A_29 = vector.load %arg2[%get3A, %get3A_27, %get3A_28] : memref<1x256x1024xf32, #tpu.memory_space<vmem>>, vector<1x256x1024xf32>
      %get3A_30 = vector.shape_cast %get3A_29 : vector<1x256x1024xf32> to vector<256x1024xf32>
      %transpose3A = tpu.transpose %get3A_30, [1, 0] : vector<256x1024xf32> -> vector<1024x256xf32>
      %swap3A = arith.constant 0 : index
      %swap3A_31 = arith.constant 0 : index
      %swap3A_32 = vector.load %arg6[%swap3A, %swap3A_31] : memref<1024x256xf32, #tpu.memory_space<vmem>>, vector<1024x256xf32>
      tpu.vector_store %arg6[%swap3A, %swap3A_31], %transpose3A {strides = array<i32>} : memref<1024x256xf32, #tpu.memory_space<vmem>>, vector<1024x256xf32>,
    } else {
    }
    %ge3A_3 = arith.constant 64 : i32
    %ge3A_4 = arith.cmpi sge, %arg1, %ge3A_3 : i32
    %lt3A_5 = arith.constant 80 : i32
    %lt3A_6 = arith.cmpi slt, %arg1, %lt3A_5 : i32
    %and3A_7 = arith.andi %ge3A_4, %lt3A_6 : i1
    %convert_element_type3A_8 = arith.extui %and3A_7 : i1 to i32
    %cond3A_9 = arith.constant 0 : i32
    %cond3A_10 = arith.cmpi ne, %convert_element_type3A_8, %cond3A_9 : i32
    scf.if %cond3A_10 {
      %get3A = arith.constant 0 : index
      %get3A_27 = arith.constant 0 : index
      %get3A_28 = arith.constant 0 : index
      %get3A_29 = vector.load %arg3[%get3A, %get3A_27, %get3A_28] : memref<1x256x1024xf32, #tpu.memory_space<vmem>>, vector<1x256x1024xf32>
      %get3A_30 = vector.shape_cast %get3A_29 : vector<1x256x1024xf32> to vector<256x1024xf32>
      %transpose3A = tpu.transpose %get3A_30, [1, 0] : vector<256x1024xf32> -> vector<1024x256xf32>
      %swap3A = arith.constant 0 : index
      %swap3A_31 = arith.constant 0 : index
      %swap3A_32 = vector.load %arg6[%swap3A, %swap3A_31] : memref<1024x256xf32, #tpu.memory_space<vmem>>, vector<1024x256xf32>
      tpu.vector_store %arg6[%swap3A, %swap3A_31], %transpose3A {strides = array<i32>} : memref<1024x256xf32, #tpu.memory_space<vmem>>, vector<1024x256xf32>,
    } else {
    }
    %ge3A_11 = arith.constant 80 : i32
    %ge3A_12 = arith.cmpi sge, %arg1, %ge3A_11 : i32
    %lt3A_13 = arith.constant 84 : i32
    %lt3A_14 = arith.cmpi slt, %arg1, %lt3A_13 : i32
    %and3A_15 = arith.andi %ge3A_12, %lt3A_14 : i1
    %convert_element_type3A_16 = arith.extui %and3A_15 : i1 to i32
    %cond3A_17 = arith.constant 0 : i32
    %cond3A_18 = arith.cmpi ne, %convert_element_type3A_16, %cond3A_17 : i32
    scf.if %cond3A_18 {
      %get3A = arith.constant 0 : index
      %get3A_27 = arith.constant 0 : index
      %get3A_28 = arith.constant 0 : index
      %get3A_29 = vector.load %arg4[%get3A, %get3A_27, %get3A_28] : memref<1x256x1024xf32, #tpu.memory_space<vmem>>, vector<1x256x1024xf32>
      %get3A_30 = vector.shape_cast %get3A_29 : vector<1x256x1024xf32> to vector<256x1024xf32>
      %transpose3A = tpu.transpose %get3A_30, [1, 0] : vector<256x1024xf32> -> vector<1024x256xf32>
      %swap3A = arith.constant 0 : index
      %swap3A_31 = arith.constant 0 : index
      %swap3A_32 = vector.load %arg6[%swap3A, %swap3A_31] : memref<1024x256xf32, #tpu.memory_space<vmem>>, vector<1024x256xf32>
      tpu.vector_store %arg6[%swap3A, %swap3A_31], %transpose3A {strides = array<i32>} : memref<1024x256xf32, #tpu.memory_space<vmem>>, vector<1024x256xf32>,
    } else {
    }
    %ge3A_19 = arith.constant 84 : i32
    %ge3A_20 = arith.cmpi sge, %arg1, %ge3A_19 : i32
    %lt3A_21 = arith.constant 85 : i32
    %lt3A_22 = arith.cmpi slt, %arg1, %lt3A_21 : i32
    %and3A_23 = arith.andi %ge3A_20, %lt3A_22 : i1
    %convert_element_type3A_24 = arith.extui %and3A_23 : i1 to i32
    %cond3A_25 = arith.constant 0 : i32
    %cond3A_26 = arith.cmpi ne, %convert_element_type3A_24, %cond3A_25 : i32
    scf.if %cond3A_26 {
      %get3A = arith.constant 0 : index
      %get3A_27 = arith.constant 0 : index
      %get3A_28 = arith.constant 0 : index
      %get3A_29 = vector.load %arg5[%get3A, %get3A_27, %get3A_28] : memref<1x256x1024xf32, #tpu.memory_space<vmem>>, vector<1x256x1024xf32>
      %get3A_30 = vector.shape_cast %get3A_29 : vector<1x256x1024xf32> to vector<256x1024xf32>
      %transpose3A = tpu.transpose %get3A_30, [1, 0] : vector<256x1024xf32> -> vector<1024x256xf32>
      %swap3A = arith.constant 0 : index
      %swap3A_31 = arith.constant 0 : index
      %swap3A_32 = vector.load %arg6[%swap3A, %swap3A_31] : memref<1024x256xf32, #tpu.memory_space<vmem>>, vector<1024x256xf32>
      tpu.vector_store %arg6[%swap3A, %swap3A_31], %transpose3A {strides = array<i32>} : memref<1024x256xf32, #tpu.memory_space<vmem>>, vector<1024x256xf32>,
    } else {
    }
    return
  }
  func.func @transform_0(%arg0: i32, %arg1: i32) -> (i32, i32, i32) {
    %sub3A = arith.constant 0 : i32
    %sub3A_0 = arith.subi %arg1, %sub3A : i32
    %jit3A = arith.constant 0 : i32
    %jit3A_1 = arith.constant 63 : i32
    %max3A = arith.maxsi %jit3A, %sub3A_0 : i32
    %min3A = arith.minsi %jit3A_1, %max3A : i32
    %c0_i32 = arith.constant 0 : i32
    %c0_i32_2 = arith.constant 0 : i32
    return %arg0, %c0_i32, %min3A : i32, i32, i32
  }
  func.func @transform_1(%arg0: i32, %arg1: i32) -> (i32, i32, i32) {
    %sub3A = arith.constant 64 : i32
    %sub3A_0 = arith.subi %arg1, %sub3A : i32
    %jit3A = arith.constant 0 : i32
    %jit3A_1 = arith.constant 15 : i32
    %max3A = arith.maxsi %jit3A, %sub3A_0 : i32
    %min3A = arith.minsi %jit3A_1, %max3A : i32
    %c0_i32 = arith.constant 0 : i32
    %c0_i32_2 = arith.constant 0 : i32
    return %arg0, %c0_i32, %min3A : i32, i32, i32
  }
  func.func @transform_2(%arg0: i32, %arg1: i32) -> (i32, i32, i32) {
    %sub3A = arith.constant 80 : i32
    %sub3A_0 = arith.subi %arg1, %sub3A : i32
    %jit3A = arith.constant 0 : i32
    %jit3A_1 = arith.constant 3 : i32
    %max3A = arith.maxsi %jit3A, %sub3A_0 : i32
    %min3A = arith.minsi %jit3A_1, %max3A : i32
    %c0_i32 = arith.constant 0 : i32
    %c0_i32_2 = arith.constant 0 : i32
    return %arg0, %c0_i32, %min3A : i32, i32, i32
  }
  func.func @transform_3(%arg0: i32, %arg1: i32) -> (i32, i32, i32) {
    %sub3A = arith.constant 84 : i32
    %sub3A_0 = arith.subi %arg1, %sub3A : i32
    %jit3A = arith.constant 0 : i32
    %jit3A_1 = arith.constant 0 : i32
    %max3A = arith.maxsi %jit3A, %sub3A_0 : i32
    %min3A = arith.minsi %jit3A_1, %max3A : i32
    %c0_i32 = arith.constant 0 : i32
    %c0_i32_2 = arith.constant 0 : i32
    return %arg0, %c0_i32, %min3A : i32, i32, i32
  }
  func.func @transform_4(%arg0: i32, %arg1: i32) -> (i32, i32) {
    %mul3A = arith.constant 85 : i32
    %mul3A_0 = arith.muli %arg0, %mul3A : i32
    %add3A = arith.addi %mul3A_0, %arg1 : i32
    %c0_i32 = arith.constant 0 : i32
    %c0_i32_1 = arith.constant 0 : i32
    return %add3A, %c0_i32 : i32, i32
  }
}

module attributes {stable_mosaic.version = 14 : i64} {
  func.func @body(%arg0: i32, %arg1: memref<392x256xf32, #tpu.memory_space<vmem>>, %arg2: memref<8x256x49xf32, #tpu.memory_space<vmem>>) attributes {dimension_semantics = [#tpu.dimension_semantics<arbitrary>], iteration_bounds = array<i64: 125>, scalar_prefetch = 0 : i64, scratch_operands = 0 : i64, tpu.core_type = #tpu.core_type<tc>, window_params = [{transform_indices = @transform_0, window_bounds = array<i64: 392, 256>}, {transform_indices = @transform_1, window_bounds = array<i64: 8, 256, 49>}]} {
    %get3A = arith.constant 0 : index
    %get3A_0 = arith.constant 0 : index
    %get3A_1 = vector.load %arg1[%get3A, %get3A_0] : memref<392x256xf32, #tpu.memory_space<vmem>>, vector<392x256xf32>
    %reshape3A = vector.shape_cast %get3A_1 : vector<392x256xf32> to vector<8x49x256xf32>
    %transpose3A = tpu.transpose %reshape3A, [0, 2, 1] : vector<8x49x256xf32> -> vector<8x256x49xf32>
    %swap3A = arith.constant 0 : index
    %swap3A_2 = arith.constant 0 : index
    %swap3A_3 = arith.constant 0 : index
    %swap3A_4 = vector.load %arg2[%swap3A, %swap3A_2, %swap3A_3] : memref<8x256x49xf32, #tpu.memory_space<vmem>>, vector<8x256x49xf32>
    tpu.vector_store %arg2[%swap3A, %swap3A_2, %swap3A_3], %transpose3A {strides = array<i32>} : memref<8x256x49xf32, #tpu.memory_space<vmem>>, vector<8x256x49xf32>,
    return
  }
  func.func @transform_0(%arg0: i32) -> (i32, i32) {
    %c0_i32 = arith.constant 0 : i32
    %c0_i32_0 = arith.constant 0 : i32
    return %arg0, %c0_i32 : i32, i32
  }
  func.func @transform_1(%arg0: i32) -> (i32, i32, i32) {
    %c0_i32 = arith.constant 0 : i32
    %c0_i32_0 = arith.constant 0 : i32
    %c0_i32_1 = arith.constant 0 : i32
    return %arg0, %c0_i32, %c0_i32_0 : i32, i32, i32
  }
}

</mosaic_0001>

<sc_bundles>
// kernel: kernel.5.cloned.1.call-start
scs
__scs_entry_jumppad:
0x0: {  	(pc) =	sbr.rel $0x88, $3  }
0x1: {  	(tag) =	ssettag $0x0;
	lr =	simm.s32 $0x1  }
0x2: {  	[smem:$0x3F9C] =	sst lr;
	_ =	strace $0xD0000000  }
0x3: {  	_ = 	snop  }
0x4: {  	_ = 	snop  }
0x5: {  	_ = 	snop  }
0x6: {  	_ = 	snop  }
0x7: {  	_ = 	snop  }
__scs_overlays_trampoline_lowered:
0x8: {  	[smem:$0x3FAB] =	sst s0  }
0x9: {  	[smem:$0x3FAC] =	sst s1  }
0xa: {  	[smem:$0x3FAD] =	sst s2  }
0xb: {  	[smem:$0x3FAE] =	sst s3  }
0xc: {  	[smem:$0x3FAF] =	sst s4  }
0xd: {  	[smem:$0x3FB0] =	sst s5  }
0xe: {  	[smem:$0x3FB1] =	sst s6  }
0xf: {  	[smem:$0x3FB2] =	sst s7  }
0x10: {  	[smem:$0x3FB3] =	sst s8  }
0x11: {  	[smem:$0x3FB4] =	sst s9;
	s0 =	simm.s32 @!p0 $0x0  }
0x12: {  	s1 =	sld [smem:$0x3F9A];
	s0 =	simm.s32 @p0 $0x1  }
0x13: {  	[smem:$0x3FB5] =	sst s0;
	s0 =	simm.s32 @!p1 $0x0  }
0x14: {  	s2 =	sld [smem:$0x3F99];
	s0 =	simm.s32 @p1 $0x1  }
0x15: {  	[smem:$0x3FB6] =	sst s0;
	s0 =	simm.s32 @!p2 $0x0  }
0x16: {  	s3 =	sld [smem:$0x3FDB];
	s0 =	simm.s32 @p2 $0x1  }
0x17: {  	s4 =	simm.s32 $0x1BF5;
	[smem:$0x3FB8] =	sst s0  }
0x18: {  	s0 =	sld [smem:$0x3F9B];
	_ =	swait.ge [sflag:s4], $0x0  }
0x19: {  	s7 =	sld [smem:$0x3F9C]  }
0x1a: {  	s8 =	sadd.s32 $0xFFFFE003, lr  }
0x1b: {  	s9 =	sadd.s32 $0xFFFFFEF7, lr;
	s5 =	simm.s32 $0xFFFFFFFF;
	p2 =	slt.u32 s8, $0xFFFFF086  }
0x1c: {  	p1 =	slt.u32 s9, $0xF7A;
	s5 =	simm.s32 @!p2 $0x0  }
0x1d: {  	s5 =	simm.s32 @p1 $0x1;
	p0 =	seq.s32 s7, s2  }
0x1e: {  	s7 =	smul.u32 @!p0 $0xF7A, s2;
	p2 =	seq.s32 @!p0 s5, $0x0  }
0x1f: {  	s9 =	smul.u32 $0xF7A, s1;
	s8 =	simm.s32 @!p0 $0x1BF5;
	p2 =	por !p2, p0  }
0x20: {  	[sflag:s8] =	ssyncset.s32 @!p0 $0xFFFFF086;
	s6 =	sadd.s32 @!p0 s3, s7;
	s7 =	simm.s32 @!p0 $0x108  }
0x21: {  	s3 =	sadd.s32 s3, s9;
	s6 =	sadd.s32 @!p0 $0x88, s6;
	s7 =	simm.s32 @p2 $0x1082  }
0x22: {  	[simem:s7], [sflag:s8] =	dma.local @!p0 [hbm:s6], $0xF7A  }
0x23: {  	s9 =	sor.u32 $0xD0000000, s2;
	s6 =	simm.s32 $0x108;
	_ =	swait.ge @!p0 [sflag:s8], $0x0  }
0x24: {  	s3 =	sadd.s32 $0x88, s3;
	s6 =	simm.s32 @!p1 $0x1082;
	[sflag:s4] =	ssyncset.s32 $0xFFFFF086  }
0x25: {  	[simem:s6], [sflag:s4] =	dma.local [hbm:s3], $0xF7A  }
0x26: {  	[smem:$0x3F9C] =	sst s1;
	(tag) =	ssettag s2;
	_ =	strace s9  }
0x27: {  	s1 =	sld [smem:$0x3FAC]  }
0x28: {  	s2 =	sld [smem:$0x3FAD]  }
0x29: {  	s4 =	sld [smem:$0x3FAF]  }
0x2a: {  	p0 =	seq.s32 s5, $0x0;
	s5 =	sld [smem:$0x3FB0]  }
0x2b: {  	s6 =	sld [smem:$0x3FB1]  }
0x2c: {  	s7 =	sld [smem:$0x3FB2]  }
0x2d: {  	s3 =	simm.s32 $0x108;
	s8 =	sld [smem:$0x3FB3]  }
0x2e: {  	s3 =	simm.s32 @!p0 $0x1082;
	s9 =	sld [smem:$0x3FB4]  }
0x2f: {  	lr =	sadd.s32 s0, s3;
	s0 =	sld [smem:$0x3FAB]  }
0x30: {  	s3 =	sld [smem:$0x3FAE]  }
0x31: {  	[smem:$0x3FB7] =	sst s10  }
0x32: {  	s10 =	sld [smem:$0x3FB5];
	_ =	sdelay $0x3  }
0x33: {  	p0 =	seq.s32 s10, $0x1;
	s10 =	sld [smem:$0x3FB7];
	_ =	sdelay $0x3  }
0x34: {  	[smem:$0x3FB7] =	sst s10  }
0x35: {  	s10 =	sld [smem:$0x3FB6];
	_ =	sdelay $0x3  }
0x36: {  	p1 =	seq.s32 s10, $0x1;
	s10 =	sld [smem:$0x3FB7];
	_ =	sdelay $0x3  }
0x37: {  	[smem:$0x3FB7] =	sst s10  }
0x38: {  	s10 =	sld [smem:$0x3FB8]  }
0x39: {  	_ = 	snop;
	(pc) =	sbr.ind lr, $3  }
0x3a: {  	_ = 	snop  }
0x3b: {  	_ = 	snop  }
0x3c: {  	p2 =	seq.s32 s10, $0x1;
	s10 =	sld [smem:$0x3FB7]  }
0x3d: {  	_ =	shalt  }
0x3e: {  	_ =	shalt  }
0x3f: {  	_ =	shalt  }
0x40: {  	_ =	shalt  }
0x41: {  	_ =	shalt  }
0x42: {  	_ =	shalt  }
0x43: {  	_ =	shalt  }
0x44: {  	_ =	shalt  }
0x45: {  	_ =	shalt  }
0x46: {  	_ =	shalt  }
0x47: {  	_ =	shalt  }
0x48: {  	_ =	shalt  }
0x49: {  	_ =	shalt  }
0x4a: {  	_ =	shalt  }
0x4b: {  	_ =	shalt  }
0x4c: {  	_ =	shalt  }
0x4d: {  	_ =	shalt  }
0x4e: {  	_ =	shalt  }
0x4f: {  	_ =	shalt  }
0x50: {  	_ =	shalt  }
0x51: {  	_ =	shalt  }
0x52: {  	_ =	shalt  }
0x53: {  	_ =	shalt  }
0x54: {  	_ =	shalt  }
0x55: {  	_ =	shalt  }
0x56: {  	_ =	shalt  }
0x57: {  	_ =	shalt  }
0x58: {  	_ =	shalt  }
0x59: {  	_ =	shalt  }
0x5a: {  	_ =	shalt  }
0x5b: {  	_ =	shalt  }
0x5c: {  	_ =	shalt  }
0x5d: {  	_ =	shalt  }
0x5e: {  	_ =	shalt  }
0x5f: {  	_ =	shalt  }
0x60: {  	_ =	shalt  }
0x61: {  	_ =	shalt  }
0x62: {  	_ =	shalt  }
0x63: {  	_ =	shalt  }
0x64: {  	_ =	shalt  }
0x65: {  	_ =	shalt  }
0x66: {  	_ =	shalt  }
0x67: {  	_ =	shalt  }
0x68: {  	_ =	shalt  }
0x69: {  	_ =	shalt  }
0x6a: {  	_ =	shalt  }
0x6b: {  	_ =	shalt  }
0x6c: {  	_ =	shalt  }
0x6d: {  	_ =	shalt  }
0x6e: {  	_ =	shalt  }
0x6f: {  	_ =	shalt  }
0x70: {  	_ =	shalt  }
0x71: {  	_ =	shalt  }
0x72: {  	_ =	shalt  }
0x73: {  	_ =	shalt  }
0x74: {  	_ =	shalt  }
0x75: {  	_ =	shalt  }
0x76: {  	_ =	shalt  }
0x77: {  	_ =	shalt  }
0x78: {  	_ =	shalt  }
0x79: {  	_ =	shalt  }
0x7a: {  	_ =	shalt  }
0x7b: {  	_ =	shalt  }
0x7c: {  	_ =	shalt  }
0x7d: {  	_ =	shalt  }
0x7e: {  	_ =	shalt  }
0x7f: {  	_ =	shalt  }
0x80: {  	_ =	shalt  }
0x81: {  	_ =	shalt  }
0x82: {  	_ =	shalt  }
0x83: {  	_ =	shalt  }
0x84: {  	_ =	shalt  }
0x85: {  	_ =	shalt  }
0x86: {  	_ =	shalt  }
0x87: {  	_ =	shalt  }
.Lfunc_end0:
.L_simem_size_0:
called_computation_lowered:
.L_overlay_start_0:
0x88: {  	s2 =	sld [smem:$0x3FD9]  }
0x89: {  	s3 =	sld [smem:$0x3FFE];
	_ =	sdelay $0x1  }
0x8a: {  	s1 =	srdreg.scid  }
0x8b: {  	s0 =	sand.u32 $0x1, s1  }
0x8c: {  	s16 =	sshll.u32 s0, $0xA;
	s2 =	sadd.s32 s3, s2  }
0x8d: {  	s2 =	sadd.s32 s2, s16  }
0x8e: {  	[smem:$0x3FC3] =	sst s2  }
0x8f: {  	_ = 	snop  }
0x90: {  	(tm) =	ssettm $0x1  }
0x91: {  	s17 =	sld [smem:$0x3FFB];
	_ =	sdelay $0x3  }
0x92: {  	_ =	strace s17  }
0x93: {  	s2 =	sld [smem:$0x3FFC];
	_ =	sdelay $0x3  }
0x94: {  	_ =	strace s2  }
0x95: {  	s2 =	sld [smem:$0x3FFD];
	_ =	sdelay $0x3  }
0x96: {  	_ =	strace s2  }
0x97: {  	_ =	strace $0x8FFFFFFF  }
0x98: {  	s18 =	sld [smem:$0x3FDB];
	_ =	sdelay $0x1  }
0x99: {  	s19 =	simm.s32 $_scs_section_size  }
0x9a: {  	s4 =	simm.s32 $_size__tile_overlayer_lowered;
	s5 =	simm.s32 $_tile_overlayer_lowered  }
0x9b: {  	s22 =	simm.s32 $0x1BFF;
	s21 =	sshll.u32 s5, $0x1;
	s2 =	sadd.s32 s19, s18  }
0x9c: {  	s6 =	simm.s32 $0x0;
	s20 =	sshll.u32 s4, $0x1;
	s4 =	sadd.s32 s21, s2  }
0x9d: {  	[timem:s6], [sflag:s22] =	dma.local [hbm:s4], s20  }
0x9e: {  	_ =	swait.ge [sflag:s22], s20  }
0x9f: {  	s3 =	ssub.s32 $0x0, s20;
	[sflag:s22] =	ssyncset.done $0x0  }
0xa0: {  	[sflag:s22] =	ssyncadd.s32 s3;
	_ =	sdelay $0x1  }
0xa1: {  	s23 =	simm.s32 $0x1B8B  }
0xa2: {  	_ =	swait.ge [sflag:s23], $0x1  }
0xa3: {  	[sflag:s23] =	ssyncset.done $0x0  }
0xa4: {  	s25 =	simm.s32 $0x1B8E;
	s24 =	sld [smem:$0x3FFE];
	[sflag:s23] =	ssyncadd.s32 $0xFFFFFFFF  }
0xa5: {  	s26 =	simm.s32 $execute0_lowered;
	[smem:$0x3FD2] =	sst s25  }
0xa6: {  	s4 =	sshll.u32 s26, $0x1;
	_ =	strace $0x80000046;
	[dreg:$0x1] =	wrdreg $0xFFFFFFFF  }
0xa7: {  	s28 =	simm.s32 $_size_execute0_lowered;
	s2 =	sadd.s32 s2, s4;
	[dreg:$0x0] =	wrdreg $0x0  }
0xa8: {  	s4 =	sshll.u32 s28, $0x1;
	[dreg:$0x2] =	wrdreg s2  }
0xa9: {  	[dreg:$0x3] =	wrdreg s4  }
0xaa: {  	[dreg:$0x4] =	wrdreg $0xC0  }
0xab: {  	_ =	task [dreg:s6], $0x5FFFF  }
0xac: {  	[dreg:$0x1] =	wrdreg $0xFFFFFFFF  }
0xad: {  	[dreg:$0x0] =	wrdreg $0x60  }
0xae: {  	[dreg:$0x2] =	wrdreg s24  }
0xaf: {  	[dreg:$0x3] =	wrdreg $0x9  }
0xb0: {  	_ =	task.clear_ibuf [dreg:s6], $0x4FFFF;
	_ =	strace $0x90000046  }
0xb1: {  	s29 =	simm.s32 $0x9;
	_ =	strace $0x80000048  }
0xb2: {  	_ =	swait.ge [sflag:s29], $0x1  }
0xb3: {  	[sflag:s29] =	ssyncadd.s32 $0xFFFFFFFF  }
0xb4: {  	_ =	strace $0x90000048  }
0xb5: {  	_ =	sfence  }
0xb6: {  	s30 =	sld [smem:$0x0];
	_ =	sdelay $0x2  }
0xb7: {  	s31 =	sshll.u32 s1, $0xD;
	s1 =	sshrl.u32 s1, $0x2  }
0xb8: {  	s3 =	sand.u32 $0x4000, s31;
	s1 =	sadd.s32 s1, s30  }
0xb9: {  	s0 =	sor.u32 s3, s0;
	s1 =	sshll.u32 s1, $0x11  }
0xba: {  	s0 =	sor.u32 s1, s0  }
0xbb: {  	s0 =	sadd.s32 $0x8F2B, s0  }
0xbc: {  	[sflag:s0] =	ssyncadd.remote.s32 $0x1  }
0xbd: {  	_ =	sfence.sel $0xFFFF  }
0xbe: {  	[dreg:$0x0] =	wrdreg $0xFFFFFFFF;
	(pc) =	sbr.abs _section_cstart, $3  }
0xbf: {  	[dreg:$0x1] =	wrdreg $0xFFFFFFFF  }
0xc0: {  	_ =	task.clear_ibuf [dreg:s6], $0x2FFFF;
	_ =	strace $0x9FFFFFFF  }
0xc1: {  	(tm) =	ssettm $0x7FFFFFFF  }
tec
execute0_lowered:
.L_overlay_start_1:
0x0: {  	(tag) =	ssettag $0x1  }
0x1: {  	s0 =	srdreg.scid  }
0x2: {  	s2 =	stileid.u32;
	s1 =	rddreg [dreg:$0x0];
	s28 =	simm.s32 $0x1  }
0x3: {  	s31 =	simm.s32 $0x15000;
	s10 =	simm.s32 $0x16800;
	s11 =	simm.s32 $0x17000  }
0x4: {  	s12 =	simm.s32 $0x17800;
	s13 =	simm.s32 $0x18000;
	s14 =	simm.s32 $0x18800  }
0x5: {  	s15 =	simm.s32 $0x19000;
	s16 =	simm.s32 $0x19800;
	s17 =	simm.s32 $0x1A000  }
0x6: {  	s18 =	simm.s32 $0x1A800;
	s19 =	simm.s32 $0x1B000;
	s20 =	simm.s32 $0x1B800  }
0x7: {  	s21 =	simm.s32 $0x1C000;
	s22 =	simm.s32 $0x2;
	s23 =	simm.s32 $0x1C800  }
0x8: {  	v2 =	vlaneseq.u32;
	s25 =	simm.s32 $0x4;
	s0 =	sand.u32 $0x1, s0;
	s3 =	sshll.u32 s2, $0x1  }
0x9: {  	vm0 =	vmmov $0xffff;
	v3 =	vimm.s32 $0x0;
	v4 =	vimm.s32 $0x1;
	s7 =	simm.s32 $0x0;
	s5 =	sor.u32 s0, s3;
	s0 =	ssub.s32 $0x2, s0  }
0xa: {  	v5 =	vimm.s32 $0x2;
	v6 =	vimm.s32 $0x3;
	v7 =	vimm.s32 $0x4;
	s2 =	simm.s32 $0x0;
	s4 =	smul.u32 $0xC00, s5;
	s26 =	sshrl.u32 s0, $0x1  }
0xb: {  	v8 =	vimm.s32 $0x5;
	v9 =	vimm.s32 $0x6;
	v10 =	vimm.s32 $0x7;
	[smem:$0x7FF] =	sst s2;
	s3 =	sadd.s32 $0x431600, s1;
	s0 =	ssub.s32 s0, s26  }
0xc: {  	v11 =	vimm.s32 $0x8;
	v12 =	vimm.s32 $0x9;
	v13 =	vimm.s32 $0xA;
	_ =	strace $0x80000047;
	s6 =	sadd.s32 s4, s1;
	s0 =	smax.u32 s0, $0x1  }
0xd: {  	v14 =	vimm.s32 $0xB;
	v15 =	vimm.s32 $0xC;
	v16 =	vimm.s32 $0xD;
	s5 =	smul.u32 $0xC0, s5;
	s29 =	sadd.s32 $0x401600, s6;
	[dreg:$0x4] =	wrdreg s0  }
0xe: {  	v17 =	vimm.s32 $0xE;
	v18 =	vimm.s32 $0xF;
	v1 =	vshrl.u32 v2, $0x3;
	s4 =	sadd.s32 $0x1600, s1;
	s30 =	sadd.s32 $0x419600, s6;
	[dreg:$0x2] =	wrdreg s29  }
0xf: {  	v0 =	vand.u32 $0x7, v2;
	v2 =	vor.u32 $0x8, v2;
	v1 =	vmul.u32 $0x8, v1;
	s1 =	simm.s32 $0x15800;
	s0 =	simm.s32 $0x16000;
	[dreg:$0x3] =	wrdreg s30  }
.LBB2_1:
0x10: {  	[dreg:$0x5] =	wrdreg s7  }
0x11: {  	s6 =	rddreg [dreg:$0x2];
	s24 =	simm.s32 $0x5  }
0x12: {  	[tilespmem:s2], [sflag:$0x5] =	stream.linear.gather [hbm4b:s6+s2], $0x6000, $0x38;
	[tilespmem:$0x1D000] =	vst v63  }
0x13: {  	_ =	swait.ge [sflag:s24], $0x6000  }
0x14: {  	[sflag:s24] =	ssyncset.done $0x0  }
0x15: {  	s8 =	simm.s32 $0x6000;
	s26 =	rddreg [dreg:$0x3];
	[sflag:s24] =	ssyncadd.s32 $0xFFFFA000  }
0x16: {  	[tilespmem:s8], [sflag:$0x5] =	stream.linear.gather [hbm4b:s26+s2], $0x6000, $0x38;
	[tilespmem:$0x1D000] =	vst v63  }
0x17: {  	_ =	swait.ge [sflag:s24], $0x6000  }
0x18: {  	[sflag:s24] =	ssyncset.done $0x0  }
0x19: {  	[sflag:s24] =	ssyncadd.s32 $0xFFFFA000  }
0x1a: {  	v19 =	vld [tilespmem:$0x0];
	_ =	sdelay $0x4  }
0x1b: {  	v20 =	vshll.u32 v19, $0x1  }
0x1c: {  	v19 =	vand.u32 $0x7, v19;
	v20 =	vand.u32 $0xFFFFFFF0, v20  }
0x1d: {  	v19 =	vor.u32 v19, v20  }
0x1e: {  	v20 =	vperm.xlane v19, v0;
	_ =	sdelay $0x1  }
0x1f: {  	v19 =	vperm.xlane v19, v2;
	v20 =	vadd.s32 v1, v20;
	_ =	sdelay $0x1  }
0x20: {  	v19 =	vadd.s32 v1, v19;
	_ =	sdelay $0x1  }
0x21: {  	s29 =	simm.s32 $0xC000  }
0x22: {  	[tilespmem:s29], [sflag:$0x1] =	stream.indirect_vreg.gather [hbm4b:s3+s2], $0x80, v20, vm0, $0xb8;
	[tilespmem:$0x1D000] =	vst v63  }
0x23: {  	s30 =	simm.s32 $0xC800  }
0x24: {  	[tilespmem:s30], [sflag:$0x1] =	stream.indirect_vreg.gather [hbm4b:s3+s2], $0x80, v19, vm0, $0xb8;
	[tilespmem:$0x1D000] =	vst v63  }
0x25: {  	v19 =	vld [tilespmem:$0x10];
	_ =	sdelay $0x4  }
0x26: {  	v20 =	vshll.u32 v19, $0x1  }
0x27: {  	v19 =	vand.u32 $0x7, v19;
	v20 =	vand.u32 $0xFFFFFFF0, v20  }
0x28: {  	v19 =	vor.u32 v19, v20  }
0x29: {  	v20 =	vperm.xlane v19, v0;
	_ =	sdelay $0x1  }
0x2a: {  	v19 =	vperm.xlane v19, v2;
	v20 =	vadd.s32 v1, v20;
	_ =	sdelay $0x1  }
0x2b: {  	v19 =	vadd.s32 v1, v19;
	_ =	sdelay $0x1  }
0x2c: {  	s7 =	simm.s32 $0xD000  }
0x2d: {  	[tilespmem:s7], [sflag:$0x1] =	stream.indirect_vreg.gather [hbm4b:s3+s2], $0x80, v20, vm0, $0xb8;
	[tilespmem:$0x1D000] =	vst v63  }
0x2e: {  	s8 =	simm.s32 $0xD800  }
0x2f: {  	[tilespmem:s8], [sflag:$0x1] =	stream.indirect_vreg.gather [hbm4b:s3+s2], $0x80, v19, vm0, $0xb8;
	[tilespmem:$0x1D000] =	vst v63  }
0x30: {  	v19 =	vld [tilespmem:$0x20];
	_ =	sdelay $0x4  }
0x31: {  	v20 =	vshll.u32 v19, $0x1  }
0x32: {  	v19 =	vand.u32 $0x7, v19;
	v20 =	vand.u32 $0xFFFFFFF0, v20  }
0x33: {  	v19 =	vor.u32 v19, v20  }
0x34: {  	v20 =	vperm.xlane v19, v0;
	_ =	sdelay $0x1  }
0x35: {  	v19 =	vperm.xlane v19, v2;
	v20 =	vadd.s32 v1, v20;
	_ =	sdelay $0x1  }
0x36: {  	v19 =	vadd.s32 v1, v19;
	_ =	sdelay $0x1  }
0x37: {  	s9 =	simm.s32 $0xE000  }
0x38: {  	[tilespmem:s9], [sflag:$0x1] =	stream.indirect_vreg.gather [hbm4b:s3+s2], $0x80, v20, vm0, $0xb8;
	[tilespmem:$0x1D000] =	vst v63  }
0x39: {  	s24 =	simm.s32 $0xE800  }
0x3a: {  	[tilespmem:s24], [sflag:$0x1] =	stream.indirect_vreg.gather [hbm4b:s3+s2], $0x80, v19, vm0, $0xb8;
	[tilespmem:$0x1D000] =	vst v63  }
0x3b: {  	v19 =	vld [tilespmem:$0x30];
	_ =	sdelay $0x4  }
0x3c: {  	v20 =	vshll.u32 v19, $0x1  }
0x3d: {  	v19 =	vand.u32 $0x7, v19;
	v20 =	vand.u32 $0xFFFFFFF0, v20  }
0x3e: {  	v19 =	vor.u32 v19, v20  }
0x3f: {  	v20 =	vperm.xlane v19, v0;
	_ =	sdelay $0x1  }
0x40: {  	v19 =	vperm.xlane v19, v2;
	v20 =	vadd.s32 v1, v20;
	_ =	sdelay $0x1  }
0x41: {  	v19 =	vadd.s32 v1, v19;
	_ =	sdelay $0x1  }
0x42: {  	s26 =	simm.s32 $0xF000  }
0x43: {  	[tilespmem:s26], [sflag:$0x1] =	stream.indirect_vreg.gather [hbm4b:s3+s2], $0x80, v20, vm0, $0xb8;
	[tilespmem:$0x1D000] =	vst v63  }
0x44: {  	s29 =	simm.s32 $0xF800  }
0x45: {  	[tilespmem:s29], [sflag:$0x1] =	stream.indirect_vreg.gather [hbm4b:s3+s2], $0x80, v19, vm0, $0xb8;
	[tilespmem:$0x1D000] =	vst v63  }
0x46: {  	v19 =	vld [tilespmem:$0x40];
	_ =	sdelay $0x4  }
0x47: {  	v20 =	vshll.u32 v19, $0x1  }
0x48: {  	v19 =	vand.u32 $0x7, v19;
	v20 =	vand.u32 $0xFFFFFFF0, v20  }
0x49: {  	v19 =	vor.u32 v19, v20  }
0x4a: {  	v20 =	vperm.xlane v19, v0;
	_ =	sdelay $0x1  }
0x4b: {  	v19 =	vperm.xlane v19, v2;
	v20 =	vadd.s32 v1, v20;
	_ =	sdelay $0x1  }
0x4c: {  	v19 =	vadd.s32 v1, v19;
	_ =	sdelay $0x1  }
0x4d: {  	s30 =	simm.s32 $0x10000  }
0x4e: {  	[tilespmem:s30], [sflag:$0x1] =	stream.indirect_vreg.gather [hbm4b:s3+s2], $0x80, v20, vm0, $0xb8;
	[tilespmem:$0x1D000] =	vst v63  }
0x4f: {  	s7 =	simm.s32 $0x10800  }
0x50: {  	[tilespmem:s7], [sflag:$0x1] =	stream.indirect_vreg.gather [hbm4b:s3+s2], $0x80, v19, vm0, $0xb8;
	[tilespmem:$0x1D000] =	vst v63  }
0x51: {  	v19 =	vld [tilespmem:$0x50];
	_ =	sdelay $0x4  }
0x52: {  	v20 =	vshll.u32 v19, $0x1  }
0x53: {  	v19 =	vand.u32 $0x7, v19;
	v20 =	vand.u32 $0xFFFFFFF0, v20  }
0x54: {  	v19 =	vor.u32 v19, v20  }
0x55: {  	v20 =	vperm.xlane v19, v0;
	_ =	sdelay $0x1  }
0x56: {  	v19 =	vperm.xlane v19, v2;
	v20 =	vadd.s32 v1, v20;
	_ =	sdelay $0x1  }
0x57: {  	v19 =	vadd.s32 v1, v19;
	_ =	sdelay $0x1  }
0x58: {  	s8 =	simm.s32 $0x11000  }
0x59: {  	[tilespmem:s8], [sflag:$0x1] =	stream.indirect_vreg.gather [hbm4b:s3+s2], $0x80, v20, vm0, $0xb8;
	[tilespmem:$0x1D000] =	vst v63  }
0x5a: {  	s9 =	simm.s32 $0x11800  }
0x5b: {  	[tilespmem:s9], [sflag:$0x1] =	stream.indirect_vreg.gather [hbm4b:s3+s2], $0x80, v19, vm0, $0xb8;
	[tilespmem:$0x1D000] =	vst v63  }
0x5c: {  	v19 =	vld [tilespmem:$0x60];
	_ =	sdelay $0x4  }
0x5d: {  	v20 =	vshll.u32 v19, $0x1  }
0x5e: {  	v19 =	vand.u32 $0x7, v19;
	v20 =	vand.u32 $0xFFFFFFF0, v20  }
0x5f: {  	v19 =	vor.u32 v19, v20  }
0x60: {  	v20 =	vperm.xlane v19, v0;
	_ =	sdelay $0x1  }
0x61: {  	v19 =	vperm.xlane v19, v2;
	v20 =	vadd.s32 v1, v20;
	_ =	sdelay $0x1  }
0x62: {  	v19 =	vadd.s32 v1, v19;
	_ =	sdelay $0x1  }
0x63: {  	s24 =	simm.s32 $0x12000  }
0x64: {  	[tilespmem:s24], [sflag:$0x1] =	stream.indirect_vreg.gather [hbm4b:s3+s2], $0x80, v20, vm0, $0xb8;
	[tilespmem:$0x1D000] =	vst v63  }
0x65: {  	s26 =	simm.s32 $0x12800  }
0x66: {  	[tilespmem:s26], [sflag:$0x1] =	stream.indirect_vreg.gather [hbm4b:s3+s2], $0x80, v19, vm0, $0xb8;
	[tilespmem:$0x1D000] =	vst v63  }
0x67: {  	v19 =	vld [tilespmem:$0x70];
	_ =	sdelay $0x4  }
0x68: {  	v20 =	vshll.u32 v19, $0x1  }
0x69: {  	v19 =	vand.u32 $0x7, v19;
	v20 =	vand.u32 $0xFFFFFFF0, v20  }
0x6a: {  	v19 =	vor.u32 v19, v20  }
0x6b: {  	v20 =	vperm.xlane v19, v0;
	_ =	sdelay $0x1  }
0x6c: {  	v19 =	vperm.xlane v19, v2;
	v20 =	vadd.s32 v1, v20;
	_ =	sdelay $0x1  }
0x6d: {  	v19 =	vadd.s32 v1, v19;
	_ =	sdelay $0x1  }
0x6e: {  	s29 =	simm.s32 $0x13000  }
0x6f: {  	[tilespmem:s29], [sflag:$0x1] =	stream.indirect_vreg.gather [hbm4b:s3+s2], $0x80, v20, vm0, $0xb8;
	[tilespmem:$0x1D000] =	vst v63  }
0x70: {  	s6 =	simm.s32 $0x0;
	s30 =	simm.s32 $0x13800  }
0x71: {  	[tilespmem:s30], [sflag:$0x1] =	stream.indirect_vreg.gather [hbm4b:s3+s2], $0x80, v19, vm0, $0xb8;
	[tilespmem:$0x1D000] =	vst v63  }
.LBB2_2:
0x72: {  	_ =	swait.ge [sflag:s28], $0x8000;
	s7 =	sshllo.u32 s6, $0x1  }
0x73: {  	[sflag:s28] =	ssyncset.done $0x0;
	s8 =	sshll.u32 s7, $0x9  }
0x74: {  	[sflag:s28] =	ssyncadd.s32 $0xFFFF8000;
	s8 =	sshrl.u32 s8, $0x2  }
0x75: {  	v19 =	vld [tilespmem:s8+$0x0];
	_ =	sdelay $0x4  }
0x76: {  	v20 =	vshll.u32 v19, $0x1  }
0x77: {  	v19 =	vand.u32 $0x7, v19;
	v20 =	vand.u32 $0xFFFFFFF0, v20  }
0x78: {  	v19 =	vor.u32 v19, v20  }
0x79: {  	v20 =	vperm.xlane v19, v0;
	_ =	sdelay $0x1  }
0x7a: {  	v19 =	vperm.xlane v19, v2;
	v20 =	vadd.s32 v1, v20;
	_ =	sdelay $0x1  }
0x7b: {  	v19 =	vadd.s32 v1, v19;
	_ =	sdelay $0x1  }
0x7c: {  	s9 =	simm.s32 $0x14000  }
0x7d: {  	[tilespmem:s9], [sflag:$0x2] =	stream.indirect_vreg.gather [hbm4b:s3+s2], $0x80, v20, vm0, $0xb8;
	[tilespmem:$0x1D000] =	vst v63  }
0x7e: {  	s29 =	simm.s32 $0x14800  }
0x7f: {  	[tilespmem:s29], [sflag:$0x2] =	stream.indirect_vreg.gather [hbm4b:s3+s2], $0x80, v19, vm0, $0xb8;
	[tilespmem:$0x1D000] =	vst v63  }
0x80: {  	v19 =	vld [tilespmem:s8+$0x10];
	_ =	sdelay $0x4  }
0x81: {  	v20 =	vshll.u32 v19, $0x1  }
0x82: {  	v19 =	vand.u32 $0x7, v19;
	v20 =	vand.u32 $0xFFFFFFF0, v20  }
0x83: {  	v19 =	vor.u32 v19, v20  }
0x84: {  	v20 =	vperm.xlane v19, v0;
	_ =	sdelay $0x1  }
0x85: {  	v19 =	vperm.xlane v19, v2;
	v20 =	vadd.s32 v1, v20;
	_ =	sdelay $0x1  }
0x86: {  	v19 =	vadd.s32 v1, v19;
	_ =	sdelay $0x2  }
0x87: {  	[tilespmem:s31], [sflag:$0x2] =	stream.indirect_vreg.gather [hbm4b:s3+s2], $0x80, v20, vm0, $0xb8;
	[tilespmem:$0x1D000] =	vst v63  }
0x88: {  	_ = 	snop  }
0x89: {  	[tilespmem:s1], [sflag:$0x2] =	stream.indirect_vreg.gather [hbm4b:s3+s2], $0x80, v19, vm0, $0xb8;
	[tilespmem:$0x1D000] =	vst v63  }
0x8a: {  	v19 =	vld [tilespmem:s8+$0x20];
	_ =	sdelay $0x4  }
0x8b: {  	v20 =	vshll.u32 v19, $0x1  }
0x8c: {  	v19 =	vand.u32 $0x7, v19;
	v20 =	vand.u32 $0xFFFFFFF0, v20  }
0x8d: {  	v19 =	vor.u32 v19, v20  }
0x8e: {  	v20 =	vperm.xlane v19, v0;
	_ =	sdelay $0x1  }
0x8f: {  	v19 =	vperm.xlane v19, v2;
	v20 =	vadd.s32 v1, v20;
	_ =	sdelay $0x1  }
0x90: {  	v19 =	vadd.s32 v1, v19;
	_ =	sdelay $0x2  }
0x91: {  	[tilespmem:s0], [sflag:$0x2] =	stream.indirect_vreg.gather [hbm4b:s3+s2], $0x80, v20, vm0, $0xb8;
	[tilespmem:$0x1D000] =	vst v63  }
0x92: {  	_ = 	snop  }
0x93: {  	[tilespmem:s10], [sflag:$0x2] =	stream.indirect_vreg.gather [hbm4b:s3+s2], $0x80, v19, vm0, $0xb8;
	[tilespmem:$0x1D000] =	vst v63  }
0x94: {  	v19 =	vld [tilespmem:s8+$0x30];
	_ =	sdelay $0x4  }
0x95: {  	v20 =	vshll.u32 v19, $0x1  }
0x96: {  	v19 =	vand.u32 $0x7, v19;
	v20 =	vand.u32 $0xFFFFFFF0, v20  }
0x97: {  	v19 =	vor.u32 v19, v20  }
0x98: {  	v20 =	vperm.xlane v19, v0;
	_ =	sdelay $0x1  }
0x99: {  	v19 =	vperm.xlane v19, v2;
	v20 =	vadd.s32 v1, v20;
	_ =	sdelay $0x1  }
0x9a: {  	v19 =	vadd.s32 v1, v19;
	_ =	sdelay $0x2  }
0x9b: {  	[tilespmem:s11], [sflag:$0x2] =	stream.indirect_vreg.gather [hbm4b:s3+s2], $0x80, v20, vm0, $0xb8;
	[tilespmem:$0x1D000] =	vst v63  }
0x9c: {  	_ = 	snop  }
0x9d: {  	[tilespmem:s12], [sflag:$0x2] =	stream.indirect_vreg.gather [hbm4b:s3+s2], $0x80, v19, vm0, $0xb8;
	[tilespmem:$0x1D000] =	vst v63  }
0x9e: {  	v19 =	vld [tilespmem:s8+$0x40];
	_ =	sdelay $0x4  }
0x9f: {  	v20 =	vshll.u32 v19, $0x1  }
0xa0: {  	v19 =	vand.u32 $0x7, v19;
	v20 =	vand.u32 $0xFFFFFFF0, v20  }
0xa1: {  	v19 =	vor.u32 v19, v20  }
0xa2: {  	v20 =	vperm.xlane v19, v0;
	_ =	sdelay $0x1  }
0xa3: {  	v19 =	vperm.xlane v19, v2;
	v20 =	vadd.s32 v1, v20;
	_ =	sdelay $0x1  }
0xa4: {  	v19 =	vadd.s32 v1, v19;
	_ =	sdelay $0x2  }
0xa5: {  	[tilespmem:s13], [sflag:$0x2] =	stream.indirect_vreg.gather [hbm4b:s3+s2], $0x80, v20, vm0, $0xb8;
	[tilespmem:$0x1D000] =	vst v63  }
0xa6: {  	_ = 	snop  }
0xa7: {  	[tilespmem:s14], [sflag:$0x2] =	stream.indirect_vreg.gather [hbm4b:s3+s2], $0x80, v19, vm0, $0xb8;
	[tilespmem:$0x1D000] =	vst v63  }
0xa8: {  	v19 =	vld [tilespmem:s8+$0x50];
	_ =	sdelay $0x4  }
0xa9: {  	v20 =	vshll.u32 v19, $0x1  }
0xaa: {  	v19 =	vand.u32 $0x7, v19;
	v20 =	vand.u32 $0xFFFFFFF0, v20  }
0xab: {  	v19 =	vor.u32 v19, v20  }
0xac: {  	v20 =	vperm.xlane v19, v0;
	_ =	sdelay $0x1  }
0xad: {  	v19 =	vperm.xlane v19, v2;
	v20 =	vadd.s32 v1, v20;
	_ =	sdelay $0x1  }
0xae: {  	v19 =	vadd.s32 v1, v19;
	_ =	sdelay $0x2  }
0xaf: {  	[tilespmem:s15], [sflag:$0x2] =	stream.indirect_vreg.gather [hbm4b:s3+s2], $0x80, v20, vm0, $0xb8;
	[tilespmem:$0x1D000] =	vst v63  }
0xb0: {  	_ = 	snop  }
0xb1: {  	[tilespmem:s16], [sflag:$0x2] =	stream.indirect_vreg.gather [hbm4b:s3+s2], $0x80, v19, vm0, $0xb8;
	[tilespmem:$0x1D000] =	vst v63  }
0xb2: {  	v19 =	vld [tilespmem:s8+$0x60];
	_ =	sdelay $0x4  }
0xb3: {  	v20 =	vshll.u32 v19, $0x1  }
0xb4: {  	v19 =	vand.u32 $0x7, v19;
	v20 =	vand.u32 $0xFFFFFFF0, v20  }
0xb5: {  	v19 =	vor.u32 v19, v20  }
0xb6: {  	v20 =	vperm.xlane v19, v0;
	_ =	sdelay $0x1  }
0xb7: {  	v19 =	vperm.xlane v19, v2;
	v20 =	vadd.s32 v1, v20;
	_ =	sdelay $0x1  }
0xb8: {  	v19 =	vadd.s32 v1, v19;
	_ =	sdelay $0x2  }
0xb9: {  	[tilespmem:s17], [sflag:$0x2] =	stream.indirect_vreg.gather [hbm4b:s3+s2], $0x80, v20, vm0, $0xb8;
	[tilespmem:$0x1D000] =	vst v63  }
0xba: {  	_ = 	snop  }
0xbb: {  	[tilespmem:s18], [sflag:$0x2] =	stream.indirect_vreg.gather [hbm4b:s3+s2], $0x80, v19, vm0, $0xb8;
	[tilespmem:$0x1D000] =	vst v63  }
0xbc: {  	v19 =	vld [tilespmem:s8+$0x70];
	_ =	sdelay $0x4  }
0xbd: {  	v20 =	vshll.u32 v19, $0x1  }
0xbe: {  	v19 =	vand.u32 $0x7, v19;
	v20 =	vand.u32 $0xFFFFFFF0, v20  }
0xbf: {  	v19 =	vor.u32 v19, v20  }
0xc0: {  	v20 =	vperm.xlane v19, v0;
	_ =	sdelay $0x1  }
0xc1: {  	v19 =	vperm.xlane v19, v2;
	v20 =	vadd.s32 v1, v20;
	_ =	sdelay $0x1  }
0xc2: {  	v19 =	vadd.s32 v1, v19  }
0xc3: {  	s24 =	sshll.u32 s6, $0xA  }
0xc4: {  	p0 =	seq.s32 s6, $0x0;
	s30 =	sshrl.u32 s24, $0x2  }
0xc5: {  	[tilespmem:s19], [sflag:$0x2] =	stream.indirect_vreg.gather [hbm4b:s3+s2], $0x80, v20, vm0, $0xb8;
	[tilespmem:$0x1D000] =	vst v63  }
0xc6: {  	s26 =	simm.s32 @!p0 $0x3;
	s29 =	sadd.s32 $0x6000, s30  }
0xc7: {  	[tilespmem:s20], [sflag:$0x2] =	stream.indirect_vreg.gather [hbm4b:s3+s2], $0x80, v19, vm0, $0xb8;
	[tilespmem:$0x1D000] =	vst v63  }
0xc8: {  	v19 =	vmov s29;
	_ =	swait.ge @!p0 [sflag:s26], $0x800  }
0xc9: {  	[sflag:s26] =	ssyncset.done @!p0 $0x0  }
0xca: {  	s9 =	sshll.u32 s6, $0x1;
	[sflag:s26] =	ssyncadd.s32 @!p0 $0xFFFFF800;
	s26 =	simm.s32 $0x0  }
.LBB2_3:
0xcb: {  	s29 =	sshll.u32 s26, $0x4  }
0xcc: {  	s30 =	sshll.u32 s26, $0xC;
	s29 =	sand.u32 $0x3FFFFFF0, s29  }
0xcd: {  	v35 =	vld.idx.msk [tilespmem:v19+s29+$0x0 ss:$0x1], $0xffff;
	s29 =	sand.u32 $0x3FFFF000, s30  }
0xce: {  	v23 =	vld [tilespmem:s29+$0xC000]  }
0xcf: {  	v24 =	vld [tilespmem:s29+$0xC080];
	_ =	sdelay $0x1  }
0xd0: {  	v25 =	vld [tilespmem:s29+$0xC100]  }
0xd1: {  	v21 =	vperm.xlane v35, v3;
	v22 =	vperm.xlane v35, v4  }
0xd2: {  	v26 =	vld [tilespmem:s29+$0xC180];
	v20 =	vperm.xlane v35, v5  }
0xd3: {  	v27 =	vmul.f32 v23, v21;
	v24 =	vmul.f32 v24, v22  }
0xd4: {  	v28 =	vld [tilespmem:s29+$0xC200]  }
0xd5: {  	v23 =	vperm.xlane v35, v6;
	v25 =	vmul.f32 v25, v20;
	v27 =	vadd.f32 v24, v27  }
0xd6: {  	v29 =	vld [tilespmem:s29+$0xC280]  }
0xd7: {  	v24 =	vperm.xlane v35, v7;
	v26 =	vmul.f32 v26, v23;
	v27 =	vadd.f32 v25, v27  }
0xd8: {  	v30 =	vld [tilespmem:s29+$0xC300]  }
0xd9: {  	v25 =	vperm.xlane v35, v8;
	v28 =	vmul.f32 v28, v24;
	v27 =	vadd.f32 v26, v27  }
0xda: {  	v31 =	vld [tilespmem:s29+$0xC380]  }
0xdb: {  	v26 =	vperm.xlane v35, v9;
	v29 =	vmul.f32 v29, v25;
	v28 =	vadd.f32 v28, v27  }
0xdc: {  	v32 =	vld [tilespmem:s29+$0xC800]  }
0xdd: {  	v27 =	vperm.xlane v35, v10;
	v30 =	vmul.f32 v30, v26;
	v29 =	vadd.f32 v29, v28  }
0xde: {  	v33 =	vld [tilespmem:s29+$0xC880]  }
0xdf: {  	v28 =	vperm.xlane v35, v11;
	v31 =	vmul.f32 v31, v27;
	v30 =	vadd.f32 v30, v29  }
0xe0: {  	v34 =	vld [tilespmem:s29+$0xC900]  }
0xe1: {  	v29 =	vperm.xlane v35, v12;
	v32 =	vmul.f32 v32, v28;
	v31 =	vadd.f32 v31, v30  }
0xe2: {  	v36 =	vld [tilespmem:s29+$0xC980]  }
0xe3: {  	v30 =	vperm.xlane v35, v13;
	v33 =	vmul.f32 v33, v29;
	v32 =	vadd.f32 v32, v31  }
0xe4: {  	v37 =	vld [tilespmem:s29+$0xCA00]  }
0xe5: {  	v31 =	vperm.xlane v35, v14;
	v34 =	vmul.f32 v34, v30;
	v33 =	vadd.f32 v33, v32  }
0xe6: {  	v38 =	vld [tilespmem:s29+$0xCA80]  }
0xe7: {  	v32 =	vperm.xlane v35, v15;
	v36 =	vmul.f32 v36, v31;
	v34 =	vadd.f32 v34, v33  }
0xe8: {  	v39 =	vld [tilespmem:s29+$0xCB00]  }
0xe9: {  	v33 =	vperm.xlane v35, v16;
	v37 =	vmul.f32 v37, v32;
	v36 =	vadd.f32 v36, v34  }
0xea: {  	v40 =	vld [tilespmem:s29+$0xCB80]  }
0xeb: {  	v34 =	vperm.xlane v35, v17;
	v51 =	vmul.f32 v38, v33;
	v36 =	vadd.f32 v37, v36;
	_ =	sdelay $0x1  }
0xec: {  	v35 =	vperm.xlane v35, v18;
	v52 =	vmul.f32 v39, v34;
	v36 =	vadd.f32 v51, v36;
	_ =	sdelay $0x1  }
0xed: {  	v53 =	vmul.f32 v40, v35;
	v36 =	vadd.f32 v52, v36;
	_ =	sdelay $0x1  }
0xee: {  	s30 =	sshll.u32 s26, $0x7;
	v36 =	vadd.f32 v53, v36  }
0xef: {  	s30 =	sand.u32 $0x3FFFFF80, s30  }
0xf0: {  	[tilespmem:s30+$0x1C000] =	vst v36  }
0xf1: {  	v36 =	vld [tilespmem:s29+$0xC010]  }
0xf2: {  	v54 =	vld [tilespmem:s29+$0xC090];
	_ =	sdelay $0x1  }
0xf3: {  	v55 =	vld [tilespmem:s29+$0xC110];
	_ =	sdelay $0x1  }
0xf4: {  	v56 =	vld [tilespmem:s29+$0xC190]  }
0xf5: {  	v36 =	vmul.f32 v36, v21;
	v37 =	vmul.f32 v54, v22  }
0xf6: {  	v57 =	vld [tilespmem:s29+$0xC210]  }
0xf7: {  	v58 =	vmul.f32 v55, v20;
	v36 =	vadd.f32 v37, v36  }
0xf8: {  	v59 =	vld [tilespmem:s29+$0xC290]  }
0xf9: {  	v60 =	vmul.f32 v56, v23;
	v36 =	vadd.f32 v58, v36  }
0xfa: {  	v61 =	vld [tilespmem:s29+$0xC310]  }
0xfb: {  	v62 =	vmul.f32 v57, v24;
	v36 =	vadd.f32 v60, v36  }
0xfc: {  	v63 =	vld [tilespmem:s29+$0xC390]  }
0xfd: {  	v43 =	vmul.f32 v59, v25;
	v36 =	vadd.f32 v62, v36  }
0xfe: {  	v44 =	vld [tilespmem:s29+$0xC810]  }
0xff: {  	v45 =	vmul.f32 v61, v26;
	v36 =	vadd.f32 v43, v36  }
0x100: {  	v46 =	vld [tilespmem:s29+$0xC890]  }
0x101: {  	v47 =	vmul.f32 v63, v27;
	v36 =	vadd.f32 v45, v36  }
0x102: {  	v48 =	vld [tilespmem:s29+$0xC910]  }
0x103: {  	v49 =	vmul.f32 v44, v28;
	v36 =	vadd.f32 v47, v36  }
0x104: {  	v50 =	vld [tilespmem:s29+$0xC990]  }
0x105: {  	v51 =	vmul.f32 v46, v29;
	v36 =	vadd.f32 v49, v36  }
0x106: {  	v52 =	vld [tilespmem:s29+$0xCA10]  }
0x107: {  	v53 =	vmul.f32 v48, v30;
	v36 =	vadd.f32 v51, v36  }
0x108: {  	v54 =	vld [tilespmem:s29+$0xCA90]  }
0x109: {  	v55 =	vmul.f32 v50, v31;
	v36 =	vadd.f32 v53, v36  }
0x10a: {  	v56 =	vld [tilespmem:s29+$0xCB10]  }
0x10b: {  	v57 =	vmul.f32 v52, v32;
	v36 =	vadd.f32 v55, v36  }
0x10c: {  	v58 =	vld [tilespmem:s29+$0xCB90]  }
0x10d: {  	v59 =	vmul.f32 v54, v33;
	v36 =	vadd.f32 v57, v36;
	_ =	sdelay $0x1  }
0x10e: {  	v60 =	vmul.f32 v56, v34;
	v36 =	vadd.f32 v59, v36;
	_ =	sdelay $0x1  }
0x10f: {  	v61 =	vmul.f32 v58, v35;
	v36 =	vadd.f32 v60, v36;
	_ =	sdelay $0x1  }
0x110: {  	v36 =	vadd.f32 v61, v36;
	_ =	sdelay $0x1  }
0x111: {  	[tilespmem:s30+$0x1C010] =	vst v36  }
0x112: {  	v36 =	vld [tilespmem:s29+$0xC020]  }
0x113: {  	v62 =	vld [tilespmem:s29+$0xC0A0];
	_ =	sdelay $0x1  }
0x114: {  	v63 =	vld [tilespmem:s29+$0xC120];
	_ =	sdelay $0x1  }
0x115: {  	v44 =	vld [tilespmem:s29+$0xC1A0]  }
0x116: {  	v36 =	vmul.f32 v36, v21;
	v37 =	vmul.f32 v62, v22  }
0x117: {  	v45 =	vld [tilespmem:s29+$0xC220]  }
0x118: {  	v46 =	vmul.f32 v63, v20;
	v36 =	vadd.f32 v37, v36  }
0x119: {  	v47 =	vld [tilespmem:s29+$0xC2A0]  }
0x11a: {  	v48 =	vmul.f32 v44, v23;
	v36 =	vadd.f32 v46, v36  }
0x11b: {  	v49 =	vld [tilespmem:s29+$0xC320]  }
0x11c: {  	v50 =	vmul.f32 v45, v24;
	v36 =	vadd.f32 v48, v36  }
0x11d: {  	v51 =	vld [tilespmem:s29+$0xC3A0]  }
0x11e: {  	v52 =	vmul.f32 v47, v25;
	v36 =	vadd.f32 v50, v36  }
0x11f: {  	v53 =	vld [tilespmem:s29+$0xC820]  }
0x120: {  	v54 =	vmul.f32 v49, v26;
	v36 =	vadd.f32 v52, v36  }
0x121: {  	v55 =	vld [tilespmem:s29+$0xC8A0]  }
0x122: {  	v56 =	vmul.f32 v51, v27;
	v36 =	vadd.f32 v54, v36  }
0x123: {  	v57 =	vld [tilespmem:s29+$0xC920]  }
0x124: {  	v58 =	vmul.f32 v53, v28;
	v36 =	vadd.f32 v56, v36  }
0x125: {  	v59 =	vld [tilespmem:s29+$0xC9A0]  }
0x126: {  	v60 =	vmul.f32 v55, v29;
	v36 =	vadd.f32 v58, v36  }
0x127: {  	v61 =	vld [tilespmem:s29+$0xCA20]  }
0x128: {  	v62 =	vmul.f32 v57, v30;
	v36 =	vadd.f32 v60, v36  }
0x129: {  	v63 =	vld [tilespmem:s29+$0xCAA0]  }
0x12a: {  	v42 =	vmul.f32 v59, v31;
	v36 =	vadd.f32 v62, v36  }
0x12b: {  	v43 =	vld [tilespmem:s29+$0xCB20]  }
0x12c: {  	v44 =	vmul.f32 v61, v32;
	v36 =	vadd.f32 v42, v36  }
0x12d: {  	v45 =	vld [tilespmem:s29+$0xCBA0]  }
0x12e: {  	v46 =	vmul.f32 v63, v33;
	v36 =	vadd.f32 v44, v36;
	_ =	sdelay $0x1  }
0x12f: {  	v47 =	vmul.f32 v43, v34;
	v36 =	vadd.f32 v46, v36;
	_ =	sdelay $0x1  }
0x130: {  	v48 =	vmul.f32 v45, v35;
	v36 =	vadd.f32 v47, v36;
	_ =	sdelay $0x1  }
0x131: {  	v36 =	vadd.f32 v48, v36;
	_ =	sdelay $0x1  }
0x132: {  	[tilespmem:s30+$0x1C020] =	vst v36  }
0x133: {  	v36 =	vld [tilespmem:s29+$0xC030]  }
0x134: {  	v49 =	vld [tilespmem:s29+$0xC0B0];
	_ =	sdelay $0x1  }
0x135: {  	v50 =	vld [tilespmem:s29+$0xC130];
	_ =	sdelay $0x1  }
0x136: {  	v51 =	vld [tilespmem:s29+$0xC1B0]  }
0x137: {  	v36 =	vmul.f32 v36, v21;
	v37 =	vmul.f32 v49, v22  }
0x138: {  	v52 =	vld [tilespmem:s29+$0xC230]  }
0x139: {  	v53 =	vmul.f32 v50, v20;
	v36 =	vadd.f32 v37, v36  }
0x13a: {  	v54 =	vld [tilespmem:s29+$0xC2B0]  }
0x13b: {  	v55 =	vmul.f32 v51, v23;
	v36 =	vadd.f32 v53, v36  }
0x13c: {  	v56 =	vld [tilespmem:s29+$0xC330]  }
0x13d: {  	v57 =	vmul.f32 v52, v24;
	v36 =	vadd.f32 v55, v36  }
0x13e: {  	v58 =	vld [tilespmem:s29+$0xC3B0]  }
0x13f: {  	v59 =	vmul.f32 v54, v25;
	v36 =	vadd.f32 v57, v36  }
0x140: {  	v60 =	vld [tilespmem:s29+$0xC830]  }
0x141: {  	v61 =	vmul.f32 v56, v26;
	v36 =	vadd.f32 v59, v36  }
0x142: {  	v62 =	vld [tilespmem:s29+$0xC8B0]  }
0x143: {  	v63 =	vmul.f32 v58, v27;
	v36 =	vadd.f32 v61, v36  }
0x144: {  	v44 =	vld [tilespmem:s29+$0xC930]  }
0x145: {  	v45 =	vmul.f32 v60, v28;
	v36 =	vadd.f32 v63, v36  }
0x146: {  	v46 =	vld [tilespmem:s29+$0xC9B0]  }
0x147: {  	v47 =	vmul.f32 v62, v29;
	v36 =	vadd.f32 v45, v36  }
0x148: {  	v48 =	vld [tilespmem:s29+$0xCA30]  }
0x149: {  	v49 =	vmul.f32 v44, v30;
	v36 =	vadd.f32 v47, v36  }
0x14a: {  	v50 =	vld [tilespmem:s29+$0xCAB0]  }
0x14b: {  	v51 =	vmul.f32 v46, v31;
	v36 =	vadd.f32 v49, v36  }
0x14c: {  	v52 =	vld [tilespmem:s29+$0xCB30]  }
0x14d: {  	v53 =	vmul.f32 v48, v32;
	v36 =	vadd.f32 v51, v36  }
0x14e: {  	v54 =	vld [tilespmem:s29+$0xCBB0]  }
0x14f: {  	v55 =	vmul.f32 v50, v33;
	v36 =	vadd.f32 v53, v36;
	_ =	sdelay $0x1  }
0x150: {  	v56 =	vmul.f32 v52, v34;
	v36 =	vadd.f32 v55, v36;
	_ =	sdelay $0x1  }
0x151: {  	v57 =	vmul.f32 v54, v35;
	v36 =	vadd.f32 v56, v36;
	_ =	sdelay $0x1  }
0x152: {  	v36 =	vadd.f32 v57, v36;
	_ =	sdelay $0x1  }
0x153: {  	[tilespmem:s30+$0x1C030] =	vst v36  }
0x154: {  	v36 =	vld [tilespmem:s29+$0xC040]  }
0x155: {  	v58 =	vld [tilespmem:s29+$0xC0C0];
	_ =	sdelay $0x1  }
0x156: {  	v59 =	vld [tilespmem:s29+$0xC140];
	_ =	sdelay $0x1  }
0x157: {  	v60 =	vld [tilespmem:s29+$0xC1C0]  }
0x158: {  	v36 =	vmul.f32 v36, v21;
	v37 =	vmul.f32 v58, v22  }
0x159: {  	v61 =	vld [tilespmem:s29+$0xC240]  }
0x15a: {  	v62 =	vmul.f32 v59, v20;
	v36 =	vadd.f32 v37, v36  }
0x15b: {  	v63 =	vld [tilespmem:s29+$0xC2C0]  }
0x15c: {  	v44 =	vmul.f32 v60, v23;
	v36 =	vadd.f32 v62, v36  }
0x15d: {  	v45 =	vld [tilespmem:s29+$0xC340]  }
0x15e: {  	v46 =	vmul.f32 v61, v24;
	v36 =	vadd.f32 v44, v36  }
0x15f: {  	v47 =	vld [tilespmem:s29+$0xC3C0]  }
0x160: {  	v48 =	vmul.f32 v63, v25;
	v36 =	vadd.f32 v46, v36  }
0x161: {  	v49 =	vld [tilespmem:s29+$0xC840]  }
0x162: {  	v50 =	vmul.f32 v45, v26;
	v36 =	vadd.f32 v48, v36  }
0x163: {  	v51 =	vld [tilespmem:s29+$0xC8C0]  }
0x164: {  	v52 =	vmul.f32 v47, v27;
	v36 =	vadd.f32 v50, v36  }
0x165: {  	v53 =	vld [tilespmem:s29+$0xC940]  }
0x166: {  	v54 =	vmul.f32 v49, v28;
	v36 =	vadd.f32 v52, v36  }
0x167: {  	v55 =	vld [tilespmem:s29+$0xC9C0]  }
0x168: {  	v56 =	vmul.f32 v51, v29;
	v36 =	vadd.f32 v54, v36  }
0x169: {  	v57 =	vld [tilespmem:s29+$0xCA40]  }
0x16a: {  	v58 =	vmul.f32 v53, v30;
	v36 =	vadd.f32 v56, v36  }
0x16b: {  	v59 =	vld [tilespmem:s29+$0xCAC0]  }
0x16c: {  	v60 =	vmul.f32 v55, v31;
	v36 =	vadd.f32 v58, v36  }
0x16d: {  	v61 =	vld [tilespmem:s29+$0xCB40]  }
0x16e: {  	v62 =	vmul.f32 v57, v32;
	v36 =	vadd.f32 v60, v36  }
0x16f: {  	v63 =	vld [tilespmem:s29+$0xCBC0]  }
0x170: {  	v40 =	vmul.f32 v59, v33;
	v36 =	vadd.f32 v62, v36;
	_ =	sdelay $0x1  }
0x171: {  	v41 =	vmul.f32 v61, v34;
	v36 =	vadd.f32 v40, v36;
	_ =	sdelay $0x1  }
0x172: {  	v42 =	vmul.f32 v63, v35;
	v36 =	vadd.f32 v41, v36;
	_ =	sdelay $0x1  }
0x173: {  	v36 =	vadd.f32 v42, v36;
	_ =	sdelay $0x1  }
0x174: {  	[tilespmem:s30+$0x1C040] =	vst v36  }
0x175: {  	v36 =	vld [tilespmem:s29+$0xC050]  }
0x176: {  	v43 =	vld [tilespmem:s29+$0xC0D0];
	_ =	sdelay $0x1  }
0x177: {  	v44 =	vld [tilespmem:s29+$0xC150];
	_ =	sdelay $0x1  }
0x178: {  	v45 =	vld [tilespmem:s29+$0xC1D0]  }
0x179: {  	v36 =	vmul.f32 v36, v21;
	v37 =	vmul.f32 v43, v22  }
0x17a: {  	v46 =	vld [tilespmem:s29+$0xC250]  }
0x17b: {  	v47 =	vmul.f32 v44, v20;
	v36 =	vadd.f32 v37, v36  }
0x17c: {  	v48 =	vld [tilespmem:s29+$0xC2D0]  }
0x17d: {  	v49 =	vmul.f32 v45, v23;
	v36 =	vadd.f32 v47, v36  }
0x17e: {  	v50 =	vld [tilespmem:s29+$0xC350]  }
0x17f: {  	v51 =	vmul.f32 v46, v24;
	v36 =	vadd.f32 v49, v36  }
0x180: {  	v52 =	vld [tilespmem:s29+$0xC3D0]  }
0x181: {  	v53 =	vmul.f32 v48, v25;
	v36 =	vadd.f32 v51, v36  }
0x182: {  	v54 =	vld [tilespmem:s29+$0xC850]  }
0x183: {  	v55 =	vmul.f32 v50, v26;
	v36 =	vadd.f32 v53, v36  }
0x184: {  	v56 =	vld [tilespmem:s29+$0xC8D0]  }
0x185: {  	v57 =	vmul.f32 v52, v27;
	v36 =	vadd.f32 v55, v36  }
0x186: {  	v58 =	vld [tilespmem:s29+$0xC950]  }
0x187: {  	v59 =	vmul.f32 v54, v28;
	v36 =	vadd.f32 v57, v36  }
0x188: {  	v60 =	vld [tilespmem:s29+$0xC9D0]  }
0x189: {  	v61 =	vmul.f32 v56, v29;
	v36 =	vadd.f32 v59, v36  }
0x18a: {  	v62 =	vld [tilespmem:s29+$0xCA50]  }
0x18b: {  	v63 =	vmul.f32 v58, v30;
	v36 =	vadd.f32 v61, v36  }
0x18c: {  	v44 =	vld [tilespmem:s29+$0xCAD0]  }
0x18d: {  	v45 =	vmul.f32 v60, v31;
	v36 =	vadd.f32 v63, v36  }
0x18e: {  	v46 =	vld [tilespmem:s29+$0xCB50]  }
0x18f: {  	v47 =	vmul.f32 v62, v32;
	v36 =	vadd.f32 v45, v36  }
0x190: {  	v48 =	vld [tilespmem:s29+$0xCBD0]  }
0x191: {  	v49 =	vmul.f32 v44, v33;
	v36 =	vadd.f32 v47, v36;
	_ =	sdelay $0x1  }
0x192: {  	v50 =	vmul.f32 v46, v34;
	v36 =	vadd.f32 v49, v36;
	_ =	sdelay $0x1  }
0x193: {  	v51 =	vmul.f32 v48, v35;
	v36 =	vadd.f32 v50, v36;
	_ =	sdelay $0x1  }
0x194: {  	v36 =	vadd.f32 v51, v36;
	_ =	sdelay $0x1  }
0x195: {  	[tilespmem:s30+$0x1C050] =	vst v36  }
0x196: {  	v36 =	vld [tilespmem:s29+$0xC060]  }
0x197: {  	v52 =	vld [tilespmem:s29+$0xC0E0];
	_ =	sdelay $0x1  }
0x198: {  	v53 =	vld [tilespmem:s29+$0xC160];
	_ =	sdelay $0x1  }
0x199: {  	v54 =	vld [tilespmem:s29+$0xC1E0]  }
0x19a: {  	v36 =	vmul.f32 v36, v21;
	v37 =	vmul.f32 v52, v22  }
0x19b: {  	v55 =	vld [tilespmem:s29+$0xC260]  }
0x19c: {  	v56 =	vmul.f32 v53, v20;
	v36 =	vadd.f32 v37, v36  }
0x19d: {  	v57 =	vld [tilespmem:s29+$0xC2E0]  }
0x19e: {  	v58 =	vmul.f32 v54, v23;
	v36 =	vadd.f32 v56, v36  }
0x19f: {  	v59 =	vld [tilespmem:s29+$0xC360]  }
0x1a0: {  	v60 =	vmul.f32 v55, v24;
	v36 =	vadd.f32 v58, v36  }
0x1a1: {  	v61 =	vld [tilespmem:s29+$0xC3E0]  }
0x1a2: {  	v62 =	vmul.f32 v57, v25;
	v36 =	vadd.f32 v60, v36  }
0x1a3: {  	v63 =	vld [tilespmem:s29+$0xC860]  }
0x1a4: {  	v43 =	vmul.f32 v59, v26;
	v36 =	vadd.f32 v62, v36  }
0x1a5: {  	v44 =	vld [tilespmem:s29+$0xC8E0]  }
0x1a6: {  	v45 =	vmul.f32 v61, v27;
	v36 =	vadd.f32 v43, v36  }
0x1a7: {  	v46 =	vld [tilespmem:s29+$0xC960]  }
0x1a8: {  	v47 =	vmul.f32 v63, v28;
	v36 =	vadd.f32 v45, v36  }
0x1a9: {  	v48 =	vld [tilespmem:s29+$0xC9E0]  }
0x1aa: {  	v49 =	vmul.f32 v44, v29;
	v36 =	vadd.f32 v47, v36  }
0x1ab: {  	v50 =	vld [tilespmem:s29+$0xCA60]  }
0x1ac: {  	v51 =	vmul.f32 v46, v30;
	v36 =	vadd.f32 v49, v36  }
0x1ad: {  	v52 =	vld [tilespmem:s29+$0xCAE0]  }
0x1ae: {  	v53 =	vmul.f32 v48, v31;
	v36 =	vadd.f32 v51, v36  }
0x1af: {  	v54 =	vld [tilespmem:s29+$0xCB60]  }
0x1b0: {  	v55 =	vmul.f32 v50, v32;
	v36 =	vadd.f32 v53, v36  }
0x1b1: {  	v56 =	vld [tilespmem:s29+$0xCBE0]  }
0x1b2: {  	v57 =	vmul.f32 v52, v33;
	v36 =	vadd.f32 v55, v36;
	_ =	sdelay $0x1  }
0x1b3: {  	v58 =	vmul.f32 v54, v34;
	v36 =	vadd.f32 v57, v36;
	_ =	sdelay $0x1  }
0x1b4: {  	v59 =	vmul.f32 v56, v35;
	v36 =	vadd.f32 v58, v36;
	_ =	sdelay $0x1  }
0x1b5: {  	v36 =	vadd.f32 v59, v36;
	_ =	sdelay $0x1  }
0x1b6: {  	[tilespmem:s30+$0x1C060] =	vst v36  }
0x1b7: {  	v36 =	vld [tilespmem:s29+$0xC070]  }
0x1b8: {  	v60 =	vld [tilespmem:s29+$0xC0F0];
	_ =	sdelay $0x1  }
0x1b9: {  	v61 =	vld [tilespmem:s29+$0xC170];
	_ =	sdelay $0x1  }
0x1ba: {  	v62 =	vld [tilespmem:s29+$0xC1F0]  }
0x1bb: {  	v36 =	vmul.f32 v36, v21;
	v37 =	vmul.f32 v60, v22  }
0x1bc: {  	v63 =	vld [tilespmem:s29+$0xC270]  }
0x1bd: {  	v43 =	vmul.f32 v61, v20;
	v36 =	vadd.f32 v37, v36  }
0x1be: {  	v44 =	vld [tilespmem:s29+$0xC2F0]  }
0x1bf: {  	v45 =	vmul.f32 v62, v23;
	v36 =	vadd.f32 v43, v36  }
0x1c0: {  	v46 =	vld [tilespmem:s29+$0xC370]  }
0x1c1: {  	v47 =	vmul.f32 v63, v24;
	v36 =	vadd.f32 v45, v36  }
0x1c2: {  	v48 =	vld [tilespmem:s29+$0xC3F0]  }
0x1c3: {  	v49 =	vmul.f32 v44, v25;
	v36 =	vadd.f32 v47, v36  }
0x1c4: {  	v50 =	vld [tilespmem:s29+$0xC870]  }
0x1c5: {  	v51 =	vmul.f32 v46, v26;
	v36 =	vadd.f32 v49, v36  }
0x1c6: {  	v52 =	vld [tilespmem:s29+$0xC8F0]  }
0x1c7: {  	v53 =	vmul.f32 v48, v27;
	v36 =	vadd.f32 v51, v36  }
0x1c8: {  	v54 =	vld [tilespmem:s29+$0xC970]  }
0x1c9: {  	v55 =	vmul.f32 v50, v28;
	v36 =	vadd.f32 v53, v36  }
0x1ca: {  	v56 =	vld [tilespmem:s29+$0xC9F0]  }
0x1cb: {  	v57 =	vmul.f32 v52, v29;
	v36 =	vadd.f32 v55, v36  }
0x1cc: {  	v58 =	vld [tilespmem:s29+$0xCA70]  }
0x1cd: {  	v59 =	vmul.f32 v54, v30;
	v36 =	vadd.f32 v57, v36  }
0x1ce: {  	v60 =	vld [tilespmem:s29+$0xCAF0]  }
0x1cf: {  	v61 =	vmul.f32 v56, v31;
	v36 =	vadd.f32 v59, v36  }
0x1d0: {  	v62 =	vld [tilespmem:s29+$0xCB70]  }
0x1d1: {  	v63 =	vmul.f32 v58, v32;
	v36 =	vadd.f32 v61, v36  }
0x1d2: {  	v42 =	vld [tilespmem:s29+$0xCBF0]  }
0x1d3: {  	v43 =	vmul.f32 v60, v33;
	v36 =	vadd.f32 v63, v36;
	_ =	sdelay $0x1  }
0x1d4: {  	v44 =	vmul.f32 v62, v34;
	v36 =	vadd.f32 v43, v36;
	_ =	sdelay $0x1  }
0x1d5: {  	v45 =	vmul.f32 v42, v35;
	v36 =	vadd.f32 v44, v36;
	_ =	sdelay $0x1  }
0x1d6: {  	v36 =	vadd.f32 v45, v36;
	_ =	sdelay $0x1  }
0x1d7: {  	[tilespmem:s30+$0x1C070] =	vst v36  }
0x1d8: {  	v36 =	vld [tilespmem:s29+$0xC400]  }
0x1d9: {  	v46 =	vld [tilespmem:s29+$0xC480];
	_ =	sdelay $0x1  }
0x1da: {  	v47 =	vld [tilespmem:s29+$0xC500];
	_ =	sdelay $0x1  }
0x1db: {  	v48 =	vld [tilespmem:s29+$0xC580]  }
0x1dc: {  	v36 =	vmul.f32 v36, v21;
	v37 =	vmul.f32 v46, v22  }
0x1dd: {  	v49 =	vld [tilespmem:s29+$0xC600]  }
0x1de: {  	v50 =	vmul.f32 v47, v20;
	v36 =	vadd.f32 v37, v36  }
0x1df: {  	v51 =	vld [tilespmem:s29+$0xC680]  }
0x1e0: {  	v52 =	vmul.f32 v48, v23;
	v36 =	vadd.f32 v50, v36  }
0x1e1: {  	v53 =	vld [tilespmem:s29+$0xC700]  }
0x1e2: {  	v54 =	vmul.f32 v49, v24;
	v36 =	vadd.f32 v52, v36  }
0x1e3: {  	v55 =	vld [tilespmem:s29+$0xC780]  }
0x1e4: {  	v56 =	vmul.f32 v51, v25;
	v36 =	vadd.f32 v54, v36  }
0x1e5: {  	v57 =	vld [tilespmem:s29+$0xCC00]  }
0x1e6: {  	v58 =	vmul.f32 v53, v26;
	v36 =	vadd.f32 v56, v36  }
0x1e7: {  	v59 =	vld [tilespmem:s29+$0xCC80]  }
0x1e8: {  	v60 =	vmul.f32 v55, v27;
	v36 =	vadd.f32 v58, v36  }
0x1e9: {  	v61 =	vld [tilespmem:s29+$0xCD00]  }
0x1ea: {  	v62 =	vmul.f32 v57, v28;
	v36 =	vadd.f32 v60, v36  }
0x1eb: {  	v63 =	vld [tilespmem:s29+$0xCD80]  }
0x1ec: {  	v43 =	vmul.f32 v59, v29;
	v36 =	vadd.f32 v62, v36  }
0x1ed: {  	v44 =	vld [tilespmem:s29+$0xCE00]  }
0x1ee: {  	v45 =	vmul.f32 v61, v30;
	v36 =	vadd.f32 v43, v36  }
0x1ef: {  	v46 =	vld [tilespmem:s29+$0xCE80]  }
0x1f0: {  	v47 =	vmul.f32 v63, v31;
	v36 =	vadd.f32 v45, v36  }
0x1f1: {  	v48 =	vld [tilespmem:s29+$0xCF00]  }
0x1f2: {  	v49 =	vmul.f32 v44, v32;
	v36 =	vadd.f32 v47, v36  }
0x1f3: {  	v50 =	vld [tilespmem:s29+$0xCF80]  }
0x1f4: {  	v51 =	vmul.f32 v46, v33;
	v36 =	vadd.f32 v49, v36;
	_ =	sdelay $0x1  }
0x1f5: {  	v52 =	vmul.f32 v48, v34;
	v36 =	vadd.f32 v51, v36;
	_ =	sdelay $0x1  }
0x1f6: {  	v53 =	vmul.f32 v50, v35;
	v36 =	vadd.f32 v52, v36;
	_ =	sdelay $0x1  }
0x1f7: {  	v36 =	vadd.f32 v53, v36;
	_ =	sdelay $0x1  }
0x1f8: {  	[tilespmem:s30+$0x1C400] =	vst v36  }
0x1f9: {  	v36 =	vld [tilespmem:s29+$0xC410]  }
0x1fa: {  	v54 =	vld [tilespmem:s29+$0xC490];
	_ =	sdelay $0x1  }
0x1fb: {  	v55 =	vld [tilespmem:s29+$0xC510];
	_ =	sdelay $0x1  }
0x1fc: {  	v56 =	vld [tilespmem:s29+$0xC590]  }
0x1fd: {  	v36 =	vmul.f32 v36, v21;
	v37 =	vmul.f32 v54, v22  }
0x1fe: {  	v57 =	vld [tilespmem:s29+$0xC610]  }
0x1ff: {  	v58 =	vmul.f32 v55, v20;
	v36 =	vadd.f32 v37, v36  }
0x200: {  	v59 =	vld [tilespmem:s29+$0xC690]  }
0x201: {  	v60 =	vmul.f32 v56, v23;
	v36 =	vadd.f32 v58, v36  }
0x202: {  	v61 =	vld [tilespmem:s29+$0xC710]  }
0x203: {  	v62 =	vmul.f32 v57, v24;
	v36 =	vadd.f32 v60, v36  }
0x204: {  	v63 =	vld [tilespmem:s29+$0xC790]  }
0x205: {  	v43 =	vmul.f32 v59, v25;
	v36 =	vadd.f32 v62, v36  }
0x206: {  	v44 =	vld [tilespmem:s29+$0xCC10]  }
0x207: {  	v45 =	vmul.f32 v61, v26;
	v36 =	vadd.f32 v43, v36  }
0x208: {  	v46 =	vld [tilespmem:s29+$0xCC90]  }
0x209: {  	v47 =	vmul.f32 v63, v27;
	v36 =	vadd.f32 v45, v36  }
0x20a: {  	v48 =	vld [tilespmem:s29+$0xCD10]  }
0x20b: {  	v49 =	vmul.f32 v44, v28;
	v36 =	vadd.f32 v47, v36  }
0x20c: {  	v50 =	vld [tilespmem:s29+$0xCD90]  }
0x20d: {  	v51 =	vmul.f32 v46, v29;
	v36 =	vadd.f32 v49, v36  }
0x20e: {  	v52 =	vld [tilespmem:s29+$0xCE10]  }
0x20f: {  	v53 =	vmul.f32 v48, v30;
	v36 =	vadd.f32 v51, v36  }
0x210: {  	v54 =	vld [tilespmem:s29+$0xCE90]  }
0x211: {  	v55 =	vmul.f32 v50, v31;
	v36 =	vadd.f32 v53, v36  }
0x212: {  	v56 =	vld [tilespmem:s29+$0xCF10]  }
0x213: {  	v57 =	vmul.f32 v52, v32;
	v36 =	vadd.f32 v55, v36  }
0x214: {  	v58 =	vld [tilespmem:s29+$0xCF90]  }
0x215: {  	v59 =	vmul.f32 v54, v33;
	v36 =	vadd.f32 v57, v36;
	_ =	sdelay $0x1  }
0x216: {  	v60 =	vmul.f32 v56, v34;
	v36 =	vadd.f32 v59, v36;
	_ =	sdelay $0x1  }
0x217: {  	v61 =	vmul.f32 v58, v35;
	v36 =	vadd.f32 v60, v36;
	_ =	sdelay $0x1  }
0x218: {  	v36 =	vadd.f32 v61, v36;
	_ =	sdelay $0x1  }
0x219: {  	[tilespmem:s30+$0x1C410] =	vst v36  }
0x21a: {  	v36 =	vld [tilespmem:s29+$0xC420]  }
0x21b: {  	v62 =	vld [tilespmem:s29+$0xC4A0];
	_ =	sdelay $0x1  }
0x21c: {  	v63 =	vld [tilespmem:s29+$0xC520];
	_ =	sdelay $0x1  }
0x21d: {  	v44 =	vld [tilespmem:s29+$0xC5A0]  }
0x21e: {  	v36 =	vmul.f32 v36, v21;
	v37 =	vmul.f32 v62, v22  }
0x21f: {  	v45 =	vld [tilespmem:s29+$0xC620]  }
0x220: {  	v46 =	vmul.f32 v63, v20;
	v36 =	vadd.f32 v37, v36  }
0x221: {  	v47 =	vld [tilespmem:s29+$0xC6A0]  }
0x222: {  	v48 =	vmul.f32 v44, v23;
	v36 =	vadd.f32 v46, v36  }
0x223: {  	v49 =	vld [tilespmem:s29+$0xC720]  }
0x224: {  	v50 =	vmul.f32 v45, v24;
	v36 =	vadd.f32 v48, v36  }
0x225: {  	v51 =	vld [tilespmem:s29+$0xC7A0]  }
0x226: {  	v52 =	vmul.f32 v47, v25;
	v36 =	vadd.f32 v50, v36  }
0x227: {  	v53 =	vld [tilespmem:s29+$0xCC20]  }
0x228: {  	v54 =	vmul.f32 v49, v26;
	v36 =	vadd.f32 v52, v36  }
0x229: {  	v55 =	vld [tilespmem:s29+$0xCCA0]  }
0x22a: {  	v56 =	vmul.f32 v51, v27;
	v36 =	vadd.f32 v54, v36  }
0x22b: {  	v57 =	vld [tilespmem:s29+$0xCD20]  }
0x22c: {  	v58 =	vmul.f32 v53, v28;
	v36 =	vadd.f32 v56, v36  }
0x22d: {  	v59 =	vld [tilespmem:s29+$0xCDA0]  }
0x22e: {  	v60 =	vmul.f32 v55, v29;
	v36 =	vadd.f32 v58, v36  }
0x22f: {  	v61 =	vld [tilespmem:s29+$0xCE20]  }
0x230: {  	v62 =	vmul.f32 v57, v30;
	v36 =	vadd.f32 v60, v36  }
0x231: {  	v63 =	vld [tilespmem:s29+$0xCEA0]  }
0x232: {  	v42 =	vmul.f32 v59, v31;
	v36 =	vadd.f32 v62, v36  }
0x233: {  	v43 =	vld [tilespmem:s29+$0xCF20]  }
0x234: {  	v44 =	vmul.f32 v61, v32;
	v36 =	vadd.f32 v42, v36  }
0x235: {  	v45 =	vld [tilespmem:s29+$0xCFA0]  }
0x236: {  	v46 =	vmul.f32 v63, v33;
	v36 =	vadd.f32 v44, v36;
	_ =	sdelay $0x1  }
0x237: {  	v47 =	vmul.f32 v43, v34;
	v36 =	vadd.f32 v46, v36;
	_ =	sdelay $0x1  }
0x238: {  	v48 =	vmul.f32 v45, v35;
	v36 =	vadd.f32 v47, v36;
	_ =	sdelay $0x1  }
0x239: {  	v36 =	vadd.f32 v48, v36;
	_ =	sdelay $0x1  }
0x23a: {  	[tilespmem:s30+$0x1C420] =	vst v36  }
0x23b: {  	v36 =	vld [tilespmem:s29+$0xC430]  }
0x23c: {  	v49 =	vld [tilespmem:s29+$0xC4B0];
	_ =	sdelay $0x1  }
0x23d: {  	v50 =	vld [tilespmem:s29+$0xC530];
	_ =	sdelay $0x1  }
0x23e: {  	v51 =	vld [tilespmem:s29+$0xC5B0]  }
0x23f: {  	v36 =	vmul.f32 v36, v21;
	v37 =	vmul.f32 v49, v22  }
0x240: {  	v52 =	vld [tilespmem:s29+$0xC630]  }
0x241: {  	v53 =	vmul.f32 v50, v20;
	v36 =	vadd.f32 v37, v36  }
0x242: {  	v54 =	vld [tilespmem:s29+$0xC6B0]  }
0x243: {  	v55 =	vmul.f32 v51, v23;
	v36 =	vadd.f32 v53, v36  }
0x244: {  	v56 =	vld [tilespmem:s29+$0xC730]  }
0x245: {  	v57 =	vmul.f32 v52, v24;
	v36 =	vadd.f32 v55, v36  }
0x246: {  	v58 =	vld [tilespmem:s29+$0xC7B0]  }
0x247: {  	v59 =	vmul.f32 v54, v25;
	v36 =	vadd.f32 v57, v36  }
0x248: {  	v60 =	vld [tilespmem:s29+$0xCC30]  }
0x249: {  	v61 =	vmul.f32 v56, v26;
	v36 =	vadd.f32 v59, v36  }
0x24a: {  	v62 =	vld [tilespmem:s29+$0xCCB0]  }
0x24b: {  	v63 =	vmul.f32 v58, v27;
	v36 =	vadd.f32 v61, v36  }
0x24c: {  	v44 =	vld [tilespmem:s29+$0xCD30]  }
0x24d: {  	v45 =	vmul.f32 v60, v28;
	v36 =	vadd.f32 v63, v36  }
0x24e: {  	v46 =	vld [tilespmem:s29+$0xCDB0]  }
0x24f: {  	v47 =	vmul.f32 v62, v29;
	v36 =	vadd.f32 v45, v36  }
0x250: {  	v48 =	vld [tilespmem:s29+$0xCE30]  }
0x251: {  	v49 =	vmul.f32 v44, v30;
	v36 =	vadd.f32 v47, v36  }
0x252: {  	v50 =	vld [tilespmem:s29+$0xCEB0]  }
0x253: {  	v51 =	vmul.f32 v46, v31;
	v36 =	vadd.f32 v49, v36  }
0x254: {  	v52 =	vld [tilespmem:s29+$0xCF30]  }
0x255: {  	v53 =	vmul.f32 v48, v32;
	v36 =	vadd.f32 v51, v36  }
0x256: {  	v54 =	vld [tilespmem:s29+$0xCFB0]  }
0x257: {  	v55 =	vmul.f32 v50, v33;
	v36 =	vadd.f32 v53, v36;
	_ =	sdelay $0x1  }
0x258: {  	v56 =	vmul.f32 v52, v34;
	v36 =	vadd.f32 v55, v36;
	_ =	sdelay $0x1  }
0x259: {  	v57 =	vmul.f32 v54, v35;
	v36 =	vadd.f32 v56, v36;
	_ =	sdelay $0x1  }
0x25a: {  	v36 =	vadd.f32 v57, v36;
	_ =	sdelay $0x1  }
0x25b: {  	[tilespmem:s30+$0x1C430] =	vst v36  }
0x25c: {  	v36 =	vld [tilespmem:s29+$0xC440]  }
0x25d: {  	v58 =	vld [tilespmem:s29+$0xC4C0];
	_ =	sdelay $0x1  }
0x25e: {  	v59 =	vld [tilespmem:s29+$0xC540];
	_ =	sdelay $0x1  }
0x25f: {  	v60 =	vld [tilespmem:s29+$0xC5C0]  }
0x260: {  	v36 =	vmul.f32 v36, v21;
	v37 =	vmul.f32 v58, v22  }
0x261: {  	v61 =	vld [tilespmem:s29+$0xC640]  }
0x262: {  	v62 =	vmul.f32 v59, v20;
	v36 =	vadd.f32 v37, v36  }
0x263: {  	v63 =	vld [tilespmem:s29+$0xC6C0]  }
0x264: {  	v44 =	vmul.f32 v60, v23;
	v36 =	vadd.f32 v62, v36  }
0x265: {  	v45 =	vld [tilespmem:s29+$0xC740]  }
0x266: {  	v46 =	vmul.f32 v61, v24;
	v36 =	vadd.f32 v44, v36  }
0x267: {  	v47 =	vld [tilespmem:s29+$0xC7C0]  }
0x268: {  	v48 =	vmul.f32 v63, v25;
	v36 =	vadd.f32 v46, v36  }
0x269: {  	v49 =	vld [tilespmem:s29+$0xCC40]  }
0x26a: {  	v50 =	vmul.f32 v45, v26;
	v36 =	vadd.f32 v48, v36  }
0x26b: {  	v51 =	vld [tilespmem:s29+$0xCCC0]  }
0x26c: {  	v52 =	vmul.f32 v47, v27;
	v36 =	vadd.f32 v50, v36  }
0x26d: {  	v53 =	vld [tilespmem:s29+$0xCD40]  }
0x26e: {  	v54 =	vmul.f32 v49, v28;
	v36 =	vadd.f32 v52, v36  }
0x26f: {  	v55 =	vld [tilespmem:s29+$0xCDC0]  }
0x270: {  	v56 =	vmul.f32 v51, v29;
	v36 =	vadd.f32 v54, v36  }
0x271: {  	v57 =	vld [tilespmem:s29+$0xCE40]  }
0x272: {  	v58 =	vmul.f32 v53, v30;
	v36 =	vadd.f32 v56, v36  }
0x273: {  	v59 =	vld [tilespmem:s29+$0xCEC0]  }
0x274: {  	v60 =	vmul.f32 v55, v31;
	v36 =	vadd.f32 v58, v36  }
0x275: {  	v61 =	vld [tilespmem:s29+$0xCF40]  }
0x276: {  	v62 =	vmul.f32 v57, v32;
	v36 =	vadd.f32 v60, v36  }
0x277: {  	v63 =	vld [tilespmem:s29+$0xCFC0]  }
0x278: {  	v40 =	vmul.f32 v59, v33;
	v36 =	vadd.f32 v62, v36;
	_ =	sdelay $0x1  }
0x279: {  	v41 =	vmul.f32 v61, v34;
	v36 =	vadd.f32 v40, v36;
	_ =	sdelay $0x1  }
0x27a: {  	v42 =	vmul.f32 v63, v35;
	v36 =	vadd.f32 v41, v36;
	_ =	sdelay $0x1  }
0x27b: {  	v36 =	vadd.f32 v42, v36;
	_ =	sdelay $0x1  }
0x27c: {  	[tilespmem:s30+$0x1C440] =	vst v36  }
0x27d: {  	v36 =	vld [tilespmem:s29+$0xC450]  }
0x27e: {  	v43 =	vld [tilespmem:s29+$0xC4D0];
	_ =	sdelay $0x1  }
0x27f: {  	v44 =	vld [tilespmem:s29+$0xC550];
	_ =	sdelay $0x1  }
0x280: {  	v45 =	vld [tilespmem:s29+$0xC5D0]  }
0x281: {  	v36 =	vmul.f32 v36, v21;
	v37 =	vmul.f32 v43, v22  }
0x282: {  	v46 =	vld [tilespmem:s29+$0xC650]  }
0x283: {  	v47 =	vmul.f32 v44, v20;
	v36 =	vadd.f32 v37, v36  }
0x284: {  	v48 =	vld [tilespmem:s29+$0xC6D0]  }
0x285: {  	v49 =	vmul.f32 v45, v23;
	v36 =	vadd.f32 v47, v36  }
0x286: {  	v50 =	vld [tilespmem:s29+$0xC750]  }
0x287: {  	v51 =	vmul.f32 v46, v24;
	v36 =	vadd.f32 v49, v36  }
0x288: {  	v52 =	vld [tilespmem:s29+$0xC7D0]  }
0x289: {  	v53 =	vmul.f32 v48, v25;
	v36 =	vadd.f32 v51, v36  }
0x28a: {  	v54 =	vld [tilespmem:s29+$0xCC50]  }
0x28b: {  	v55 =	vmul.f32 v50, v26;
	v36 =	vadd.f32 v53, v36  }
0x28c: {  	v56 =	vld [tilespmem:s29+$0xCCD0]  }
0x28d: {  	v57 =	vmul.f32 v52, v27;
	v36 =	vadd.f32 v55, v36  }
0x28e: {  	v58 =	vld [tilespmem:s29+$0xCD50]  }
0x28f: {  	v59 =	vmul.f32 v54, v28;
	v36 =	vadd.f32 v57, v36  }
0x290: {  	v60 =	vld [tilespmem:s29+$0xCDD0]  }
0x291: {  	v61 =	vmul.f32 v56, v29;
	v36 =	vadd.f32 v59, v36  }
0x292: {  	v62 =	vld [tilespmem:s29+$0xCE50]  }
0x293: {  	v63 =	vmul.f32 v58, v30;
	v36 =	vadd.f32 v61, v36  }
0x294: {  	v44 =	vld [tilespmem:s29+$0xCED0]  }
0x295: {  	v45 =	vmul.f32 v60, v31;
	v36 =	vadd.f32 v63, v36  }
0x296: {  	v46 =	vld [tilespmem:s29+$0xCF50]  }
0x297: {  	v47 =	vmul.f32 v62, v32;
	v36 =	vadd.f32 v45, v36  }
0x298: {  	v48 =	vld [tilespmem:s29+$0xCFD0]  }
0x299: {  	v49 =	vmul.f32 v44, v33;
	v36 =	vadd.f32 v47, v36;
	_ =	sdelay $0x1  }
0x29a: {  	v50 =	vmul.f32 v46, v34;
	v36 =	vadd.f32 v49, v36;
	_ =	sdelay $0x1  }
0x29b: {  	v51 =	vmul.f32 v48, v35;
	v36 =	vadd.f32 v50, v36;
	_ =	sdelay $0x1  }
0x29c: {  	v36 =	vadd.f32 v51, v36;
	_ =	sdelay $0x1  }
0x29d: {  	[tilespmem:s30+$0x1C450] =	vst v36  }
0x29e: {  	v36 =	vld [tilespmem:s29+$0xC460]  }
0x29f: {  	v52 =	vld [tilespmem:s29+$0xC4E0];
	_ =	sdelay $0x1  }
0x2a0: {  	v53 =	vld [tilespmem:s29+$0xC560];
	_ =	sdelay $0x1  }
0x2a1: {  	v54 =	vld [tilespmem:s29+$0xC5E0]  }
0x2a2: {  	v36 =	vmul.f32 v36, v21;
	v37 =	vmul.f32 v52, v22  }
0x2a3: {  	v55 =	vld [tilespmem:s29+$0xC660]  }
0x2a4: {  	v56 =	vmul.f32 v53, v20;
	v36 =	vadd.f32 v37, v36  }
0x2a5: {  	v57 =	vld [tilespmem:s29+$0xC6E0]  }
0x2a6: {  	v58 =	vmul.f32 v54, v23;
	v36 =	vadd.f32 v56, v36  }
0x2a7: {  	v59 =	vld [tilespmem:s29+$0xC760]  }
0x2a8: {  	v60 =	vmul.f32 v55, v24;
	v36 =	vadd.f32 v58, v36  }
0x2a9: {  	v61 =	vld [tilespmem:s29+$0xC7E0]  }
0x2aa: {  	v62 =	vmul.f32 v57, v25;
	v36 =	vadd.f32 v60, v36  }
0x2ab: {  	v63 =	vld [tilespmem:s29+$0xCC60]  }
0x2ac: {  	v43 =	vmul.f32 v59, v26;
	v36 =	vadd.f32 v62, v36  }
0x2ad: {  	v44 =	vld [tilespmem:s29+$0xCCE0]  }
0x2ae: {  	v45 =	vmul.f32 v61, v27;
	v36 =	vadd.f32 v43, v36  }
0x2af: {  	v46 =	vld [tilespmem:s29+$0xCD60]  }
0x2b0: {  	v47 =	vmul.f32 v63, v28;
	v36 =	vadd.f32 v45, v36  }
0x2b1: {  	v48 =	vld [tilespmem:s29+$0xCDE0]  }
0x2b2: {  	v49 =	vmul.f32 v44, v29;
	v36 =	vadd.f32 v47, v36  }
0x2b3: {  	v50 =	vld [tilespmem:s29+$0xCE60]  }
0x2b4: {  	v51 =	vmul.f32 v46, v30;
	v36 =	vadd.f32 v49, v36  }
0x2b5: {  	v52 =	vld [tilespmem:s29+$0xCEE0]  }
0x2b6: {  	v53 =	vmul.f32 v48, v31;
	v36 =	vadd.f32 v51, v36  }
0x2b7: {  	v54 =	vld [tilespmem:s29+$0xCF60]  }
0x2b8: {  	v55 =	vmul.f32 v50, v32;
	v36 =	vadd.f32 v53, v36  }
0x2b9: {  	v56 =	vld [tilespmem:s29+$0xCFE0]  }
0x2ba: {  	v57 =	vmul.f32 v52, v33;
	v36 =	vadd.f32 v55, v36;
	_ =	sdelay $0x1  }
0x2bb: {  	v58 =	vmul.f32 v54, v34;
	v36 =	vadd.f32 v57, v36;
	_ =	sdelay $0x1  }
0x2bc: {  	v59 =	vmul.f32 v56, v35;
	v36 =	vadd.f32 v58, v36;
	_ =	sdelay $0x1  }
0x2bd: {  	v36 =	vadd.f32 v59, v36;
	_ =	sdelay $0x1  }
0x2be: {  	[tilespmem:s30+$0x1C460] =	vst v36  }
0x2bf: {  	v36 =	vld [tilespmem:s29+$0xC470]  }
0x2c0: {  	v60 =	vld [tilespmem:s29+$0xC4F0];
	_ =	sdelay $0x1  }
0x2c1: {  	v61 =	vld [tilespmem:s29+$0xC570];
	_ =	sdelay $0x1  }
0x2c2: {  	v62 =	vld [tilespmem:s29+$0xC5F0]  }
0x2c3: {  	v21 =	vmul.f32 v36, v21;
	v22 =	vmul.f32 v60, v22  }
0x2c4: {  	v63 =	vld [tilespmem:s29+$0xC670]  }
0x2c5: {  	v20 =	vmul.f32 v61, v20;
	v21 =	vadd.f32 v22, v21  }
0x2c6: {  	v40 =	vld [tilespmem:s29+$0xC6F0]  }
0x2c7: {  	v41 =	vmul.f32 v62, v23;
	v20 =	vadd.f32 v20, v21  }
0x2c8: {  	v42 =	vld [tilespmem:s29+$0xC770]  }
0x2c9: {  	v43 =	vmul.f32 v63, v24;
	v20 =	vadd.f32 v41, v20  }
0x2ca: {  	v44 =	vld [tilespmem:s29+$0xC7F0]  }
0x2cb: {  	v45 =	vmul.f32 v40, v25;
	v20 =	vadd.f32 v43, v20  }
0x2cc: {  	v46 =	vld [tilespmem:s29+$0xCC70]  }
0x2cd: {  	v47 =	vmul.f32 v42, v26;
	v20 =	vadd.f32 v45, v20  }
0x2ce: {  	v48 =	vld [tilespmem:s29+$0xCCF0]  }
0x2cf: {  	v49 =	vmul.f32 v44, v27;
	v20 =	vadd.f32 v47, v20  }
0x2d0: {  	v50 =	vld [tilespmem:s29+$0xCD70]  }
0x2d1: {  	v51 =	vmul.f32 v46, v28;
	v20 =	vadd.f32 v49, v20  }
0x2d2: {  	v52 =	vld [tilespmem:s29+$0xCDF0]  }
0x2d3: {  	v53 =	vmul.f32 v48, v29;
	v20 =	vadd.f32 v51, v20  }
0x2d4: {  	v54 =	vld [tilespmem:s29+$0xCE70]  }
0x2d5: {  	v55 =	vmul.f32 v50, v30;
	v20 =	vadd.f32 v53, v20  }
0x2d6: {  	v56 =	vld [tilespmem:s29+$0xCEF0]  }
0x2d7: {  	v57 =	vmul.f32 v52, v31;
	v20 =	vadd.f32 v55, v20  }
0x2d8: {  	v58 =	vld [tilespmem:s29+$0xCF70]  }
0x2d9: {  	v59 =	vmul.f32 v54, v32;
	v20 =	vadd.f32 v57, v20  }
0x2da: {  	v60 =	vld [tilespmem:s29+$0xCFF0]  }
0x2db: {  	v61 =	vmul.f32 v56, v33;
	v20 =	vadd.f32 v59, v20;
	_ =	sdelay $0x1  }
0x2dc: {  	v62 =	vmul.f32 v58, v34;
	v20 =	vadd.f32 v61, v20  }
0x2dd: {  	p0 =	sne.s32 s26, $0x7  }
.Ltmp0:
0x2de: {  	v63 =	vmul.f32 v60, v35;
	v20 =	vadd.f32 v62, v20;
	(pc) =	sbr.rel @p0 .LBB2_3-.Ltmp0, $3  }
0x2df: {  	_ = 	snop  }
0x2e0: {  	v20 =	vadd.f32 v63, v20;
	_ =	sdelay $0x1  }
0x2e1: {  	s26 =	sadd.s32 $0x1, s26;
	[tilespmem:s30+$0x1C470] =	vst v20  }
0x2e2: {  	s9 =	sadd.s32 s5, s9  }
0x2e3: {  	s9 =	sshll.u32 s9, $0x8  }
0x2e4: {  	s9 =	sadd.s32 s4, s9  }
0x2e5: {  	[hbm4b:s9+s2] =	stream.linear.scatter [tilespmem:s21], [sflag:$0x3], $0x800, $0x38;
	[tilespmem:$0x1D000] =	vst v63  }
0x2e6: {  	_ =	swait.ge [sflag:s22], $0x8000  }
0x2e7: {  	p0 =	seq.s32 s6, $0x5F;
	[sflag:s22] =	ssyncset.done $0x0  }
0x2e8: {  	s9 =	sshrl.u32 @!p0 s24, $0x2;
	[sflag:s22] =	ssyncadd.s32 $0xFFFF8000  }
0x2e9: {  	v19 =	vld @!p0 [tilespmem:s9+$0x100];
	_ =	sdelay $0x4  }
0x2ea: {  	v20 =	vshll.u32 @!p0 v19, $0x1  }
0x2eb: {  	v21 =	vlaneseq.u32 @!p0;
	v19 =	vand.u32 @!p0 $0x7, v19;
	v20 =	vand.u32 @!p0 $0xFFFFFFF0, v20  }
0x2ec: {  	v22 =	vshrl.u32 @!p0 v21, $0x3;
	v19 =	vor.u32 @!p0 v19, v20;
	v20 =	vand.u32 @!p0 $0x7, v21  }
0x2ed: {  	v22 =	vmul.u32 @!p0 $0x8, v22;
	v23 =	vperm.xlane @!p0 v19, v20  }
0x2ee: {  	v21 =	vor.u32 @!p0 $0x8, v21  }
0x2ef: {  	v19 =	vperm.xlane @!p0 v19, v21;
	v23 =	vadd.s32 @!p0 v22, v23;
	_ =	sdelay $0x1  }
0x2f0: {  	v19 =	vadd.s32 @!p0 v22, v19;
	_ =	sdelay $0x1  }
0x2f1: {  	vm1 =	vmmov @!p0 $0xffff;
	s26 =	simm.s32 @!p0 $0xC000;
	s24 =	simm.s32 @!p0 $0x0  }
0x2f2: {  	[tilespmem:s26], [sflag:$0x1] =	stream.indirect_vreg.gather @!p0 [hbm4b:s3+s24], $0x80, v23, vm1, $0xb8;
	[tilespmem:$0x1D000] =	vst v63  }
0x2f3: {  	s26 =	simm.s32 @!p0 $0xC800  }
0x2f4: {  	[tilespmem:s26], [sflag:$0x1] =	stream.indirect_vreg.gather @!p0 [hbm4b:s3+s24], $0x80, v19, vm1, $0xb8;
	[tilespmem:$0x1D000] =	vst v63  }
0x2f5: {  	v19 =	vld @!p0 [tilespmem:s9+$0x110];
	_ =	sdelay $0x4  }
0x2f6: {  	v23 =	vshll.u32 @!p0 v19, $0x1  }
0x2f7: {  	v19 =	vand.u32 @!p0 $0x7, v19;
	v23 =	vand.u32 @!p0 $0xFFFFFFF0, v23  }
0x2f8: {  	v19 =	vor.u32 @!p0 v19, v23  }
0x2f9: {  	v23 =	vperm.xlane @!p0 v19, v20;
	_ =	sdelay $0x1  }
0x2fa: {  	v19 =	vperm.xlane @!p0 v19, v21;
	v23 =	vadd.s32 @!p0 v22, v23;
	_ =	sdelay $0x1  }
0x2fb: {  	v19 =	vadd.s32 @!p0 v22, v19;
	_ =	sdelay $0x1  }
0x2fc: {  	s26 =	simm.s32 @!p0 $0xD000  }
0x2fd: {  	[tilespmem:s26], [sflag:$0x1] =	stream.indirect_vreg.gather @!p0 [hbm4b:s3+s24], $0x80, v23, vm1, $0xb8;
	[tilespmem:$0x1D000] =	vst v63  }
0x2fe: {  	s26 =	simm.s32 @!p0 $0xD800  }
0x2ff: {  	[tilespmem:s26], [sflag:$0x1] =	stream.indirect_vreg.gather @!p0 [hbm4b:s3+s24], $0x80, v19, vm1, $0xb8;
	[tilespmem:$0x1D000] =	vst v63  }
0x300: {  	v19 =	vld @!p0 [tilespmem:s9+$0x120];
	_ =	sdelay $0x4  }
0x301: {  	v23 =	vshll.u32 @!p0 v19, $0x1  }
0x302: {  	v19 =	vand.u32 @!p0 $0x7, v19;
	v23 =	vand.u32 @!p0 $0xFFFFFFF0, v23  }
0x303: {  	v19 =	vor.u32 @!p0 v19, v23  }
0x304: {  	v23 =	vperm.xlane @!p0 v19, v20;
	_ =	sdelay $0x1  }
0x305: {  	v19 =	vperm.xlane @!p0 v19, v21;
	v23 =	vadd.s32 @!p0 v22, v23;
	_ =	sdelay $0x1  }
0x306: {  	v19 =	vadd.s32 @!p0 v22, v19;
	_ =	sdelay $0x1  }
0x307: {  	s26 =	simm.s32 @!p0 $0xE000  }
0x308: {  	[tilespmem:s26], [sflag:$0x1] =	stream.indirect_vreg.gather @!p0 [hbm4b:s3+s24], $0x80, v23, vm1, $0xb8;
	[tilespmem:$0x1D000] =	vst v63  }
0x309: {  	s26 =	simm.s32 @!p0 $0xE800  }
0x30a: {  	[tilespmem:s26], [sflag:$0x1] =	stream.indirect_vreg.gather @!p0 [hbm4b:s3+s24], $0x80, v19, vm1, $0xb8;
	[tilespmem:$0x1D000] =	vst v63  }
0x30b: {  	v19 =	vld @!p0 [tilespmem:s9+$0x130];
	_ =	sdelay $0x4  }
0x30c: {  	v23 =	vshll.u32 @!p0 v19, $0x1  }
0x30d: {  	v19 =	vand.u32 @!p0 $0x7, v19;
	v23 =	vand.u32 @!p0 $0xFFFFFFF0, v23  }
0x30e: {  	v19 =	vor.u32 @!p0 v19, v23  }
0x30f: {  	v23 =	vperm.xlane @!p0 v19, v20;
	_ =	sdelay $0x1  }
0x310: {  	v19 =	vperm.xlane @!p0 v19, v21;
	v23 =	vadd.s32 @!p0 v22, v23;
	_ =	sdelay $0x1  }
0x311: {  	v19 =	vadd.s32 @!p0 v22, v19;
	_ =	sdelay $0x1  }
0x312: {  	s26 =	simm.s32 @!p0 $0xF000  }
0x313: {  	[tilespmem:s26], [sflag:$0x1] =	stream.indirect_vreg.gather @!p0 [hbm4b:s3+s24], $0x80, v23, vm1, $0xb8;
	[tilespmem:$0x1D000] =	vst v63  }
0x314: {  	s26 =	simm.s32 @!p0 $0xF800  }
0x315: {  	[tilespmem:s26], [sflag:$0x1] =	stream.indirect_vreg.gather @!p0 [hbm4b:s3+s24], $0x80, v19, vm1, $0xb8;
	[tilespmem:$0x1D000] =	vst v63  }
0x316: {  	v19 =	vld @!p0 [tilespmem:s9+$0x140];
	_ =	sdelay $0x4  }
0x317: {  	v23 =	vshll.u32 @!p0 v19, $0x1  }
0x318: {  	v19 =	vand.u32 @!p0 $0x7, v19;
	v23 =	vand.u32 @!p0 $0xFFFFFFF0, v23  }
0x319: {  	v19 =	vor.u32 @!p0 v19, v23  }
0x31a: {  	v23 =	vperm.xlane @!p0 v19, v20;
	_ =	sdelay $0x1  }
0x31b: {  	v19 =	vperm.xlane @!p0 v19, v21;
	v23 =	vadd.s32 @!p0 v22, v23;
	_ =	sdelay $0x1  }
0x31c: {  	v19 =	vadd.s32 @!p0 v22, v19;
	_ =	sdelay $0x1  }
0x31d: {  	s26 =	simm.s32 @!p0 $0x10000  }
0x31e: {  	[tilespmem:s26], [sflag:$0x1] =	stream.indirect_vreg.gather @!p0 [hbm4b:s3+s24], $0x80, v23, vm1, $0xb8;
	[tilespmem:$0x1D000] =	vst v63  }
0x31f: {  	s26 =	simm.s32 @!p0 $0x10800  }
0x320: {  	[tilespmem:s26], [sflag:$0x1] =	stream.indirect_vreg.gather @!p0 [hbm4b:s3+s24], $0x80, v19, vm1, $0xb8;
	[tilespmem:$0x1D000] =	vst v63  }
0x321: {  	v19 =	vld @!p0 [tilespmem:s9+$0x150];
	_ =	sdelay $0x4  }
0x322: {  	v23 =	vshll.u32 @!p0 v19, $0x1  }
0x323: {  	v19 =	vand.u32 @!p0 $0x7, v19;
	v23 =	vand.u32 @!p0 $0xFFFFFFF0, v23  }
0x324: {  	v19 =	vor.u32 @!p0 v19, v23  }
0x325: {  	v23 =	vperm.xlane @!p0 v19, v20;
	_ =	sdelay $0x1  }
0x326: {  	v19 =	vperm.xlane @!p0 v19, v21;
	v23 =	vadd.s32 @!p0 v22, v23;
	_ =	sdelay $0x1  }
0x327: {  	v19 =	vadd.s32 @!p0 v22, v19;
	_ =	sdelay $0x1  }
0x328: {  	s26 =	simm.s32 @!p0 $0x11000  }
0x329: {  	[tilespmem:s26], [sflag:$0x1] =	stream.indirect_vreg.gather @!p0 [hbm4b:s3+s24], $0x80, v23, vm1, $0xb8;
	[tilespmem:$0x1D000] =	vst v63  }
0x32a: {  	s26 =	simm.s32 @!p0 $0x11800  }
0x32b: {  	[tilespmem:s26], [sflag:$0x1] =	stream.indirect_vreg.gather @!p0 [hbm4b:s3+s24], $0x80, v19, vm1, $0xb8;
	[tilespmem:$0x1D000] =	vst v63  }
0x32c: {  	v19 =	vld @!p0 [tilespmem:s9+$0x160];
	_ =	sdelay $0x4  }
0x32d: {  	v23 =	vshll.u32 @!p0 v19, $0x1  }
0x32e: {  	v19 =	vand.u32 @!p0 $0x7, v19;
	v23 =	vand.u32 @!p0 $0xFFFFFFF0, v23  }
0x32f: {  	v19 =	vor.u32 @!p0 v19, v23  }
0x330: {  	v23 =	vperm.xlane @!p0 v19, v20;
	_ =	sdelay $0x1  }
0x331: {  	v19 =	vperm.xlane @!p0 v19, v21;
	v23 =	vadd.s32 @!p0 v22, v23;
	_ =	sdelay $0x1  }
0x332: {  	v19 =	vadd.s32 @!p0 v22, v19;
	_ =	sdelay $0x1  }
0x333: {  	s26 =	simm.s32 @!p0 $0x12000  }
0x334: {  	[tilespmem:s26], [sflag:$0x1] =	stream.indirect_vreg.gather @!p0 [hbm4b:s3+s24], $0x80, v23, vm1, $0xb8;
	[tilespmem:$0x1D000] =	vst v63  }
0x335: {  	s26 =	simm.s32 @!p0 $0x12800  }
0x336: {  	[tilespmem:s26], [sflag:$0x1] =	stream.indirect_vreg.gather @!p0 [hbm4b:s3+s24], $0x80, v19, vm1, $0xb8;
	[tilespmem:$0x1D000] =	vst v63  }
0x337: {  	v19 =	vld @!p0 [tilespmem:s9+$0x170];
	_ =	sdelay $0x4  }
0x338: {  	v23 =	vshll.u32 @!p0 v19, $0x1  }
0x339: {  	v19 =	vand.u32 @!p0 $0x7, v19;
	v23 =	vand.u32 @!p0 $0xFFFFFFF0, v23  }
0x33a: {  	v19 =	vor.u32 @!p0 v19, v23  }
0x33b: {  	v20 =	vperm.xlane @!p0 v19, v20;
	_ =	sdelay $0x1  }
0x33c: {  	v19 =	vperm.xlane @!p0 v19, v21;
	v20 =	vadd.s32 @!p0 v22, v20;
	_ =	sdelay $0x1  }
0x33d: {  	v19 =	vadd.s32 @!p0 v22, v19;
	_ =	sdelay $0x1  }
0x33e: {  	s9 =	simm.s32 @!p0 $0x13000  }
0x33f: {  	[tilespmem:s9], [sflag:$0x1] =	stream.indirect_vreg.gather @!p0 [hbm4b:s3+s24], $0x80, v20, vm1, $0xb8;
	[tilespmem:$0x1D000] =	vst v63  }
0x340: {  	p1 =	seq.s32 @!p0 s6, $0x0;
	s9 =	simm.s32 @!p0 $0x13800  }
0x341: {  	[tilespmem:s9], [sflag:$0x1] =	stream.indirect_vreg.gather @!p0 [hbm4b:s3+s24], $0x80, v19, vm1, $0xb8;
	[tilespmem:$0x1D000] =	vst v63  }
0x342: {  	s30 =	sadd.s32 $0x6000, s8;
	p0 =	por p0, !p1  }
0x343: {  	v19 =	vmov s30;
	_ =	swait.ge @p0 [sflag:s25], $0x800  }
0x344: {  	[sflag:s25] =	ssyncset.done @p0 $0x0  }
0x345: {  	s8 =	simm.s32 $0x0;
	[sflag:s25] =	ssyncadd.s32 @p0 $0xFFFFF800  }
.LBB2_5:
0x346: {  	s9 =	sshll.u32 s8, $0x4  }
0x347: {  	s24 =	sshll.u32 s8, $0xC;
	s9 =	sand.u32 $0x3FFFFFF0, s9  }
0x348: {  	s29 =	sand.u32 $0x3FFFF000, s24;
	v35 =	vld.idx.msk [tilespmem:v19+s9+$0x0 ss:$0x1], $0xffff  }
0x349: {  	v23 =	vld [tilespmem:s29+$0x14000]  }
0x34a: {  	v24 =	vld [tilespmem:s29+$0x14080];
	_ =	sdelay $0x1  }
0x34b: {  	v25 =	vld [tilespmem:s29+$0x14100]  }
0x34c: {  	v21 =	vperm.xlane v35, v3;
	v22 =	vperm.xlane v35, v4  }
0x34d: {  	v26 =	vld [tilespmem:s29+$0x14180];
	v20 =	vperm.xlane v35, v5  }
0x34e: {  	v27 =	vmul.f32 v23, v21;
	v24 =	vmul.f32 v24, v22  }
0x34f: {  	v28 =	vld [tilespmem:s29+$0x14200]  }
0x350: {  	v23 =	vperm.xlane v35, v6;
	v25 =	vmul.f32 v25, v20;
	v27 =	vadd.f32 v24, v27  }
0x351: {  	v29 =	vld [tilespmem:s29+$0x14280]  }
0x352: {  	v24 =	vperm.xlane v35, v7;
	v26 =	vmul.f32 v26, v23;
	v27 =	vadd.f32 v25, v27  }
0x353: {  	v30 =	vld [tilespmem:s29+$0x14300]  }
0x354: {  	v25 =	vperm.xlane v35, v8;
	v28 =	vmul.f32 v28, v24;
	v27 =	vadd.f32 v26, v27  }
0x355: {  	v31 =	vld [tilespmem:s29+$0x14380]  }
0x356: {  	v26 =	vperm.xlane v35, v9;
	v29 =	vmul.f32 v29, v25;
	v28 =	vadd.f32 v28, v27  }
0x357: {  	v32 =	vld [tilespmem:s29+$0x14800]  }
0x358: {  	v27 =	vperm.xlane v35, v10;
	v30 =	vmul.f32 v30, v26;
	v29 =	vadd.f32 v29, v28  }
0x359: {  	v33 =	vld [tilespmem:s29+$0x14880]  }
0x35a: {  	v28 =	vperm.xlane v35, v11;
	v31 =	vmul.f32 v31, v27;
	v30 =	vadd.f32 v30, v29  }
0x35b: {  	v34 =	vld [tilespmem:s29+$0x14900]  }
0x35c: {  	v29 =	vperm.xlane v35, v12;
	v32 =	vmul.f32 v32, v28;
	v31 =	vadd.f32 v31, v30  }
0x35d: {  	v36 =	vld [tilespmem:s29+$0x14980]  }
0x35e: {  	v30 =	vperm.xlane v35, v13;
	v33 =	vmul.f32 v33, v29;
	v32 =	vadd.f32 v32, v31  }
0x35f: {  	v37 =	vld [tilespmem:s29+$0x14A00]  }
0x360: {  	v31 =	vperm.xlane v35, v14;
	v34 =	vmul.f32 v34, v30;
	v33 =	vadd.f32 v33, v32  }
0x361: {  	v38 =	vld [tilespmem:s29+$0x14A80]  }
0x362: {  	v32 =	vperm.xlane v35, v15;
	v36 =	vmul.f32 v36, v31;
	v34 =	vadd.f32 v34, v33  }
0x363: {  	v39 =	vld [tilespmem:s29+$0x14B00]  }
0x364: {  	v33 =	vperm.xlane v35, v16;
	v37 =	vmul.f32 v37, v32;
	v36 =	vadd.f32 v36, v34  }
0x365: {  	v40 =	vld [tilespmem:s29+$0x14B80]  }
0x366: {  	v34 =	vperm.xlane v35, v17;
	v51 =	vmul.f32 v38, v33;
	v36 =	vadd.f32 v37, v36;
	_ =	sdelay $0x1  }
0x367: {  	v35 =	vperm.xlane v35, v18;
	v52 =	vmul.f32 v39, v34;
	v36 =	vadd.f32 v51, v36;
	_ =	sdelay $0x1  }
0x368: {  	v53 =	vmul.f32 v40, v35;
	v36 =	vadd.f32 v52, v36;
	_ =	sdelay $0x1  }
0x369: {  	s30 =	sshll.u32 s8, $0x7;
	v36 =	vadd.f32 v53, v36  }
0x36a: {  	s24 =	sand.u32 $0x3FFFFF80, s30  }
0x36b: {  	[tilespmem:s24+$0x1C800] =	vst v36  }
0x36c: {  	v36 =	vld [tilespmem:s29+$0x14010]  }
0x36d: {  	v54 =	vld [tilespmem:s29+$0x14090];
	_ =	sdelay $0x1  }
0x36e: {  	v55 =	vld [tilespmem:s29+$0x14110];
	_ =	sdelay $0x1  }
0x36f: {  	v56 =	vld [tilespmem:s29+$0x14190]  }
0x370: {  	v36 =	vmul.f32 v36, v21;
	v37 =	vmul.f32 v54, v22  }
0x371: {  	v57 =	vld [tilespmem:s29+$0x14210]  }
0x372: {  	v58 =	vmul.f32 v55, v20;
	v36 =	vadd.f32 v37, v36  }
0x373: {  	v59 =	vld [tilespmem:s29+$0x14290]  }
0x374: {  	v60 =	vmul.f32 v56, v23;
	v36 =	vadd.f32 v58, v36  }
0x375: {  	v61 =	vld [tilespmem:s29+$0x14310]  }
0x376: {  	v62 =	vmul.f32 v57, v24;
	v36 =	vadd.f32 v60, v36  }
0x377: {  	v63 =	vld [tilespmem:s29+$0x14390]  }
0x378: {  	v43 =	vmul.f32 v59, v25;
	v36 =	vadd.f32 v62, v36  }
0x379: {  	v44 =	vld [tilespmem:s29+$0x14810]  }
0x37a: {  	v45 =	vmul.f32 v61, v26;
	v36 =	vadd.f32 v43, v36  }
0x37b: {  	v46 =	vld [tilespmem:s29+$0x14890]  }
0x37c: {  	v47 =	vmul.f32 v63, v27;
	v36 =	vadd.f32 v45, v36  }
0x37d: {  	v48 =	vld [tilespmem:s29+$0x14910]  }
0x37e: {  	v49 =	vmul.f32 v44, v28;
	v36 =	vadd.f32 v47, v36  }
0x37f: {  	v50 =	vld [tilespmem:s29+$0x14990]  }
0x380: {  	v51 =	vmul.f32 v46, v29;
	v36 =	vadd.f32 v49, v36  }
0x381: {  	v52 =	vld [tilespmem:s29+$0x14A10]  }
0x382: {  	v53 =	vmul.f32 v48, v30;
	v36 =	vadd.f32 v51, v36  }
0x383: {  	v54 =	vld [tilespmem:s29+$0x14A90]  }
0x384: {  	v55 =	vmul.f32 v50, v31;
	v36 =	vadd.f32 v53, v36  }
0x385: {  	v56 =	vld [tilespmem:s29+$0x14B10]  }
0x386: {  	v57 =	vmul.f32 v52, v32;
	v36 =	vadd.f32 v55, v36  }
0x387: {  	v58 =	vld [tilespmem:s29+$0x14B90]  }
0x388: {  	v59 =	vmul.f32 v54, v33;
	v36 =	vadd.f32 v57, v36;
	_ =	sdelay $0x1  }
0x389: {  	v60 =	vmul.f32 v56, v34;
	v36 =	vadd.f32 v59, v36;
	_ =	sdelay $0x1  }
0x38a: {  	v61 =	vmul.f32 v58, v35;
	v36 =	vadd.f32 v60, v36;
	_ =	sdelay $0x1  }
0x38b: {  	v36 =	vadd.f32 v61, v36;
	_ =	sdelay $0x1  }
0x38c: {  	[tilespmem:s24+$0x1C810] =	vst v36  }
0x38d: {  	v36 =	vld [tilespmem:s29+$0x14020]  }
0x38e: {  	v62 =	vld [tilespmem:s29+$0x140A0];
	_ =	sdelay $0x1  }
0x38f: {  	v63 =	vld [tilespmem:s29+$0x14120];
	_ =	sdelay $0x1  }
0x390: {  	v44 =	vld [tilespmem:s29+$0x141A0]  }
0x391: {  	v36 =	vmul.f32 v36, v21;
	v37 =	vmul.f32 v62, v22  }
0x392: {  	v45 =	vld [tilespmem:s29+$0x14220]  }
0x393: {  	v46 =	vmul.f32 v63, v20;
	v36 =	vadd.f32 v37, v36  }
0x394: {  	v47 =	vld [tilespmem:s29+$0x142A0]  }
0x395: {  	v48 =	vmul.f32 v44, v23;
	v36 =	vadd.f32 v46, v36  }
0x396: {  	v49 =	vld [tilespmem:s29+$0x14320]  }
0x397: {  	v50 =	vmul.f32 v45, v24;
	v36 =	vadd.f32 v48, v36  }
0x398: {  	v51 =	vld [tilespmem:s29+$0x143A0]  }
0x399: {  	v52 =	vmul.f32 v47, v25;
	v36 =	vadd.f32 v50, v36  }
0x39a: {  	v53 =	vld [tilespmem:s29+$0x14820]  }
0x39b: {  	v54 =	vmul.f32 v49, v26;
	v36 =	vadd.f32 v52, v36  }
0x39c: {  	v55 =	vld [tilespmem:s29+$0x148A0]  }
0x39d: {  	v56 =	vmul.f32 v51, v27;
	v36 =	vadd.f32 v54, v36  }
0x39e: {  	v57 =	vld [tilespmem:s29+$0x14920]  }
0x39f: {  	v58 =	vmul.f32 v53, v28;
	v36 =	vadd.f32 v56, v36  }
0x3a0: {  	v59 =	vld [tilespmem:s29+$0x149A0]  }
0x3a1: {  	v60 =	vmul.f32 v55, v29;
	v36 =	vadd.f32 v58, v36  }
0x3a2: {  	v61 =	vld [tilespmem:s29+$0x14A20]  }
0x3a3: {  	v62 =	vmul.f32 v57, v30;
	v36 =	vadd.f32 v60, v36  }
0x3a4: {  	v63 =	vld [tilespmem:s29+$0x14AA0]  }
0x3a5: {  	v42 =	vmul.f32 v59, v31;
	v36 =	vadd.f32 v62, v36  }
0x3a6: {  	v43 =	vld [tilespmem:s29+$0x14B20]  }
0x3a7: {  	v44 =	vmul.f32 v61, v32;
	v36 =	vadd.f32 v42, v36  }
0x3a8: {  	v45 =	vld [tilespmem:s29+$0x14BA0]  }
0x3a9: {  	v46 =	vmul.f32 v63, v33;
	v36 =	vadd.f32 v44, v36;
	_ =	sdelay $0x1  }
0x3aa: {  	v47 =	vmul.f32 v43, v34;
	v36 =	vadd.f32 v46, v36;
	_ =	sdelay $0x1  }
0x3ab: {  	v48 =	vmul.f32 v45, v35;
	v36 =	vadd.f32 v47, v36;
	_ =	sdelay $0x1  }
0x3ac: {  	v36 =	vadd.f32 v48, v36;
	_ =	sdelay $0x1  }
0x3ad: {  	[tilespmem:s24+$0x1C820] =	vst v36  }
0x3ae: {  	v36 =	vld [tilespmem:s29+$0x14030]  }
0x3af: {  	v49 =	vld [tilespmem:s29+$0x140B0];
	_ =	sdelay $0x1  }
0x3b0: {  	v50 =	vld [tilespmem:s29+$0x14130];
	_ =	sdelay $0x1  }
0x3b1: {  	v51 =	vld [tilespmem:s29+$0x141B0]  }
0x3b2: {  	v36 =	vmul.f32 v36, v21;
	v37 =	vmul.f32 v49, v22  }
0x3b3: {  	v52 =	vld [tilespmem:s29+$0x14230]  }
0x3b4: {  	v53 =	vmul.f32 v50, v20;
	v36 =	vadd.f32 v37, v36  }
0x3b5: {  	v54 =	vld [tilespmem:s29+$0x142B0]  }
0x3b6: {  	v55 =	vmul.f32 v51, v23;
	v36 =	vadd.f32 v53, v36  }
0x3b7: {  	v56 =	vld [tilespmem:s29+$0x14330]  }
0x3b8: {  	v57 =	vmul.f32 v52, v24;
	v36 =	vadd.f32 v55, v36  }
0x3b9: {  	v58 =	vld [tilespmem:s29+$0x143B0]  }
0x3ba: {  	v59 =	vmul.f32 v54, v25;
	v36 =	vadd.f32 v57, v36  }
0x3bb: {  	v60 =	vld [tilespmem:s29+$0x14830]  }
0x3bc: {  	v61 =	vmul.f32 v56, v26;
	v36 =	vadd.f32 v59, v36  }
0x3bd: {  	v62 =	vld [tilespmem:s29+$0x148B0]  }
0x3be: {  	v63 =	vmul.f32 v58, v27;
	v36 =	vadd.f32 v61, v36  }
0x3bf: {  	v44 =	vld [tilespmem:s29+$0x14930]  }
0x3c0: {  	v45 =	vmul.f32 v60, v28;
	v36 =	vadd.f32 v63, v36  }
0x3c1: {  	v46 =	vld [tilespmem:s29+$0x149B0]  }
0x3c2: {  	v47 =	vmul.f32 v62, v29;
	v36 =	vadd.f32 v45, v36  }
0x3c3: {  	v48 =	vld [tilespmem:s29+$0x14A30]  }
0x3c4: {  	v49 =	vmul.f32 v44, v30;
	v36 =	vadd.f32 v47, v36  }
0x3c5: {  	v50 =	vld [tilespmem:s29+$0x14AB0]  }
0x3c6: {  	v51 =	vmul.f32 v46, v31;
	v36 =	vadd.f32 v49, v36  }
0x3c7: {  	v52 =	vld [tilespmem:s29+$0x14B30]  }
0x3c8: {  	v53 =	vmul.f32 v48, v32;
	v36 =	vadd.f32 v51, v36  }
0x3c9: {  	v54 =	vld [tilespmem:s29+$0x14BB0]  }
0x3ca: {  	v55 =	vmul.f32 v50, v33;
	v36 =	vadd.f32 v53, v36;
	_ =	sdelay $0x1  }
0x3cb: {  	v56 =	vmul.f32 v52, v34;
	v36 =	vadd.f32 v55, v36;
	_ =	sdelay $0x1  }
0x3cc: {  	v57 =	vmul.f32 v54, v35;
	v36 =	vadd.f32 v56, v36;
	_ =	sdelay $0x1  }
0x3cd: {  	v36 =	vadd.f32 v57, v36;
	_ =	sdelay $0x1  }
0x3ce: {  	[tilespmem:s24+$0x1C830] =	vst v36  }
0x3cf: {  	v36 =	vld [tilespmem:s29+$0x14040]  }
0x3d0: {  	v58 =	vld [tilespmem:s29+$0x140C0];
	_ =	sdelay $0x1  }
0x3d1: {  	v59 =	vld [tilespmem:s29+$0x14140];
	_ =	sdelay $0x1  }
0x3d2: {  	v60 =	vld [tilespmem:s29+$0x141C0]  }
0x3d3: {  	v36 =	vmul.f32 v36, v21;
	v37 =	vmul.f32 v58, v22  }
0x3d4: {  	v61 =	vld [tilespmem:s29+$0x14240]  }
0x3d5: {  	v62 =	vmul.f32 v59, v20;
	v36 =	vadd.f32 v37, v36  }
0x3d6: {  	v63 =	vld [tilespmem:s29+$0x142C0]  }
0x3d7: {  	v44 =	vmul.f32 v60, v23;
	v36 =	vadd.f32 v62, v36  }
0x3d8: {  	v45 =	vld [tilespmem:s29+$0x14340]  }
0x3d9: {  	v46 =	vmul.f32 v61, v24;
	v36 =	vadd.f32 v44, v36  }
0x3da: {  	v47 =	vld [tilespmem:s29+$0x143C0]  }
0x3db: {  	v48 =	vmul.f32 v63, v25;
	v36 =	vadd.f32 v46, v36  }
0x3dc: {  	v49 =	vld [tilespmem:s29+$0x14840]  }
0x3dd: {  	v50 =	vmul.f32 v45, v26;
	v36 =	vadd.f32 v48, v36  }
0x3de: {  	v51 =	vld [tilespmem:s29+$0x148C0]  }
0x3df: {  	v52 =	vmul.f32 v47, v27;
	v36 =	vadd.f32 v50, v36  }
0x3e0: {  	v53 =	vld [tilespmem:s29+$0x14940]  }
0x3e1: {  	v54 =	vmul.f32 v49, v28;
	v36 =	vadd.f32 v52, v36  }
0x3e2: {  	v55 =	vld [tilespmem:s29+$0x149C0]  }
0x3e3: {  	v56 =	vmul.f32 v51, v29;
	v36 =	vadd.f32 v54, v36  }
0x3e4: {  	v57 =	vld [tilespmem:s29+$0x14A40]  }
0x3e5: {  	v58 =	vmul.f32 v53, v30;
	v36 =	vadd.f32 v56, v36  }
0x3e6: {  	v59 =	vld [tilespmem:s29+$0x14AC0]  }
0x3e7: {  	v60 =	vmul.f32 v55, v31;
	v36 =	vadd.f32 v58, v36  }
0x3e8: {  	v61 =	vld [tilespmem:s29+$0x14B40]  }
0x3e9: {  	v62 =	vmul.f32 v57, v32;
	v36 =	vadd.f32 v60, v36  }
0x3ea: {  	v63 =	vld [tilespmem:s29+$0x14BC0]  }
0x3eb: {  	v40 =	vmul.f32 v59, v33;
	v36 =	vadd.f32 v62, v36;
	_ =	sdelay $0x1  }
0x3ec: {  	v41 =	vmul.f32 v61, v34;
	v36 =	vadd.f32 v40, v36;
	_ =	sdelay $0x1  }
0x3ed: {  	v42 =	vmul.f32 v63, v35;
	v36 =	vadd.f32 v41, v36;
	_ =	sdelay $0x1  }
0x3ee: {  	v36 =	vadd.f32 v42, v36;
	_ =	sdelay $0x1  }
0x3ef: {  	[tilespmem:s24+$0x1C840] =	vst v36  }
0x3f0: {  	v36 =	vld [tilespmem:s29+$0x14050]  }
0x3f1: {  	v43 =	vld [tilespmem:s29+$0x140D0];
	_ =	sdelay $0x1  }
0x3f2: {  	v44 =	vld [tilespmem:s29+$0x14150];
	_ =	sdelay $0x1  }
0x3f3: {  	v45 =	vld [tilespmem:s29+$0x141D0]  }
0x3f4: {  	v36 =	vmul.f32 v36, v21;
	v37 =	vmul.f32 v43, v22  }
0x3f5: {  	v46 =	vld [tilespmem:s29+$0x14250]  }
0x3f6: {  	v47 =	vmul.f32 v44, v20;
	v36 =	vadd.f32 v37, v36  }
0x3f7: {  	v48 =	vld [tilespmem:s29+$0x142D0]  }
0x3f8: {  	v49 =	vmul.f32 v45, v23;
	v36 =	vadd.f32 v47, v36  }
0x3f9: {  	v50 =	vld [tilespmem:s29+$0x14350]  }
0x3fa: {  	v51 =	vmul.f32 v46, v24;
	v36 =	vadd.f32 v49, v36  }
0x3fb: {  	v52 =	vld [tilespmem:s29+$0x143D0]  }
0x3fc: {  	v53 =	vmul.f32 v48, v25;
	v36 =	vadd.f32 v51, v36  }
0x3fd: {  	v54 =	vld [tilespmem:s29+$0x14850]  }
0x3fe: {  	v55 =	vmul.f32 v50, v26;
	v36 =	vadd.f32 v53, v36  }
0x3ff: {  	v56 =	vld [tilespmem:s29+$0x148D0]  }
0x400: {  	v57 =	vmul.f32 v52, v27;
	v36 =	vadd.f32 v55, v36  }
0x401: {  	v58 =	vld [tilespmem:s29+$0x14950]  }
0x402: {  	v59 =	vmul.f32 v54, v28;
	v36 =	vadd.f32 v57, v36  }
0x403: {  	v60 =	vld [tilespmem:s29+$0x149D0]  }
0x404: {  	v61 =	vmul.f32 v56, v29;
	v36 =	vadd.f32 v59, v36  }
0x405: {  	v62 =	vld [tilespmem:s29+$0x14A50]  }
0x406: {  	v63 =	vmul.f32 v58, v30;
	v36 =	vadd.f32 v61, v36  }
0x407: {  	v44 =	vld [tilespmem:s29+$0x14AD0]  }
0x408: {  	v45 =	vmul.f32 v60, v31;
	v36 =	vadd.f32 v63, v36  }
0x409: {  	v46 =	vld [tilespmem:s29+$0x14B50]  }
0x40a: {  	v47 =	vmul.f32 v62, v32;
	v36 =	vadd.f32 v45, v36  }
0x40b: {  	v48 =	vld [tilespmem:s29+$0x14BD0]  }
0x40c: {  	v49 =	vmul.f32 v44, v33;
	v36 =	vadd.f32 v47, v36;
	_ =	sdelay $0x1  }
0x40d: {  	v50 =	vmul.f32 v46, v34;
	v36 =	vadd.f32 v49, v36;
	_ =	sdelay $0x1  }
0x40e: {  	v51 =	vmul.f32 v48, v35;
	v36 =	vadd.f32 v50, v36;
	_ =	sdelay $0x1  }
0x40f: {  	v36 =	vadd.f32 v51, v36;
	_ =	sdelay $0x1  }
0x410: {  	[tilespmem:s24+$0x1C850] =	vst v36  }
0x411: {  	v36 =	vld [tilespmem:s29+$0x14060]  }
0x412: {  	v52 =	vld [tilespmem:s29+$0x140E0];
	_ =	sdelay $0x1  }
0x413: {  	v53 =	vld [tilespmem:s29+$0x14160];
	_ =	sdelay $0x1  }
0x414: {  	v54 =	vld [tilespmem:s29+$0x141E0]  }
0x415: {  	v36 =	vmul.f32 v36, v21;
	v37 =	vmul.f32 v52, v22  }
0x416: {  	v55 =	vld [tilespmem:s29+$0x14260]  }
0x417: {  	v56 =	vmul.f32 v53, v20;
	v36 =	vadd.f32 v37, v36  }
0x418: {  	v57 =	vld [tilespmem:s29+$0x142E0]  }
0x419: {  	v58 =	vmul.f32 v54, v23;
	v36 =	vadd.f32 v56, v36  }
0x41a: {  	v59 =	vld [tilespmem:s29+$0x14360]  }
0x41b: {  	v60 =	vmul.f32 v55, v24;
	v36 =	vadd.f32 v58, v36  }
0x41c: {  	v61 =	vld [tilespmem:s29+$0x143E0]  }
0x41d: {  	v62 =	vmul.f32 v57, v25;
	v36 =	vadd.f32 v60, v36  }
0x41e: {  	v63 =	vld [tilespmem:s29+$0x14860]  }
0x41f: {  	v43 =	vmul.f32 v59, v26;
	v36 =	vadd.f32 v62, v36  }
0x420: {  	v44 =	vld [tilespmem:s29+$0x148E0]  }
0x421: {  	v45 =	vmul.f32 v61, v27;
	v36 =	vadd.f32 v43, v36  }
0x422: {  	v46 =	vld [tilespmem:s29+$0x14960]  }
0x423: {  	v47 =	vmul.f32 v63, v28;
	v36 =	vadd.f32 v45, v36  }
0x424: {  	v48 =	vld [tilespmem:s29+$0x149E0]  }
0x425: {  	v49 =	vmul.f32 v44, v29;
	v36 =	vadd.f32 v47, v36  }
0x426: {  	v50 =	vld [tilespmem:s29+$0x14A60]  }
0x427: {  	v51 =	vmul.f32 v46, v30;
	v36 =	vadd.f32 v49, v36  }
0x428: {  	v52 =	vld [tilespmem:s29+$0x14AE0]  }
0x429: {  	v53 =	vmul.f32 v48, v31;
	v36 =	vadd.f32 v51, v36  }
0x42a: {  	v54 =	vld [tilespmem:s29+$0x14B60]  }
0x42b: {  	v55 =	vmul.f32 v50, v32;
	v36 =	vadd.f32 v53, v36  }
0x42c: {  	v56 =	vld [tilespmem:s29+$0x14BE0]  }
0x42d: {  	v57 =	vmul.f32 v52, v33;
	v36 =	vadd.f32 v55, v36;
	_ =	sdelay $0x1  }
0x42e: {  	v58 =	vmul.f32 v54, v34;
	v36 =	vadd.f32 v57, v36;
	_ =	sdelay $0x1  }
0x42f: {  	v59 =	vmul.f32 v56, v35;
	v36 =	vadd.f32 v58, v36;
	_ =	sdelay $0x1  }
0x430: {  	v36 =	vadd.f32 v59, v36;
	_ =	sdelay $0x1  }
0x431: {  	[tilespmem:s24+$0x1C860] =	vst v36  }
0x432: {  	v36 =	vld [tilespmem:s29+$0x14070]  }
0x433: {  	v60 =	vld [tilespmem:s29+$0x140F0];
	_ =	sdelay $0x1  }
0x434: {  	v61 =	vld [tilespmem:s29+$0x14170];
	_ =	sdelay $0x1  }
0x435: {  	v62 =	vld [tilespmem:s29+$0x141F0]  }
0x436: {  	v36 =	vmul.f32 v36, v21;
	v37 =	vmul.f32 v60, v22  }
0x437: {  	v63 =	vld [tilespmem:s29+$0x14270]  }
0x438: {  	v43 =	vmul.f32 v61, v20;
	v36 =	vadd.f32 v37, v36  }
0x439: {  	v44 =	vld [tilespmem:s29+$0x142F0]  }
0x43a: {  	v45 =	vmul.f32 v62, v23;
	v36 =	vadd.f32 v43, v36  }
0x43b: {  	v46 =	vld [tilespmem:s29+$0x14370]  }
0x43c: {  	v47 =	vmul.f32 v63, v24;
	v36 =	vadd.f32 v45, v36  }
0x43d: {  	v48 =	vld [tilespmem:s29+$0x143F0]  }
0x43e: {  	v49 =	vmul.f32 v44, v25;
	v36 =	vadd.f32 v47, v36  }
0x43f: {  	v50 =	vld [tilespmem:s29+$0x14870]  }
0x440: {  	v51 =	vmul.f32 v46, v26;
	v36 =	vadd.f32 v49, v36  }
0x441: {  	v52 =	vld [tilespmem:s29+$0x148F0]  }
0x442: {  	v53 =	vmul.f32 v48, v27;
	v36 =	vadd.f32 v51, v36  }
0x443: {  	v54 =	vld [tilespmem:s29+$0x14970]  }
0x444: {  	v55 =	vmul.f32 v50, v28;
	v36 =	vadd.f32 v53, v36  }
0x445: {  	v56 =	vld [tilespmem:s29+$0x149F0]  }
0x446: {  	v57 =	vmul.f32 v52, v29;
	v36 =	vadd.f32 v55, v36  }
0x447: {  	v58 =	vld [tilespmem:s29+$0x14A70]  }
0x448: {  	v59 =	vmul.f32 v54, v30;
	v36 =	vadd.f32 v57, v36  }
0x449: {  	v60 =	vld [tilespmem:s29+$0x14AF0]  }
0x44a: {  	v61 =	vmul.f32 v56, v31;
	v36 =	vadd.f32 v59, v36  }
0x44b: {  	v62 =	vld [tilespmem:s29+$0x14B70]  }
0x44c: {  	v63 =	vmul.f32 v58, v32;
	v36 =	vadd.f32 v61, v36  }
0x44d: {  	v42 =	vld [tilespmem:s29+$0x14BF0]  }
0x44e: {  	v43 =	vmul.f32 v60, v33;
	v36 =	vadd.f32 v63, v36;
	_ =	sdelay $0x1  }
0x44f: {  	v44 =	vmul.f32 v62, v34;
	v36 =	vadd.f32 v43, v36;
	_ =	sdelay $0x1  }
0x450: {  	v45 =	vmul.f32 v42, v35;
	v36 =	vadd.f32 v44, v36;
	_ =	sdelay $0x1  }
0x451: {  	v36 =	vadd.f32 v45, v36;
	_ =	sdelay $0x1  }
0x452: {  	[tilespmem:s24+$0x1C870] =	vst v36  }
0x453: {  	v36 =	vld [tilespmem:s29+$0x14400]  }
0x454: {  	v46 =	vld [tilespmem:s29+$0x14480];
	_ =	sdelay $0x1  }
0x455: {  	v47 =	vld [tilespmem:s29+$0x14500];
	_ =	sdelay $0x1  }
0x456: {  	v48 =	vld [tilespmem:s29+$0x14580]  }
0x457: {  	v36 =	vmul.f32 v36, v21;
	v37 =	vmul.f32 v46, v22  }
0x458: {  	v49 =	vld [tilespmem:s29+$0x14600]  }
0x459: {  	v50 =	vmul.f32 v47, v20;
	v36 =	vadd.f32 v37, v36  }
0x45a: {  	v51 =	vld [tilespmem:s29+$0x14680]  }
0x45b: {  	v52 =	vmul.f32 v48, v23;
	v36 =	vadd.f32 v50, v36  }
0x45c: {  	v53 =	vld [tilespmem:s29+$0x14700]  }
0x45d: {  	v54 =	vmul.f32 v49, v24;
	v36 =	vadd.f32 v52, v36  }
0x45e: {  	v55 =	vld [tilespmem:s29+$0x14780]  }
0x45f: {  	v56 =	vmul.f32 v51, v25;
	v36 =	vadd.f32 v54, v36  }
0x460: {  	v57 =	vld [tilespmem:s29+$0x14C00]  }
0x461: {  	v58 =	vmul.f32 v53, v26;
	v36 =	vadd.f32 v56, v36  }
0x462: {  	v59 =	vld [tilespmem:s29+$0x14C80]  }
0x463: {  	v60 =	vmul.f32 v55, v27;
	v36 =	vadd.f32 v58, v36  }
0x464: {  	v61 =	vld [tilespmem:s29+$0x14D00]  }
0x465: {  	v62 =	vmul.f32 v57, v28;
	v36 =	vadd.f32 v60, v36  }
0x466: {  	v63 =	vld [tilespmem:s29+$0x14D80]  }
0x467: {  	v43 =	vmul.f32 v59, v29;
	v36 =	vadd.f32 v62, v36  }
0x468: {  	v44 =	vld [tilespmem:s29+$0x14E00]  }
0x469: {  	v45 =	vmul.f32 v61, v30;
	v36 =	vadd.f32 v43, v36  }
0x46a: {  	v46 =	vld [tilespmem:s29+$0x14E80]  }
0x46b: {  	v47 =	vmul.f32 v63, v31;
	v36 =	vadd.f32 v45, v36  }
0x46c: {  	v48 =	vld [tilespmem:s29+$0x14F00]  }
0x46d: {  	v49 =	vmul.f32 v44, v32;
	v36 =	vadd.f32 v47, v36  }
0x46e: {  	v50 =	vld [tilespmem:s29+$0x14F80]  }
0x46f: {  	v51 =	vmul.f32 v46, v33;
	v36 =	vadd.f32 v49, v36;
	_ =	sdelay $0x1  }
0x470: {  	v52 =	vmul.f32 v48, v34;
	v36 =	vadd.f32 v51, v36;
	_ =	sdelay $0x1  }
0x471: {  	v53 =	vmul.f32 v50, v35;
	v36 =	vadd.f32 v52, v36;
	_ =	sdelay $0x1  }
0x472: {  	v36 =	vadd.f32 v53, v36;
	_ =	sdelay $0x1  }
0x473: {  	[tilespmem:s24+$0x1CC00] =	vst v36  }
0x474: {  	v36 =	vld [tilespmem:s29+$0x14410]  }
0x475: {  	v54 =	vld [tilespmem:s29+$0x14490];
	_ =	sdelay $0x1  }
0x476: {  	v55 =	vld [tilespmem:s29+$0x14510];
	_ =	sdelay $0x1  }
0x477: {  	v56 =	vld [tilespmem:s29+$0x14590]  }
0x478: {  	v36 =	vmul.f32 v36, v21;
	v37 =	vmul.f32 v54, v22  }
0x479: {  	v57 =	vld [tilespmem:s29+$0x14610]  }
0x47a: {  	v58 =	vmul.f32 v55, v20;
	v36 =	vadd.f32 v37, v36  }
0x47b: {  	v59 =	vld [tilespmem:s29+$0x14690]  }
0x47c: {  	v60 =	vmul.f32 v56, v23;
	v36 =	vadd.f32 v58, v36  }
0x47d: {  	v61 =	vld [tilespmem:s29+$0x14710]  }
0x47e: {  	v62 =	vmul.f32 v57, v24;
	v36 =	vadd.f32 v60, v36  }
0x47f: {  	v63 =	vld [tilespmem:s29+$0x14790]  }
0x480: {  	v43 =	vmul.f32 v59, v25;
	v36 =	vadd.f32 v62, v36  }
0x481: {  	v44 =	vld [tilespmem:s29+$0x14C10]  }
0x482: {  	v45 =	vmul.f32 v61, v26;
	v36 =	vadd.f32 v43, v36  }
0x483: {  	v46 =	vld [tilespmem:s29+$0x14C90]  }
0x484: {  	v47 =	vmul.f32 v63, v27;
	v36 =	vadd.f32 v45, v36  }
0x485: {  	v48 =	vld [tilespmem:s29+$0x14D10]  }
0x486: {  	v49 =	vmul.f32 v44, v28;
	v36 =	vadd.f32 v47, v36  }
0x487: {  	v50 =	vld [tilespmem:s29+$0x14D90]  }
0x488: {  	v51 =	vmul.f32 v46, v29;
	v36 =	vadd.f32 v49, v36  }
0x489: {  	v52 =	vld [tilespmem:s29+$0x14E10]  }
0x48a: {  	v53 =	vmul.f32 v48, v30;
	v36 =	vadd.f32 v51, v36  }
0x48b: {  	v54 =	vld [tilespmem:s29+$0x14E90]  }
0x48c: {  	v55 =	vmul.f32 v50, v31;
	v36 =	vadd.f32 v53, v36  }
0x48d: {  	v56 =	vld [tilespmem:s29+$0x14F10]  }
0x48e: {  	v57 =	vmul.f32 v52, v32;
	v36 =	vadd.f32 v55, v36  }
0x48f: {  	v58 =	vld [tilespmem:s29+$0x14F90]  }
0x490: {  	v59 =	vmul.f32 v54, v33;
	v36 =	vadd.f32 v57, v36;
	_ =	sdelay $0x1  }
0x491: {  	v60 =	vmul.f32 v56, v34;
	v36 =	vadd.f32 v59, v36;
	_ =	sdelay $0x1  }
0x492: {  	v61 =	vmul.f32 v58, v35;
	v36 =	vadd.f32 v60, v36;
	_ =	sdelay $0x1  }
0x493: {  	v36 =	vadd.f32 v61, v36;
	_ =	sdelay $0x1  }
0x494: {  	[tilespmem:s24+$0x1CC10] =	vst v36  }
0x495: {  	v36 =	vld [tilespmem:s29+$0x14420]  }
0x496: {  	v62 =	vld [tilespmem:s29+$0x144A0];
	_ =	sdelay $0x1  }
0x497: {  	v63 =	vld [tilespmem:s29+$0x14520];
	_ =	sdelay $0x1  }
0x498: {  	v44 =	vld [tilespmem:s29+$0x145A0]  }
0x499: {  	v36 =	vmul.f32 v36, v21;
	v37 =	vmul.f32 v62, v22  }
0x49a: {  	v45 =	vld [tilespmem:s29+$0x14620]  }
0x49b: {  	v46 =	vmul.f32 v63, v20;
	v36 =	vadd.f32 v37, v36  }
0x49c: {  	v47 =	vld [tilespmem:s29+$0x146A0]  }
0x49d: {  	v48 =	vmul.f32 v44, v23;
	v36 =	vadd.f32 v46, v36  }
0x49e: {  	v49 =	vld [tilespmem:s29+$0x14720]  }
0x49f: {  	v50 =	vmul.f32 v45, v24;
	v36 =	vadd.f32 v48, v36  }
0x4a0: {  	v51 =	vld [tilespmem:s29+$0x147A0]  }
0x4a1: {  	v52 =	vmul.f32 v47, v25;
	v36 =	vadd.f32 v50, v36  }
0x4a2: {  	v53 =	vld [tilespmem:s29+$0x14C20]  }
0x4a3: {  	v54 =	vmul.f32 v49, v26;
	v36 =	vadd.f32 v52, v36  }
0x4a4: {  	v55 =	vld [tilespmem:s29+$0x14CA0]  }
0x4a5: {  	v56 =	vmul.f32 v51, v27;
	v36 =	vadd.f32 v54, v36  }
0x4a6: {  	v57 =	vld [tilespmem:s29+$0x14D20]  }
0x4a7: {  	v58 =	vmul.f32 v53, v28;
	v36 =	vadd.f32 v56, v36  }
0x4a8: {  	v59 =	vld [tilespmem:s29+$0x14DA0]  }
0x4a9: {  	v60 =	vmul.f32 v55, v29;
	v36 =	vadd.f32 v58, v36  }
0x4aa: {  	v61 =	vld [tilespmem:s29+$0x14E20]  }
0x4ab: {  	v62 =	vmul.f32 v57, v30;
	v36 =	vadd.f32 v60, v36  }
0x4ac: {  	v63 =	vld [tilespmem:s29+$0x14EA0]  }
0x4ad: {  	v42 =	vmul.f32 v59, v31;
	v36 =	vadd.f32 v62, v36  }
0x4ae: {  	v43 =	vld [tilespmem:s29+$0x14F20]  }
0x4af: {  	v44 =	vmul.f32 v61, v32;
	v36 =	vadd.f32 v42, v36  }
0x4b0: {  	v45 =	vld [tilespmem:s29+$0x14FA0]  }
0x4b1: {  	v46 =	vmul.f32 v63, v33;
	v36 =	vadd.f32 v44, v36;
	_ =	sdelay $0x1  }
0x4b2: {  	v47 =	vmul.f32 v43, v34;
	v36 =	vadd.f32 v46, v36;
	_ =	sdelay $0x1  }
0x4b3: {  	v48 =	vmul.f32 v45, v35;
	v36 =	vadd.f32 v47, v36;
	_ =	sdelay $0x1  }
0x4b4: {  	v36 =	vadd.f32 v48, v36;
	_ =	sdelay $0x1  }
0x4b5: {  	[tilespmem:s24+$0x1CC20] =	vst v36  }
0x4b6: {  	v36 =	vld [tilespmem:s29+$0x14430]  }
0x4b7: {  	v49 =	vld [tilespmem:s29+$0x144B0];
	_ =	sdelay $0x1  }
0x4b8: {  	v50 =	vld [tilespmem:s29+$0x14530];
	_ =	sdelay $0x1  }
0x4b9: {  	v51 =	vld [tilespmem:s29+$0x145B0]  }
0x4ba: {  	v36 =	vmul.f32 v36, v21;
	v37 =	vmul.f32 v49, v22  }
0x4bb: {  	v52 =	vld [tilespmem:s29+$0x14630]  }
0x4bc: {  	v53 =	vmul.f32 v50, v20;
	v36 =	vadd.f32 v37, v36  }
0x4bd: {  	v54 =	vld [tilespmem:s29+$0x146B0]  }
0x4be: {  	v55 =	vmul.f32 v51, v23;
	v36 =	vadd.f32 v53, v36  }
0x4bf: {  	v56 =	vld [tilespmem:s29+$0x14730]  }
0x4c0: {  	v57 =	vmul.f32 v52, v24;
	v36 =	vadd.f32 v55, v36  }
0x4c1: {  	v58 =	vld [tilespmem:s29+$0x147B0]  }
0x4c2: {  	v59 =	vmul.f32 v54, v25;
	v36 =	vadd.f32 v57, v36  }
0x4c3: {  	v60 =	vld [tilespmem:s29+$0x14C30]  }
0x4c4: {  	v61 =	vmul.f32 v56, v26;
	v36 =	vadd.f32 v59, v36  }
0x4c5: {  	v62 =	vld [tilespmem:s29+$0x14CB0]  }
0x4c6: {  	v63 =	vmul.f32 v58, v27;
	v36 =	vadd.f32 v61, v36  }
0x4c7: {  	v44 =	vld [tilespmem:s29+$0x14D30]  }
0x4c8: {  	v45 =	vmul.f32 v60, v28;
	v36 =	vadd.f32 v63, v36  }
0x4c9: {  	v46 =	vld [tilespmem:s29+$0x14DB0]  }
0x4ca: {  	v47 =	vmul.f32 v62, v29;
	v36 =	vadd.f32 v45, v36  }
0x4cb: {  	v48 =	vld [tilespmem:s29+$0x14E30]  }
0x4cc: {  	v49 =	vmul.f32 v44, v30;
	v36 =	vadd.f32 v47, v36  }
0x4cd: {  	v50 =	vld [tilespmem:s29+$0x14EB0]  }
0x4ce: {  	v51 =	vmul.f32 v46, v31;
	v36 =	vadd.f32 v49, v36  }
0x4cf: {  	v52 =	vld [tilespmem:s29+$0x14F30]  }
0x4d0: {  	v53 =	vmul.f32 v48, v32;
	v36 =	vadd.f32 v51, v36  }
0x4d1: {  	v54 =	vld [tilespmem:s29+$0x14FB0]  }
0x4d2: {  	v55 =	vmul.f32 v50, v33;
	v36 =	vadd.f32 v53, v36;
	_ =	sdelay $0x1  }
0x4d3: {  	v56 =	vmul.f32 v52, v34;
	v36 =	vadd.f32 v55, v36;
	_ =	sdelay $0x1  }
0x4d4: {  	v57 =	vmul.f32 v54, v35;
	v36 =	vadd.f32 v56, v36;
	_ =	sdelay $0x1  }
0x4d5: {  	v36 =	vadd.f32 v57, v36;
	_ =	sdelay $0x1  }
0x4d6: {  	[tilespmem:s24+$0x1CC30] =	vst v36  }
0x4d7: {  	v36 =	vld [tilespmem:s29+$0x14440]  }
0x4d8: {  	v58 =	vld [tilespmem:s29+$0x144C0];
	_ =	sdelay $0x1  }
0x4d9: {  	v59 =	vld [tilespmem:s29+$0x14540];
	_ =	sdelay $0x1  }
0x4da: {  	v60 =	vld [tilespmem:s29+$0x145C0]  }
0x4db: {  	v36 =	vmul.f32 v36, v21;
	v37 =	vmul.f32 v58, v22  }
0x4dc: {  	v61 =	vld [tilespmem:s29+$0x14640]  }
0x4dd: {  	v62 =	vmul.f32 v59, v20;
	v36 =	vadd.f32 v37, v36  }
0x4de: {  	v63 =	vld [tilespmem:s29+$0x146C0]  }
0x4df: {  	v44 =	vmul.f32 v60, v23;
	v36 =	vadd.f32 v62, v36  }
0x4e0: {  	v45 =	vld [tilespmem:s29+$0x14740]  }
0x4e1: {  	v46 =	vmul.f32 v61, v24;
	v36 =	vadd.f32 v44, v36  }
0x4e2: {  	v47 =	vld [tilespmem:s29+$0x147C0]  }
0x4e3: {  	v48 =	vmul.f32 v63, v25;
	v36 =	vadd.f32 v46, v36  }
0x4e4: {  	v49 =	vld [tilespmem:s29+$0x14C40]  }
0x4e5: {  	v50 =	vmul.f32 v45, v26;
	v36 =	vadd.f32 v48, v36  }
0x4e6: {  	v51 =	vld [tilespmem:s29+$0x14CC0]  }
0x4e7: {  	v52 =	vmul.f32 v47, v27;
	v36 =	vadd.f32 v50, v36  }
0x4e8: {  	v53 =	vld [tilespmem:s29+$0x14D40]  }
0x4e9: {  	v54 =	vmul.f32 v49, v28;
	v36 =	vadd.f32 v52, v36  }
0x4ea: {  	v55 =	vld [tilespmem:s29+$0x14DC0]  }
0x4eb: {  	v56 =	vmul.f32 v51, v29;
	v36 =	vadd.f32 v54, v36  }
0x4ec: {  	v57 =	vld [tilespmem:s29+$0x14E40]  }
0x4ed: {  	v58 =	vmul.f32 v53, v30;
	v36 =	vadd.f32 v56, v36  }
0x4ee: {  	v59 =	vld [tilespmem:s29+$0x14EC0]  }
0x4ef: {  	v60 =	vmul.f32 v55, v31;
	v36 =	vadd.f32 v58, v36  }
0x4f0: {  	v61 =	vld [tilespmem:s29+$0x14F40]  }
0x4f1: {  	v62 =	vmul.f32 v57, v32;
	v36 =	vadd.f32 v60, v36  }
0x4f2: {  	v63 =	vld [tilespmem:s29+$0x14FC0]  }
0x4f3: {  	v40 =	vmul.f32 v59, v33;
	v36 =	vadd.f32 v62, v36;
	_ =	sdelay $0x1  }
0x4f4: {  	v41 =	vmul.f32 v61, v34;
	v36 =	vadd.f32 v40, v36;
	_ =	sdelay $0x1  }
0x4f5: {  	v42 =	vmul.f32 v63, v35;
	v36 =	vadd.f32 v41, v36;
	_ =	sdelay $0x1  }
0x4f6: {  	v36 =	vadd.f32 v42, v36;
	_ =	sdelay $0x1  }
0x4f7: {  	[tilespmem:s24+$0x1CC40] =	vst v36  }
0x4f8: {  	v36 =	vld [tilespmem:s29+$0x14450]  }
0x4f9: {  	v43 =	vld [tilespmem:s29+$0x144D0];
	_ =	sdelay $0x1  }
0x4fa: {  	v44 =	vld [tilespmem:s29+$0x14550];
	_ =	sdelay $0x1  }
0x4fb: {  	v45 =	vld [tilespmem:s29+$0x145D0]  }
0x4fc: {  	v36 =	vmul.f32 v36, v21;
	v37 =	vmul.f32 v43, v22  }
0x4fd: {  	v46 =	vld [tilespmem:s29+$0x14650]  }
0x4fe: {  	v47 =	vmul.f32 v44, v20;
	v36 =	vadd.f32 v37, v36  }
0x4ff: {  	v48 =	vld [tilespmem:s29+$0x146D0]  }
0x500: {  	v49 =	vmul.f32 v45, v23;
	v36 =	vadd.f32 v47, v36  }
0x501: {  	v50 =	vld [tilespmem:s29+$0x14750]  }
0x502: {  	v51 =	vmul.f32 v46, v24;
	v36 =	vadd.f32 v49, v36  }
0x503: {  	v52 =	vld [tilespmem:s29+$0x147D0]  }
0x504: {  	v53 =	vmul.f32 v48, v25;
	v36 =	vadd.f32 v51, v36  }
0x505: {  	v54 =	vld [tilespmem:s29+$0x14C50]  }
0x506: {  	v55 =	vmul.f32 v50, v26;
	v36 =	vadd.f32 v53, v36  }
0x507: {  	v56 =	vld [tilespmem:s29+$0x14CD0]  }
0x508: {  	v57 =	vmul.f32 v52, v27;
	v36 =	vadd.f32 v55, v36  }
0x509: {  	v58 =	vld [tilespmem:s29+$0x14D50]  }
0x50a: {  	v59 =	vmul.f32 v54, v28;
	v36 =	vadd.f32 v57, v36  }
0x50b: {  	v60 =	vld [tilespmem:s29+$0x14DD0]  }
0x50c: {  	v61 =	vmul.f32 v56, v29;
	v36 =	vadd.f32 v59, v36  }
0x50d: {  	v62 =	vld [tilespmem:s29+$0x14E50]  }
0x50e: {  	v63 =	vmul.f32 v58, v30;
	v36 =	vadd.f32 v61, v36  }
0x50f: {  	v44 =	vld [tilespmem:s29+$0x14ED0]  }
0x510: {  	v45 =	vmul.f32 v60, v31;
	v36 =	vadd.f32 v63, v36  }
0x511: {  	v46 =	vld [tilespmem:s29+$0x14F50]  }
0x512: {  	v47 =	vmul.f32 v62, v32;
	v36 =	vadd.f32 v45, v36  }
0x513: {  	v48 =	vld [tilespmem:s29+$0x14FD0]  }
0x514: {  	v49 =	vmul.f32 v44, v33;
	v36 =	vadd.f32 v47, v36;
	_ =	sdelay $0x1  }
0x515: {  	v50 =	vmul.f32 v46, v34;
	v36 =	vadd.f32 v49, v36;
	_ =	sdelay $0x1  }
0x516: {  	v51 =	vmul.f32 v48, v35;
	v36 =	vadd.f32 v50, v36;
	_ =	sdelay $0x1  }
0x517: {  	v36 =	vadd.f32 v51, v36;
	_ =	sdelay $0x1  }
0x518: {  	[tilespmem:s24+$0x1CC50] =	vst v36  }
0x519: {  	v36 =	vld [tilespmem:s29+$0x14460]  }
0x51a: {  	v52 =	vld [tilespmem:s29+$0x144E0];
	_ =	sdelay $0x1  }
0x51b: {  	v53 =	vld [tilespmem:s29+$0x14560];
	_ =	sdelay $0x1  }
0x51c: {  	v54 =	vld [tilespmem:s29+$0x145E0]  }
0x51d: {  	v36 =	vmul.f32 v36, v21;
	v37 =	vmul.f32 v52, v22  }
0x51e: {  	v55 =	vld [tilespmem:s29+$0x14660]  }
0x51f: {  	v56 =	vmul.f32 v53, v20;
	v36 =	vadd.f32 v37, v36  }
0x520: {  	v57 =	vld [tilespmem:s29+$0x146E0]  }
0x521: {  	v58 =	vmul.f32 v54, v23;
	v36 =	vadd.f32 v56, v36  }
0x522: {  	v59 =	vld [tilespmem:s29+$0x14760]  }
0x523: {  	v60 =	vmul.f32 v55, v24;
	v36 =	vadd.f32 v58, v36  }
0x524: {  	v61 =	vld [tilespmem:s29+$0x147E0]  }
0x525: {  	v62 =	vmul.f32 v57, v25;
	v36 =	vadd.f32 v60, v36  }
0x526: {  	v63 =	vld [tilespmem:s29+$0x14C60]  }
0x527: {  	v43 =	vmul.f32 v59, v26;
	v36 =	vadd.f32 v62, v36  }
0x528: {  	v44 =	vld [tilespmem:s29+$0x14CE0]  }
0x529: {  	v45 =	vmul.f32 v61, v27;
	v36 =	vadd.f32 v43, v36  }
0x52a: {  	v46 =	vld [tilespmem:s29+$0x14D60]  }
0x52b: {  	v47 =	vmul.f32 v63, v28;
	v36 =	vadd.f32 v45, v36  }
0x52c: {  	v48 =	vld [tilespmem:s29+$0x14DE0]  }
0x52d: {  	v49 =	vmul.f32 v44, v29;
	v36 =	vadd.f32 v47, v36  }
0x52e: {  	v50 =	vld [tilespmem:s29+$0x14E60]  }
0x52f: {  	v51 =	vmul.f32 v46, v30;
	v36 =	vadd.f32 v49, v36  }
0x530: {  	v52 =	vld [tilespmem:s29+$0x14EE0]  }
0x531: {  	v53 =	vmul.f32 v48, v31;
	v36 =	vadd.f32 v51, v36  }
0x532: {  	v54 =	vld [tilespmem:s29+$0x14F60]  }
0x533: {  	v55 =	vmul.f32 v50, v32;
	v36 =	vadd.f32 v53, v36  }
0x534: {  	v56 =	vld [tilespmem:s29+$0x14FE0]  }
0x535: {  	v57 =	vmul.f32 v52, v33;
	v36 =	vadd.f32 v55, v36;
	_ =	sdelay $0x1  }
0x536: {  	v58 =	vmul.f32 v54, v34;
	v36 =	vadd.f32 v57, v36;
	_ =	sdelay $0x1  }
0x537: {  	v59 =	vmul.f32 v56, v35;
	v36 =	vadd.f32 v58, v36;
	_ =	sdelay $0x1  }
0x538: {  	v36 =	vadd.f32 v59, v36;
	_ =	sdelay $0x1  }
0x539: {  	[tilespmem:s24+$0x1CC60] =	vst v36  }
0x53a: {  	v36 =	vld [tilespmem:s29+$0x14470]  }
0x53b: {  	v60 =	vld [tilespmem:s29+$0x144F0];
	_ =	sdelay $0x1  }
0x53c: {  	v61 =	vld [tilespmem:s29+$0x14570];
	_ =	sdelay $0x1  }
0x53d: {  	v62 =	vld [tilespmem:s29+$0x145F0]  }
0x53e: {  	v21 =	vmul.f32 v36, v21;
	v22 =	vmul.f32 v60, v22  }
0x53f: {  	v63 =	vld [tilespmem:s29+$0x14670]  }
0x540: {  	v20 =	vmul.f32 v61, v20;
	v21 =	vadd.f32 v22, v21  }
0x541: {  	v40 =	vld [tilespmem:s29+$0x146F0]  }
0x542: {  	v41 =	vmul.f32 v62, v23;
	v20 =	vadd.f32 v20, v21  }
0x543: {  	v42 =	vld [tilespmem:s29+$0x14770]  }
0x544: {  	v43 =	vmul.f32 v63, v24;
	v20 =	vadd.f32 v41, v20  }
0x545: {  	v44 =	vld [tilespmem:s29+$0x147F0]  }
0x546: {  	v45 =	vmul.f32 v40, v25;
	v20 =	vadd.f32 v43, v20  }
0x547: {  	v46 =	vld [tilespmem:s29+$0x14C70]  }
0x548: {  	v47 =	vmul.f32 v42, v26;
	v20 =	vadd.f32 v45, v20  }
0x549: {  	v48 =	vld [tilespmem:s29+$0x14CF0]  }
0x54a: {  	v49 =	vmul.f32 v44, v27;
	v20 =	vadd.f32 v47, v20  }
0x54b: {  	v50 =	vld [tilespmem:s29+$0x14D70]  }
0x54c: {  	v51 =	vmul.f32 v46, v28;
	v20 =	vadd.f32 v49, v20  }
0x54d: {  	v52 =	vld [tilespmem:s29+$0x14DF0]  }
0x54e: {  	v53 =	vmul.f32 v48, v29;
	v20 =	vadd.f32 v51, v20  }
0x54f: {  	v54 =	vld [tilespmem:s29+$0x14E70]  }
0x550: {  	v55 =	vmul.f32 v50, v30;
	v20 =	vadd.f32 v53, v20  }
0x551: {  	v56 =	vld [tilespmem:s29+$0x14EF0]  }
0x552: {  	v57 =	vmul.f32 v52, v31;
	v20 =	vadd.f32 v55, v20  }
0x553: {  	v58 =	vld [tilespmem:s29+$0x14F70]  }
0x554: {  	v59 =	vmul.f32 v54, v32;
	v20 =	vadd.f32 v57, v20  }
0x555: {  	v60 =	vld [tilespmem:s29+$0x14FF0]  }
0x556: {  	v61 =	vmul.f32 v56, v33;
	v20 =	vadd.f32 v59, v20;
	_ =	sdelay $0x1  }
0x557: {  	v62 =	vmul.f32 v58, v34;
	v20 =	vadd.f32 v61, v20  }
0x558: {  	p0 =	sne.s32 s8, $0x7  }
.Ltmp1:
0x559: {  	v63 =	vmul.f32 v60, v35;
	v20 =	vadd.f32 v62, v20;
	(pc) =	sbr.rel @p0 .LBB2_5-.Ltmp1, $3  }
0x55a: {  	_ = 	snop  }
0x55b: {  	v20 =	vadd.f32 v63, v20;
	_ =	sdelay $0x1  }
0x55c: {  	s8 =	sadd.s32 $0x1, s8;
	[tilespmem:s24+$0x1CC70] =	vst v20  }
0x55d: {  	s6 =	sadd.s32 $0x1, s6  }
0x55e: {  	p0 =	sne.s32 s6, $0x60  }
.Ltmp2:
0x55f: {  	s7 =	sadd.s32 s5, s7;
	(pc) =	sbr.rel @p0 .LBB2_2-.Ltmp2, $4  }
0x560: {  	s7 =	sshll.u32 s7, $0x8  }
0x561: {  	s7 =	sand.u32 $0x1FFFFF00, s7  }
0x562: {  	s7 =	sadd.s32 s4, s7  }
0x563: {  	[hbm4b:s7+s2] =	stream.linear.scatter [tilespmem:s23], [sflag:$0x4], $0x800, $0x38;
	[tilespmem:$0x1D000] =	vst v63  }
0x564: {  	s6 =	simm.s32 $0x3  }
0x565: {  	_ =	swait.ge [sflag:s6], $0x800  }
0x566: {  	[sflag:s6] =	ssyncset.done $0x0  }
0x567: {  	[sflag:s6] =	ssyncadd.s32 $0xFFFFF800  }
0x568: {  	_ =	swait.ge [sflag:s25], $0x800  }
0x569: {  	s7 =	rddreg [dreg:$0x5]  }
0x56a: {  	s30 =	rddreg [dreg:$0x4];
	s7 =	sadd.s32 $0x1, s7  }
0x56b: {  	p0 =	sne.s32 s7, s30  }
.Ltmp3:
0x56c: {  	_ = 	snop;
	(pc) =	sbr.rel @p0 .LBB2_1-.Ltmp3, $3  }
0x56d: {  	_ =	sdelay $0x1  }
0x56e: {  	[sflag:s25] =	ssyncset.done $0x0  }
0x56f: {  	[sflag:s25] =	ssyncadd.s32 $0xFFFFF800  }
0x570: {  	_ =	sfence.sel $0x180000  }
0x571: {  	[bflag:$0x0] =	sbarrier.arrive $0xFFFF  }
0x572: {  	_ =	strace $0x90000047  }
0x573: {  	s0 =	stileid.u32;
	[bflag:$0x2] =	sbarrier.arrive $0xFFFF  }
0x574: {  	p0 =	sne.s32 s0, $0x0;
	s0 =	rddreg [dreg:$0x1]  }
0x575: {  	s0 =	sadd.s32 @!p0 $0x100000, s0  }
0x576: {  	[sflag:s0] =	ssyncadd.tile.s32 @!p0 $0x1;
	_ =	shalt  }
.Lfunc_end2:
_tile_overlayer_lowered:
.L_overlay_start_2:
0x577: {  	(tag) =	ssettag $0x2  }
0x578: {  	s0 =	rddreg [dreg:$0x0];
	s2 =	stileid.u32  }
0x579: {  	s1 =	rddreg [dreg:$0x1];
	p0 =	sne.s32 s2, $0x0  }
0x57a: {  	s3 =	rddreg [dreg:$0x2];
	[bflag:$0x3] =	sbarrier.arrive $0xFFFF;
	s2 =	simm.s32 @!p0 $0x1C05  }
0x57b: {  	[timem:s3], [sflag:s2] =	dma.local @!p0 [hbm:s0], s1  }
0x57c: {  	s0 =	simm.s32 @!p0 $0x5  }
0x57d: {  	_ =	swait.ge @!p0 [sflag:s0], s1  }
0x57e: {  	s1 =	ssub.s32 @!p0 $0x0, s1;
	[sflag:s0] =	ssyncset.done @!p0 $0x0  }
0x57f: {  	[sflag:s0] =	ssyncadd.s32 @!p0 s1  }
0x580: {  	[bflag:$0x3] =	sbarrier.arrive $0xFFFF  }
0x581: {  	_ =	shalt  }

</sc_bundles>
